<compile_context>
chip_gen: v7x
topology: tpu7x:2x2x1
jax: 0.10.2.dev20260603
libtpu: 0.0.44.dev20260713+nightly
codegen_flags: <defaults>
</compile_context>

<pallas_src>
import functools

import jax
import jax.numpy as jnp
from jax import lax
from jax.experimental import pallas as pl
from jax.experimental.pallas import tpu as pltpu
from jax.experimental.pallas import tpu_sc as plsc

_B, _N, _D, _L, _OUT, _K = 8, 16384, 256, 50, 7, 10
_LP = 64
_KP = 16
_M = _LP * _KP
_MS = 512


def _topk_body(posT_ref, lig_ref, out_ref):
    pos = posT_ref[0]
    lig = lig_ref[0]
    d2 = jnp.zeros((_LP, _N), jnp.float32)
    for c in range(3):
        diff = lig[:, c:c + 1] - pos[c:c + 1, :]
        d2 = d2 + diff * diff
    ioN = lax.broadcasted_iota(jnp.int32, (_LP, _N), 1)
    liota = lax.broadcasted_iota(jnp.int32, (_LP, _KP), 0)
    kiota = lax.broadcasted_iota(jnp.int32, (_LP, _KP), 1)
    pad_val = _N + liota * _KP + kiota
    lvalid = liota < _L
    big = jnp.int32(2 ** 30)
    for k in range(_K):
        m = jnp.min(d2, axis=1, keepdims=True)
        cand = jnp.where(d2 == m, ioN, big)
        amin = jnp.min(cand, axis=1, keepdims=True)
        col = jnp.where(lvalid[:, k:k + 1], amin, pad_val[:, k:k + 1])
        out_ref[0, :, k:k + 1] = col
        d2 = jnp.where(ioN == amin, jnp.float32(jnp.inf), d2)
    for k in range(_K, _KP):
        out_ref[0, :, k:k + 1] = pad_val[:, k:k + 1]


def _sc_pool_body(idx_hbm, x_hbm, partial_hbm, cnt_hbm,
                  idx_v, tag_v, gidx_v, rows_v, acc_v, cnt_v, sem):
    c = lax.axis_index("c")
    s = lax.axis_index("s")
    wid = s * 2 + c
    b = wid // 4
    q = wid % 4

    pltpu.sync_copy(idx_hbm.at[b], idx_v)
    for j in range(_MS // 16):
        i = lax.iota(jnp.int32, 16) + j * 16
        ll = i // _K
        kk = i - ll * _K
        v = plsc.load_gather(idx_v, [ll, kk])
        slot = lax.iota(jnp.int32, 16) + j * 16
        plsc.store_scatter(tag_v, [v], slot)
    acc = jnp.zeros((16,), jnp.float32)
    for j in range(_MS // 16):
        i = lax.iota(jnp.int32, 16) + j * 16
        ll = i // _K
        kk = i - ll * _K
        v = plsc.load_gather(idx_v, [ll, kk])
        slot = lax.iota(jnp.int32, 16) + j * 16
        got = plsc.load_gather(tag_v, [v])
        keep = (got == slot) & (v < _N)
        acc = acc + jnp.where(keep, jnp.float32(1.0), jnp.float32(0.0))
        r, off = divmod(j * 16, 128)
        gidx_v[r, pl.ds(off, 16)] = b * _N + jnp.where(keep, v, 0)

    @pl.when(q == 0)
    def _store_cnt():
        cnt_v[...] = jnp.zeros((16,), jnp.float32) + jnp.sum(acc)
        pltpu.sync_copy(cnt_v, cnt_hbm.at[b])

    pltpu.async_copy(x_hbm.at[gidx_v.at[q]], rows_v, sem).wait()

    def body(j, carry):
        return tuple(a + rows_v[j, pl.ds(k * 16, 16)]
                     for k, a in enumerate(carry))

    accs = lax.fori_loop(
        0, 128, body,
        tuple(jnp.zeros((16,), jnp.float32) for _ in range(_D // 16)))
    for k in range(_D // 16):
        acc_v[pl.ds(k * 16, 16)] = accs[k]
    pltpu.sync_copy(acc_v, partial_hbm.at[q * _B + b])


def _sc_pool_call(idx2, xflat):
    mesh = plsc.VectorSubcoreMesh(core_axis_name="c", subcore_axis_name="s")
    sc_pool = functools.partial(
        pl.kernel,
        mesh=mesh,
        compiler_params=pltpu.CompilerParams(
            needs_layout_passes=False, use_tc_tiling_on_sc=False),
        out_type=[
            jax.ShapeDtypeStruct((4 * _B, _D), jnp.float32),
            jax.ShapeDtypeStruct((_B, 16), jnp.float32),
        ],
        scratch_types=[
            pltpu.VMEM((_LP, _KP), jnp.int32),
            pltpu.VMEM((_N + _M,), jnp.int32),
            pltpu.VMEM((4, 128), jnp.int32),
            pltpu.VMEM((128, _D), jnp.float32),
            pltpu.VMEM((_D,), jnp.float32),
            pltpu.VMEM((16,), jnp.float32),
            pltpu.SemaphoreType.DMA,
        ],
    )(_sc_pool_body)
    return sc_pool(idx2, xflat)


def _mlp_body(p_ref, cnt_ref, xb0_ref, w1_ref, b1_ref, g_ref, be_ref, w2_ref,
              b2_ref, out_ref):
    cnt = cnt_ref[:, 0:1]
    total = p_ref[0] + p_ref[1] + p_ref[2] + p_ref[3]
    pockets = (total - (_MS - cnt) * xb0_ref[...]) / cnt
    h = jnp.dot(pockets, w1_ref[...],
                preferred_element_type=jnp.float32) + b1_ref[...]
    mu = jnp.mean(h, axis=-1, keepdims=True)
    var = jnp.mean((h - mu) ** 2, axis=-1, keepdims=True)
    h = (h - mu) / jnp.sqrt(var + 1e-5) * g_ref[...] + be_ref[...]
    h = h * jax.nn.sigmoid(h)
    out_ref[...] = jnp.dot(h, w2_ref[...],
                           preferred_element_type=jnp.float32) + b2_ref[...]


def _topk_call(posT, lig_coord):
    ligp = jnp.zeros((_B, _LP, 3), jnp.float32).at[:, :_L].set(lig_coord)
    return pl.pallas_call(
        _topk_body,
        grid=(_B,),
        in_specs=[
            pl.BlockSpec((1, 3, _N), lambda b: (b, 0, 0)),
            pl.BlockSpec((1, _LP, 3), lambda b: (b, 0, 0)),
        ],
        out_specs=pl.BlockSpec((1, _LP, _KP), lambda b: (b, 0, 0)),
        out_shape=jax.ShapeDtypeStruct((_B, _LP, _KP), jnp.int32),
    )(posT, ligp)


def kernel(pos, x, lig_coord, W1, b1, gamma, beta, W2, b2):
    posT = jnp.swapaxes(pos, 1, 2)
    idx = _topk_call(posT, lig_coord)
    partial, cnt = _sc_pool_call(idx, x.reshape(_B * _N, _D))

    out = pl.pallas_call(
        _mlp_body,
        out_shape=jax.ShapeDtypeStruct((_B, _OUT), jnp.float32),
    )(partial.reshape(4, _B, _D), cnt, x[:, 0, :], W1, b1.reshape(1, _D),
      gamma.reshape(1, _D), beta.reshape(1, _D), W2, b2.reshape(1, _OUT))
    return out

# --- scband reference (transcript-rebuilt; emitter-appended) ---
"""Pipeline reference for scband-masif-ligand-net-71305047048705 (READ-ONLY COPY).

The authoritative reference and input builder live on the scoring server;
editing this copy changes nothing except your own understanding.
"""

import jax, jax.numpy as jnp
import numpy as np

B, N, D, L, OUT, K = 8, 16384, 256, 50, 7, 10

def setup_inputs(seed: int = 0) -> dict:
    key = jax.random.key(seed)
    ks = jax.random.split(key, 10)
    pos = jax.random.normal(ks[0], (B, N, 3), dtype=jnp.float32) * 10.0
    x = jax.random.normal(ks[1], (B, N, D), dtype=jnp.float32)
    lig_coord = jax.random.normal(ks[2], (B, L, 3), dtype=jnp.float32) * 10.0
    W1 = jax.random.normal(ks[3], (D, D), dtype=jnp.float32) * 0.05
    b1 = jnp.zeros((D,), dtype=jnp.float32)
    gamma = jnp.ones((D,), dtype=jnp.float32)
    beta = jnp.zeros((D,), dtype=jnp.float32)
    W2 = jax.random.normal(ks[4], (D, OUT), dtype=jnp.float32) * 0.05
    b2 = jnp.zeros((OUT,), dtype=jnp.float32)
    return {"pos": pos, "x": x, "lig_coord": lig_coord, "W1": W1, "b1": b1, "gamma": gamma, "beta": beta, "W2": W2, "b2": b2}

def _pool_lig(pos_i, x_i, lig_i):
    # torch.cdist(pos, lig_coords) -> [N, L]; computed under no_grad in torch
    diff = pos_i[:, None, :] - lig_i[None, :, :]
    dists = jnp.sqrt(jnp.sum(diff * diff, axis=-1) + 0.0)
    # torch.topk(-dists, k=10, dim=0).indices -> [10, L]; top_k along last axis so transpose
    _, idx = jax.lax.top_k((-dists).T, K)  # [L, K]
    idx = jax.lax.stop_gradient(idx.reshape(-1))
    # .unique() + gather + mean(dim=-2): equivalent to masked mean over unique vertex set
    mask = jnp.zeros((pos_i.shape[0],), dtype=bool).at[idx].set(True)
    cnt = jnp.sum(mask.astype(jnp.float32))
    emb = jnp.sum(x_i * mask[:, None].astype(x_i.dtype), axis=0) / cnt
    return emb

def _layernorm(h, gamma, beta, eps=1e-5):
    mu = jnp.mean(h, axis=-1, keepdims=True)
    var = jnp.mean((h - mu) ** 2, axis=-1, keepdims=True)
    return (h - mu) / jnp.sqrt(var + eps) * gamma + beta

def reference(pos, x, lig_coord, W1, b1, gamma, beta, W2, b2):
    pockets = jax.vmap(_pool_lig)(pos, x, lig_coord)  # [B, D]
    h = pockets @ W1 + b1
    # Dropout(p=0.1) is identity in eval mode
    h = _layernorm(h, gamma, beta)
    h = h * jax.nn.sigmoid(h)  # SiLU
    out = h @ W2 + b2
    return out

if __name__ == "__main__":
    import jax
    _d = setup_inputs()
    print(jax.jit(kernel)(*tuple(_d.values())))

</pallas_src>

<mosaic_0001>
#map = affine_map<(d0, d1) -> (0, 0, 0)>
#map1 = affine_map<(d0, d1) -> (0, 0)>
module attributes {stable_mosaic.version = 14 : i64} {
  func.func @_sc_pool_body(%arg0: i32, %arg1: i32, %arg2: memref<8x64x16xi32, #tpu.memory_space<hbm>>, %arg3: memref<131072x256xf32, #tpu.memory_space<hbm>>, %arg4: memref<32x256xf32, #tpu.memory_space<hbm>>, %arg5: memref<8x16xf32, #tpu.memory_space<hbm>>, %arg6: memref<64x16xi32, #tpu.memory_space<vmem>>, %arg7: memref<17408xi32, #tpu.memory_space<vmem>>, %arg8: memref<4x128xi32, #tpu.memory_space<vmem>>, %arg9: memref<128x256xf32, #tpu.memory_space<vmem>>, %arg10: memref<256xf32, #tpu.memory_space<vmem>>, %arg11: memref<16xf32, #tpu.memory_space<vmem>>, %arg12: memref<!tpu.dma_semaphore, #tpu.memory_space<semaphore_mem>>) attributes {dimension_semantics = [#tpu.dimension_semantics<core_parallel>, #tpu.dimension_semantics<subcore_parallel>], iteration_bounds = array<i64: 2, 16>, scalar_prefetch = 0 : i64, scratch_operands = 7 : i64, tpu.core_type = #tpu.core_type<sc_vector_subcore>, window_params = [{transform_indices = #map}, {transform_indices = #map1}, {transform_indices = #map1}, {transform_indices = #map1}]} {
    %mul3A = arith.constant 2 : i32
    %mul3A_0 = arith.muli %arg1, %mul3A : i32
    %add3A = arith.addi %mul3A_0, %arg0 : i32
    %jit3A = arith.constant 4 : i32
    %div3A = arith.divsi %add3A, %jit3A : i32
    %sign3A = arith.constant 0 : i32
    %sign3A_1 = arith.cmpi sgt, %add3A, %sign3A : i32
    %sign3A_2 = arith.extui %sign3A_1 : i1 to i32
    %sign3A_3 = arith.constant 0 : i32
    %sign3A_4 = arith.cmpi slt, %add3A, %sign3A_3 : i32
    %sign3A_5 = arith.extui %sign3A_4 : i1 to i32
    %sign3A_6 = arith.subi %sign3A_2, %sign3A_5 : i32
    %sign3A_7 = arith.constant 0 : i32
    %sign3A_8 = arith.cmpi sgt, %jit3A, %sign3A_7 : i32
    %sign3A_9 = arith.extui %sign3A_8 : i1 to i32
    %sign3A_10 = arith.constant 0 : i32
    %sign3A_11 = arith.cmpi slt, %jit3A, %sign3A_10 : i32
    %sign3A_12 = arith.extui %sign3A_11 : i1 to i32
    %sign3A_13 = arith.subi %sign3A_9, %sign3A_12 : i32
    %ne3A = arith.cmpi ne, %sign3A_6, %sign3A_13 : i32
    %rem3A = arith.remsi %add3A, %jit3A : i32
    %ne3A_14 = arith.constant 0 : i32
    %ne3A_15 = arith.cmpi ne, %rem3A, %ne3A_14 : i32
    %and3A = arith.andi %ne3A, %ne3A_15 : i1
    %sub3A = arith.constant 1 : i32
    %sub3A_16 = arith.subi %div3A, %sub3A : i32
    %select_n3A = arith.select %and3A, %sub3A_16, %div3A : i32
    %jit3A_17 = arith.constant 4 : i32
    %eq3A = arith.constant 0 : i32
    %eq3A_18 = arith.cmpi eq, %jit3A_17, %eq3A : i32
    %jit3A_19 = arith.constant 1 : i32
    %select_n3A_20 = arith.select %eq3A_18, %jit3A_19, %jit3A_17 : i32
    %rem3A_21 = arith.remsi %add3A, %select_n3A_20 : i32
    %ne3A_22 = arith.constant 0 : i32
    %ne3A_23 = arith.cmpi ne, %rem3A_21, %ne3A_22 : i32
    %lt3A = arith.constant 0 : i32
    %lt3A_24 = arith.cmpi slt, %rem3A_21, %lt3A : i32
    %lt3A_25 = arith.constant 0 : i32
    %lt3A_26 = arith.cmpi slt, %select_n3A_20, %lt3A_25 : i32
    %ne3A_27 = arith.xori %lt3A_24, %lt3A_26 : i1
    %and3A_28 = arith.andi %ne3A_27, %ne3A_23 : i1
    %add3A_29 = arith.addi %rem3A_21, %select_n3A_20 : i32
    %select_n3A_30 = arith.select %and3A_28, %add3A_29, %rem3A_21 : i32
    "tpu.region"() ({
      %run_scoped3A = tpu.sem_alloc : memref<!tpu.dma_semaphore, #tpu.memory_space<semaphore_mem>>
      %dma_start3A_3666 = arith.constant 0 : i32
      %dma_start3A_3667 = arith.constant 0 : i32
      %dma_start3A_3668 = tpu.memref_slice %arg2[%select_n3A, %dma_start3A_3666, %dma_start3A_3667] : memref<8x64x16xi32, #tpu.memory_space<hbm>> -> memref<1x64x16xi32, #tpu.memory_space<hbm>>
      %dma_start3A_3669 = tpu.memref_squeeze %dma_start3A_3668 : memref<1x64x16xi32, #tpu.memory_space<hbm>> -> memref<64x16xi32, #tpu.memory_space<hbm>>
      %dma_start3A_3670 = arith.constant 0 : i32
      %dma_start3A_3671 = arith.constant 0 : i32
      %dma_start3A_3672 = tpu.memref_slice %arg2[%select_n3A, %dma_start3A_3670, %dma_start3A_3671] : memref<8x64x16xi32, #tpu.memory_space<hbm>> -> memref<1x64x16xi32, #tpu.memory_space<hbm>>
      %dma_start3A_3673 = tpu.memref_squeeze %dma_start3A_3672 : memref<1x64x16xi32, #tpu.memory_space<hbm>> -> memref<64x16xi32, #tpu.memory_space<hbm>>
      tpu.enqueue_dma source(%dma_start3A_3673 : memref<64x16xi32, #tpu.memory_space<hbm>>) target(%arg6 : memref<64x16xi32, #tpu.memory_space<vmem>>) target_semaphore(%run_scoped3A : memref<!tpu.dma_semaphore, #tpu.memory_space<semaphore_mem>>)
      %dma_wait3A_3674 = arith.constant 0 : i32
      %dma_wait3A_3675 = arith.constant 0 : i32
      %dma_wait3A_3676 = tpu.memref_slice %arg2[%select_n3A, %dma_wait3A_3674, %dma_wait3A_3675] : memref<8x64x16xi32, #tpu.memory_space<hbm>> -> memref<1x64x16xi32, #tpu.memory_space<hbm>>
      %dma_wait3A_3677 = tpu.memref_squeeze %dma_wait3A_3676 : memref<1x64x16xi32, #tpu.memory_space<hbm>> -> memref<64x16xi32, #tpu.memory_space<hbm>>
      %dma_wait3A_3678 = arith.constant 0 : i32
      %dma_wait3A_3679 = arith.constant 0 : i32
      %dma_wait3A_3680 = tpu.memref_slice %arg2[%select_n3A, %dma_wait3A_3678, %dma_wait3A_3679] : memref<8x64x16xi32, #tpu.memory_space<hbm>> -> memref<1x64x16xi32, #tpu.memory_space<hbm>>
      %dma_wait3A_3681 = tpu.memref_squeeze %dma_wait3A_3680 : memref<1x64x16xi32, #tpu.memory_space<hbm>> -> memref<64x16xi32, #tpu.memory_space<hbm>>
      tpu.wait_dma2 semaphore(%run_scoped3A : memref<!tpu.dma_semaphore, #tpu.memory_space<semaphore_mem>>) src(%dma_wait3A_3681 : memref<64x16xi32, #tpu.memory_space<hbm>>) dst(%arg6 : memref<64x16xi32, #tpu.memory_space<vmem>>)
      tpu.yield
    }) : () -> ()
    %iota3A = tpu.iota {dimensions = array<i32: 0>} : vector<16xi32>
    %add3A_31 = arith.constant 0 : i32
    %add3A_32 = vector.broadcast %add3A_31 : i32 to vector<16xi32>
    %add3A_33 = arith.addi %iota3A, %add3A_32 : vector<16xi32>
    %jit3A_34 = arith.constant 10 : i32
    %div3A_35 = vector.broadcast %jit3A_34 : i32 to vector<16xi32>
    %div3A_36 = arith.divsi %add3A_33, %div3A_35 : vector<16xi32>
    %sign3A_37 = arith.constant 0 : i32
    %sign3A_38 = vector.broadcast %sign3A_37 : i32 to vector<16xi32>
    %sign3A_39 = arith.cmpi sgt, %add3A_33, %sign3A_38 : vector<16xi32>
    %sign3A_40 = arith.extui %sign3A_39 : vector<16xi1> to vector<16xi32>
    %sign3A_41 = arith.constant 0 : i32
    %sign3A_42 = vector.broadcast %sign3A_41 : i32 to vector<16xi32>
    %sign3A_43 = arith.cmpi slt, %add3A_33, %sign3A_42 : vector<16xi32>
    %sign3A_44 = arith.extui %sign3A_43 : vector<16xi1> to vector<16xi32>
    %sign3A_45 = arith.subi %sign3A_40, %sign3A_44 : vector<16xi32>
    %sign3A_46 = arith.constant 0 : i32
    %sign3A_47 = arith.cmpi sgt, %jit3A_34, %sign3A_46 : i32
    %sign3A_48 = arith.extui %sign3A_47 : i1 to i32
    %sign3A_49 = arith.constant 0 : i32
    %sign3A_50 = arith.cmpi slt, %jit3A_34, %sign3A_49 : i32
    %sign3A_51 = arith.extui %sign3A_50 : i1 to i32
    %sign3A_52 = arith.subi %sign3A_48, %sign3A_51 : i32
    %ne3A_53 = vector.broadcast %sign3A_52 : i32 to vector<16xi32>
    %ne3A_54 = arith.cmpi ne, %sign3A_45, %ne3A_53 : vector<16xi32>
    %rem3A_55 = vector.broadcast %jit3A_34 : i32 to vector<16xi32>
    %rem3A_56 = arith.remsi %add3A_33, %rem3A_55 : vector<16xi32>
    %ne3A_57 = arith.constant 0 : i32
    %ne3A_58 = vector.broadcast %ne3A_57 : i32 to vector<16xi32>
    %ne3A_59 = arith.cmpi ne, %rem3A_56, %ne3A_58 : vector<16xi32>
    %and3A_60 = arith.andi %ne3A_54, %ne3A_59 : vector<16xi1>
    %sub3A_61 = arith.constant 1 : i32
    %sub3A_62 = vector.broadcast %sub3A_61 : i32 to vector<16xi32>
    %sub3A_63 = arith.subi %div3A_36, %sub3A_62 : vector<16xi32>
    %select_n3A_64 = arith.select %and3A_60, %sub3A_63, %div3A_36 : vector<16xi1>, vector<16xi32>
    %mul3A_65 = arith.constant 10 : i32
    %mul3A_66 = vector.broadcast %mul3A_65 : i32 to vector<16xi32>
    %mul3A_67 = arith.muli %select_n3A_64, %mul3A_66 : vector<16xi32>
    %sub3A_68 = arith.subi %add3A_33, %mul3A_67 : vector<16xi32>
    %gather3A = tpu.vector_load_idx %arg6[%select_n3A_64, %sub3A_68] : memref<64x16xi32, #tpu.memory_space<vmem>>[vector<16xi32>, vector<16xi32>], vector<16xi32>,
    %iota3A_69 = tpu.iota {dimensions = array<i32: 0>} : vector<16xi32>
    %add3A_70 = arith.constant 0 : i32
    %add3A_71 = vector.broadcast %add3A_70 : i32 to vector<16xi32>
    %add3A_72 = arith.addi %iota3A_69, %add3A_71 : vector<16xi32>
    tpu.vector_store_idx %arg7[%gather3A], %add3A_72 : memref<17408xi32, #tpu.memory_space<vmem>>[vector<16xi32>], vector<16xi32>,
    %iota3A_73 = tpu.iota {dimensions = array<i32: 0>} : vector<16xi32>
    %add3A_74 = arith.constant 16 : i32
    %add3A_75 = vector.broadcast %add3A_74 : i32 to vector<16xi32>
    %add3A_76 = arith.addi %iota3A_73, %add3A_75 : vector<16xi32>
    %jit3A_77 = arith.constant 10 : i32
    %div3A_78 = vector.broadcast %jit3A_77 : i32 to vector<16xi32>
    %div3A_79 = arith.divsi %add3A_76, %div3A_78 : vector<16xi32>
    %sign3A_80 = arith.constant 0 : i32
    %sign3A_81 = vector.broadcast %sign3A_80 : i32 to vector<16xi32>
    %sign3A_82 = arith.cmpi sgt, %add3A_76, %sign3A_81 : vector<16xi32>
    %sign3A_83 = arith.extui %sign3A_82 : vector<16xi1> to vector<16xi32>
    %sign3A_84 = arith.constant 0 : i32
    %sign3A_85 = vector.broadcast %sign3A_84 : i32 to vector<16xi32>
    %sign3A_86 = arith.cmpi slt, %add3A_76, %sign3A_85 : vector<16xi32>
    %sign3A_87 = arith.extui %sign3A_86 : vector<16xi1> to vector<16xi32>
    %sign3A_88 = arith.subi %sign3A_83, %sign3A_87 : vector<16xi32>
    %sign3A_89 = arith.constant 0 : i32
    %sign3A_90 = arith.cmpi sgt, %jit3A_77, %sign3A_89 : i32
    %sign3A_91 = arith.extui %sign3A_90 : i1 to i32
    %sign3A_92 = arith.constant 0 : i32
    %sign3A_93 = arith.cmpi slt, %jit3A_77, %sign3A_92 : i32
    %sign3A_94 = arith.extui %sign3A_93 : i1 to i32
    %sign3A_95 = arith.subi %sign3A_91, %sign3A_94 : i32
    %ne3A_96 = vector.broadcast %sign3A_95 : i32 to vector<16xi32>
    %ne3A_97 = arith.cmpi ne, %sign3A_88, %ne3A_96 : vector<16xi32>
    %rem3A_98 = vector.broadcast %jit3A_77 : i32 to vector<16xi32>
    %rem3A_99 = arith.remsi %add3A_76, %rem3A_98 : vector<16xi32>
    %ne3A_100 = arith.constant 0 : i32
    %ne3A_101 = vector.broadcast %ne3A_100 : i32 to vector<16xi32>
    %ne3A_102 = arith.cmpi ne, %rem3A_99, %ne3A_101 : vector<16xi32>
    %and3A_103 = arith.andi %ne3A_97, %ne3A_102 : vector<16xi1>
    %sub3A_104 = arith.constant 1 : i32
    %sub3A_105 = vector.broadcast %sub3A_104 : i32 to vector<16xi32>
    %sub3A_106 = arith.subi %div3A_79, %sub3A_105 : vector<16xi32>
    %select_n3A_107 = arith.select %and3A_103, %sub3A_106, %div3A_79 : vector<16xi1>, vector<16xi32>
    %mul3A_108 = arith.constant 10 : i32
    %mul3A_109 = vector.broadcast %mul3A_108 : i32 to vector<16xi32>
    %mul3A_110 = arith.muli %select_n3A_107, %mul3A_109 : vector<16xi32>
    %sub3A_111 = arith.subi %add3A_76, %mul3A_110 : vector<16xi32>
    %gather3A_112 = tpu.vector_load_idx %arg6[%select_n3A_107, %sub3A_111] : memref<64x16xi32, #tpu.memory_space<vmem>>[vector<16xi32>, vector<16xi32>], vector<16xi32>,
    %iota3A_113 = tpu.iota {dimensions = array<i32: 0>} : vector<16xi32>
    %add3A_114 = arith.constant 16 : i32
    %add3A_115 = vector.broadcast %add3A_114 : i32 to vector<16xi32>
    %add3A_116 = arith.addi %iota3A_113, %add3A_115 : vector<16xi32>
    tpu.vector_store_idx %arg7[%gather3A_112], %add3A_116 : memref<17408xi32, #tpu.memory_space<vmem>>[vector<16xi32>], vector<16xi32>,
    %iota3A_117 = tpu.iota {dimensions = array<i32: 0>} : vector<16xi32>
    %add3A_118 = arith.constant 32 : i32
    %add3A_119 = vector.broadcast %add3A_118 : i32 to vector<16xi32>
    %add3A_120 = arith.addi %iota3A_117, %add3A_119 : vector<16xi32>
    %jit3A_121 = arith.constant 10 : i32
    %div3A_122 = vector.broadcast %jit3A_121 : i32 to vector<16xi32>
    %div3A_123 = arith.divsi %add3A_120, %div3A_122 : vector<16xi32>
    %sign3A_124 = arith.constant 0 : i32
    %sign3A_125 = vector.broadcast %sign3A_124 : i32 to vector<16xi32>
    %sign3A_126 = arith.cmpi sgt, %add3A_120, %sign3A_125 : vector<16xi32>
    %sign3A_127 = arith.extui %sign3A_126 : vector<16xi1> to vector<16xi32>
    %sign3A_128 = arith.constant 0 : i32
    %sign3A_129 = vector.broadcast %sign3A_128 : i32 to vector<16xi32>
    %sign3A_130 = arith.cmpi slt, %add3A_120, %sign3A_129 : vector<16xi32>
    %sign3A_131 = arith.extui %sign3A_130 : vector<16xi1> to vector<16xi32>
    %sign3A_132 = arith.subi %sign3A_127, %sign3A_131 : vector<16xi32>
    %sign3A_133 = arith.constant 0 : i32
    %sign3A_134 = arith.cmpi sgt, %jit3A_121, %sign3A_133 : i32
    %sign3A_135 = arith.extui %sign3A_134 : i1 to i32
    %sign3A_136 = arith.constant 0 : i32
    %sign3A_137 = arith.cmpi slt, %jit3A_121, %sign3A_136 : i32
    %sign3A_138 = arith.extui %sign3A_137 : i1 to i32
    %sign3A_139 = arith.subi %sign3A_135, %sign3A_138 : i32
    %ne3A_140 = vector.broadcast %sign3A_139 : i32 to vector<16xi32>
    %ne3A_141 = arith.cmpi ne, %sign3A_132, %ne3A_140 : vector<16xi32>
    %rem3A_142 = vector.broadcast %jit3A_121 : i32 to vector<16xi32>
    %rem3A_143 = arith.remsi %add3A_120, %rem3A_142 : vector<16xi32>
    %ne3A_144 = arith.constant 0 : i32
    %ne3A_145 = vector.broadcast %ne3A_144 : i32 to vector<16xi32>
    %ne3A_146 = arith.cmpi ne, %rem3A_143, %ne3A_145 : vector<16xi32>
    %and3A_147 = arith.andi %ne3A_141, %ne3A_146 : vector<16xi1>
    %sub3A_148 = arith.constant 1 : i32
    %sub3A_149 = vector.broadcast %sub3A_148 : i32 to vector<16xi32>
    %sub3A_150 = arith.subi %div3A_123, %sub3A_149 : vector<16xi32>
    %select_n3A_151 = arith.select %and3A_147, %sub3A_150, %div3A_123 : vector<16xi1>, vector<16xi32>
    %mul3A_152 = arith.constant 10 : i32
    %mul3A_153 = vector.broadcast %mul3A_152 : i32 to vector<16xi32>
    %mul3A_154 = arith.muli %select_n3A_151, %mul3A_153 : vector<16xi32>
    %sub3A_155 = arith.subi %add3A_120, %mul3A_154 : vector<16xi32>
    %gather3A_156 = tpu.vector_load_idx %arg6[%select_n3A_151, %sub3A_155] : memref<64x16xi32, #tpu.memory_space<vmem>>[vector<16xi32>, vector<16xi32>], vector<16xi32>,
    %iota3A_157 = tpu.iota {dimensions = array<i32: 0>} : vector<16xi32>
    %add3A_158 = arith.constant 32 : i32
    %add3A_159 = vector.broadcast %add3A_158 : i32 to vector<16xi32>
    %add3A_160 = arith.addi %iota3A_157, %add3A_159 : vector<16xi32>
    tpu.vector_store_idx %arg7[%gather3A_156], %add3A_160 : memref<17408xi32, #tpu.memory_space<vmem>>[vector<16xi32>], vector<16xi32>,
    %iota3A_161 = tpu.iota {dimensions = array<i32: 0>} : vector<16xi32>
    %add3A_162 = arith.constant 48 : i32
    %add3A_163 = vector.broadcast %add3A_162 : i32 to vector<16xi32>
    %add3A_164 = arith.addi %iota3A_161, %add3A_163 : vector<16xi32>
    %jit3A_165 = arith.constant 10 : i32
    %div3A_166 = vector.broadcast %jit3A_165 : i32 to vector<16xi32>
    %div3A_167 = arith.divsi %add3A_164, %div3A_166 : vector<16xi32>
    %sign3A_168 = arith.constant 0 : i32
    %sign3A_169 = vector.broadcast %sign3A_168 : i32 to vector<16xi32>
    %sign3A_170 = arith.cmpi sgt, %add3A_164, %sign3A_169 : vector<16xi32>
    %sign3A_171 = arith.extui %sign3A_170 : vector<16xi1> to vector<16xi32>
    %sign3A_172 = arith.constant 0 : i32
    %sign3A_173 = vector.broadcast %sign3A_172 : i32 to vector<16xi32>
    %sign3A_174 = arith.cmpi slt, %add3A_164, %sign3A_173 : vector<16xi32>
    %sign3A_175 = arith.extui %sign3A_174 : vector<16xi1> to vector<16xi32>
    %sign3A_176 = arith.subi %sign3A_171, %sign3A_175 : vector<16xi32>
    %sign3A_177 = arith.constant 0 : i32
    %sign3A_178 = arith.cmpi sgt, %jit3A_165, %sign3A_177 : i32
    %sign3A_179 = arith.extui %sign3A_178 : i1 to i32
    %sign3A_180 = arith.constant 0 : i32
    %sign3A_181 = arith.cmpi slt, %jit3A_165, %sign3A_180 : i32
    %sign3A_182 = arith.extui %sign3A_181 : i1 to i32
    %sign3A_183 = arith.subi %sign3A_179, %sign3A_182 : i32
    %ne3A_184 = vector.broadcast %sign3A_183 : i32 to vector<16xi32>
    %ne3A_185 = arith.cmpi ne, %sign3A_176, %ne3A_184 : vector<16xi32>
    %rem3A_186 = vector.broadcast %jit3A_165 : i32 to vector<16xi32>
    %rem3A_187 = arith.remsi %add3A_164, %rem3A_186 : vector<16xi32>
    %ne3A_188 = arith.constant 0 : i32
    %ne3A_189 = vector.broadcast %ne3A_188 : i32 to vector<16xi32>
    %ne3A_190 = arith.cmpi ne, %rem3A_187, %ne3A_189 : vector<16xi32>
    %and3A_191 = arith.andi %ne3A_185, %ne3A_190 : vector<16xi1>
    %sub3A_192 = arith.constant 1 : i32
    %sub3A_193 = vector.broadcast %sub3A_192 : i32 to vector<16xi32>
    %sub3A_194 = arith.subi %div3A_167, %sub3A_193 : vector<16xi32>
    %select_n3A_195 = arith.select %and3A_191, %sub3A_194, %div3A_167 : vector<16xi1>, vector<16xi32>
    %mul3A_196 = arith.constant 10 : i32
    %mul3A_197 = vector.broadcast %mul3A_196 : i32 to vector<16xi32>
    %mul3A_198 = arith.muli %select_n3A_195, %mul3A_197 : vector<16xi32>
    %sub3A_199 = arith.subi %add3A_164, %mul3A_198 : vector<16xi32>
    %gather3A_200 = tpu.vector_load_idx %arg6[%select_n3A_195, %sub3A_199] : memref<64x16xi32, #tpu.memory_space<vmem>>[vector<16xi32>, vector<16xi32>], vector<16xi32>,
    %iota3A_201 = tpu.iota {dimensions = array<i32: 0>} : vector<16xi32>
    %add3A_202 = arith.constant 48 : i32
    %add3A_203 = vector.broadcast %add3A_202 : i32 to vector<16xi32>
    %add3A_204 = arith.addi %iota3A_201, %add3A_203 : vector<16xi32>
    tpu.vector_store_idx %arg7[%gather3A_200], %add3A_204 : memref<17408xi32, #tpu.memory_space<vmem>>[vector<16xi32>], vector<16xi32>,
    %iota3A_205 = tpu.iota {dimensions = array<i32: 0>} : vector<16xi32>
    %add3A_206 = arith.constant 64 : i32
    %add3A_207 = vector.broadcast %add3A_206 : i32 to vector<16xi32>
    %add3A_208 = arith.addi %iota3A_205, %add3A_207 : vector<16xi32>
    %jit3A_209 = arith.constant 10 : i32
    %div3A_210 = vector.broadcast %jit3A_209 : i32 to vector<16xi32>
    %div3A_211 = arith.divsi %add3A_208, %div3A_210 : vector<16xi32>
    %sign3A_212 = arith.constant 0 : i32
    %sign3A_213 = vector.broadcast %sign3A_212 : i32 to vector<16xi32>
    %sign3A_214 = arith.cmpi sgt, %add3A_208, %sign3A_213 : vector<16xi32>
    %sign3A_215 = arith.extui %sign3A_214 : vector<16xi1> to vector<16xi32>
    %sign3A_216 = arith.constant 0 : i32
    %sign3A_217 = vector.broadcast %sign3A_216 : i32 to vector<16xi32>
    %sign3A_218 = arith.cmpi slt, %add3A_208, %sign3A_217 : vector<16xi32>
    %sign3A_219 = arith.extui %sign3A_218 : vector<16xi1> to vector<16xi32>
    %sign3A_220 = arith.subi %sign3A_215, %sign3A_219 : vector<16xi32>
    %sign3A_221 = arith.constant 0 : i32
    %sign3A_222 = arith.cmpi sgt, %jit3A_209, %sign3A_221 : i32
    %sign3A_223 = arith.extui %sign3A_222 : i1 to i32
    %sign3A_224 = arith.constant 0 : i32
    %sign3A_225 = arith.cmpi slt, %jit3A_209, %sign3A_224 : i32
    %sign3A_226 = arith.extui %sign3A_225 : i1 to i32
    %sign3A_227 = arith.subi %sign3A_223, %sign3A_226 : i32
    %ne3A_228 = vector.broadcast %sign3A_227 : i32 to vector<16xi32>
    %ne3A_229 = arith.cmpi ne, %sign3A_220, %ne3A_228 : vector<16xi32>
    %rem3A_230 = vector.broadcast %jit3A_209 : i32 to vector<16xi32>
    %rem3A_231 = arith.remsi %add3A_208, %rem3A_230 : vector<16xi32>
    %ne3A_232 = arith.constant 0 : i32
    %ne3A_233 = vector.broadcast %ne3A_232 : i32 to vector<16xi32>
    %ne3A_234 = arith.cmpi ne, %rem3A_231, %ne3A_233 : vector<16xi32>
    %and3A_235 = arith.andi %ne3A_229, %ne3A_234 : vector<16xi1>
    %sub3A_236 = arith.constant 1 : i32
    %sub3A_237 = vector.broadcast %sub3A_236 : i32 to vector<16xi32>
    %sub3A_238 = arith.subi %div3A_211, %sub3A_237 : vector<16xi32>
    %select_n3A_239 = arith.select %and3A_235, %sub3A_238, %div3A_211 : vector<16xi1>, vector<16xi32>
    %mul3A_240 = arith.constant 10 : i32
    %mul3A_241 = vector.broadcast %mul3A_240 : i32 to vector<16xi32>
    %mul3A_242 = arith.muli %select_n3A_239, %mul3A_241 : vector<16xi32>
    %sub3A_243 = arith.subi %add3A_208, %mul3A_242 : vector<16xi32>
    %gather3A_244 = tpu.vector_load_idx %arg6[%select_n3A_239, %sub3A_243] : memref<64x16xi32, #tpu.memory_space<vmem>>[vector<16xi32>, vector<16xi32>], vector<16xi32>,
    %iota3A_245 = tpu.iota {dimensions = array<i32: 0>} : vector<16xi32>
    %add3A_246 = arith.constant 64 : i32
    %add3A_247 = vector.broadcast %add3A_246 : i32 to vector<16xi32>
    %add3A_248 = arith.addi %iota3A_245, %add3A_247 : vector<16xi32>
    tpu.vector_store_idx %arg7[%gather3A_244], %add3A_248 : memref<17408xi32, #tpu.memory_space<vmem>>[vector<16xi32>], vector<16xi32>,
    %iota3A_249 = tpu.iota {dimensions = array<i32: 0>} : vector<16xi32>
    %add3A_250 = arith.constant 80 : i32
    %add3A_251 = vector.broadcast %add3A_250 : i32 to vector<16xi32>
    %add3A_252 = arith.addi %iota3A_249, %add3A_251 : vector<16xi32>
    %jit3A_253 = arith.constant 10 : i32
    %div3A_254 = vector.broadcast %jit3A_253 : i32 to vector<16xi32>
    %div3A_255 = arith.divsi %add3A_252, %div3A_254 : vector<16xi32>
    %sign3A_256 = arith.constant 0 : i32
    %sign3A_257 = vector.broadcast %sign3A_256 : i32 to vector<16xi32>
    %sign3A_258 = arith.cmpi sgt, %add3A_252, %sign3A_257 : vector<16xi32>
    %sign3A_259 = arith.extui %sign3A_258 : vector<16xi1> to vector<16xi32>
    %sign3A_260 = arith.constant 0 : i32
    %sign3A_261 = vector.broadcast %sign3A_260 : i32 to vector<16xi32>
    %sign3A_262 = arith.cmpi slt, %add3A_252, %sign3A_261 : vector<16xi32>
    %sign3A_263 = arith.extui %sign3A_262 : vector<16xi1> to vector<16xi32>
    %sign3A_264 = arith.subi %sign3A_259, %sign3A_263 : vector<16xi32>
    %sign3A_265 = arith.constant 0 : i32
    %sign3A_266 = arith.cmpi sgt, %jit3A_253, %sign3A_265 : i32
    %sign3A_267 = arith.extui %sign3A_266 : i1 to i32
    %sign3A_268 = arith.constant 0 : i32
    %sign3A_269 = arith.cmpi slt, %jit3A_253, %sign3A_268 : i32
    %sign3A_270 = arith.extui %sign3A_269 : i1 to i32
    %sign3A_271 = arith.subi %sign3A_267, %sign3A_270 : i32
    %ne3A_272 = vector.broadcast %sign3A_271 : i32 to vector<16xi32>
    %ne3A_273 = arith.cmpi ne, %sign3A_264, %ne3A_272 : vector<16xi32>
    %rem3A_274 = vector.broadcast %jit3A_253 : i32 to vector<16xi32>
    %rem3A_275 = arith.remsi %add3A_252, %rem3A_274 : vector<16xi32>
    %ne3A_276 = arith.constant 0 : i32
    %ne3A_277 = vector.broadcast %ne3A_276 : i32 to vector<16xi32>
    %ne3A_278 = arith.cmpi ne, %rem3A_275, %ne3A_277 : vector<16xi32>
    %and3A_279 = arith.andi %ne3A_273, %ne3A_278 : vector<16xi1>
    %sub3A_280 = arith.constant 1 : i32
    %sub3A_281 = vector.broadcast %sub3A_280 : i32 to vector<16xi32>
    %sub3A_282 = arith.subi %div3A_255, %sub3A_281 : vector<16xi32>
    %select_n3A_283 = arith.select %and3A_279, %sub3A_282, %div3A_255 : vector<16xi1>, vector<16xi32>
    %mul3A_284 = arith.constant 10 : i32
    %mul3A_285 = vector.broadcast %mul3A_284 : i32 to vector<16xi32>
    %mul3A_286 = arith.muli %select_n3A_283, %mul3A_285 : vector<16xi32>
    %sub3A_287 = arith.subi %add3A_252, %mul3A_286 : vector<16xi32>
    %gather3A_288 = tpu.vector_load_idx %arg6[%select_n3A_283, %sub3A_287] : memref<64x16xi32, #tpu.memory_space<vmem>>[vector<16xi32>, vector<16xi32>], vector<16xi32>,
    %iota3A_289 = tpu.iota {dimensions = array<i32: 0>} : vector<16xi32>
    %add3A_290 = arith.constant 80 : i32
    %add3A_291 = vector.broadcast %add3A_290 : i32 to vector<16xi32>
    %add3A_292 = arith.addi %iota3A_289, %add3A_291 : vector<16xi32>
    tpu.vector_store_idx %arg7[%gather3A_288], %add3A_292 : memref<17408xi32, #tpu.memory_space<vmem>>[vector<16xi32>], vector<16xi32>,
    %iota3A_293 = tpu.iota {dimensions = array<i32: 0>} : vector<16xi32>
    %add3A_294 = arith.constant 96 : i32
    %add3A_295 = vector.broadcast %add3A_294 : i32 to vector<16xi32>
    %add3A_296 = arith.addi %iota3A_293, %add3A_295 : vector<16xi32>
    %jit3A_297 = arith.constant 10 : i32
    %div3A_298 = vector.broadcast %jit3A_297 : i32 to vector<16xi32>
    %div3A_299 = arith.divsi %add3A_296, %div3A_298 : vector<16xi32>
    %sign3A_300 = arith.constant 0 : i32
    %sign3A_301 = vector.broadcast %sign3A_300 : i32 to vector<16xi32>
    %sign3A_302 = arith.cmpi sgt, %add3A_296, %sign3A_301 : vector<16xi32>
    %sign3A_303 = arith.extui %sign3A_302 : vector<16xi1> to vector<16xi32>
    %sign3A_304 = arith.constant 0 : i32
    %sign3A_305 = vector.broadcast %sign3A_304 : i32 to vector<16xi32>
    %sign3A_306 = arith.cmpi slt, %add3A_296, %sign3A_305 : vector<16xi32>
    %sign3A_307 = arith.extui %sign3A_306 : vector<16xi1> to vector<16xi32>
    %sign3A_308 = arith.subi %sign3A_303, %sign3A_307 : vector<16xi32>
    %sign3A_309 = arith.constant 0 : i32
    %sign3A_310 = arith.cmpi sgt, %jit3A_297, %sign3A_309 : i32
    %sign3A_311 = arith.extui %sign3A_310 : i1 to i32
    %sign3A_312 = arith.constant 0 : i32
    %sign3A_313 = arith.cmpi slt, %jit3A_297, %sign3A_312 : i32
    %sign3A_314 = arith.extui %sign3A_313 : i1 to i32
    %sign3A_315 = arith.subi %sign3A_311, %sign3A_314 : i32
    %ne3A_316 = vector.broadcast %sign3A_315 : i32 to vector<16xi32>
    %ne3A_317 = arith.cmpi ne, %sign3A_308, %ne3A_316 : vector<16xi32>
    %rem3A_318 = vector.broadcast %jit3A_297 : i32 to vector<16xi32>
    %rem3A_319 = arith.remsi %add3A_296, %rem3A_318 : vector<16xi32>
    %ne3A_320 = arith.constant 0 : i32
    %ne3A_321 = vector.broadcast %ne3A_320 : i32 to vector<16xi32>
    %ne3A_322 = arith.cmpi ne, %rem3A_319, %ne3A_321 : vector<16xi32>
    %and3A_323 = arith.andi %ne3A_317, %ne3A_322 : vector<16xi1>
    %sub3A_324 = arith.constant 1 : i32
    %sub3A_325 = vector.broadcast %sub3A_324 : i32 to vector<16xi32>
    %sub3A_326 = arith.subi %div3A_299, %sub3A_325 : vector<16xi32>
    %select_n3A_327 = arith.select %and3A_323, %sub3A_326, %div3A_299 : vector<16xi1>, vector<16xi32>
    %mul3A_328 = arith.constant 10 : i32
    %mul3A_329 = vector.broadcast %mul3A_328 : i32 to vector<16xi32>
    %mul3A_330 = arith.muli %select_n3A_327, %mul3A_329 : vector<16xi32>
    %sub3A_331 = arith.subi %add3A_296, %mul3A_330 : vector<16xi32>
    %gather3A_332 = tpu.vector_load_idx %arg6[%select_n3A_327, %sub3A_331] : memref<64x16xi32, #tpu.memory_space<vmem>>[vector<16xi32>, vector<16xi32>], vector<16xi32>,
    %iota3A_333 = tpu.iota {dimensions = array<i32: 0>} : vector<16xi32>
    %add3A_334 = arith.constant 96 : i32
    %add3A_335 = vector.broadcast %add3A_334 : i32 to vector<16xi32>
    %add3A_336 = arith.addi %iota3A_333, %add3A_335 : vector<16xi32>
    tpu.vector_store_idx %arg7[%gather3A_332], %add3A_336 : memref<17408xi32, #tpu.memory_space<vmem>>[vector<16xi32>], vector<16xi32>,
    %iota3A_337 = tpu.iota {dimensions = array<i32: 0>} : vector<16xi32>
    %add3A_338 = arith.constant 112 : i32
    %add3A_339 = vector.broadcast %add3A_338 : i32 to vector<16xi32>
    %add3A_340 = arith.addi %iota3A_337, %add3A_339 : vector<16xi32>
    %jit3A_341 = arith.constant 10 : i32
    %div3A_342 = vector.broadcast %jit3A_341 : i32 to vector<16xi32>
    %div3A_343 = arith.divsi %add3A_340, %div3A_342 : vector<16xi32>
    %sign3A_344 = arith.constant 0 : i32
    %sign3A_345 = vector.broadcast %sign3A_344 : i32 to vector<16xi32>
    %sign3A_346 = arith.cmpi sgt, %add3A_340, %sign3A_345 : vector<16xi32>
    %sign3A_347 = arith.extui %sign3A_346 : vector<16xi1> to vector<16xi32>
    %sign3A_348 = arith.constant 0 : i32
    %sign3A_349 = vector.broadcast %sign3A_348 : i32 to vector<16xi32>
    %sign3A_350 = arith.cmpi slt, %add3A_340, %sign3A_349 : vector<16xi32>
    %sign3A_351 = arith.extui %sign3A_350 : vector<16xi1> to vector<16xi32>
    %sign3A_352 = arith.subi %sign3A_347, %sign3A_351 : vector<16xi32>
    %sign3A_353 = arith.constant 0 : i32
    %sign3A_354 = arith.cmpi sgt, %jit3A_341, %sign3A_353 : i32
    %sign3A_355 = arith.extui %sign3A_354 : i1 to i32
    %sign3A_356 = arith.constant 0 : i32
    %sign3A_357 = arith.cmpi slt, %jit3A_341, %sign3A_356 : i32
    %sign3A_358 = arith.extui %sign3A_357 : i1 to i32
    %sign3A_359 = arith.subi %sign3A_355, %sign3A_358 : i32
    %ne3A_360 = vector.broadcast %sign3A_359 : i32 to vector<16xi32>
    %ne3A_361 = arith.cmpi ne, %sign3A_352, %ne3A_360 : vector<16xi32>
    %rem3A_362 = vector.broadcast %jit3A_341 : i32 to vector<16xi32>
    %rem3A_363 = arith.remsi %add3A_340, %rem3A_362 : vector<16xi32>
    %ne3A_364 = arith.constant 0 : i32
    %ne3A_365 = vector.broadcast %ne3A_364 : i32 to vector<16xi32>
    %ne3A_366 = arith.cmpi ne, %rem3A_363, %ne3A_365 : vector<16xi32>
    %and3A_367 = arith.andi %ne3A_361, %ne3A_366 : vector<16xi1>
    %sub3A_368 = arith.constant 1 : i32
    %sub3A_369 = vector.broadcast %sub3A_368 : i32 to vector<16xi32>
    %sub3A_370 = arith.subi %div3A_343, %sub3A_369 : vector<16xi32>
    %select_n3A_371 = arith.select %and3A_367, %sub3A_370, %div3A_343 : vector<16xi1>, vector<16xi32>
    %mul3A_372 = arith.constant 10 : i32
    %mul3A_373 = vector.broadcast %mul3A_372 : i32 to vector<16xi32>
    %mul3A_374 = arith.muli %select_n3A_371, %mul3A_373 : vector<16xi32>
    %sub3A_375 = arith.subi %add3A_340, %mul3A_374 : vector<16xi32>
    %gather3A_376 = tpu.vector_load_idx %arg6[%select_n3A_371, %sub3A_375] : memref<64x16xi32, #tpu.memory_space<vmem>>[vector<16xi32>, vector<16xi32>], vector<16xi32>,
    %iota3A_377 = tpu.iota {dimensions = array<i32: 0>} : vector<16xi32>
    %add3A_378 = arith.constant 112 : i32
    %add3A_379 = vector.broadcast %add3A_378 : i32 to vector<16xi32>
    %add3A_380 = arith.addi %iota3A_377, %add3A_379 : vector<16xi32>
    tpu.vector_store_idx %arg7[%gather3A_376], %add3A_380 : memref<17408xi32, #tpu.memory_space<vmem>>[vector<16xi32>], vector<16xi32>,
    %iota3A_381 = tpu.iota {dimensions = array<i32: 0>} : vector<16xi32>
    %add3A_382 = arith.constant 128 : i32
    %add3A_383 = vector.broadcast %add3A_382 : i32 to vector<16xi32>
    %add3A_384 = arith.addi %iota3A_381, %add3A_383 : vector<16xi32>
    %jit3A_385 = arith.constant 10 : i32
    %div3A_386 = vector.broadcast %jit3A_385 : i32 to vector<16xi32>
    %div3A_387 = arith.divsi %add3A_384, %div3A_386 : vector<16xi32>
    %sign3A_388 = arith.constant 0 : i32
    %sign3A_389 = vector.broadcast %sign3A_388 : i32 to vector<16xi32>
    %sign3A_390 = arith.cmpi sgt, %add3A_384, %sign3A_389 : vector<16xi32>
    %sign3A_391 = arith.extui %sign3A_390 : vector<16xi1> to vector<16xi32>
    %sign3A_392 = arith.constant 0 : i32
    %sign3A_393 = vector.broadcast %sign3A_392 : i32 to vector<16xi32>
    %sign3A_394 = arith.cmpi slt, %add3A_384, %sign3A_393 : vector<16xi32>
    %sign3A_395 = arith.extui %sign3A_394 : vector<16xi1> to vector<16xi32>
    %sign3A_396 = arith.subi %sign3A_391, %sign3A_395 : vector<16xi32>
    %sign3A_397 = arith.constant 0 : i32
    %sign3A_398 = arith.cmpi sgt, %jit3A_385, %sign3A_397 : i32
    %sign3A_399 = arith.extui %sign3A_398 : i1 to i32
    %sign3A_400 = arith.constant 0 : i32
    %sign3A_401 = arith.cmpi slt, %jit3A_385, %sign3A_400 : i32
    %sign3A_402 = arith.extui %sign3A_401 : i1 to i32
    %sign3A_403 = arith.subi %sign3A_399, %sign3A_402 : i32
    %ne3A_404 = vector.broadcast %sign3A_403 : i32 to vector<16xi32>
    %ne3A_405 = arith.cmpi ne, %sign3A_396, %ne3A_404 : vector<16xi32>
    %rem3A_406 = vector.broadcast %jit3A_385 : i32 to vector<16xi32>
    %rem3A_407 = arith.remsi %add3A_384, %rem3A_406 : vector<16xi32>
    %ne3A_408 = arith.constant 0 : i32
    %ne3A_409 = vector.broadcast %ne3A_408 : i32 to vector<16xi32>
    %ne3A_410 = arith.cmpi ne, %rem3A_407, %ne3A_409 : vector<16xi32>
    %and3A_411 = arith.andi %ne3A_405, %ne3A_410 : vector<16xi1>
    %sub3A_412 = arith.constant 1 : i32
    %sub3A_413 = vector.broadcast %sub3A_412 : i32 to vector<16xi32>
    %sub3A_414 = arith.subi %div3A_387, %sub3A_413 : vector<16xi32>
    %select_n3A_415 = arith.select %and3A_411, %sub3A_414, %div3A_387 : vector<16xi1>, vector<16xi32>
    %mul3A_416 = arith.constant 10 : i32
    %mul3A_417 = vector.broadcast %mul3A_416 : i32 to vector<16xi32>
    %mul3A_418 = arith.muli %select_n3A_415, %mul3A_417 : vector<16xi32>
    %sub3A_419 = arith.subi %add3A_384, %mul3A_418 : vector<16xi32>
    %gather3A_420 = tpu.vector_load_idx %arg6[%select_n3A_415, %sub3A_419] : memref<64x16xi32, #tpu.memory_space<vmem>>[vector<16xi32>, vector<16xi32>], vector<16xi32>,
    %iota3A_421 = tpu.iota {dimensions = array<i32: 0>} : vector<16xi32>
    %add3A_422 = arith.constant 128 : i32
    %add3A_423 = vector.broadcast %add3A_422 : i32 to vector<16xi32>
    %add3A_424 = arith.addi %iota3A_421, %add3A_423 : vector<16xi32>
    tpu.vector_store_idx %arg7[%gather3A_420], %add3A_424 : memref<17408xi32, #tpu.memory_space<vmem>>[vector<16xi32>], vector<16xi32>,
    %iota3A_425 = tpu.iota {dimensions = array<i32: 0>} : vector<16xi32>
    %add3A_426 = arith.constant 144 : i32
    %add3A_427 = vector.broadcast %add3A_426 : i32 to vector<16xi32>
    %add3A_428 = arith.addi %iota3A_425, %add3A_427 : vector<16xi32>
    %jit3A_429 = arith.constant 10 : i32
    %div3A_430 = vector.broadcast %jit3A_429 : i32 to vector<16xi32>
    %div3A_431 = arith.divsi %add3A_428, %div3A_430 : vector<16xi32>
    %sign3A_432 = arith.constant 0 : i32
    %sign3A_433 = vector.broadcast %sign3A_432 : i32 to vector<16xi32>
    %sign3A_434 = arith.cmpi sgt, %add3A_428, %sign3A_433 : vector<16xi32>
    %sign3A_435 = arith.extui %sign3A_434 : vector<16xi1> to vector<16xi32>
    %sign3A_436 = arith.constant 0 : i32
    %sign3A_437 = vector.broadcast %sign3A_436 : i32 to vector<16xi32>
    %sign3A_438 = arith.cmpi slt, %add3A_428, %sign3A_437 : vector<16xi32>
    %sign3A_439 = arith.extui %sign3A_438 : vector<16xi1> to vector<16xi32>
    %sign3A_440 = arith.subi %sign3A_435, %sign3A_439 : vector<16xi32>
    %sign3A_441 = arith.constant 0 : i32
    %sign3A_442 = arith.cmpi sgt, %jit3A_429, %sign3A_441 : i32
    %sign3A_443 = arith.extui %sign3A_442 : i1 to i32
    %sign3A_444 = arith.constant 0 : i32
    %sign3A_445 = arith.cmpi slt, %jit3A_429, %sign3A_444 : i32
    %sign3A_446 = arith.extui %sign3A_445 : i1 to i32
    %sign3A_447 = arith.subi %sign3A_443, %sign3A_446 : i32
    %ne3A_448 = vector.broadcast %sign3A_447 : i32 to vector<16xi32>
    %ne3A_449 = arith.cmpi ne, %sign3A_440, %ne3A_448 : vector<16xi32>
    %rem3A_450 = vector.broadcast %jit3A_429 : i32 to vector<16xi32>
    %rem3A_451 = arith.remsi %add3A_428, %rem3A_450 : vector<16xi32>
    %ne3A_452 = arith.constant 0 : i32
    %ne3A_453 = vector.broadcast %ne3A_452 : i32 to vector<16xi32>
    %ne3A_454 = arith.cmpi ne, %rem3A_451, %ne3A_453 : vector<16xi32>
    %and3A_455 = arith.andi %ne3A_449, %ne3A_454 : vector<16xi1>
    %sub3A_456 = arith.constant 1 : i32
    %sub3A_457 = vector.broadcast %sub3A_456 : i32 to vector<16xi32>
    %sub3A_458 = arith.subi %div3A_431, %sub3A_457 : vector<16xi32>
    %select_n3A_459 = arith.select %and3A_455, %sub3A_458, %div3A_431 : vector<16xi1>, vector<16xi32>
    %mul3A_460 = arith.constant 10 : i32
    %mul3A_461 = vector.broadcast %mul3A_460 : i32 to vector<16xi32>
    %mul3A_462 = arith.muli %select_n3A_459, %mul3A_461 : vector<16xi32>
    %sub3A_463 = arith.subi %add3A_428, %mul3A_462 : vector<16xi32>
    %gather3A_464 = tpu.vector_load_idx %arg6[%select_n3A_459, %sub3A_463] : memref<64x16xi32, #tpu.memory_space<vmem>>[vector<16xi32>, vector<16xi32>], vector<16xi32>,
    %iota3A_465 = tpu.iota {dimensions = array<i32: 0>} : vector<16xi32>
    %add3A_466 = arith.constant 144 : i32
    %add3A_467 = vector.broadcast %add3A_466 : i32 to vector<16xi32>
    %add3A_468 = arith.addi %iota3A_465, %add3A_467 : vector<16xi32>
    tpu.vector_store_idx %arg7[%gather3A_464], %add3A_468 : memref<17408xi32, #tpu.memory_space<vmem>>[vector<16xi32>], vector<16xi32>,
    %iota3A_469 = tpu.iota {dimensions = array<i32: 0>} : vector<16xi32>
    %add3A_470 = arith.constant 160 : i32
    %add3A_471 = vector.broadcast %add3A_470 : i32 to vector<16xi32>
    %add3A_472 = arith.addi %iota3A_469, %add3A_471 : vector<16xi32>
    %jit3A_473 = arith.constant 10 : i32
    %div3A_474 = vector.broadcast %jit3A_473 : i32 to vector<16xi32>
    %div3A_475 = arith.divsi %add3A_472, %div3A_474 : vector<16xi32>
    %sign3A_476 = arith.constant 0 : i32
    %sign3A_477 = vector.broadcast %sign3A_476 : i32 to vector<16xi32>
    %sign3A_478 = arith.cmpi sgt, %add3A_472, %sign3A_477 : vector<16xi32>
    %sign3A_479 = arith.extui %sign3A_478 : vector<16xi1> to vector<16xi32>
    %sign3A_480 = arith.constant 0 : i32
    %sign3A_481 = vector.broadcast %sign3A_480 : i32 to vector<16xi32>
    %sign3A_482 = arith.cmpi slt, %add3A_472, %sign3A_481 : vector<16xi32>
    %sign3A_483 = arith.extui %sign3A_482 : vector<16xi1> to vector<16xi32>
    %sign3A_484 = arith.subi %sign3A_479, %sign3A_483 : vector<16xi32>
    %sign3A_485 = arith.constant 0 : i32
    %sign3A_486 = arith.cmpi sgt, %jit3A_473, %sign3A_485 : i32
    %sign3A_487 = arith.extui %sign3A_486 : i1 to i32
    %sign3A_488 = arith.constant 0 : i32
    %sign3A_489 = arith.cmpi slt, %jit3A_473, %sign3A_488 : i32
    %sign3A_490 = arith.extui %sign3A_489 : i1 to i32
    %sign3A_491 = arith.subi %sign3A_487, %sign3A_490 : i32
    %ne3A_492 = vector.broadcast %sign3A_491 : i32 to vector<16xi32>
    %ne3A_493 = arith.cmpi ne, %sign3A_484, %ne3A_492 : vector<16xi32>
    %rem3A_494 = vector.broadcast %jit3A_473 : i32 to vector<16xi32>
    %rem3A_495 = arith.remsi %add3A_472, %rem3A_494 : vector<16xi32>
    %ne3A_496 = arith.constant 0 : i32
    %ne3A_497 = vector.broadcast %ne3A_496 : i32 to vector<16xi32>
    %ne3A_498 = arith.cmpi ne, %rem3A_495, %ne3A_497 : vector<16xi32>
    %and3A_499 = arith.andi %ne3A_493, %ne3A_498 : vector<16xi1>
    %sub3A_500 = arith.constant 1 : i32
    %sub3A_501 = vector.broadcast %sub3A_500 : i32 to vector<16xi32>
    %sub3A_502 = arith.subi %div3A_475, %sub3A_501 : vector<16xi32>
    %select_n3A_503 = arith.select %and3A_499, %sub3A_502, %div3A_475 : vector<16xi1>, vector<16xi32>
    %mul3A_504 = arith.constant 10 : i32
    %mul3A_505 = vector.broadcast %mul3A_504 : i32 to vector<16xi32>
    %mul3A_506 = arith.muli %select_n3A_503, %mul3A_505 : vector<16xi32>
    %sub3A_507 = arith.subi %add3A_472, %mul3A_506 : vector<16xi32>
    %gather3A_508 = tpu.vector_load_idx %arg6[%select_n3A_503, %sub3A_507] : memref<64x16xi32, #tpu.memory_space<vmem>>[vector<16xi32>, vector<16xi32>], vector<16xi32>,
    %iota3A_509 = tpu.iota {dimensions = array<i32: 0>} : vector<16xi32>
    %add3A_510 = arith.constant 160 : i32
    %add3A_511 = vector.broadcast %add3A_510 : i32 to vector<16xi32>
    %add3A_512 = arith.addi %iota3A_509, %add3A_511 : vector<16xi32>
    tpu.vector_store_idx %arg7[%gather3A_508], %add3A_512 : memref<17408xi32, #tpu.memory_space<vmem>>[vector<16xi32>], vector<16xi32>,
    %iota3A_513 = tpu.iota {dimensions = array<i32: 0>} : vector<16xi32>
    %add3A_514 = arith.constant 176 : i32
    %add3A_515 = vector.broadcast %add3A_514 : i32 to vector<16xi32>
    %add3A_516 = arith.addi %iota3A_513, %add3A_515 : vector<16xi32>
    %jit3A_517 = arith.constant 10 : i32
    %div3A_518 = vector.broadcast %jit3A_517 : i32 to vector<16xi32>
    %div3A_519 = arith.divsi %add3A_516, %div3A_518 : vector<16xi32>
    %sign3A_520 = arith.constant 0 : i32
    %sign3A_521 = vector.broadcast %sign3A_520 : i32 to vector<16xi32>
    %sign3A_522 = arith.cmpi sgt, %add3A_516, %sign3A_521 : vector<16xi32>
    %sign3A_523 = arith.extui %sign3A_522 : vector<16xi1> to vector<16xi32>
    %sign3A_524 = arith.constant 0 : i32
    %sign3A_525 = vector.broadcast %sign3A_524 : i32 to vector<16xi32>
    %sign3A_526 = arith.cmpi slt, %add3A_516, %sign3A_525 : vector<16xi32>
    %sign3A_527 = arith.extui %sign3A_526 : vector<16xi1> to vector<16xi32>
    %sign3A_528 = arith.subi %sign3A_523, %sign3A_527 : vector<16xi32>
    %sign3A_529 = arith.constant 0 : i32
    %sign3A_530 = arith.cmpi sgt, %jit3A_517, %sign3A_529 : i32
    %sign3A_531 = arith.extui %sign3A_530 : i1 to i32
    %sign3A_532 = arith.constant 0 : i32
    %sign3A_533 = arith.cmpi slt, %jit3A_517, %sign3A_532 : i32
    %sign3A_534 = arith.extui %sign3A_533 : i1 to i32
    %sign3A_535 = arith.subi %sign3A_531, %sign3A_534 : i32
    %ne3A_536 = vector.broadcast %sign3A_535 : i32 to vector<16xi32>
    %ne3A_537 = arith.cmpi ne, %sign3A_528, %ne3A_536 : vector<16xi32>
    %rem3A_538 = vector.broadcast %jit3A_517 : i32 to vector<16xi32>
    %rem3A_539 = arith.remsi %add3A_516, %rem3A_538 : vector<16xi32>
    %ne3A_540 = arith.constant 0 : i32
    %ne3A_541 = vector.broadcast %ne3A_540 : i32 to vector<16xi32>
    %ne3A_542 = arith.cmpi ne, %rem3A_539, %ne3A_541 : vector<16xi32>
    %and3A_543 = arith.andi %ne3A_537, %ne3A_542 : vector<16xi1>
    %sub3A_544 = arith.constant 1 : i32
    %sub3A_545 = vector.broadcast %sub3A_544 : i32 to vector<16xi32>
    %sub3A_546 = arith.subi %div3A_519, %sub3A_545 : vector<16xi32>
    %select_n3A_547 = arith.select %and3A_543, %sub3A_546, %div3A_519 : vector<16xi1>, vector<16xi32>
    %mul3A_548 = arith.constant 10 : i32
    %mul3A_549 = vector.broadcast %mul3A_548 : i32 to vector<16xi32>
    %mul3A_550 = arith.muli %select_n3A_547, %mul3A_549 : vector<16xi32>
    %sub3A_551 = arith.subi %add3A_516, %mul3A_550 : vector<16xi32>
    %gather3A_552 = tpu.vector_load_idx %arg6[%select_n3A_547, %sub3A_551] : memref<64x16xi32, #tpu.memory_space<vmem>>[vector<16xi32>, vector<16xi32>], vector<16xi32>,
    %iota3A_553 = tpu.iota {dimensions = array<i32: 0>} : vector<16xi32>
    %add3A_554 = arith.constant 176 : i32
    %add3A_555 = vector.broadcast %add3A_554 : i32 to vector<16xi32>
    %add3A_556 = arith.addi %iota3A_553, %add3A_555 : vector<16xi32>
    tpu.vector_store_idx %arg7[%gather3A_552], %add3A_556 : memref<17408xi32, #tpu.memory_space<vmem>>[vector<16xi32>], vector<16xi32>,
    %iota3A_557 = tpu.iota {dimensions = array<i32: 0>} : vector<16xi32>
    %add3A_558 = arith.constant 192 : i32
    %add3A_559 = vector.broadcast %add3A_558 : i32 to vector<16xi32>
    %add3A_560 = arith.addi %iota3A_557, %add3A_559 : vector<16xi32>
    %jit3A_561 = arith.constant 10 : i32
    %div3A_562 = vector.broadcast %jit3A_561 : i32 to vector<16xi32>
    %div3A_563 = arith.divsi %add3A_560, %div3A_562 : vector<16xi32>
    %sign3A_564 = arith.constant 0 : i32
    %sign3A_565 = vector.broadcast %sign3A_564 : i32 to vector<16xi32>
    %sign3A_566 = arith.cmpi sgt, %add3A_560, %sign3A_565 : vector<16xi32>
    %sign3A_567 = arith.extui %sign3A_566 : vector<16xi1> to vector<16xi32>
    %sign3A_568 = arith.constant 0 : i32
    %sign3A_569 = vector.broadcast %sign3A_568 : i32 to vector<16xi32>
    %sign3A_570 = arith.cmpi slt, %add3A_560, %sign3A_569 : vector<16xi32>
    %sign3A_571 = arith.extui %sign3A_570 : vector<16xi1> to vector<16xi32>
    %sign3A_572 = arith.subi %sign3A_567, %sign3A_571 : vector<16xi32>
    %sign3A_573 = arith.constant 0 : i32
    %sign3A_574 = arith.cmpi sgt, %jit3A_561, %sign3A_573 : i32
    %sign3A_575 = arith.extui %sign3A_574 : i1 to i32
    %sign3A_576 = arith.constant 0 : i32
    %sign3A_577 = arith.cmpi slt, %jit3A_561, %sign3A_576 : i32
    %sign3A_578 = arith.extui %sign3A_577 : i1 to i32
    %sign3A_579 = arith.subi %sign3A_575, %sign3A_578 : i32
    %ne3A_580 = vector.broadcast %sign3A_579 : i32 to vector<16xi32>
    %ne3A_581 = arith.cmpi ne, %sign3A_572, %ne3A_580 : vector<16xi32>
    %rem3A_582 = vector.broadcast %jit3A_561 : i32 to vector<16xi32>
    %rem3A_583 = arith.remsi %add3A_560, %rem3A_582 : vector<16xi32>
    %ne3A_584 = arith.constant 0 : i32
    %ne3A_585 = vector.broadcast %ne3A_584 : i32 to vector<16xi32>
    %ne3A_586 = arith.cmpi ne, %rem3A_583, %ne3A_585 : vector<16xi32>
    %and3A_587 = arith.andi %ne3A_581, %ne3A_586 : vector<16xi1>
    %sub3A_588 = arith.constant 1 : i32
    %sub3A_589 = vector.broadcast %sub3A_588 : i32 to vector<16xi32>
    %sub3A_590 = arith.subi %div3A_563, %sub3A_589 : vector<16xi32>
    %select_n3A_591 = arith.select %and3A_587, %sub3A_590, %div3A_563 : vector<16xi1>, vector<16xi32>
    %mul3A_592 = arith.constant 10 : i32
    %mul3A_593 = vector.broadcast %mul3A_592 : i32 to vector<16xi32>
    %mul3A_594 = arith.muli %select_n3A_591, %mul3A_593 : vector<16xi32>
    %sub3A_595 = arith.subi %add3A_560, %mul3A_594 : vector<16xi32>
    %gather3A_596 = tpu.vector_load_idx %arg6[%select_n3A_591, %sub3A_595] : memref<64x16xi32, #tpu.memory_space<vmem>>[vector<16xi32>, vector<16xi32>], vector<16xi32>,
    %iota3A_597 = tpu.iota {dimensions = array<i32: 0>} : vector<16xi32>
    %add3A_598 = arith.constant 192 : i32
    %add3A_599 = vector.broadcast %add3A_598 : i32 to vector<16xi32>
    %add3A_600 = arith.addi %iota3A_597, %add3A_599 : vector<16xi32>
    tpu.vector_store_idx %arg7[%gather3A_596], %add3A_600 : memref<17408xi32, #tpu.memory_space<vmem>>[vector<16xi32>], vector<16xi32>,
    %iota3A_601 = tpu.iota {dimensions = array<i32: 0>} : vector<16xi32>
    %add3A_602 = arith.constant 208 : i32
    %add3A_603 = vector.broadcast %add3A_602 : i32 to vector<16xi32>
    %add3A_604 = arith.addi %iota3A_601, %add3A_603 : vector<16xi32>
    %jit3A_605 = arith.constant 10 : i32
    %div3A_606 = vector.broadcast %jit3A_605 : i32 to vector<16xi32>
    %div3A_607 = arith.divsi %add3A_604, %div3A_606 : vector<16xi32>
    %sign3A_608 = arith.constant 0 : i32
    %sign3A_609 = vector.broadcast %sign3A_608 : i32 to vector<16xi32>
    %sign3A_610 = arith.cmpi sgt, %add3A_604, %sign3A_609 : vector<16xi32>
    %sign3A_611 = arith.extui %sign3A_610 : vector<16xi1> to vector<16xi32>
    %sign3A_612 = arith.constant 0 : i32
    %sign3A_613 = vector.broadcast %sign3A_612 : i32 to vector<16xi32>
    %sign3A_614 = arith.cmpi slt, %add3A_604, %sign3A_613 : vector<16xi32>
    %sign3A_615 = arith.extui %sign3A_614 : vector<16xi1> to vector<16xi32>
    %sign3A_616 = arith.subi %sign3A_611, %sign3A_615 : vector<16xi32>
    %sign3A_617 = arith.constant 0 : i32
    %sign3A_618 = arith.cmpi sgt, %jit3A_605, %sign3A_617 : i32
    %sign3A_619 = arith.extui %sign3A_618 : i1 to i32
    %sign3A_620 = arith.constant 0 : i32
    %sign3A_621 = arith.cmpi slt, %jit3A_605, %sign3A_620 : i32
    %sign3A_622 = arith.extui %sign3A_621 : i1 to i32
    %sign3A_623 = arith.subi %sign3A_619, %sign3A_622 : i32
    %ne3A_624 = vector.broadcast %sign3A_623 : i32 to vector<16xi32>
    %ne3A_625 = arith.cmpi ne, %sign3A_616, %ne3A_624 : vector<16xi32>
    %rem3A_626 = vector.broadcast %jit3A_605 : i32 to vector<16xi32>
    %rem3A_627 = arith.remsi %add3A_604, %rem3A_626 : vector<16xi32>
    %ne3A_628 = arith.constant 0 : i32
    %ne3A_629 = vector.broadcast %ne3A_628 : i32 to vector<16xi32>
    %ne3A_630 = arith.cmpi ne, %rem3A_627, %ne3A_629 : vector<16xi32>
    %and3A_631 = arith.andi %ne3A_625, %ne3A_630 : vector<16xi1>
    %sub3A_632 = arith.constant 1 : i32
    %sub3A_633 = vector.broadcast %sub3A_632 : i32 to vector<16xi32>
    %sub3A_634 = arith.subi %div3A_607, %sub3A_633 : vector<16xi32>
    %select_n3A_635 = arith.select %and3A_631, %sub3A_634, %div3A_607 : vector<16xi1>, vector<16xi32>
    %mul3A_636 = arith.constant 10 : i32
    %mul3A_637 = vector.broadcast %mul3A_636 : i32 to vector<16xi32>
    %mul3A_638 = arith.muli %select_n3A_635, %mul3A_637 : vector<16xi32>
    %sub3A_639 = arith.subi %add3A_604, %mul3A_638 : vector<16xi32>
    %gather3A_640 = tpu.vector_load_idx %arg6[%select_n3A_635, %sub3A_639] : memref<64x16xi32, #tpu.memory_space<vmem>>[vector<16xi32>, vector<16xi32>], vector<16xi32>,
    %iota3A_641 = tpu.iota {dimensions = array<i32: 0>} : vector<16xi32>
    %add3A_642 = arith.constant 208 : i32
    %add3A_643 = vector.broadcast %add3A_642 : i32 to vector<16xi32>
    %add3A_644 = arith.addi %iota3A_641, %add3A_643 : vector<16xi32>
    tpu.vector_store_idx %arg7[%gather3A_640], %add3A_644 : memref<17408xi32, #tpu.memory_space<vmem>>[vector<16xi32>], vector<16xi32>,
    %iota3A_645 = tpu.iota {dimensions = array<i32: 0>} : vector<16xi32>
    %add3A_646 = arith.constant 224 : i32
    %add3A_647 = vector.broadcast %add3A_646 : i32 to vector<16xi32>
    %add3A_648 = arith.addi %iota3A_645, %add3A_647 : vector<16xi32>
    %jit3A_649 = arith.constant 10 : i32
    %div3A_650 = vector.broadcast %jit3A_649 : i32 to vector<16xi32>
    %div3A_651 = arith.divsi %add3A_648, %div3A_650 : vector<16xi32>
    %sign3A_652 = arith.constant 0 : i32
    %sign3A_653 = vector.broadcast %sign3A_652 : i32 to vector<16xi32>
    %sign3A_654 = arith.cmpi sgt, %add3A_648, %sign3A_653 : vector<16xi32>
    %sign3A_655 = arith.extui %sign3A_654 : vector<16xi1> to vector<16xi32>
    %sign3A_656 = arith.constant 0 : i32
    %sign3A_657 = vector.broadcast %sign3A_656 : i32 to vector<16xi32>
    %sign3A_658 = arith.cmpi slt, %add3A_648, %sign3A_657 : vector<16xi32>
    %sign3A_659 = arith.extui %sign3A_658 : vector<16xi1> to vector<16xi32>
    %sign3A_660 = arith.subi %sign3A_655, %sign3A_659 : vector<16xi32>
    %sign3A_661 = arith.constant 0 : i32
    %sign3A_662 = arith.cmpi sgt, %jit3A_649, %sign3A_661 : i32
    %sign3A_663 = arith.extui %sign3A_662 : i1 to i32
    %sign3A_664 = arith.constant 0 : i32
    %sign3A_665 = arith.cmpi slt, %jit3A_649, %sign3A_664 : i32
    %sign3A_666 = arith.extui %sign3A_665 : i1 to i32
    %sign3A_667 = arith.subi %sign3A_663, %sign3A_666 : i32
    %ne3A_668 = vector.broadcast %sign3A_667 : i32 to vector<16xi32>
    %ne3A_669 = arith.cmpi ne, %sign3A_660, %ne3A_668 : vector<16xi32>
    %rem3A_670 = vector.broadcast %jit3A_649 : i32 to vector<16xi32>
    %rem3A_671 = arith.remsi %add3A_648, %rem3A_670 : vector<16xi32>
    %ne3A_672 = arith.constant 0 : i32
    %ne3A_673 = vector.broadcast %ne3A_672 : i32 to vector<16xi32>
    %ne3A_674 = arith.cmpi ne, %rem3A_671, %ne3A_673 : vector<16xi32>
    %and3A_675 = arith.andi %ne3A_669, %ne3A_674 : vector<16xi1>
    %sub3A_676 = arith.constant 1 : i32
    %sub3A_677 = vector.broadcast %sub3A_676 : i32 to vector<16xi32>
    %sub3A_678 = arith.subi %div3A_651, %sub3A_677 : vector<16xi32>
    %select_n3A_679 = arith.select %and3A_675, %sub3A_678, %div3A_651 : vector<16xi1>, vector<16xi32>
    %mul3A_680 = arith.constant 10 : i32
    %mul3A_681 = vector.broadcast %mul3A_680 : i32 to vector<16xi32>
    %mul3A_682 = arith.muli %select_n3A_679, %mul3A_681 : vector<16xi32>
    %sub3A_683 = arith.subi %add3A_648, %mul3A_682 : vector<16xi32>
    %gather3A_684 = tpu.vector_load_idx %arg6[%select_n3A_679, %sub3A_683] : memref<64x16xi32, #tpu.memory_space<vmem>>[vector<16xi32>, vector<16xi32>], vector<16xi32>,
    %iota3A_685 = tpu.iota {dimensions = array<i32: 0>} : vector<16xi32>
    %add3A_686 = arith.constant 224 : i32
    %add3A_687 = vector.broadcast %add3A_686 : i32 to vector<16xi32>
    %add3A_688 = arith.addi %iota3A_685, %add3A_687 : vector<16xi32>
    tpu.vector_store_idx %arg7[%gather3A_684], %add3A_688 : memref<17408xi32, #tpu.memory_space<vmem>>[vector<16xi32>], vector<16xi32>,
    %iota3A_689 = tpu.iota {dimensions = array<i32: 0>} : vector<16xi32>
    %add3A_690 = arith.constant 240 : i32
    %add3A_691 = vector.broadcast %add3A_690 : i32 to vector<16xi32>
    %add3A_692 = arith.addi %iota3A_689, %add3A_691 : vector<16xi32>
    %jit3A_693 = arith.constant 10 : i32
    %div3A_694 = vector.broadcast %jit3A_693 : i32 to vector<16xi32>
    %div3A_695 = arith.divsi %add3A_692, %div3A_694 : vector<16xi32>
    %sign3A_696 = arith.constant 0 : i32
    %sign3A_697 = vector.broadcast %sign3A_696 : i32 to vector<16xi32>
    %sign3A_698 = arith.cmpi sgt, %add3A_692, %sign3A_697 : vector<16xi32>
    %sign3A_699 = arith.extui %sign3A_698 : vector<16xi1> to vector<16xi32>
    %sign3A_700 = arith.constant 0 : i32
    %sign3A_701 = vector.broadcast %sign3A_700 : i32 to vector<16xi32>
    %sign3A_702 = arith.cmpi slt, %add3A_692, %sign3A_701 : vector<16xi32>
    %sign3A_703 = arith.extui %sign3A_702 : vector<16xi1> to vector<16xi32>
    %sign3A_704 = arith.subi %sign3A_699, %sign3A_703 : vector<16xi32>
    %sign3A_705 = arith.constant 0 : i32
    %sign3A_706 = arith.cmpi sgt, %jit3A_693, %sign3A_705 : i32
    %sign3A_707 = arith.extui %sign3A_706 : i1 to i32
    %sign3A_708 = arith.constant 0 : i32
    %sign3A_709 = arith.cmpi slt, %jit3A_693, %sign3A_708 : i32
    %sign3A_710 = arith.extui %sign3A_709 : i1 to i32
    %sign3A_711 = arith.subi %sign3A_707, %sign3A_710 : i32
    %ne3A_712 = vector.broadcast %sign3A_711 : i32 to vector<16xi32>
    %ne3A_713 = arith.cmpi ne, %sign3A_704, %ne3A_712 : vector<16xi32>
    %rem3A_714 = vector.broadcast %jit3A_693 : i32 to vector<16xi32>
    %rem3A_715 = arith.remsi %add3A_692, %rem3A_714 : vector<16xi32>
    %ne3A_716 = arith.constant 0 : i32
    %ne3A_717 = vector.broadcast %ne3A_716 : i32 to vector<16xi32>
    %ne3A_718 = arith.cmpi ne, %rem3A_715, %ne3A_717 : vector<16xi32>
    %and3A_719 = arith.andi %ne3A_713, %ne3A_718 : vector<16xi1>
    %sub3A_720 = arith.constant 1 : i32
    %sub3A_721 = vector.broadcast %sub3A_720 : i32 to vector<16xi32>
    %sub3A_722 = arith.subi %div3A_695, %sub3A_721 : vector<16xi32>
    %select_n3A_723 = arith.select %and3A_719, %sub3A_722, %div3A_695 : vector<16xi1>, vector<16xi32>
    %mul3A_724 = arith.constant 10 : i32
    %mul3A_725 = vector.broadcast %mul3A_724 : i32 to vector<16xi32>
    %mul3A_726 = arith.muli %select_n3A_723, %mul3A_725 : vector<16xi32>
    %sub3A_727 = arith.subi %add3A_692, %mul3A_726 : vector<16xi32>
    %gather3A_728 = tpu.vector_load_idx %arg6[%select_n3A_723, %sub3A_727] : memref<64x16xi32, #tpu.memory_space<vmem>>[vector<16xi32>, vector<16xi32>], vector<16xi32>,
    %iota3A_729 = tpu.iota {dimensions = array<i32: 0>} : vector<16xi32>
    %add3A_730 = arith.constant 240 : i32
    %add3A_731 = vector.broadcast %add3A_730 : i32 to vector<16xi32>
    %add3A_732 = arith.addi %iota3A_729, %add3A_731 : vector<16xi32>
    tpu.vector_store_idx %arg7[%gather3A_728], %add3A_732 : memref<17408xi32, #tpu.memory_space<vmem>>[vector<16xi32>], vector<16xi32>,
    %iota3A_733 = tpu.iota {dimensions = array<i32: 0>} : vector<16xi32>
    %add3A_734 = arith.constant 256 : i32
    %add3A_735 = vector.broadcast %add3A_734 : i32 to vector<16xi32>
    %add3A_736 = arith.addi %iota3A_733, %add3A_735 : vector<16xi32>
    %jit3A_737 = arith.constant 10 : i32
    %div3A_738 = vector.broadcast %jit3A_737 : i32 to vector<16xi32>
    %div3A_739 = arith.divsi %add3A_736, %div3A_738 : vector<16xi32>
    %sign3A_740 = arith.constant 0 : i32
    %sign3A_741 = vector.broadcast %sign3A_740 : i32 to vector<16xi32>
    %sign3A_742 = arith.cmpi sgt, %add3A_736, %sign3A_741 : vector<16xi32>
    %sign3A_743 = arith.extui %sign3A_742 : vector<16xi1> to vector<16xi32>
    %sign3A_744 = arith.constant 0 : i32
    %sign3A_745 = vector.broadcast %sign3A_744 : i32 to vector<16xi32>
    %sign3A_746 = arith.cmpi slt, %add3A_736, %sign3A_745 : vector<16xi32>
    %sign3A_747 = arith.extui %sign3A_746 : vector<16xi1> to vector<16xi32>
    %sign3A_748 = arith.subi %sign3A_743, %sign3A_747 : vector<16xi32>
    %sign3A_749 = arith.constant 0 : i32
    %sign3A_750 = arith.cmpi sgt, %jit3A_737, %sign3A_749 : i32
    %sign3A_751 = arith.extui %sign3A_750 : i1 to i32
    %sign3A_752 = arith.constant 0 : i32
    %sign3A_753 = arith.cmpi slt, %jit3A_737, %sign3A_752 : i32
    %sign3A_754 = arith.extui %sign3A_753 : i1 to i32
    %sign3A_755 = arith.subi %sign3A_751, %sign3A_754 : i32
    %ne3A_756 = vector.broadcast %sign3A_755 : i32 to vector<16xi32>
    %ne3A_757 = arith.cmpi ne, %sign3A_748, %ne3A_756 : vector<16xi32>
    %rem3A_758 = vector.broadcast %jit3A_737 : i32 to vector<16xi32>
    %rem3A_759 = arith.remsi %add3A_736, %rem3A_758 : vector<16xi32>
    %ne3A_760 = arith.constant 0 : i32
    %ne3A_761 = vector.broadcast %ne3A_760 : i32 to vector<16xi32>
    %ne3A_762 = arith.cmpi ne, %rem3A_759, %ne3A_761 : vector<16xi32>
    %and3A_763 = arith.andi %ne3A_757, %ne3A_762 : vector<16xi1>
    %sub3A_764 = arith.constant 1 : i32
    %sub3A_765 = vector.broadcast %sub3A_764 : i32 to vector<16xi32>
    %sub3A_766 = arith.subi %div3A_739, %sub3A_765 : vector<16xi32>
    %select_n3A_767 = arith.select %and3A_763, %sub3A_766, %div3A_739 : vector<16xi1>, vector<16xi32>
    %mul3A_768 = arith.constant 10 : i32
    %mul3A_769 = vector.broadcast %mul3A_768 : i32 to vector<16xi32>
    %mul3A_770 = arith.muli %select_n3A_767, %mul3A_769 : vector<16xi32>
    %sub3A_771 = arith.subi %add3A_736, %mul3A_770 : vector<16xi32>
    %gather3A_772 = tpu.vector_load_idx %arg6[%select_n3A_767, %sub3A_771] : memref<64x16xi32, #tpu.memory_space<vmem>>[vector<16xi32>, vector<16xi32>], vector<16xi32>,
    %iota3A_773 = tpu.iota {dimensions = array<i32: 0>} : vector<16xi32>
    %add3A_774 = arith.constant 256 : i32
    %add3A_775 = vector.broadcast %add3A_774 : i32 to vector<16xi32>
    %add3A_776 = arith.addi %iota3A_773, %add3A_775 : vector<16xi32>
    tpu.vector_store_idx %arg7[%gather3A_772], %add3A_776 : memref<17408xi32, #tpu.memory_space<vmem>>[vector<16xi32>], vector<16xi32>,
    %iota3A_777 = tpu.iota {dimensions = array<i32: 0>} : vector<16xi32>
    %add3A_778 = arith.constant 272 : i32
    %add3A_779 = vector.broadcast %add3A_778 : i32 to vector<16xi32>
    %add3A_780 = arith.addi %iota3A_777, %add3A_779 : vector<16xi32>
    %jit3A_781 = arith.constant 10 : i32
    %div3A_782 = vector.broadcast %jit3A_781 : i32 to vector<16xi32>
    %div3A_783 = arith.divsi %add3A_780, %div3A_782 : vector<16xi32>
    %sign3A_784 = arith.constant 0 : i32
    %sign3A_785 = vector.broadcast %sign3A_784 : i32 to vector<16xi32>
    %sign3A_786 = arith.cmpi sgt, %add3A_780, %sign3A_785 : vector<16xi32>
    %sign3A_787 = arith.extui %sign3A_786 : vector<16xi1> to vector<16xi32>
    %sign3A_788 = arith.constant 0 : i32
    %sign3A_789 = vector.broadcast %sign3A_788 : i32 to vector<16xi32>
    %sign3A_790 = arith.cmpi slt, %add3A_780, %sign3A_789 : vector<16xi32>
    %sign3A_791 = arith.extui %sign3A_790 : vector<16xi1> to vector<16xi32>
    %sign3A_792 = arith.subi %sign3A_787, %sign3A_791 : vector<16xi32>
    %sign3A_793 = arith.constant 0 : i32
    %sign3A_794 = arith.cmpi sgt, %jit3A_781, %sign3A_793 : i32
    %sign3A_795 = arith.extui %sign3A_794 : i1 to i32
    %sign3A_796 = arith.constant 0 : i32
    %sign3A_797 = arith.cmpi slt, %jit3A_781, %sign3A_796 : i32
    %sign3A_798 = arith.extui %sign3A_797 : i1 to i32
    %sign3A_799 = arith.subi %sign3A_795, %sign3A_798 : i32
    %ne3A_800 = vector.broadcast %sign3A_799 : i32 to vector<16xi32>
    %ne3A_801 = arith.cmpi ne, %sign3A_792, %ne3A_800 : vector<16xi32>
    %rem3A_802 = vector.broadcast %jit3A_781 : i32 to vector<16xi32>
    %rem3A_803 = arith.remsi %add3A_780, %rem3A_802 : vector<16xi32>
    %ne3A_804 = arith.constant 0 : i32
    %ne3A_805 = vector.broadcast %ne3A_804 : i32 to vector<16xi32>
    %ne3A_806 = arith.cmpi ne, %rem3A_803, %ne3A_805 : vector<16xi32>
    %and3A_807 = arith.andi %ne3A_801, %ne3A_806 : vector<16xi1>
    %sub3A_808 = arith.constant 1 : i32
    %sub3A_809 = vector.broadcast %sub3A_808 : i32 to vector<16xi32>
    %sub3A_810 = arith.subi %div3A_783, %sub3A_809 : vector<16xi32>
    %select_n3A_811 = arith.select %and3A_807, %sub3A_810, %div3A_783 : vector<16xi1>, vector<16xi32>
    %mul3A_812 = arith.constant 10 : i32
    %mul3A_813 = vector.broadcast %mul3A_812 : i32 to vector<16xi32>
    %mul3A_814 = arith.muli %select_n3A_811, %mul3A_813 : vector<16xi32>
    %sub3A_815 = arith.subi %add3A_780, %mul3A_814 : vector<16xi32>
    %gather3A_816 = tpu.vector_load_idx %arg6[%select_n3A_811, %sub3A_815] : memref<64x16xi32, #tpu.memory_space<vmem>>[vector<16xi32>, vector<16xi32>], vector<16xi32>,
    %iota3A_817 = tpu.iota {dimensions = array<i32: 0>} : vector<16xi32>
    %add3A_818 = arith.constant 272 : i32
    %add3A_819 = vector.broadcast %add3A_818 : i32 to vector<16xi32>
    %add3A_820 = arith.addi %iota3A_817, %add3A_819 : vector<16xi32>
    tpu.vector_store_idx %arg7[%gather3A_816], %add3A_820 : memref<17408xi32, #tpu.memory_space<vmem>>[vector<16xi32>], vector<16xi32>,
    %iota3A_821 = tpu.iota {dimensions = array<i32: 0>} : vector<16xi32>
    %add3A_822 = arith.constant 288 : i32
    %add3A_823 = vector.broadcast %add3A_822 : i32 to vector<16xi32>
    %add3A_824 = arith.addi %iota3A_821, %add3A_823 : vector<16xi32>
    %jit3A_825 = arith.constant 10 : i32
    %div3A_826 = vector.broadcast %jit3A_825 : i32 to vector<16xi32>
    %div3A_827 = arith.divsi %add3A_824, %div3A_826 : vector<16xi32>
    %sign3A_828 = arith.constant 0 : i32
    %sign3A_829 = vector.broadcast %sign3A_828 : i32 to vector<16xi32>
    %sign3A_830 = arith.cmpi sgt, %add3A_824, %sign3A_829 : vector<16xi32>
    %sign3A_831 = arith.extui %sign3A_830 : vector<16xi1> to vector<16xi32>
    %sign3A_832 = arith.constant 0 : i32
    %sign3A_833 = vector.broadcast %sign3A_832 : i32 to vector<16xi32>
    %sign3A_834 = arith.cmpi slt, %add3A_824, %sign3A_833 : vector<16xi32>
    %sign3A_835 = arith.extui %sign3A_834 : vector<16xi1> to vector<16xi32>
    %sign3A_836 = arith.subi %sign3A_831, %sign3A_835 : vector<16xi32>
    %sign3A_837 = arith.constant 0 : i32
    %sign3A_838 = arith.cmpi sgt, %jit3A_825, %sign3A_837 : i32
    %sign3A_839 = arith.extui %sign3A_838 : i1 to i32
    %sign3A_840 = arith.constant 0 : i32
    %sign3A_841 = arith.cmpi slt, %jit3A_825, %sign3A_840 : i32
    %sign3A_842 = arith.extui %sign3A_841 : i1 to i32
    %sign3A_843 = arith.subi %sign3A_839, %sign3A_842 : i32
    %ne3A_844 = vector.broadcast %sign3A_843 : i32 to vector<16xi32>
    %ne3A_845 = arith.cmpi ne, %sign3A_836, %ne3A_844 : vector<16xi32>
    %rem3A_846 = vector.broadcast %jit3A_825 : i32 to vector<16xi32>
    %rem3A_847 = arith.remsi %add3A_824, %rem3A_846 : vector<16xi32>
    %ne3A_848 = arith.constant 0 : i32
    %ne3A_849 = vector.broadcast %ne3A_848 : i32 to vector<16xi32>
    %ne3A_850 = arith.cmpi ne, %rem3A_847, %ne3A_849 : vector<16xi32>
    %and3A_851 = arith.andi %ne3A_845, %ne3A_850 : vector<16xi1>
    %sub3A_852 = arith.constant 1 : i32
    %sub3A_853 = vector.broadcast %sub3A_852 : i32 to vector<16xi32>
    %sub3A_854 = arith.subi %div3A_827, %sub3A_853 : vector<16xi32>
    %select_n3A_855 = arith.select %and3A_851, %sub3A_854, %div3A_827 : vector<16xi1>, vector<16xi32>
    %mul3A_856 = arith.constant 10 : i32
    %mul3A_857 = vector.broadcast %mul3A_856 : i32 to vector<16xi32>
    %mul3A_858 = arith.muli %select_n3A_855, %mul3A_857 : vector<16xi32>
    %sub3A_859 = arith.subi %add3A_824, %mul3A_858 : vector<16xi32>
    %gather3A_860 = tpu.vector_load_idx %arg6[%select_n3A_855, %sub3A_859] : memref<64x16xi32, #tpu.memory_space<vmem>>[vector<16xi32>, vector<16xi32>], vector<16xi32>,
    %iota3A_861 = tpu.iota {dimensions = array<i32: 0>} : vector<16xi32>
    %add3A_862 = arith.constant 288 : i32
    %add3A_863 = vector.broadcast %add3A_862 : i32 to vector<16xi32>
    %add3A_864 = arith.addi %iota3A_861, %add3A_863 : vector<16xi32>
    tpu.vector_store_idx %arg7[%gather3A_860], %add3A_864 : memref<17408xi32, #tpu.memory_space<vmem>>[vector<16xi32>], vector<16xi32>,
    %iota3A_865 = tpu.iota {dimensions = array<i32: 0>} : vector<16xi32>
    %add3A_866 = arith.constant 304 : i32
    %add3A_867 = vector.broadcast %add3A_866 : i32 to vector<16xi32>
    %add3A_868 = arith.addi %iota3A_865, %add3A_867 : vector<16xi32>
    %jit3A_869 = arith.constant 10 : i32
    %div3A_870 = vector.broadcast %jit3A_869 : i32 to vector<16xi32>
    %div3A_871 = arith.divsi %add3A_868, %div3A_870 : vector<16xi32>
    %sign3A_872 = arith.constant 0 : i32
    %sign3A_873 = vector.broadcast %sign3A_872 : i32 to vector<16xi32>
    %sign3A_874 = arith.cmpi sgt, %add3A_868, %sign3A_873 : vector<16xi32>
    %sign3A_875 = arith.extui %sign3A_874 : vector<16xi1> to vector<16xi32>
    %sign3A_876 = arith.constant 0 : i32
    %sign3A_877 = vector.broadcast %sign3A_876 : i32 to vector<16xi32>
    %sign3A_878 = arith.cmpi slt, %add3A_868, %sign3A_877 : vector<16xi32>
    %sign3A_879 = arith.extui %sign3A_878 : vector<16xi1> to vector<16xi32>
    %sign3A_880 = arith.subi %sign3A_875, %sign3A_879 : vector<16xi32>
    %sign3A_881 = arith.constant 0 : i32
    %sign3A_882 = arith.cmpi sgt, %jit3A_869, %sign3A_881 : i32
    %sign3A_883 = arith.extui %sign3A_882 : i1 to i32
    %sign3A_884 = arith.constant 0 : i32
    %sign3A_885 = arith.cmpi slt, %jit3A_869, %sign3A_884 : i32
    %sign3A_886 = arith.extui %sign3A_885 : i1 to i32
    %sign3A_887 = arith.subi %sign3A_883, %sign3A_886 : i32
    %ne3A_888 = vector.broadcast %sign3A_887 : i32 to vector<16xi32>
    %ne3A_889 = arith.cmpi ne, %sign3A_880, %ne3A_888 : vector<16xi32>
    %rem3A_890 = vector.broadcast %jit3A_869 : i32 to vector<16xi32>
    %rem3A_891 = arith.remsi %add3A_868, %rem3A_890 : vector<16xi32>
    %ne3A_892 = arith.constant 0 : i32
    %ne3A_893 = vector.broadcast %ne3A_892 : i32 to vector<16xi32>
    %ne3A_894 = arith.cmpi ne, %rem3A_891, %ne3A_893 : vector<16xi32>
    %and3A_895 = arith.andi %ne3A_889, %ne3A_894 : vector<16xi1>
    %sub3A_896 = arith.constant 1 : i32
    %sub3A_897 = vector.broadcast %sub3A_896 : i32 to vector<16xi32>
    %sub3A_898 = arith.subi %div3A_871, %sub3A_897 : vector<16xi32>
    %select_n3A_899 = arith.select %and3A_895, %sub3A_898, %div3A_871 : vector<16xi1>, vector<16xi32>
    %mul3A_900 = arith.constant 10 : i32
    %mul3A_901 = vector.broadcast %mul3A_900 : i32 to vector<16xi32>
    %mul3A_902 = arith.muli %select_n3A_899, %mul3A_901 : vector<16xi32>
    %sub3A_903 = arith.subi %add3A_868, %mul3A_902 : vector<16xi32>
    %gather3A_904 = tpu.vector_load_idx %arg6[%select_n3A_899, %sub3A_903] : memref<64x16xi32, #tpu.memory_space<vmem>>[vector<16xi32>, vector<16xi32>], vector<16xi32>,
    %iota3A_905 = tpu.iota {dimensions = array<i32: 0>} : vector<16xi32>
    %add3A_906 = arith.constant 304 : i32
    %add3A_907 = vector.broadcast %add3A_906 : i32 to vector<16xi32>
    %add3A_908 = arith.addi %iota3A_905, %add3A_907 : vector<16xi32>
    tpu.vector_store_idx %arg7[%gather3A_904], %add3A_908 : memref<17408xi32, #tpu.memory_space<vmem>>[vector<16xi32>], vector<16xi32>,
    %iota3A_909 = tpu.iota {dimensions = array<i32: 0>} : vector<16xi32>
    %add3A_910 = arith.constant 320 : i32
    %add3A_911 = vector.broadcast %add3A_910 : i32 to vector<16xi32>
    %add3A_912 = arith.addi %iota3A_909, %add3A_911 : vector<16xi32>
    %jit3A_913 = arith.constant 10 : i32
    %div3A_914 = vector.broadcast %jit3A_913 : i32 to vector<16xi32>
    %div3A_915 = arith.divsi %add3A_912, %div3A_914 : vector<16xi32>
    %sign3A_916 = arith.constant 0 : i32
    %sign3A_917 = vector.broadcast %sign3A_916 : i32 to vector<16xi32>
    %sign3A_918 = arith.cmpi sgt, %add3A_912, %sign3A_917 : vector<16xi32>
    %sign3A_919 = arith.extui %sign3A_918 : vector<16xi1> to vector<16xi32>
    %sign3A_920 = arith.constant 0 : i32
    %sign3A_921 = vector.broadcast %sign3A_920 : i32 to vector<16xi32>
    %sign3A_922 = arith.cmpi slt, %add3A_912, %sign3A_921 : vector<16xi32>
    %sign3A_923 = arith.extui %sign3A_922 : vector<16xi1> to vector<16xi32>
    %sign3A_924 = arith.subi %sign3A_919, %sign3A_923 : vector<16xi32>
    %sign3A_925 = arith.constant 0 : i32
    %sign3A_926 = arith.cmpi sgt, %jit3A_913, %sign3A_925 : i32
    %sign3A_927 = arith.extui %sign3A_926 : i1 to i32
    %sign3A_928 = arith.constant 0 : i32
    %sign3A_929 = arith.cmpi slt, %jit3A_913, %sign3A_928 : i32
    %sign3A_930 = arith.extui %sign3A_929 : i1 to i32
    %sign3A_931 = arith.subi %sign3A_927, %sign3A_930 : i32
    %ne3A_932 = vector.broadcast %sign3A_931 : i32 to vector<16xi32>
    %ne3A_933 = arith.cmpi ne, %sign3A_924, %ne3A_932 : vector<16xi32>
    %rem3A_934 = vector.broadcast %jit3A_913 : i32 to vector<16xi32>
    %rem3A_935 = arith.remsi %add3A_912, %rem3A_934 : vector<16xi32>
    %ne3A_936 = arith.constant 0 : i32
    %ne3A_937 = vector.broadcast %ne3A_936 : i32 to vector<16xi32>
    %ne3A_938 = arith.cmpi ne, %rem3A_935, %ne3A_937 : vector<16xi32>
    %and3A_939 = arith.andi %ne3A_933, %ne3A_938 : vector<16xi1>
    %sub3A_940 = arith.constant 1 : i32
    %sub3A_941 = vector.broadcast %sub3A_940 : i32 to vector<16xi32>
    %sub3A_942 = arith.subi %div3A_915, %sub3A_941 : vector<16xi32>
    %select_n3A_943 = arith.select %and3A_939, %sub3A_942, %div3A_915 : vector<16xi1>, vector<16xi32>
    %mul3A_944 = arith.constant 10 : i32
    %mul3A_945 = vector.broadcast %mul3A_944 : i32 to vector<16xi32>
    %mul3A_946 = arith.muli %select_n3A_943, %mul3A_945 : vector<16xi32>
    %sub3A_947 = arith.subi %add3A_912, %mul3A_946 : vector<16xi32>
    %gather3A_948 = tpu.vector_load_idx %arg6[%select_n3A_943, %sub3A_947] : memref<64x16xi32, #tpu.memory_space<vmem>>[vector<16xi32>, vector<16xi32>], vector<16xi32>,
    %iota3A_949 = tpu.iota {dimensions = array<i32: 0>} : vector<16xi32>
    %add3A_950 = arith.constant 320 : i32
    %add3A_951 = vector.broadcast %add3A_950 : i32 to vector<16xi32>
    %add3A_952 = arith.addi %iota3A_949, %add3A_951 : vector<16xi32>
    tpu.vector_store_idx %arg7[%gather3A_948], %add3A_952 : memref<17408xi32, #tpu.memory_space<vmem>>[vector<16xi32>], vector<16xi32>,
    %iota3A_953 = tpu.iota {dimensions = array<i32: 0>} : vector<16xi32>
    %add3A_954 = arith.constant 336 : i32
    %add3A_955 = vector.broadcast %add3A_954 : i32 to vector<16xi32>
    %add3A_956 = arith.addi %iota3A_953, %add3A_955 : vector<16xi32>
    %jit3A_957 = arith.constant 10 : i32
    %div3A_958 = vector.broadcast %jit3A_957 : i32 to vector<16xi32>
    %div3A_959 = arith.divsi %add3A_956, %div3A_958 : vector<16xi32>
    %sign3A_960 = arith.constant 0 : i32
    %sign3A_961 = vector.broadcast %sign3A_960 : i32 to vector<16xi32>
    %sign3A_962 = arith.cmpi sgt, %add3A_956, %sign3A_961 : vector<16xi32>
    %sign3A_963 = arith.extui %sign3A_962 : vector<16xi1> to vector<16xi32>
    %sign3A_964 = arith.constant 0 : i32
    %sign3A_965 = vector.broadcast %sign3A_964 : i32 to vector<16xi32>
    %sign3A_966 = arith.cmpi slt, %add3A_956, %sign3A_965 : vector<16xi32>
    %sign3A_967 = arith.extui %sign3A_966 : vector<16xi1> to vector<16xi32>
    %sign3A_968 = arith.subi %sign3A_963, %sign3A_967 : vector<16xi32>
    %sign3A_969 = arith.constant 0 : i32
    %sign3A_970 = arith.cmpi sgt, %jit3A_957, %sign3A_969 : i32
    %sign3A_971 = arith.extui %sign3A_970 : i1 to i32
    %sign3A_972 = arith.constant 0 : i32
    %sign3A_973 = arith.cmpi slt, %jit3A_957, %sign3A_972 : i32
    %sign3A_974 = arith.extui %sign3A_973 : i1 to i32
    %sign3A_975 = arith.subi %sign3A_971, %sign3A_974 : i32
    %ne3A_976 = vector.broadcast %sign3A_975 : i32 to vector<16xi32>
    %ne3A_977 = arith.cmpi ne, %sign3A_968, %ne3A_976 : vector<16xi32>
    %rem3A_978 = vector.broadcast %jit3A_957 : i32 to vector<16xi32>
    %rem3A_979 = arith.remsi %add3A_956, %rem3A_978 : vector<16xi32>
    %ne3A_980 = arith.constant 0 : i32
    %ne3A_981 = vector.broadcast %ne3A_980 : i32 to vector<16xi32>
    %ne3A_982 = arith.cmpi ne, %rem3A_979, %ne3A_981 : vector<16xi32>
    %and3A_983 = arith.andi %ne3A_977, %ne3A_982 : vector<16xi1>
    %sub3A_984 = arith.constant 1 : i32
    %sub3A_985 = vector.broadcast %sub3A_984 : i32 to vector<16xi32>
    %sub3A_986 = arith.subi %div3A_959, %sub3A_985 : vector<16xi32>
    %select_n3A_987 = arith.select %and3A_983, %sub3A_986, %div3A_959 : vector<16xi1>, vector<16xi32>
    %mul3A_988 = arith.constant 10 : i32
    %mul3A_989 = vector.broadcast %mul3A_988 : i32 to vector<16xi32>
    %mul3A_990 = arith.muli %select_n3A_987, %mul3A_989 : vector<16xi32>
    %sub3A_991 = arith.subi %add3A_956, %mul3A_990 : vector<16xi32>
    %gather3A_992 = tpu.vector_load_idx %arg6[%select_n3A_987, %sub3A_991] : memref<64x16xi32, #tpu.memory_space<vmem>>[vector<16xi32>, vector<16xi32>], vector<16xi32>,
    %iota3A_993 = tpu.iota {dimensions = array<i32: 0>} : vector<16xi32>
    %add3A_994 = arith.constant 336 : i32
    %add3A_995 = vector.broadcast %add3A_994 : i32 to vector<16xi32>
    %add3A_996 = arith.addi %iota3A_993, %add3A_995 : vector<16xi32>
    tpu.vector_store_idx %arg7[%gather3A_992], %add3A_996 : memref<17408xi32, #tpu.memory_space<vmem>>[vector<16xi32>], vector<16xi32>,
    %iota3A_997 = tpu.iota {dimensions = array<i32: 0>} : vector<16xi32>
    %add3A_998 = arith.constant 352 : i32
    %add3A_999 = vector.broadcast %add3A_998 : i32 to vector<16xi32>
    %add3A_1000 = arith.addi %iota3A_997, %add3A_999 : vector<16xi32>
    %jit3A_1001 = arith.constant 10 : i32
    %div3A_1002 = vector.broadcast %jit3A_1001 : i32 to vector<16xi32>
    %div3A_1003 = arith.divsi %add3A_1000, %div3A_1002 : vector<16xi32>
    %sign3A_1004 = arith.constant 0 : i32
    %sign3A_1005 = vector.broadcast %sign3A_1004 : i32 to vector<16xi32>
    %sign3A_1006 = arith.cmpi sgt, %add3A_1000, %sign3A_1005 : vector<16xi32>
    %sign3A_1007 = arith.extui %sign3A_1006 : vector<16xi1> to vector<16xi32>
    %sign3A_1008 = arith.constant 0 : i32
    %sign3A_1009 = vector.broadcast %sign3A_1008 : i32 to vector<16xi32>
    %sign3A_1010 = arith.cmpi slt, %add3A_1000, %sign3A_1009 : vector<16xi32>
    %sign3A_1011 = arith.extui %sign3A_1010 : vector<16xi1> to vector<16xi32>
    %sign3A_1012 = arith.subi %sign3A_1007, %sign3A_1011 : vector<16xi32>
    %sign3A_1013 = arith.constant 0 : i32
    %sign3A_1014 = arith.cmpi sgt, %jit3A_1001, %sign3A_1013 : i32
    %sign3A_1015 = arith.extui %sign3A_1014 : i1 to i32
    %sign3A_1016 = arith.constant 0 : i32
    %sign3A_1017 = arith.cmpi slt, %jit3A_1001, %sign3A_1016 : i32
    %sign3A_1018 = arith.extui %sign3A_1017 : i1 to i32
    %sign3A_1019 = arith.subi %sign3A_1015, %sign3A_1018 : i32
    %ne3A_1020 = vector.broadcast %sign3A_1019 : i32 to vector<16xi32>
    %ne3A_1021 = arith.cmpi ne, %sign3A_1012, %ne3A_1020 : vector<16xi32>
    %rem3A_1022 = vector.broadcast %jit3A_1001 : i32 to vector<16xi32>
    %rem3A_1023 = arith.remsi %add3A_1000, %rem3A_1022 : vector<16xi32>
    %ne3A_1024 = arith.constant 0 : i32
    %ne3A_1025 = vector.broadcast %ne3A_1024 : i32 to vector<16xi32>
    %ne3A_1026 = arith.cmpi ne, %rem3A_1023, %ne3A_1025 : vector<16xi32>
    %and3A_1027 = arith.andi %ne3A_1021, %ne3A_1026 : vector<16xi1>
    %sub3A_1028 = arith.constant 1 : i32
    %sub3A_1029 = vector.broadcast %sub3A_1028 : i32 to vector<16xi32>
    %sub3A_1030 = arith.subi %div3A_1003, %sub3A_1029 : vector<16xi32>
    %select_n3A_1031 = arith.select %and3A_1027, %sub3A_1030, %div3A_1003 : vector<16xi1>, vector<16xi32>
    %mul3A_1032 = arith.constant 10 : i32
    %mul3A_1033 = vector.broadcast %mul3A_1032 : i32 to vector<16xi32>
    %mul3A_1034 = arith.muli %select_n3A_1031, %mul3A_1033 : vector<16xi32>
    %sub3A_1035 = arith.subi %add3A_1000, %mul3A_1034 : vector<16xi32>
    %gather3A_1036 = tpu.vector_load_idx %arg6[%select_n3A_1031, %sub3A_1035] : memref<64x16xi32, #tpu.memory_space<vmem>>[vector<16xi32>, vector<16xi32>], vector<16xi32>,
    %iota3A_1037 = tpu.iota {dimensions = array<i32: 0>} : vector<16xi32>
    %add3A_1038 = arith.constant 352 : i32
    %add3A_1039 = vector.broadcast %add3A_1038 : i32 to vector<16xi32>
    %add3A_1040 = arith.addi %iota3A_1037, %add3A_1039 : vector<16xi32>
    tpu.vector_store_idx %arg7[%gather3A_1036], %add3A_1040 : memref<17408xi32, #tpu.memory_space<vmem>>[vector<16xi32>], vector<16xi32>,
    %iota3A_1041 = tpu.iota {dimensions = array<i32: 0>} : vector<16xi32>
    %add3A_1042 = arith.constant 368 : i32
    %add3A_1043 = vector.broadcast %add3A_1042 : i32 to vector<16xi32>
    %add3A_1044 = arith.addi %iota3A_1041, %add3A_1043 : vector<16xi32>
    %jit3A_1045 = arith.constant 10 : i32
    %div3A_1046 = vector.broadcast %jit3A_1045 : i32 to vector<16xi32>
    %div3A_1047 = arith.divsi %add3A_1044, %div3A_1046 : vector<16xi32>
    %sign3A_1048 = arith.constant 0 : i32
    %sign3A_1049 = vector.broadcast %sign3A_1048 : i32 to vector<16xi32>
    %sign3A_1050 = arith.cmpi sgt, %add3A_1044, %sign3A_1049 : vector<16xi32>
    %sign3A_1051 = arith.extui %sign3A_1050 : vector<16xi1> to vector<16xi32>
    %sign3A_1052 = arith.constant 0 : i32
    %sign3A_1053 = vector.broadcast %sign3A_1052 : i32 to vector<16xi32>
    %sign3A_1054 = arith.cmpi slt, %add3A_1044, %sign3A_1053 : vector<16xi32>
    %sign3A_1055 = arith.extui %sign3A_1054 : vector<16xi1> to vector<16xi32>
    %sign3A_1056 = arith.subi %sign3A_1051, %sign3A_1055 : vector<16xi32>
    %sign3A_1057 = arith.constant 0 : i32
    %sign3A_1058 = arith.cmpi sgt, %jit3A_1045, %sign3A_1057 : i32
    %sign3A_1059 = arith.extui %sign3A_1058 : i1 to i32
    %sign3A_1060 = arith.constant 0 : i32
    %sign3A_1061 = arith.cmpi slt, %jit3A_1045, %sign3A_1060 : i32
    %sign3A_1062 = arith.extui %sign3A_1061 : i1 to i32
    %sign3A_1063 = arith.subi %sign3A_1059, %sign3A_1062 : i32
    %ne3A_1064 = vector.broadcast %sign3A_1063 : i32 to vector<16xi32>
    %ne3A_1065 = arith.cmpi ne, %sign3A_1056, %ne3A_1064 : vector<16xi32>
    %rem3A_1066 = vector.broadcast %jit3A_1045 : i32 to vector<16xi32>
    %rem3A_1067 = arith.remsi %add3A_1044, %rem3A_1066 : vector<16xi32>
    %ne3A_1068 = arith.constant 0 : i32
    %ne3A_1069 = vector.broadcast %ne3A_1068 : i32 to vector<16xi32>
    %ne3A_1070 = arith.cmpi ne, %rem3A_1067, %ne3A_1069 : vector<16xi32>
    %and3A_1071 = arith.andi %ne3A_1065, %ne3A_1070 : vector<16xi1>
    %sub3A_1072 = arith.constant 1 : i32
    %sub3A_1073 = vector.broadcast %sub3A_1072 : i32 to vector<16xi32>
    %sub3A_1074 = arith.subi %div3A_1047, %sub3A_1073 : vector<16xi32>
    %select_n3A_1075 = arith.select %and3A_1071, %sub3A_1074, %div3A_1047 : vector<16xi1>, vector<16xi32>
    %mul3A_1076 = arith.constant 10 : i32
    %mul3A_1077 = vector.broadcast %mul3A_1076 : i32 to vector<16xi32>
    %mul3A_1078 = arith.muli %select_n3A_1075, %mul3A_1077 : vector<16xi32>
    %sub3A_1079 = arith.subi %add3A_1044, %mul3A_1078 : vector<16xi32>
    %gather3A_1080 = tpu.vector_load_idx %arg6[%select_n3A_1075, %sub3A_1079] : memref<64x16xi32, #tpu.memory_space<vmem>>[vector<16xi32>, vector<16xi32>], vector<16xi32>,
    %iota3A_1081 = tpu.iota {dimensions = array<i32: 0>} : vector<16xi32>
    %add3A_1082 = arith.constant 368 : i32
    %add3A_1083 = vector.broadcast %add3A_1082 : i32 to vector<16xi32>
    %add3A_1084 = arith.addi %iota3A_1081, %add3A_1083 : vector<16xi32>
    tpu.vector_store_idx %arg7[%gather3A_1080], %add3A_1084 : memref<17408xi32, #tpu.memory_space<vmem>>[vector<16xi32>], vector<16xi32>,
    %iota3A_1085 = tpu.iota {dimensions = array<i32: 0>} : vector<16xi32>
    %add3A_1086 = arith.constant 384 : i32
    %add3A_1087 = vector.broadcast %add3A_1086 : i32 to vector<16xi32>
    %add3A_1088 = arith.addi %iota3A_1085, %add3A_1087 : vector<16xi32>
    %jit3A_1089 = arith.constant 10 : i32
    %div3A_1090 = vector.broadcast %jit3A_1089 : i32 to vector<16xi32>
    %div3A_1091 = arith.divsi %add3A_1088, %div3A_1090 : vector<16xi32>
    %sign3A_1092 = arith.constant 0 : i32
    %sign3A_1093 = vector.broadcast %sign3A_1092 : i32 to vector<16xi32>
    %sign3A_1094 = arith.cmpi sgt, %add3A_1088, %sign3A_1093 : vector<16xi32>
    %sign3A_1095 = arith.extui %sign3A_1094 : vector<16xi1> to vector<16xi32>
    %sign3A_1096 = arith.constant 0 : i32
    %sign3A_1097 = vector.broadcast %sign3A_1096 : i32 to vector<16xi32>
    %sign3A_1098 = arith.cmpi slt, %add3A_1088, %sign3A_1097 : vector<16xi32>
    %sign3A_1099 = arith.extui %sign3A_1098 : vector<16xi1> to vector<16xi32>
    %sign3A_1100 = arith.subi %sign3A_1095, %sign3A_1099 : vector<16xi32>
    %sign3A_1101 = arith.constant 0 : i32
    %sign3A_1102 = arith.cmpi sgt, %jit3A_1089, %sign3A_1101 : i32
    %sign3A_1103 = arith.extui %sign3A_1102 : i1 to i32
    %sign3A_1104 = arith.constant 0 : i32
    %sign3A_1105 = arith.cmpi slt, %jit3A_1089, %sign3A_1104 : i32
    %sign3A_1106 = arith.extui %sign3A_1105 : i1 to i32
    %sign3A_1107 = arith.subi %sign3A_1103, %sign3A_1106 : i32
    %ne3A_1108 = vector.broadcast %sign3A_1107 : i32 to vector<16xi32>
    %ne3A_1109 = arith.cmpi ne, %sign3A_1100, %ne3A_1108 : vector<16xi32>
    %rem3A_1110 = vector.broadcast %jit3A_1089 : i32 to vector<16xi32>
    %rem3A_1111 = arith.remsi %add3A_1088, %rem3A_1110 : vector<16xi32>
    %ne3A_1112 = arith.constant 0 : i32
    %ne3A_1113 = vector.broadcast %ne3A_1112 : i32 to vector<16xi32>
    %ne3A_1114 = arith.cmpi ne, %rem3A_1111, %ne3A_1113 : vector<16xi32>
    %and3A_1115 = arith.andi %ne3A_1109, %ne3A_1114 : vector<16xi1>
    %sub3A_1116 = arith.constant 1 : i32
    %sub3A_1117 = vector.broadcast %sub3A_1116 : i32 to vector<16xi32>
    %sub3A_1118 = arith.subi %div3A_1091, %sub3A_1117 : vector<16xi32>
    %select_n3A_1119 = arith.select %and3A_1115, %sub3A_1118, %div3A_1091 : vector<16xi1>, vector<16xi32>
    %mul3A_1120 = arith.constant 10 : i32
    %mul3A_1121 = vector.broadcast %mul3A_1120 : i32 to vector<16xi32>
    %mul3A_1122 = arith.muli %select_n3A_1119, %mul3A_1121 : vector<16xi32>
    %sub3A_1123 = arith.subi %add3A_1088, %mul3A_1122 : vector<16xi32>
    %gather3A_1124 = tpu.vector_load_idx %arg6[%select_n3A_1119, %sub3A_1123] : memref<64x16xi32, #tpu.memory_space<vmem>>[vector<16xi32>, vector<16xi32>], vector<16xi32>,
    %iota3A_1125 = tpu.iota {dimensions = array<i32: 0>} : vector<16xi32>
    %add3A_1126 = arith.constant 384 : i32
    %add3A_1127 = vector.broadcast %add3A_1126 : i32 to vector<16xi32>
    %add3A_1128 = arith.addi %iota3A_1125, %add3A_1127 : vector<16xi32>
    tpu.vector_store_idx %arg7[%gather3A_1124], %add3A_1128 : memref<17408xi32, #tpu.memory_space<vmem>>[vector<16xi32>], vector<16xi32>,
    %iota3A_1129 = tpu.iota {dimensions = array<i32: 0>} : vector<16xi32>
    %add3A_1130 = arith.constant 400 : i32
    %add3A_1131 = vector.broadcast %add3A_1130 : i32 to vector<16xi32>
    %add3A_1132 = arith.addi %iota3A_1129, %add3A_1131 : vector<16xi32>
    %jit3A_1133 = arith.constant 10 : i32
    %div3A_1134 = vector.broadcast %jit3A_1133 : i32 to vector<16xi32>
    %div3A_1135 = arith.divsi %add3A_1132, %div3A_1134 : vector<16xi32>
    %sign3A_1136 = arith.constant 0 : i32
    %sign3A_1137 = vector.broadcast %sign3A_1136 : i32 to vector<16xi32>
    %sign3A_1138 = arith.cmpi sgt, %add3A_1132, %sign3A_1137 : vector<16xi32>
    %sign3A_1139 = arith.extui %sign3A_1138 : vector<16xi1> to vector<16xi32>
    %sign3A_1140 = arith.constant 0 : i32
    %sign3A_1141 = vector.broadcast %sign3A_1140 : i32 to vector<16xi32>
    %sign3A_1142 = arith.cmpi slt, %add3A_1132, %sign3A_1141 : vector<16xi32>
    %sign3A_1143 = arith.extui %sign3A_1142 : vector<16xi1> to vector<16xi32>
    %sign3A_1144 = arith.subi %sign3A_1139, %sign3A_1143 : vector<16xi32>
    %sign3A_1145 = arith.constant 0 : i32
    %sign3A_1146 = arith.cmpi sgt, %jit3A_1133, %sign3A_1145 : i32
    %sign3A_1147 = arith.extui %sign3A_1146 : i1 to i32
    %sign3A_1148 = arith.constant 0 : i32
    %sign3A_1149 = arith.cmpi slt, %jit3A_1133, %sign3A_1148 : i32
    %sign3A_1150 = arith.extui %sign3A_1149 : i1 to i32
    %sign3A_1151 = arith.subi %sign3A_1147, %sign3A_1150 : i32
    %ne3A_1152 = vector.broadcast %sign3A_1151 : i32 to vector<16xi32>
    %ne3A_1153 = arith.cmpi ne, %sign3A_1144, %ne3A_1152 : vector<16xi32>
    %rem3A_1154 = vector.broadcast %jit3A_1133 : i32 to vector<16xi32>
    %rem3A_1155 = arith.remsi %add3A_1132, %rem3A_1154 : vector<16xi32>
    %ne3A_1156 = arith.constant 0 : i32
    %ne3A_1157 = vector.broadcast %ne3A_1156 : i32 to vector<16xi32>
    %ne3A_1158 = arith.cmpi ne, %rem3A_1155, %ne3A_1157 : vector<16xi32>
    %and3A_1159 = arith.andi %ne3A_1153, %ne3A_1158 : vector<16xi1>
    %sub3A_1160 = arith.constant 1 : i32
    %sub3A_1161 = vector.broadcast %sub3A_1160 : i32 to vector<16xi32>
    %sub3A_1162 = arith.subi %div3A_1135, %sub3A_1161 : vector<16xi32>
    %select_n3A_1163 = arith.select %and3A_1159, %sub3A_1162, %div3A_1135 : vector<16xi1>, vector<16xi32>
    %mul3A_1164 = arith.constant 10 : i32
    %mul3A_1165 = vector.broadcast %mul3A_1164 : i32 to vector<16xi32>
    %mul3A_1166 = arith.muli %select_n3A_1163, %mul3A_1165 : vector<16xi32>
    %sub3A_1167 = arith.subi %add3A_1132, %mul3A_1166 : vector<16xi32>
    %gather3A_1168 = tpu.vector_load_idx %arg6[%select_n3A_1163, %sub3A_1167] : memref<64x16xi32, #tpu.memory_space<vmem>>[vector<16xi32>, vector<16xi32>], vector<16xi32>,
    %iota3A_1169 = tpu.iota {dimensions = array<i32: 0>} : vector<16xi32>
    %add3A_1170 = arith.constant 400 : i32
    %add3A_1171 = vector.broadcast %add3A_1170 : i32 to vector<16xi32>
    %add3A_1172 = arith.addi %iota3A_1169, %add3A_1171 : vector<16xi32>
    tpu.vector_store_idx %arg7[%gather3A_1168], %add3A_1172 : memref<17408xi32, #tpu.memory_space<vmem>>[vector<16xi32>], vector<16xi32>,
    %iota3A_1173 = tpu.iota {dimensions = array<i32: 0>} : vector<16xi32>
    %add3A_1174 = arith.constant 416 : i32
    %add3A_1175 = vector.broadcast %add3A_1174 : i32 to vector<16xi32>
    %add3A_1176 = arith.addi %iota3A_1173, %add3A_1175 : vector<16xi32>
    %jit3A_1177 = arith.constant 10 : i32
    %div3A_1178 = vector.broadcast %jit3A_1177 : i32 to vector<16xi32>
    %div3A_1179 = arith.divsi %add3A_1176, %div3A_1178 : vector<16xi32>
    %sign3A_1180 = arith.constant 0 : i32
    %sign3A_1181 = vector.broadcast %sign3A_1180 : i32 to vector<16xi32>
    %sign3A_1182 = arith.cmpi sgt, %add3A_1176, %sign3A_1181 : vector<16xi32>
    %sign3A_1183 = arith.extui %sign3A_1182 : vector<16xi1> to vector<16xi32>
    %sign3A_1184 = arith.constant 0 : i32
    %sign3A_1185 = vector.broadcast %sign3A_1184 : i32 to vector<16xi32>
    %sign3A_1186 = arith.cmpi slt, %add3A_1176, %sign3A_1185 : vector<16xi32>
    %sign3A_1187 = arith.extui %sign3A_1186 : vector<16xi1> to vector<16xi32>
    %sign3A_1188 = arith.subi %sign3A_1183, %sign3A_1187 : vector<16xi32>
    %sign3A_1189 = arith.constant 0 : i32
    %sign3A_1190 = arith.cmpi sgt, %jit3A_1177, %sign3A_1189 : i32
    %sign3A_1191 = arith.extui %sign3A_1190 : i1 to i32
    %sign3A_1192 = arith.constant 0 : i32
    %sign3A_1193 = arith.cmpi slt, %jit3A_1177, %sign3A_1192 : i32
    %sign3A_1194 = arith.extui %sign3A_1193 : i1 to i32
    %sign3A_1195 = arith.subi %sign3A_1191, %sign3A_1194 : i32
    %ne3A_1196 = vector.broadcast %sign3A_1195 : i32 to vector<16xi32>
    %ne3A_1197 = arith.cmpi ne, %sign3A_1188, %ne3A_1196 : vector<16xi32>
    %rem3A_1198 = vector.broadcast %jit3A_1177 : i32 to vector<16xi32>
    %rem3A_1199 = arith.remsi %add3A_1176, %rem3A_1198 : vector<16xi32>
    %ne3A_1200 = arith.constant 0 : i32
    %ne3A_1201 = vector.broadcast %ne3A_1200 : i32 to vector<16xi32>
    %ne3A_1202 = arith.cmpi ne, %rem3A_1199, %ne3A_1201 : vector<16xi32>
    %and3A_1203 = arith.andi %ne3A_1197, %ne3A_1202 : vector<16xi1>
    %sub3A_1204 = arith.constant 1 : i32
    %sub3A_1205 = vector.broadcast %sub3A_1204 : i32 to vector<16xi32>
    %sub3A_1206 = arith.subi %div3A_1179, %sub3A_1205 : vector<16xi32>
    %select_n3A_1207 = arith.select %and3A_1203, %sub3A_1206, %div3A_1179 : vector<16xi1>, vector<16xi32>
    %mul3A_1208 = arith.constant 10 : i32
    %mul3A_1209 = vector.broadcast %mul3A_1208 : i32 to vector<16xi32>
    %mul3A_1210 = arith.muli %select_n3A_1207, %mul3A_1209 : vector<16xi32>
    %sub3A_1211 = arith.subi %add3A_1176, %mul3A_1210 : vector<16xi32>
    %gather3A_1212 = tpu.vector_load_idx %arg6[%select_n3A_1207, %sub3A_1211] : memref<64x16xi32, #tpu.memory_space<vmem>>[vector<16xi32>, vector<16xi32>], vector<16xi32>,
    %iota3A_1213 = tpu.iota {dimensions = array<i32: 0>} : vector<16xi32>
    %add3A_1214 = arith.constant 416 : i32
    %add3A_1215 = vector.broadcast %add3A_1214 : i32 to vector<16xi32>
    %add3A_1216 = arith.addi %iota3A_1213, %add3A_1215 : vector<16xi32>
    tpu.vector_store_idx %arg7[%gather3A_1212], %add3A_1216 : memref<17408xi32, #tpu.memory_space<vmem>>[vector<16xi32>], vector<16xi32>,
    %iota3A_1217 = tpu.iota {dimensions = array<i32: 0>} : vector<16xi32>
    %add3A_1218 = arith.constant 432 : i32
    %add3A_1219 = vector.broadcast %add3A_1218 : i32 to vector<16xi32>
    %add3A_1220 = arith.addi %iota3A_1217, %add3A_1219 : vector<16xi32>
    %jit3A_1221 = arith.constant 10 : i32
    %div3A_1222 = vector.broadcast %jit3A_1221 : i32 to vector<16xi32>
    %div3A_1223 = arith.divsi %add3A_1220, %div3A_1222 : vector<16xi32>
    %sign3A_1224 = arith.constant 0 : i32
    %sign3A_1225 = vector.broadcast %sign3A_1224 : i32 to vector<16xi32>
    %sign3A_1226 = arith.cmpi sgt, %add3A_1220, %sign3A_1225 : vector<16xi32>
    %sign3A_1227 = arith.extui %sign3A_1226 : vector<16xi1> to vector<16xi32>
    %sign3A_1228 = arith.constant 0 : i32
    %sign3A_1229 = vector.broadcast %sign3A_1228 : i32 to vector<16xi32>
    %sign3A_1230 = arith.cmpi slt, %add3A_1220, %sign3A_1229 : vector<16xi32>
    %sign3A_1231 = arith.extui %sign3A_1230 : vector<16xi1> to vector<16xi32>
    %sign3A_1232 = arith.subi %sign3A_1227, %sign3A_1231 : vector<16xi32>
    %sign3A_1233 = arith.constant 0 : i32
    %sign3A_1234 = arith.cmpi sgt, %jit3A_1221, %sign3A_1233 : i32
    %sign3A_1235 = arith.extui %sign3A_1234 : i1 to i32
    %sign3A_1236 = arith.constant 0 : i32
    %sign3A_1237 = arith.cmpi slt, %jit3A_1221, %sign3A_1236 : i32
    %sign3A_1238 = arith.extui %sign3A_1237 : i1 to i32
    %sign3A_1239 = arith.subi %sign3A_1235, %sign3A_1238 : i32
    %ne3A_1240 = vector.broadcast %sign3A_1239 : i32 to vector<16xi32>
    %ne3A_1241 = arith.cmpi ne, %sign3A_1232, %ne3A_1240 : vector<16xi32>
    %rem3A_1242 = vector.broadcast %jit3A_1221 : i32 to vector<16xi32>
    %rem3A_1243 = arith.remsi %add3A_1220, %rem3A_1242 : vector<16xi32>
    %ne3A_1244 = arith.constant 0 : i32
    %ne3A_1245 = vector.broadcast %ne3A_1244 : i32 to vector<16xi32>
    %ne3A_1246 = arith.cmpi ne, %rem3A_1243, %ne3A_1245 : vector<16xi32>
    %and3A_1247 = arith.andi %ne3A_1241, %ne3A_1246 : vector<16xi1>
    %sub3A_1248 = arith.constant 1 : i32
    %sub3A_1249 = vector.broadcast %sub3A_1248 : i32 to vector<16xi32>
    %sub3A_1250 = arith.subi %div3A_1223, %sub3A_1249 : vector<16xi32>
    %select_n3A_1251 = arith.select %and3A_1247, %sub3A_1250, %div3A_1223 : vector<16xi1>, vector<16xi32>
    %mul3A_1252 = arith.constant 10 : i32
    %mul3A_1253 = vector.broadcast %mul3A_1252 : i32 to vector<16xi32>
    %mul3A_1254 = arith.muli %select_n3A_1251, %mul3A_1253 : vector<16xi32>
    %sub3A_1255 = arith.subi %add3A_1220, %mul3A_1254 : vector<16xi32>
    %gather3A_1256 = tpu.vector_load_idx %arg6[%select_n3A_1251, %sub3A_1255] : memref<64x16xi32, #tpu.memory_space<vmem>>[vector<16xi32>, vector<16xi32>], vector<16xi32>,
    %iota3A_1257 = tpu.iota {dimensions = array<i32: 0>} : vector<16xi32>
    %add3A_1258 = arith.constant 432 : i32
    %add3A_1259 = vector.broadcast %add3A_1258 : i32 to vector<16xi32>
    %add3A_1260 = arith.addi %iota3A_1257, %add3A_1259 : vector<16xi32>
    tpu.vector_store_idx %arg7[%gather3A_1256], %add3A_1260 : memref<17408xi32, #tpu.memory_space<vmem>>[vector<16xi32>], vector<16xi32>,
    %iota3A_1261 = tpu.iota {dimensions = array<i32: 0>} : vector<16xi32>
    %add3A_1262 = arith.constant 448 : i32
    %add3A_1263 = vector.broadcast %add3A_1262 : i32 to vector<16xi32>
    %add3A_1264 = arith.addi %iota3A_1261, %add3A_1263 : vector<16xi32>
    %jit3A_1265 = arith.constant 10 : i32
    %div3A_1266 = vector.broadcast %jit3A_1265 : i32 to vector<16xi32>
    %div3A_1267 = arith.divsi %add3A_1264, %div3A_1266 : vector<16xi32>
    %sign3A_1268 = arith.constant 0 : i32
    %sign3A_1269 = vector.broadcast %sign3A_1268 : i32 to vector<16xi32>
    %sign3A_1270 = arith.cmpi sgt, %add3A_1264, %sign3A_1269 : vector<16xi32>
    %sign3A_1271 = arith.extui %sign3A_1270 : vector<16xi1> to vector<16xi32>
    %sign3A_1272 = arith.constant 0 : i32
    %sign3A_1273 = vector.broadcast %sign3A_1272 : i32 to vector<16xi32>
    %sign3A_1274 = arith.cmpi slt, %add3A_1264, %sign3A_1273 : vector<16xi32>
    %sign3A_1275 = arith.extui %sign3A_1274 : vector<16xi1> to vector<16xi32>
    %sign3A_1276 = arith.subi %sign3A_1271, %sign3A_1275 : vector<16xi32>
    %sign3A_1277 = arith.constant 0 : i32
    %sign3A_1278 = arith.cmpi sgt, %jit3A_1265, %sign3A_1277 : i32
    %sign3A_1279 = arith.extui %sign3A_1278 : i1 to i32
    %sign3A_1280 = arith.constant 0 : i32
    %sign3A_1281 = arith.cmpi slt, %jit3A_1265, %sign3A_1280 : i32
    %sign3A_1282 = arith.extui %sign3A_1281 : i1 to i32
    %sign3A_1283 = arith.subi %sign3A_1279, %sign3A_1282 : i32
    %ne3A_1284 = vector.broadcast %sign3A_1283 : i32 to vector<16xi32>
    %ne3A_1285 = arith.cmpi ne, %sign3A_1276, %ne3A_1284 : vector<16xi32>
    %rem3A_1286 = vector.broadcast %jit3A_1265 : i32 to vector<16xi32>
    %rem3A_1287 = arith.remsi %add3A_1264, %rem3A_1286 : vector<16xi32>
    %ne3A_1288 = arith.constant 0 : i32
    %ne3A_1289 = vector.broadcast %ne3A_1288 : i32 to vector<16xi32>
    %ne3A_1290 = arith.cmpi ne, %rem3A_1287, %ne3A_1289 : vector<16xi32>
    %and3A_1291 = arith.andi %ne3A_1285, %ne3A_1290 : vector<16xi1>
    %sub3A_1292 = arith.constant 1 : i32
    %sub3A_1293 = vector.broadcast %sub3A_1292 : i32 to vector<16xi32>
    %sub3A_1294 = arith.subi %div3A_1267, %sub3A_1293 : vector<16xi32>
    %select_n3A_1295 = arith.select %and3A_1291, %sub3A_1294, %div3A_1267 : vector<16xi1>, vector<16xi32>
    %mul3A_1296 = arith.constant 10 : i32
    %mul3A_1297 = vector.broadcast %mul3A_1296 : i32 to vector<16xi32>
    %mul3A_1298 = arith.muli %select_n3A_1295, %mul3A_1297 : vector<16xi32>
    %sub3A_1299 = arith.subi %add3A_1264, %mul3A_1298 : vector<16xi32>
    %gather3A_1300 = tpu.vector_load_idx %arg6[%select_n3A_1295, %sub3A_1299] : memref<64x16xi32, #tpu.memory_space<vmem>>[vector<16xi32>, vector<16xi32>], vector<16xi32>,
    %iota3A_1301 = tpu.iota {dimensions = array<i32: 0>} : vector<16xi32>
    %add3A_1302 = arith.constant 448 : i32
    %add3A_1303 = vector.broadcast %add3A_1302 : i32 to vector<16xi32>
    %add3A_1304 = arith.addi %iota3A_1301, %add3A_1303 : vector<16xi32>
    tpu.vector_store_idx %arg7[%gather3A_1300], %add3A_1304 : memref<17408xi32, #tpu.memory_space<vmem>>[vector<16xi32>], vector<16xi32>,
    %iota3A_1305 = tpu.iota {dimensions = array<i32: 0>} : vector<16xi32>
    %add3A_1306 = arith.constant 464 : i32
    %add3A_1307 = vector.broadcast %add3A_1306 : i32 to vector<16xi32>
    %add3A_1308 = arith.addi %iota3A_1305, %add3A_1307 : vector<16xi32>
    %jit3A_1309 = arith.constant 10 : i32
    %div3A_1310 = vector.broadcast %jit3A_1309 : i32 to vector<16xi32>
    %div3A_1311 = arith.divsi %add3A_1308, %div3A_1310 : vector<16xi32>
    %sign3A_1312 = arith.constant 0 : i32
    %sign3A_1313 = vector.broadcast %sign3A_1312 : i32 to vector<16xi32>
    %sign3A_1314 = arith.cmpi sgt, %add3A_1308, %sign3A_1313 : vector<16xi32>
    %sign3A_1315 = arith.extui %sign3A_1314 : vector<16xi1> to vector<16xi32>
    %sign3A_1316 = arith.constant 0 : i32
    %sign3A_1317 = vector.broadcast %sign3A_1316 : i32 to vector<16xi32>
    %sign3A_1318 = arith.cmpi slt, %add3A_1308, %sign3A_1317 : vector<16xi32>
    %sign3A_1319 = arith.extui %sign3A_1318 : vector<16xi1> to vector<16xi32>
    %sign3A_1320 = arith.subi %sign3A_1315, %sign3A_1319 : vector<16xi32>
    %sign3A_1321 = arith.constant 0 : i32
    %sign3A_1322 = arith.cmpi sgt, %jit3A_1309, %sign3A_1321 : i32
    %sign3A_1323 = arith.extui %sign3A_1322 : i1 to i32
    %sign3A_1324 = arith.constant 0 : i32
    %sign3A_1325 = arith.cmpi slt, %jit3A_1309, %sign3A_1324 : i32
    %sign3A_1326 = arith.extui %sign3A_1325 : i1 to i32
    %sign3A_1327 = arith.subi %sign3A_1323, %sign3A_1326 : i32
    %ne3A_1328 = vector.broadcast %sign3A_1327 : i32 to vector<16xi32>
    %ne3A_1329 = arith.cmpi ne, %sign3A_1320, %ne3A_1328 : vector<16xi32>
    %rem3A_1330 = vector.broadcast %jit3A_1309 : i32 to vector<16xi32>
    %rem3A_1331 = arith.remsi %add3A_1308, %rem3A_1330 : vector<16xi32>
    %ne3A_1332 = arith.constant 0 : i32
    %ne3A_1333 = vector.broadcast %ne3A_1332 : i32 to vector<16xi32>
    %ne3A_1334 = arith.cmpi ne, %rem3A_1331, %ne3A_1333 : vector<16xi32>
    %and3A_1335 = arith.andi %ne3A_1329, %ne3A_1334 : vector<16xi1>
    %sub3A_1336 = arith.constant 1 : i32
    %sub3A_1337 = vector.broadcast %sub3A_1336 : i32 to vector<16xi32>
    %sub3A_1338 = arith.subi %div3A_1311, %sub3A_1337 : vector<16xi32>
    %select_n3A_1339 = arith.select %and3A_1335, %sub3A_1338, %div3A_1311 : vector<16xi1>, vector<16xi32>
    %mul3A_1340 = arith.constant 10 : i32
    %mul3A_1341 = vector.broadcast %mul3A_1340 : i32 to vector<16xi32>
    %mul3A_1342 = arith.muli %select_n3A_1339, %mul3A_1341 : vector<16xi32>
    %sub3A_1343 = arith.subi %add3A_1308, %mul3A_1342 : vector<16xi32>
    %gather3A_1344 = tpu.vector_load_idx %arg6[%select_n3A_1339, %sub3A_1343] : memref<64x16xi32, #tpu.memory_space<vmem>>[vector<16xi32>, vector<16xi32>], vector<16xi32>,
    %iota3A_1345 = tpu.iota {dimensions = array<i32: 0>} : vector<16xi32>
    %add3A_1346 = arith.constant 464 : i32
    %add3A_1347 = vector.broadcast %add3A_1346 : i32 to vector<16xi32>
    %add3A_1348 = arith.addi %iota3A_1345, %add3A_1347 : vector<16xi32>
    tpu.vector_store_idx %arg7[%gather3A_1344], %add3A_1348 : memref<17408xi32, #tpu.memory_space<vmem>>[vector<16xi32>], vector<16xi32>,
    %iota3A_1349 = tpu.iota {dimensions = array<i32: 0>} : vector<16xi32>
    %add3A_1350 = arith.constant 480 : i32
    %add3A_1351 = vector.broadcast %add3A_1350 : i32 to vector<16xi32>
    %add3A_1352 = arith.addi %iota3A_1349, %add3A_1351 : vector<16xi32>
    %jit3A_1353 = arith.constant 10 : i32
    %div3A_1354 = vector.broadcast %jit3A_1353 : i32 to vector<16xi32>
    %div3A_1355 = arith.divsi %add3A_1352, %div3A_1354 : vector<16xi32>
    %sign3A_1356 = arith.constant 0 : i32
    %sign3A_1357 = vector.broadcast %sign3A_1356 : i32 to vector<16xi32>
    %sign3A_1358 = arith.cmpi sgt, %add3A_1352, %sign3A_1357 : vector<16xi32>
    %sign3A_1359 = arith.extui %sign3A_1358 : vector<16xi1> to vector<16xi32>
    %sign3A_1360 = arith.constant 0 : i32
    %sign3A_1361 = vector.broadcast %sign3A_1360 : i32 to vector<16xi32>
    %sign3A_1362 = arith.cmpi slt, %add3A_1352, %sign3A_1361 : vector<16xi32>
    %sign3A_1363 = arith.extui %sign3A_1362 : vector<16xi1> to vector<16xi32>
    %sign3A_1364 = arith.subi %sign3A_1359, %sign3A_1363 : vector<16xi32>
    %sign3A_1365 = arith.constant 0 : i32
    %sign3A_1366 = arith.cmpi sgt, %jit3A_1353, %sign3A_1365 : i32
    %sign3A_1367 = arith.extui %sign3A_1366 : i1 to i32
    %sign3A_1368 = arith.constant 0 : i32
    %sign3A_1369 = arith.cmpi slt, %jit3A_1353, %sign3A_1368 : i32
    %sign3A_1370 = arith.extui %sign3A_1369 : i1 to i32
    %sign3A_1371 = arith.subi %sign3A_1367, %sign3A_1370 : i32
    %ne3A_1372 = vector.broadcast %sign3A_1371 : i32 to vector<16xi32>
    %ne3A_1373 = arith.cmpi ne, %sign3A_1364, %ne3A_1372 : vector<16xi32>
    %rem3A_1374 = vector.broadcast %jit3A_1353 : i32 to vector<16xi32>
    %rem3A_1375 = arith.remsi %add3A_1352, %rem3A_1374 : vector<16xi32>
    %ne3A_1376 = arith.constant 0 : i32
    %ne3A_1377 = vector.broadcast %ne3A_1376 : i32 to vector<16xi32>
    %ne3A_1378 = arith.cmpi ne, %rem3A_1375, %ne3A_1377 : vector<16xi32>
    %and3A_1379 = arith.andi %ne3A_1373, %ne3A_1378 : vector<16xi1>
    %sub3A_1380 = arith.constant 1 : i32
    %sub3A_1381 = vector.broadcast %sub3A_1380 : i32 to vector<16xi32>
    %sub3A_1382 = arith.subi %div3A_1355, %sub3A_1381 : vector<16xi32>
    %select_n3A_1383 = arith.select %and3A_1379, %sub3A_1382, %div3A_1355 : vector<16xi1>, vector<16xi32>
    %mul3A_1384 = arith.constant 10 : i32
    %mul3A_1385 = vector.broadcast %mul3A_1384 : i32 to vector<16xi32>
    %mul3A_1386 = arith.muli %select_n3A_1383, %mul3A_1385 : vector<16xi32>
    %sub3A_1387 = arith.subi %add3A_1352, %mul3A_1386 : vector<16xi32>
    %gather3A_1388 = tpu.vector_load_idx %arg6[%select_n3A_1383, %sub3A_1387] : memref<64x16xi32, #tpu.memory_space<vmem>>[vector<16xi32>, vector<16xi32>], vector<16xi32>,
    %iota3A_1389 = tpu.iota {dimensions = array<i32: 0>} : vector<16xi32>
    %add3A_1390 = arith.constant 480 : i32
    %add3A_1391 = vector.broadcast %add3A_1390 : i32 to vector<16xi32>
    %add3A_1392 = arith.addi %iota3A_1389, %add3A_1391 : vector<16xi32>
    tpu.vector_store_idx %arg7[%gather3A_1388], %add3A_1392 : memref<17408xi32, #tpu.memory_space<vmem>>[vector<16xi32>], vector<16xi32>,
    %iota3A_1393 = tpu.iota {dimensions = array<i32: 0>} : vector<16xi32>
    %add3A_1394 = arith.constant 496 : i32
    %add3A_1395 = vector.broadcast %add3A_1394 : i32 to vector<16xi32>
    %add3A_1396 = arith.addi %iota3A_1393, %add3A_1395 : vector<16xi32>
    %jit3A_1397 = arith.constant 10 : i32
    %div3A_1398 = vector.broadcast %jit3A_1397 : i32 to vector<16xi32>
    %div3A_1399 = arith.divsi %add3A_1396, %div3A_1398 : vector<16xi32>
    %sign3A_1400 = arith.constant 0 : i32
    %sign3A_1401 = vector.broadcast %sign3A_1400 : i32 to vector<16xi32>
    %sign3A_1402 = arith.cmpi sgt, %add3A_1396, %sign3A_1401 : vector<16xi32>
    %sign3A_1403 = arith.extui %sign3A_1402 : vector<16xi1> to vector<16xi32>
    %sign3A_1404 = arith.constant 0 : i32
    %sign3A_1405 = vector.broadcast %sign3A_1404 : i32 to vector<16xi32>
    %sign3A_1406 = arith.cmpi slt, %add3A_1396, %sign3A_1405 : vector<16xi32>
    %sign3A_1407 = arith.extui %sign3A_1406 : vector<16xi1> to vector<16xi32>
    %sign3A_1408 = arith.subi %sign3A_1403, %sign3A_1407 : vector<16xi32>
    %sign3A_1409 = arith.constant 0 : i32
    %sign3A_1410 = arith.cmpi sgt, %jit3A_1397, %sign3A_1409 : i32
    %sign3A_1411 = arith.extui %sign3A_1410 : i1 to i32
    %sign3A_1412 = arith.constant 0 : i32
    %sign3A_1413 = arith.cmpi slt, %jit3A_1397, %sign3A_1412 : i32
    %sign3A_1414 = arith.extui %sign3A_1413 : i1 to i32
    %sign3A_1415 = arith.subi %sign3A_1411, %sign3A_1414 : i32
    %ne3A_1416 = vector.broadcast %sign3A_1415 : i32 to vector<16xi32>
    %ne3A_1417 = arith.cmpi ne, %sign3A_1408, %ne3A_1416 : vector<16xi32>
    %rem3A_1418 = vector.broadcast %jit3A_1397 : i32 to vector<16xi32>
    %rem3A_1419 = arith.remsi %add3A_1396, %rem3A_1418 : vector<16xi32>
    %ne3A_1420 = arith.constant 0 : i32
    %ne3A_1421 = vector.broadcast %ne3A_1420 : i32 to vector<16xi32>
    %ne3A_1422 = arith.cmpi ne, %rem3A_1419, %ne3A_1421 : vector<16xi32>
    %and3A_1423 = arith.andi %ne3A_1417, %ne3A_1422 : vector<16xi1>
    %sub3A_1424 = arith.constant 1 : i32
    %sub3A_1425 = vector.broadcast %sub3A_1424 : i32 to vector<16xi32>
    %sub3A_1426 = arith.subi %div3A_1399, %sub3A_1425 : vector<16xi32>
    %select_n3A_1427 = arith.select %and3A_1423, %sub3A_1426, %div3A_1399 : vector<16xi1>, vector<16xi32>
    %mul3A_1428 = arith.constant 10 : i32
    %mul3A_1429 = vector.broadcast %mul3A_1428 : i32 to vector<16xi32>
    %mul3A_1430 = arith.muli %select_n3A_1427, %mul3A_1429 : vector<16xi32>
    %sub3A_1431 = arith.subi %add3A_1396, %mul3A_1430 : vector<16xi32>
    %gather3A_1432 = tpu.vector_load_idx %arg6[%select_n3A_1427, %sub3A_1431] : memref<64x16xi32, #tpu.memory_space<vmem>>[vector<16xi32>, vector<16xi32>], vector<16xi32>,
    %iota3A_1433 = tpu.iota {dimensions = array<i32: 0>} : vector<16xi32>
    %add3A_1434 = arith.constant 496 : i32
    %add3A_1435 = vector.broadcast %add3A_1434 : i32 to vector<16xi32>
    %add3A_1436 = arith.addi %iota3A_1433, %add3A_1435 : vector<16xi32>
    tpu.vector_store_idx %arg7[%gather3A_1432], %add3A_1436 : memref<17408xi32, #tpu.memory_space<vmem>>[vector<16xi32>], vector<16xi32>,
    %broadcast_in_dim3A = arith.constant 0.000000e+00 : f32
    %broadcast_in_dim3A_1437 = vector.broadcast %broadcast_in_dim3A : f32 to vector<16xf32>
    %iota3A_1438 = tpu.iota {dimensions = array<i32: 0>} : vector<16xi32>
    %add3A_1439 = arith.constant 0 : i32
    %add3A_1440 = vector.broadcast %add3A_1439 : i32 to vector<16xi32>
    %add3A_1441 = arith.addi %iota3A_1438, %add3A_1440 : vector<16xi32>
    %jit3A_1442 = arith.constant 10 : i32
    %div3A_1443 = vector.broadcast %jit3A_1442 : i32 to vector<16xi32>
    %div3A_1444 = arith.divsi %add3A_1441, %div3A_1443 : vector<16xi32>
    %sign3A_1445 = arith.constant 0 : i32
    %sign3A_1446 = vector.broadcast %sign3A_1445 : i32 to vector<16xi32>
    %sign3A_1447 = arith.cmpi sgt, %add3A_1441, %sign3A_1446 : vector<16xi32>
    %sign3A_1448 = arith.extui %sign3A_1447 : vector<16xi1> to vector<16xi32>
    %sign3A_1449 = arith.constant 0 : i32
    %sign3A_1450 = vector.broadcast %sign3A_1449 : i32 to vector<16xi32>
    %sign3A_1451 = arith.cmpi slt, %add3A_1441, %sign3A_1450 : vector<16xi32>
    %sign3A_1452 = arith.extui %sign3A_1451 : vector<16xi1> to vector<16xi32>
    %sign3A_1453 = arith.subi %sign3A_1448, %sign3A_1452 : vector<16xi32>
    %sign3A_1454 = arith.constant 0 : i32
    %sign3A_1455 = arith.cmpi sgt, %jit3A_1442, %sign3A_1454 : i32
    %sign3A_1456 = arith.extui %sign3A_1455 : i1 to i32
    %sign3A_1457 = arith.constant 0 : i32
    %sign3A_1458 = arith.cmpi slt, %jit3A_1442, %sign3A_1457 : i32
    %sign3A_1459 = arith.extui %sign3A_1458 : i1 to i32
    %sign3A_1460 = arith.subi %sign3A_1456, %sign3A_1459 : i32
    %ne3A_1461 = vector.broadcast %sign3A_1460 : i32 to vector<16xi32>
    %ne3A_1462 = arith.cmpi ne, %sign3A_1453, %ne3A_1461 : vector<16xi32>
    %rem3A_1463 = vector.broadcast %jit3A_1442 : i32 to vector<16xi32>
    %rem3A_1464 = arith.remsi %add3A_1441, %rem3A_1463 : vector<16xi32>
    %ne3A_1465 = arith.constant 0 : i32
    %ne3A_1466 = vector.broadcast %ne3A_1465 : i32 to vector<16xi32>
    %ne3A_1467 = arith.cmpi ne, %rem3A_1464, %ne3A_1466 : vector<16xi32>
    %and3A_1468 = arith.andi %ne3A_1462, %ne3A_1467 : vector<16xi1>
    %sub3A_1469 = arith.constant 1 : i32
    %sub3A_1470 = vector.broadcast %sub3A_1469 : i32 to vector<16xi32>
    %sub3A_1471 = arith.subi %div3A_1444, %sub3A_1470 : vector<16xi32>
    %select_n3A_1472 = arith.select %and3A_1468, %sub3A_1471, %div3A_1444 : vector<16xi1>, vector<16xi32>
    %mul3A_1473 = arith.constant 10 : i32
    %mul3A_1474 = vector.broadcast %mul3A_1473 : i32 to vector<16xi32>
    %mul3A_1475 = arith.muli %select_n3A_1472, %mul3A_1474 : vector<16xi32>
    %sub3A_1476 = arith.subi %add3A_1441, %mul3A_1475 : vector<16xi32>
    %gather3A_1477 = tpu.vector_load_idx %arg6[%select_n3A_1472, %sub3A_1476] : memref<64x16xi32, #tpu.memory_space<vmem>>[vector<16xi32>, vector<16xi32>], vector<16xi32>,
    %iota3A_1478 = tpu.iota {dimensions = array<i32: 0>} : vector<16xi32>
    %add3A_1479 = arith.constant 0 : i32
    %add3A_1480 = vector.broadcast %add3A_1479 : i32 to vector<16xi32>
    %add3A_1481 = arith.addi %iota3A_1478, %add3A_1480 : vector<16xi32>
    %gather3A_1482 = tpu.vector_load_idx %arg7[%gather3A_1477] : memref<17408xi32, #tpu.memory_space<vmem>>[vector<16xi32>], vector<16xi32>,
    %eq3A_1483 = arith.cmpi eq, %gather3A_1482, %add3A_1481 : vector<16xi32>
    %lt3A_1484 = arith.constant 16384 : i32
    %lt3A_1485 = vector.broadcast %lt3A_1484 : i32 to vector<16xi32>
    %lt3A_1486 = arith.cmpi slt, %gather3A_1477, %lt3A_1485 : vector<16xi32>
    %and3A_1487 = arith.andi %eq3A_1483, %lt3A_1486 : vector<16xi1>
    %jit3A_1488 = arith.constant 1.000000e+00 : f32
    %jit3A_1489 = arith.constant 0.000000e+00 : f32
    %broadcast_in_dim3A_1490 = vector.broadcast %jit3A_1488 : f32 to vector<16xf32>
    %broadcast_in_dim3A_1491 = vector.broadcast %jit3A_1489 : f32 to vector<16xf32>
    %select_n3A_1492 = arith.select %and3A_1487, %broadcast_in_dim3A_1490, %broadcast_in_dim3A_1491 : vector<16xi1>, vector<16xf32>
    %add3A_1493 = arith.addf %broadcast_in_dim3A_1437, %select_n3A_1492 : vector<16xf32>
    %mul3A_1494 = arith.constant 16384 : i32
    %mul3A_1495 = arith.muli %select_n3A, %mul3A_1494 : i32
    %jit3A_1496 = arith.constant 0 : i32
    %broadcast_in_dim3A_1497 = vector.broadcast %jit3A_1496 : i32 to vector<16xi32>
    %select_n3A_1498 = arith.select %and3A_1487, %gather3A_1477, %broadcast_in_dim3A_1497 : vector<16xi1>, vector<16xi32>
    %add3A_1499 = vector.broadcast %mul3A_1495 : i32 to vector<16xi32>
    %add3A_1500 = arith.addi %add3A_1499, %select_n3A_1498 : vector<16xi32>
    %swap3A = arith.constant 0 : i32
    %swap3A_1501 = arith.index_cast %swap3A : i32 to index
    %swap3A_1502 = arith.constant 0 : index
    %swap3A_1503 = tpu.vector_load %arg8[%swap3A_1501, %swap3A_1502] {strides = array<i32>} : memref<4x128xi32, #tpu.memory_space<vmem>>, vector<16xi32>,
    tpu.vector_store %arg8[%swap3A_1501, %swap3A_1502], %add3A_1500 {strides = array<i32>} : memref<4x128xi32, #tpu.memory_space<vmem>>, vector<16xi32>,
    %iota3A_1504 = tpu.iota {dimensions = array<i32: 0>} : vector<16xi32>
    %add3A_1505 = arith.constant 16 : i32
    %add3A_1506 = vector.broadcast %add3A_1505 : i32 to vector<16xi32>
    %add3A_1507 = arith.addi %iota3A_1504, %add3A_1506 : vector<16xi32>
    %jit3A_1508 = arith.constant 10 : i32
    %div3A_1509 = vector.broadcast %jit3A_1508 : i32 to vector<16xi32>
    %div3A_1510 = arith.divsi %add3A_1507, %div3A_1509 : vector<16xi32>
    %sign3A_1511 = arith.constant 0 : i32
    %sign3A_1512 = vector.broadcast %sign3A_1511 : i32 to vector<16xi32>
    %sign3A_1513 = arith.cmpi sgt, %add3A_1507, %sign3A_1512 : vector<16xi32>
    %sign3A_1514 = arith.extui %sign3A_1513 : vector<16xi1> to vector<16xi32>
    %sign3A_1515 = arith.constant 0 : i32
    %sign3A_1516 = vector.broadcast %sign3A_1515 : i32 to vector<16xi32>
    %sign3A_1517 = arith.cmpi slt, %add3A_1507, %sign3A_1516 : vector<16xi32>
    %sign3A_1518 = arith.extui %sign3A_1517 : vector<16xi1> to vector<16xi32>
    %sign3A_1519 = arith.subi %sign3A_1514, %sign3A_1518 : vector<16xi32>
    %sign3A_1520 = arith.constant 0 : i32
    %sign3A_1521 = arith.cmpi sgt, %jit3A_1508, %sign3A_1520 : i32
    %sign3A_1522 = arith.extui %sign3A_1521 : i1 to i32
    %sign3A_1523 = arith.constant 0 : i32
    %sign3A_1524 = arith.cmpi slt, %jit3A_1508, %sign3A_1523 : i32
    %sign3A_1525 = arith.extui %sign3A_1524 : i1 to i32
    %sign3A_1526 = arith.subi %sign3A_1522, %sign3A_1525 : i32
    %ne3A_1527 = vector.broadcast %sign3A_1526 : i32 to vector<16xi32>
    %ne3A_1528 = arith.cmpi ne, %sign3A_1519, %ne3A_1527 : vector<16xi32>
    %rem3A_1529 = vector.broadcast %jit3A_1508 : i32 to vector<16xi32>
    %rem3A_1530 = arith.remsi %add3A_1507, %rem3A_1529 : vector<16xi32>
    %ne3A_1531 = arith.constant 0 : i32
    %ne3A_1532 = vector.broadcast %ne3A_1531 : i32 to vector<16xi32>
    %ne3A_1533 = arith.cmpi ne, %rem3A_1530, %ne3A_1532 : vector<16xi32>
    %and3A_1534 = arith.andi %ne3A_1528, %ne3A_1533 : vector<16xi1>
    %sub3A_1535 = arith.constant 1 : i32
    %sub3A_1536 = vector.broadcast %sub3A_1535 : i32 to vector<16xi32>
    %sub3A_1537 = arith.subi %div3A_1510, %sub3A_1536 : vector<16xi32>
    %select_n3A_1538 = arith.select %and3A_1534, %sub3A_1537, %div3A_1510 : vector<16xi1>, vector<16xi32>
    %mul3A_1539 = arith.constant 10 : i32
    %mul3A_1540 = vector.broadcast %mul3A_1539 : i32 to vector<16xi32>
    %mul3A_1541 = arith.muli %select_n3A_1538, %mul3A_1540 : vector<16xi32>
    %sub3A_1542 = arith.subi %add3A_1507, %mul3A_1541 : vector<16xi32>
    %gather3A_1543 = tpu.vector_load_idx %arg6[%select_n3A_1538, %sub3A_1542] : memref<64x16xi32, #tpu.memory_space<vmem>>[vector<16xi32>, vector<16xi32>], vector<16xi32>,
    %iota3A_1544 = tpu.iota {dimensions = array<i32: 0>} : vector<16xi32>
    %add3A_1545 = arith.constant 16 : i32
    %add3A_1546 = vector.broadcast %add3A_1545 : i32 to vector<16xi32>
    %add3A_1547 = arith.addi %iota3A_1544, %add3A_1546 : vector<16xi32>
    %gather3A_1548 = tpu.vector_load_idx %arg7[%gather3A_1543] : memref<17408xi32, #tpu.memory_space<vmem>>[vector<16xi32>], vector<16xi32>,
    %eq3A_1549 = arith.cmpi eq, %gather3A_1548, %add3A_1547 : vector<16xi32>
    %lt3A_1550 = arith.constant 16384 : i32
    %lt3A_1551 = vector.broadcast %lt3A_1550 : i32 to vector<16xi32>
    %lt3A_1552 = arith.cmpi slt, %gather3A_1543, %lt3A_1551 : vector<16xi32>
    %and3A_1553 = arith.andi %eq3A_1549, %lt3A_1552 : vector<16xi1>
    %jit3A_1554 = arith.constant 1.000000e+00 : f32
    %jit3A_1555 = arith.constant 0.000000e+00 : f32
    %broadcast_in_dim3A_1556 = vector.broadcast %jit3A_1554 : f32 to vector<16xf32>
    %broadcast_in_dim3A_1557 = vector.broadcast %jit3A_1555 : f32 to vector<16xf32>
    %select_n3A_1558 = arith.select %and3A_1553, %broadcast_in_dim3A_1556, %broadcast_in_dim3A_1557 : vector<16xi1>, vector<16xf32>
    %add3A_1559 = arith.addf %add3A_1493, %select_n3A_1558 : vector<16xf32>
    %mul3A_1560 = arith.constant 16384 : i32
    %mul3A_1561 = arith.muli %select_n3A, %mul3A_1560 : i32
    %jit3A_1562 = arith.constant 0 : i32
    %broadcast_in_dim3A_1563 = vector.broadcast %jit3A_1562 : i32 to vector<16xi32>
    %select_n3A_1564 = arith.select %and3A_1553, %gather3A_1543, %broadcast_in_dim3A_1563 : vector<16xi1>, vector<16xi32>
    %add3A_1565 = vector.broadcast %mul3A_1561 : i32 to vector<16xi32>
    %add3A_1566 = arith.addi %add3A_1565, %select_n3A_1564 : vector<16xi32>
    %swap3A_1567 = arith.constant 0 : i32
    %swap3A_1568 = arith.index_cast %swap3A_1567 : i32 to index
    %swap3A_1569 = arith.constant 16 : index
    %swap3A_1570 = tpu.vector_load %arg8[%swap3A_1568, %swap3A_1569] {strides = array<i32>} : memref<4x128xi32, #tpu.memory_space<vmem>>, vector<16xi32>,
    tpu.vector_store %arg8[%swap3A_1568, %swap3A_1569], %add3A_1566 {strides = array<i32>} : memref<4x128xi32, #tpu.memory_space<vmem>>, vector<16xi32>,
    %iota3A_1571 = tpu.iota {dimensions = array<i32: 0>} : vector<16xi32>
    %add3A_1572 = arith.constant 32 : i32
    %add3A_1573 = vector.broadcast %add3A_1572 : i32 to vector<16xi32>
    %add3A_1574 = arith.addi %iota3A_1571, %add3A_1573 : vector<16xi32>
    %jit3A_1575 = arith.constant 10 : i32
    %div3A_1576 = vector.broadcast %jit3A_1575 : i32 to vector<16xi32>
    %div3A_1577 = arith.divsi %add3A_1574, %div3A_1576 : vector<16xi32>
    %sign3A_1578 = arith.constant 0 : i32
    %sign3A_1579 = vector.broadcast %sign3A_1578 : i32 to vector<16xi32>
    %sign3A_1580 = arith.cmpi sgt, %add3A_1574, %sign3A_1579 : vector<16xi32>
    %sign3A_1581 = arith.extui %sign3A_1580 : vector<16xi1> to vector<16xi32>
    %sign3A_1582 = arith.constant 0 : i32
    %sign3A_1583 = vector.broadcast %sign3A_1582 : i32 to vector<16xi32>
    %sign3A_1584 = arith.cmpi slt, %add3A_1574, %sign3A_1583 : vector<16xi32>
    %sign3A_1585 = arith.extui %sign3A_1584 : vector<16xi1> to vector<16xi32>
    %sign3A_1586 = arith.subi %sign3A_1581, %sign3A_1585 : vector<16xi32>
    %sign3A_1587 = arith.constant 0 : i32
    %sign3A_1588 = arith.cmpi sgt, %jit3A_1575, %sign3A_1587 : i32
    %sign3A_1589 = arith.extui %sign3A_1588 : i1 to i32
    %sign3A_1590 = arith.constant 0 : i32
    %sign3A_1591 = arith.cmpi slt, %jit3A_1575, %sign3A_1590 : i32
    %sign3A_1592 = arith.extui %sign3A_1591 : i1 to i32
    %sign3A_1593 = arith.subi %sign3A_1589, %sign3A_1592 : i32
    %ne3A_1594 = vector.broadcast %sign3A_1593 : i32 to vector<16xi32>
    %ne3A_1595 = arith.cmpi ne, %sign3A_1586, %ne3A_1594 : vector<16xi32>
    %rem3A_1596 = vector.broadcast %jit3A_1575 : i32 to vector<16xi32>
    %rem3A_1597 = arith.remsi %add3A_1574, %rem3A_1596 : vector<16xi32>
    %ne3A_1598 = arith.constant 0 : i32
    %ne3A_1599 = vector.broadcast %ne3A_1598 : i32 to vector<16xi32>
    %ne3A_1600 = arith.cmpi ne, %rem3A_1597, %ne3A_1599 : vector<16xi32>
    %and3A_1601 = arith.andi %ne3A_1595, %ne3A_1600 : vector<16xi1>
    %sub3A_1602 = arith.constant 1 : i32
    %sub3A_1603 = vector.broadcast %sub3A_1602 : i32 to vector<16xi32>
    %sub3A_1604 = arith.subi %div3A_1577, %sub3A_1603 : vector<16xi32>
    %select_n3A_1605 = arith.select %and3A_1601, %sub3A_1604, %div3A_1577 : vector<16xi1>, vector<16xi32>
    %mul3A_1606 = arith.constant 10 : i32
    %mul3A_1607 = vector.broadcast %mul3A_1606 : i32 to vector<16xi32>
    %mul3A_1608 = arith.muli %select_n3A_1605, %mul3A_1607 : vector<16xi32>
    %sub3A_1609 = arith.subi %add3A_1574, %mul3A_1608 : vector<16xi32>
    %gather3A_1610 = tpu.vector_load_idx %arg6[%select_n3A_1605, %sub3A_1609] : memref<64x16xi32, #tpu.memory_space<vmem>>[vector<16xi32>, vector<16xi32>], vector<16xi32>,
    %iota3A_1611 = tpu.iota {dimensions = array<i32: 0>} : vector<16xi32>
    %add3A_1612 = arith.constant 32 : i32
    %add3A_1613 = vector.broadcast %add3A_1612 : i32 to vector<16xi32>
    %add3A_1614 = arith.addi %iota3A_1611, %add3A_1613 : vector<16xi32>
    %gather3A_1615 = tpu.vector_load_idx %arg7[%gather3A_1610] : memref<17408xi32, #tpu.memory_space<vmem>>[vector<16xi32>], vector<16xi32>,
    %eq3A_1616 = arith.cmpi eq, %gather3A_1615, %add3A_1614 : vector<16xi32>
    %lt3A_1617 = arith.constant 16384 : i32
    %lt3A_1618 = vector.broadcast %lt3A_1617 : i32 to vector<16xi32>
    %lt3A_1619 = arith.cmpi slt, %gather3A_1610, %lt3A_1618 : vector<16xi32>
    %and3A_1620 = arith.andi %eq3A_1616, %lt3A_1619 : vector<16xi1>
    %jit3A_1621 = arith.constant 1.000000e+00 : f32
    %jit3A_1622 = arith.constant 0.000000e+00 : f32
    %broadcast_in_dim3A_1623 = vector.broadcast %jit3A_1621 : f32 to vector<16xf32>
    %broadcast_in_dim3A_1624 = vector.broadcast %jit3A_1622 : f32 to vector<16xf32>
    %select_n3A_1625 = arith.select %and3A_1620, %broadcast_in_dim3A_1623, %broadcast_in_dim3A_1624 : vector<16xi1>, vector<16xf32>
    %add3A_1626 = arith.addf %add3A_1559, %select_n3A_1625 : vector<16xf32>
    %mul3A_1627 = arith.constant 16384 : i32
    %mul3A_1628 = arith.muli %select_n3A, %mul3A_1627 : i32
    %jit3A_1629 = arith.constant 0 : i32
    %broadcast_in_dim3A_1630 = vector.broadcast %jit3A_1629 : i32 to vector<16xi32>
    %select_n3A_1631 = arith.select %and3A_1620, %gather3A_1610, %broadcast_in_dim3A_1630 : vector<16xi1>, vector<16xi32>
    %add3A_1632 = vector.broadcast %mul3A_1628 : i32 to vector<16xi32>
    %add3A_1633 = arith.addi %add3A_1632, %select_n3A_1631 : vector<16xi32>
    %swap3A_1634 = arith.constant 0 : i32
    %swap3A_1635 = arith.index_cast %swap3A_1634 : i32 to index
    %swap3A_1636 = arith.constant 32 : index
    %swap3A_1637 = tpu.vector_load %arg8[%swap3A_1635, %swap3A_1636] {strides = array<i32>} : memref<4x128xi32, #tpu.memory_space<vmem>>, vector<16xi32>,
    tpu.vector_store %arg8[%swap3A_1635, %swap3A_1636], %add3A_1633 {strides = array<i32>} : memref<4x128xi32, #tpu.memory_space<vmem>>, vector<16xi32>,
    %iota3A_1638 = tpu.iota {dimensions = array<i32: 0>} : vector<16xi32>
    %add3A_1639 = arith.constant 48 : i32
    %add3A_1640 = vector.broadcast %add3A_1639 : i32 to vector<16xi32>
    %add3A_1641 = arith.addi %iota3A_1638, %add3A_1640 : vector<16xi32>
    %jit3A_1642 = arith.constant 10 : i32
    %div3A_1643 = vector.broadcast %jit3A_1642 : i32 to vector<16xi32>
    %div3A_1644 = arith.divsi %add3A_1641, %div3A_1643 : vector<16xi32>
    %sign3A_1645 = arith.constant 0 : i32
    %sign3A_1646 = vector.broadcast %sign3A_1645 : i32 to vector<16xi32>
    %sign3A_1647 = arith.cmpi sgt, %add3A_1641, %sign3A_1646 : vector<16xi32>
    %sign3A_1648 = arith.extui %sign3A_1647 : vector<16xi1> to vector<16xi32>
    %sign3A_1649 = arith.constant 0 : i32
    %sign3A_1650 = vector.broadcast %sign3A_1649 : i32 to vector<16xi32>
    %sign3A_1651 = arith.cmpi slt, %add3A_1641, %sign3A_1650 : vector<16xi32>
    %sign3A_1652 = arith.extui %sign3A_1651 : vector<16xi1> to vector<16xi32>
    %sign3A_1653 = arith.subi %sign3A_1648, %sign3A_1652 : vector<16xi32>
    %sign3A_1654 = arith.constant 0 : i32
    %sign3A_1655 = arith.cmpi sgt, %jit3A_1642, %sign3A_1654 : i32
    %sign3A_1656 = arith.extui %sign3A_1655 : i1 to i32
    %sign3A_1657 = arith.constant 0 : i32
    %sign3A_1658 = arith.cmpi slt, %jit3A_1642, %sign3A_1657 : i32
    %sign3A_1659 = arith.extui %sign3A_1658 : i1 to i32
    %sign3A_1660 = arith.subi %sign3A_1656, %sign3A_1659 : i32
    %ne3A_1661 = vector.broadcast %sign3A_1660 : i32 to vector<16xi32>
    %ne3A_1662 = arith.cmpi ne, %sign3A_1653, %ne3A_1661 : vector<16xi32>
    %rem3A_1663 = vector.broadcast %jit3A_1642 : i32 to vector<16xi32>
    %rem3A_1664 = arith.remsi %add3A_1641, %rem3A_1663 : vector<16xi32>
    %ne3A_1665 = arith.constant 0 : i32
    %ne3A_1666 = vector.broadcast %ne3A_1665 : i32 to vector<16xi32>
    %ne3A_1667 = arith.cmpi ne, %rem3A_1664, %ne3A_1666 : vector<16xi32>
    %and3A_1668 = arith.andi %ne3A_1662, %ne3A_1667 : vector<16xi1>
    %sub3A_1669 = arith.constant 1 : i32
    %sub3A_1670 = vector.broadcast %sub3A_1669 : i32 to vector<16xi32>
    %sub3A_1671 = arith.subi %div3A_1644, %sub3A_1670 : vector<16xi32>
    %select_n3A_1672 = arith.select %and3A_1668, %sub3A_1671, %div3A_1644 : vector<16xi1>, vector<16xi32>
    %mul3A_1673 = arith.constant 10 : i32
    %mul3A_1674 = vector.broadcast %mul3A_1673 : i32 to vector<16xi32>
    %mul3A_1675 = arith.muli %select_n3A_1672, %mul3A_1674 : vector<16xi32>
    %sub3A_1676 = arith.subi %add3A_1641, %mul3A_1675 : vector<16xi32>
    %gather3A_1677 = tpu.vector_load_idx %arg6[%select_n3A_1672, %sub3A_1676] : memref<64x16xi32, #tpu.memory_space<vmem>>[vector<16xi32>, vector<16xi32>], vector<16xi32>,
    %iota3A_1678 = tpu.iota {dimensions = array<i32: 0>} : vector<16xi32>
    %add3A_1679 = arith.constant 48 : i32
    %add3A_1680 = vector.broadcast %add3A_1679 : i32 to vector<16xi32>
    %add3A_1681 = arith.addi %iota3A_1678, %add3A_1680 : vector<16xi32>
    %gather3A_1682 = tpu.vector_load_idx %arg7[%gather3A_1677] : memref<17408xi32, #tpu.memory_space<vmem>>[vector<16xi32>], vector<16xi32>,
    %eq3A_1683 = arith.cmpi eq, %gather3A_1682, %add3A_1681 : vector<16xi32>
    %lt3A_1684 = arith.constant 16384 : i32
    %lt3A_1685 = vector.broadcast %lt3A_1684 : i32 to vector<16xi32>
    %lt3A_1686 = arith.cmpi slt, %gather3A_1677, %lt3A_1685 : vector<16xi32>
    %and3A_1687 = arith.andi %eq3A_1683, %lt3A_1686 : vector<16xi1>
    %jit3A_1688 = arith.constant 1.000000e+00 : f32
    %jit3A_1689 = arith.constant 0.000000e+00 : f32
    %broadcast_in_dim3A_1690 = vector.broadcast %jit3A_1688 : f32 to vector<16xf32>
    %broadcast_in_dim3A_1691 = vector.broadcast %jit3A_1689 : f32 to vector<16xf32>
    %select_n3A_1692 = arith.select %and3A_1687, %broadcast_in_dim3A_1690, %broadcast_in_dim3A_1691 : vector<16xi1>, vector<16xf32>
    %add3A_1693 = arith.addf %add3A_1626, %select_n3A_1692 : vector<16xf32>
    %mul3A_1694 = arith.constant 16384 : i32
    %mul3A_1695 = arith.muli %select_n3A, %mul3A_1694 : i32
    %jit3A_1696 = arith.constant 0 : i32
    %broadcast_in_dim3A_1697 = vector.broadcast %jit3A_1696 : i32 to vector<16xi32>
    %select_n3A_1698 = arith.select %and3A_1687, %gather3A_1677, %broadcast_in_dim3A_1697 : vector<16xi1>, vector<16xi32>
    %add3A_1699 = vector.broadcast %mul3A_1695 : i32 to vector<16xi32>
    %add3A_1700 = arith.addi %add3A_1699, %select_n3A_1698 : vector<16xi32>
    %swap3A_1701 = arith.constant 0 : i32
    %swap3A_1702 = arith.index_cast %swap3A_1701 : i32 to index
    %swap3A_1703 = arith.constant 48 : index
    %swap3A_1704 = tpu.vector_load %arg8[%swap3A_1702, %swap3A_1703] {strides = array<i32>} : memref<4x128xi32, #tpu.memory_space<vmem>>, vector<16xi32>,
    tpu.vector_store %arg8[%swap3A_1702, %swap3A_1703], %add3A_1700 {strides = array<i32>} : memref<4x128xi32, #tpu.memory_space<vmem>>, vector<16xi32>,
    %iota3A_1705 = tpu.iota {dimensions = array<i32: 0>} : vector<16xi32>
    %add3A_1706 = arith.constant 64 : i32
    %add3A_1707 = vector.broadcast %add3A_1706 : i32 to vector<16xi32>
    %add3A_1708 = arith.addi %iota3A_1705, %add3A_1707 : vector<16xi32>
    %jit3A_1709 = arith.constant 10 : i32
    %div3A_1710 = vector.broadcast %jit3A_1709 : i32 to vector<16xi32>
    %div3A_1711 = arith.divsi %add3A_1708, %div3A_1710 : vector<16xi32>
    %sign3A_1712 = arith.constant 0 : i32
    %sign3A_1713 = vector.broadcast %sign3A_1712 : i32 to vector<16xi32>
    %sign3A_1714 = arith.cmpi sgt, %add3A_1708, %sign3A_1713 : vector<16xi32>
    %sign3A_1715 = arith.extui %sign3A_1714 : vector<16xi1> to vector<16xi32>
    %sign3A_1716 = arith.constant 0 : i32
    %sign3A_1717 = vector.broadcast %sign3A_1716 : i32 to vector<16xi32>
    %sign3A_1718 = arith.cmpi slt, %add3A_1708, %sign3A_1717 : vector<16xi32>
    %sign3A_1719 = arith.extui %sign3A_1718 : vector<16xi1> to vector<16xi32>
    %sign3A_1720 = arith.subi %sign3A_1715, %sign3A_1719 : vector<16xi32>
    %sign3A_1721 = arith.constant 0 : i32
    %sign3A_1722 = arith.cmpi sgt, %jit3A_1709, %sign3A_1721 : i32
    %sign3A_1723 = arith.extui %sign3A_1722 : i1 to i32
    %sign3A_1724 = arith.constant 0 : i32
    %sign3A_1725 = arith.cmpi slt, %jit3A_1709, %sign3A_1724 : i32
    %sign3A_1726 = arith.extui %sign3A_1725 : i1 to i32
    %sign3A_1727 = arith.subi %sign3A_1723, %sign3A_1726 : i32
    %ne3A_1728 = vector.broadcast %sign3A_1727 : i32 to vector<16xi32>
    %ne3A_1729 = arith.cmpi ne, %sign3A_1720, %ne3A_1728 : vector<16xi32>
    %rem3A_1730 = vector.broadcast %jit3A_1709 : i32 to vector<16xi32>
    %rem3A_1731 = arith.remsi %add3A_1708, %rem3A_1730 : vector<16xi32>
    %ne3A_1732 = arith.constant 0 : i32
    %ne3A_1733 = vector.broadcast %ne3A_1732 : i32 to vector<16xi32>
    %ne3A_1734 = arith.cmpi ne, %rem3A_1731, %ne3A_1733 : vector<16xi32>
    %and3A_1735 = arith.andi %ne3A_1729, %ne3A_1734 : vector<16xi1>
    %sub3A_1736 = arith.constant 1 : i32
    %sub3A_1737 = vector.broadcast %sub3A_1736 : i32 to vector<16xi32>
    %sub3A_1738 = arith.subi %div3A_1711, %sub3A_1737 : vector<16xi32>
    %select_n3A_1739 = arith.select %and3A_1735, %sub3A_1738, %div3A_1711 : vector<16xi1>, vector<16xi32>
    %mul3A_1740 = arith.constant 10 : i32
    %mul3A_1741 = vector.broadcast %mul3A_1740 : i32 to vector<16xi32>
    %mul3A_1742 = arith.muli %select_n3A_1739, %mul3A_1741 : vector<16xi32>
    %sub3A_1743 = arith.subi %add3A_1708, %mul3A_1742 : vector<16xi32>
    %gather3A_1744 = tpu.vector_load_idx %arg6[%select_n3A_1739, %sub3A_1743] : memref<64x16xi32, #tpu.memory_space<vmem>>[vector<16xi32>, vector<16xi32>], vector<16xi32>,
    %iota3A_1745 = tpu.iota {dimensions = array<i32: 0>} : vector<16xi32>
    %add3A_1746 = arith.constant 64 : i32
    %add3A_1747 = vector.broadcast %add3A_1746 : i32 to vector<16xi32>
    %add3A_1748 = arith.addi %iota3A_1745, %add3A_1747 : vector<16xi32>
    %gather3A_1749 = tpu.vector_load_idx %arg7[%gather3A_1744] : memref<17408xi32, #tpu.memory_space<vmem>>[vector<16xi32>], vector<16xi32>,
    %eq3A_1750 = arith.cmpi eq, %gather3A_1749, %add3A_1748 : vector<16xi32>
    %lt3A_1751 = arith.constant 16384 : i32
    %lt3A_1752 = vector.broadcast %lt3A_1751 : i32 to vector<16xi32>
    %lt3A_1753 = arith.cmpi slt, %gather3A_1744, %lt3A_1752 : vector<16xi32>
    %and3A_1754 = arith.andi %eq3A_1750, %lt3A_1753 : vector<16xi1>
    %jit3A_1755 = arith.constant 1.000000e+00 : f32
    %jit3A_1756 = arith.constant 0.000000e+00 : f32
    %broadcast_in_dim3A_1757 = vector.broadcast %jit3A_1755 : f32 to vector<16xf32>
    %broadcast_in_dim3A_1758 = vector.broadcast %jit3A_1756 : f32 to vector<16xf32>
    %select_n3A_1759 = arith.select %and3A_1754, %broadcast_in_dim3A_1757, %broadcast_in_dim3A_1758 : vector<16xi1>, vector<16xf32>
    %add3A_1760 = arith.addf %add3A_1693, %select_n3A_1759 : vector<16xf32>
    %mul3A_1761 = arith.constant 16384 : i32
    %mul3A_1762 = arith.muli %select_n3A, %mul3A_1761 : i32
    %jit3A_1763 = arith.constant 0 : i32
    %broadcast_in_dim3A_1764 = vector.broadcast %jit3A_1763 : i32 to vector<16xi32>
    %select_n3A_1765 = arith.select %and3A_1754, %gather3A_1744, %broadcast_in_dim3A_1764 : vector<16xi1>, vector<16xi32>
    %add3A_1766 = vector.broadcast %mul3A_1762 : i32 to vector<16xi32>
    %add3A_1767 = arith.addi %add3A_1766, %select_n3A_1765 : vector<16xi32>
    %swap3A_1768 = arith.constant 0 : i32
    %swap3A_1769 = arith.index_cast %swap3A_1768 : i32 to index
    %swap3A_1770 = arith.constant 64 : index
    %swap3A_1771 = tpu.vector_load %arg8[%swap3A_1769, %swap3A_1770] {strides = array<i32>} : memref<4x128xi32, #tpu.memory_space<vmem>>, vector<16xi32>,
    tpu.vector_store %arg8[%swap3A_1769, %swap3A_1770], %add3A_1767 {strides = array<i32>} : memref<4x128xi32, #tpu.memory_space<vmem>>, vector<16xi32>,
    %iota3A_1772 = tpu.iota {dimensions = array<i32: 0>} : vector<16xi32>
    %add3A_1773 = arith.constant 80 : i32
    %add3A_1774 = vector.broadcast %add3A_1773 : i32 to vector<16xi32>
    %add3A_1775 = arith.addi %iota3A_1772, %add3A_1774 : vector<16xi32>
    %jit3A_1776 = arith.constant 10 : i32
    %div3A_1777 = vector.broadcast %jit3A_1776 : i32 to vector<16xi32>
    %div3A_1778 = arith.divsi %add3A_1775, %div3A_1777 : vector<16xi32>
    %sign3A_1779 = arith.constant 0 : i32
    %sign3A_1780 = vector.broadcast %sign3A_1779 : i32 to vector<16xi32>
    %sign3A_1781 = arith.cmpi sgt, %add3A_1775, %sign3A_1780 : vector<16xi32>
    %sign3A_1782 = arith.extui %sign3A_1781 : vector<16xi1> to vector<16xi32>
    %sign3A_1783 = arith.constant 0 : i32
    %sign3A_1784 = vector.broadcast %sign3A_1783 : i32 to vector<16xi32>
    %sign3A_1785 = arith.cmpi slt, %add3A_1775, %sign3A_1784 : vector<16xi32>
    %sign3A_1786 = arith.extui %sign3A_1785 : vector<16xi1> to vector<16xi32>
    %sign3A_1787 = arith.subi %sign3A_1782, %sign3A_1786 : vector<16xi32>
    %sign3A_1788 = arith.constant 0 : i32
    %sign3A_1789 = arith.cmpi sgt, %jit3A_1776, %sign3A_1788 : i32
    %sign3A_1790 = arith.extui %sign3A_1789 : i1 to i32
    %sign3A_1791 = arith.constant 0 : i32
    %sign3A_1792 = arith.cmpi slt, %jit3A_1776, %sign3A_1791 : i32
    %sign3A_1793 = arith.extui %sign3A_1792 : i1 to i32
    %sign3A_1794 = arith.subi %sign3A_1790, %sign3A_1793 : i32
    %ne3A_1795 = vector.broadcast %sign3A_1794 : i32 to vector<16xi32>
    %ne3A_1796 = arith.cmpi ne, %sign3A_1787, %ne3A_1795 : vector<16xi32>
    %rem3A_1797 = vector.broadcast %jit3A_1776 : i32 to vector<16xi32>
    %rem3A_1798 = arith.remsi %add3A_1775, %rem3A_1797 : vector<16xi32>
    %ne3A_1799 = arith.constant 0 : i32
    %ne3A_1800 = vector.broadcast %ne3A_1799 : i32 to vector<16xi32>
    %ne3A_1801 = arith.cmpi ne, %rem3A_1798, %ne3A_1800 : vector<16xi32>
    %and3A_1802 = arith.andi %ne3A_1796, %ne3A_1801 : vector<16xi1>
    %sub3A_1803 = arith.constant 1 : i32
    %sub3A_1804 = vector.broadcast %sub3A_1803 : i32 to vector<16xi32>
    %sub3A_1805 = arith.subi %div3A_1778, %sub3A_1804 : vector<16xi32>
    %select_n3A_1806 = arith.select %and3A_1802, %sub3A_1805, %div3A_1778 : vector<16xi1>, vector<16xi32>
    %mul3A_1807 = arith.constant 10 : i32
    %mul3A_1808 = vector.broadcast %mul3A_1807 : i32 to vector<16xi32>
    %mul3A_1809 = arith.muli %select_n3A_1806, %mul3A_1808 : vector<16xi32>
    %sub3A_1810 = arith.subi %add3A_1775, %mul3A_1809 : vector<16xi32>
    %gather3A_1811 = tpu.vector_load_idx %arg6[%select_n3A_1806, %sub3A_1810] : memref<64x16xi32, #tpu.memory_space<vmem>>[vector<16xi32>, vector<16xi32>], vector<16xi32>,
    %iota3A_1812 = tpu.iota {dimensions = array<i32: 0>} : vector<16xi32>
    %add3A_1813 = arith.constant 80 : i32
    %add3A_1814 = vector.broadcast %add3A_1813 : i32 to vector<16xi32>
    %add3A_1815 = arith.addi %iota3A_1812, %add3A_1814 : vector<16xi32>
    %gather3A_1816 = tpu.vector_load_idx %arg7[%gather3A_1811] : memref<17408xi32, #tpu.memory_space<vmem>>[vector<16xi32>], vector<16xi32>,
    %eq3A_1817 = arith.cmpi eq, %gather3A_1816, %add3A_1815 : vector<16xi32>
    %lt3A_1818 = arith.constant 16384 : i32
    %lt3A_1819 = vector.broadcast %lt3A_1818 : i32 to vector<16xi32>
    %lt3A_1820 = arith.cmpi slt, %gather3A_1811, %lt3A_1819 : vector<16xi32>
    %and3A_1821 = arith.andi %eq3A_1817, %lt3A_1820 : vector<16xi1>
    %jit3A_1822 = arith.constant 1.000000e+00 : f32
    %jit3A_1823 = arith.constant 0.000000e+00 : f32
    %broadcast_in_dim3A_1824 = vector.broadcast %jit3A_1822 : f32 to vector<16xf32>
    %broadcast_in_dim3A_1825 = vector.broadcast %jit3A_1823 : f32 to vector<16xf32>
    %select_n3A_1826 = arith.select %and3A_1821, %broadcast_in_dim3A_1824, %broadcast_in_dim3A_1825 : vector<16xi1>, vector<16xf32>
    %add3A_1827 = arith.addf %add3A_1760, %select_n3A_1826 : vector<16xf32>
    %mul3A_1828 = arith.constant 16384 : i32
    %mul3A_1829 = arith.muli %select_n3A, %mul3A_1828 : i32
    %jit3A_1830 = arith.constant 0 : i32
    %broadcast_in_dim3A_1831 = vector.broadcast %jit3A_1830 : i32 to vector<16xi32>
    %select_n3A_1832 = arith.select %and3A_1821, %gather3A_1811, %broadcast_in_dim3A_1831 : vector<16xi1>, vector<16xi32>
    %add3A_1833 = vector.broadcast %mul3A_1829 : i32 to vector<16xi32>
    %add3A_1834 = arith.addi %add3A_1833, %select_n3A_1832 : vector<16xi32>
    %swap3A_1835 = arith.constant 0 : i32
    %swap3A_1836 = arith.index_cast %swap3A_1835 : i32 to index
    %swap3A_1837 = arith.constant 80 : index
    %swap3A_1838 = tpu.vector_load %arg8[%swap3A_1836, %swap3A_1837] {strides = array<i32>} : memref<4x128xi32, #tpu.memory_space<vmem>>, vector<16xi32>,
    tpu.vector_store %arg8[%swap3A_1836, %swap3A_1837], %add3A_1834 {strides = array<i32>} : memref<4x128xi32, #tpu.memory_space<vmem>>, vector<16xi32>,
    %iota3A_1839 = tpu.iota {dimensions = array<i32: 0>} : vector<16xi32>
    %add3A_1840 = arith.constant 96 : i32
    %add3A_1841 = vector.broadcast %add3A_1840 : i32 to vector<16xi32>
    %add3A_1842 = arith.addi %iota3A_1839, %add3A_1841 : vector<16xi32>
    %jit3A_1843 = arith.constant 10 : i32
    %div3A_1844 = vector.broadcast %jit3A_1843 : i32 to vector<16xi32>
    %div3A_1845 = arith.divsi %add3A_1842, %div3A_1844 : vector<16xi32>
    %sign3A_1846 = arith.constant 0 : i32
    %sign3A_1847 = vector.broadcast %sign3A_1846 : i32 to vector<16xi32>
    %sign3A_1848 = arith.cmpi sgt, %add3A_1842, %sign3A_1847 : vector<16xi32>
    %sign3A_1849 = arith.extui %sign3A_1848 : vector<16xi1> to vector<16xi32>
    %sign3A_1850 = arith.constant 0 : i32
    %sign3A_1851 = vector.broadcast %sign3A_1850 : i32 to vector<16xi32>
    %sign3A_1852 = arith.cmpi slt, %add3A_1842, %sign3A_1851 : vector<16xi32>
    %sign3A_1853 = arith.extui %sign3A_1852 : vector<16xi1> to vector<16xi32>
    %sign3A_1854 = arith.subi %sign3A_1849, %sign3A_1853 : vector<16xi32>
    %sign3A_1855 = arith.constant 0 : i32
    %sign3A_1856 = arith.cmpi sgt, %jit3A_1843, %sign3A_1855 : i32
    %sign3A_1857 = arith.extui %sign3A_1856 : i1 to i32
    %sign3A_1858 = arith.constant 0 : i32
    %sign3A_1859 = arith.cmpi slt, %jit3A_1843, %sign3A_1858 : i32
    %sign3A_1860 = arith.extui %sign3A_1859 : i1 to i32
    %sign3A_1861 = arith.subi %sign3A_1857, %sign3A_1860 : i32
    %ne3A_1862 = vector.broadcast %sign3A_1861 : i32 to vector<16xi32>
    %ne3A_1863 = arith.cmpi ne, %sign3A_1854, %ne3A_1862 : vector<16xi32>
    %rem3A_1864 = vector.broadcast %jit3A_1843 : i32 to vector<16xi32>
    %rem3A_1865 = arith.remsi %add3A_1842, %rem3A_1864 : vector<16xi32>
    %ne3A_1866 = arith.constant 0 : i32
    %ne3A_1867 = vector.broadcast %ne3A_1866 : i32 to vector<16xi32>
    %ne3A_1868 = arith.cmpi ne, %rem3A_1865, %ne3A_1867 : vector<16xi32>
    %and3A_1869 = arith.andi %ne3A_1863, %ne3A_1868 : vector<16xi1>
    %sub3A_1870 = arith.constant 1 : i32
    %sub3A_1871 = vector.broadcast %sub3A_1870 : i32 to vector<16xi32>
    %sub3A_1872 = arith.subi %div3A_1845, %sub3A_1871 : vector<16xi32>
    %select_n3A_1873 = arith.select %and3A_1869, %sub3A_1872, %div3A_1845 : vector<16xi1>, vector<16xi32>
    %mul3A_1874 = arith.constant 10 : i32
    %mul3A_1875 = vector.broadcast %mul3A_1874 : i32 to vector<16xi32>
    %mul3A_1876 = arith.muli %select_n3A_1873, %mul3A_1875 : vector<16xi32>
    %sub3A_1877 = arith.subi %add3A_1842, %mul3A_1876 : vector<16xi32>
    %gather3A_1878 = tpu.vector_load_idx %arg6[%select_n3A_1873, %sub3A_1877] : memref<64x16xi32, #tpu.memory_space<vmem>>[vector<16xi32>, vector<16xi32>], vector<16xi32>,
    %iota3A_1879 = tpu.iota {dimensions = array<i32: 0>} : vector<16xi32>
    %add3A_1880 = arith.constant 96 : i32
    %add3A_1881 = vector.broadcast %add3A_1880 : i32 to vector<16xi32>
    %add3A_1882 = arith.addi %iota3A_1879, %add3A_1881 : vector<16xi32>
    %gather3A_1883 = tpu.vector_load_idx %arg7[%gather3A_1878] : memref<17408xi32, #tpu.memory_space<vmem>>[vector<16xi32>], vector<16xi32>,
    %eq3A_1884 = arith.cmpi eq, %gather3A_1883, %add3A_1882 : vector<16xi32>
    %lt3A_1885 = arith.constant 16384 : i32
    %lt3A_1886 = vector.broadcast %lt3A_1885 : i32 to vector<16xi32>
    %lt3A_1887 = arith.cmpi slt, %gather3A_1878, %lt3A_1886 : vector<16xi32>
    %and3A_1888 = arith.andi %eq3A_1884, %lt3A_1887 : vector<16xi1>
    %jit3A_1889 = arith.constant 1.000000e+00 : f32
    %jit3A_1890 = arith.constant 0.000000e+00 : f32
    %broadcast_in_dim3A_1891 = vector.broadcast %jit3A_1889 : f32 to vector<16xf32>
    %broadcast_in_dim3A_1892 = vector.broadcast %jit3A_1890 : f32 to vector<16xf32>
    %select_n3A_1893 = arith.select %and3A_1888, %broadcast_in_dim3A_1891, %broadcast_in_dim3A_1892 : vector<16xi1>, vector<16xf32>
    %add3A_1894 = arith.addf %add3A_1827, %select_n3A_1893 : vector<16xf32>
    %mul3A_1895 = arith.constant 16384 : i32
    %mul3A_1896 = arith.muli %select_n3A, %mul3A_1895 : i32
    %jit3A_1897 = arith.constant 0 : i32
    %broadcast_in_dim3A_1898 = vector.broadcast %jit3A_1897 : i32 to vector<16xi32>
    %select_n3A_1899 = arith.select %and3A_1888, %gather3A_1878, %broadcast_in_dim3A_1898 : vector<16xi1>, vector<16xi32>
    %add3A_1900 = vector.broadcast %mul3A_1896 : i32 to vector<16xi32>
    %add3A_1901 = arith.addi %add3A_1900, %select_n3A_1899 : vector<16xi32>
    %swap3A_1902 = arith.constant 0 : i32
    %swap3A_1903 = arith.index_cast %swap3A_1902 : i32 to index
    %swap3A_1904 = arith.constant 96 : index
    %swap3A_1905 = tpu.vector_load %arg8[%swap3A_1903, %swap3A_1904] {strides = array<i32>} : memref<4x128xi32, #tpu.memory_space<vmem>>, vector<16xi32>,
    tpu.vector_store %arg8[%swap3A_1903, %swap3A_1904], %add3A_1901 {strides = array<i32>} : memref<4x128xi32, #tpu.memory_space<vmem>>, vector<16xi32>,
    %iota3A_1906 = tpu.iota {dimensions = array<i32: 0>} : vector<16xi32>
    %add3A_1907 = arith.constant 112 : i32
    %add3A_1908 = vector.broadcast %add3A_1907 : i32 to vector<16xi32>
    %add3A_1909 = arith.addi %iota3A_1906, %add3A_1908 : vector<16xi32>
    %jit3A_1910 = arith.constant 10 : i32
    %div3A_1911 = vector.broadcast %jit3A_1910 : i32 to vector<16xi32>
    %div3A_1912 = arith.divsi %add3A_1909, %div3A_1911 : vector<16xi32>
    %sign3A_1913 = arith.constant 0 : i32
    %sign3A_1914 = vector.broadcast %sign3A_1913 : i32 to vector<16xi32>
    %sign3A_1915 = arith.cmpi sgt, %add3A_1909, %sign3A_1914 : vector<16xi32>
    %sign3A_1916 = arith.extui %sign3A_1915 : vector<16xi1> to vector<16xi32>
    %sign3A_1917 = arith.constant 0 : i32
    %sign3A_1918 = vector.broadcast %sign3A_1917 : i32 to vector<16xi32>
    %sign3A_1919 = arith.cmpi slt, %add3A_1909, %sign3A_1918 : vector<16xi32>
    %sign3A_1920 = arith.extui %sign3A_1919 : vector<16xi1> to vector<16xi32>
    %sign3A_1921 = arith.subi %sign3A_1916, %sign3A_1920 : vector<16xi32>
    %sign3A_1922 = arith.constant 0 : i32
    %sign3A_1923 = arith.cmpi sgt, %jit3A_1910, %sign3A_1922 : i32
    %sign3A_1924 = arith.extui %sign3A_1923 : i1 to i32
    %sign3A_1925 = arith.constant 0 : i32
    %sign3A_1926 = arith.cmpi slt, %jit3A_1910, %sign3A_1925 : i32
    %sign3A_1927 = arith.extui %sign3A_1926 : i1 to i32
    %sign3A_1928 = arith.subi %sign3A_1924, %sign3A_1927 : i32
    %ne3A_1929 = vector.broadcast %sign3A_1928 : i32 to vector<16xi32>
    %ne3A_1930 = arith.cmpi ne, %sign3A_1921, %ne3A_1929 : vector<16xi32>
    %rem3A_1931 = vector.broadcast %jit3A_1910 : i32 to vector<16xi32>
    %rem3A_1932 = arith.remsi %add3A_1909, %rem3A_1931 : vector<16xi32>
    %ne3A_1933 = arith.constant 0 : i32
    %ne3A_1934 = vector.broadcast %ne3A_1933 : i32 to vector<16xi32>
    %ne3A_1935 = arith.cmpi ne, %rem3A_1932, %ne3A_1934 : vector<16xi32>
    %and3A_1936 = arith.andi %ne3A_1930, %ne3A_1935 : vector<16xi1>
    %sub3A_1937 = arith.constant 1 : i32
    %sub3A_1938 = vector.broadcast %sub3A_1937 : i32 to vector<16xi32>
    %sub3A_1939 = arith.subi %div3A_1912, %sub3A_1938 : vector<16xi32>
    %select_n3A_1940 = arith.select %and3A_1936, %sub3A_1939, %div3A_1912 : vector<16xi1>, vector<16xi32>
    %mul3A_1941 = arith.constant 10 : i32
    %mul3A_1942 = vector.broadcast %mul3A_1941 : i32 to vector<16xi32>
    %mul3A_1943 = arith.muli %select_n3A_1940, %mul3A_1942 : vector<16xi32>
    %sub3A_1944 = arith.subi %add3A_1909, %mul3A_1943 : vector<16xi32>
    %gather3A_1945 = tpu.vector_load_idx %arg6[%select_n3A_1940, %sub3A_1944] : memref<64x16xi32, #tpu.memory_space<vmem>>[vector<16xi32>, vector<16xi32>], vector<16xi32>,
    %iota3A_1946 = tpu.iota {dimensions = array<i32: 0>} : vector<16xi32>
    %add3A_1947 = arith.constant 112 : i32
    %add3A_1948 = vector.broadcast %add3A_1947 : i32 to vector<16xi32>
    %add3A_1949 = arith.addi %iota3A_1946, %add3A_1948 : vector<16xi32>
    %gather3A_1950 = tpu.vector_load_idx %arg7[%gather3A_1945] : memref<17408xi32, #tpu.memory_space<vmem>>[vector<16xi32>], vector<16xi32>,
    %eq3A_1951 = arith.cmpi eq, %gather3A_1950, %add3A_1949 : vector<16xi32>
    %lt3A_1952 = arith.constant 16384 : i32
    %lt3A_1953 = vector.broadcast %lt3A_1952 : i32 to vector<16xi32>
    %lt3A_1954 = arith.cmpi slt, %gather3A_1945, %lt3A_1953 : vector<16xi32>
    %and3A_1955 = arith.andi %eq3A_1951, %lt3A_1954 : vector<16xi1>
    %jit3A_1956 = arith.constant 1.000000e+00 : f32
    %jit3A_1957 = arith.constant 0.000000e+00 : f32
    %broadcast_in_dim3A_1958 = vector.broadcast %jit3A_1956 : f32 to vector<16xf32>
    %broadcast_in_dim3A_1959 = vector.broadcast %jit3A_1957 : f32 to vector<16xf32>
    %select_n3A_1960 = arith.select %and3A_1955, %broadcast_in_dim3A_1958, %broadcast_in_dim3A_1959 : vector<16xi1>, vector<16xf32>
    %add3A_1961 = arith.addf %add3A_1894, %select_n3A_1960 : vector<16xf32>
    %mul3A_1962 = arith.constant 16384 : i32
    %mul3A_1963 = arith.muli %select_n3A, %mul3A_1962 : i32
    %jit3A_1964 = arith.constant 0 : i32
    %broadcast_in_dim3A_1965 = vector.broadcast %jit3A_1964 : i32 to vector<16xi32>
    %select_n3A_1966 = arith.select %and3A_1955, %gather3A_1945, %broadcast_in_dim3A_1965 : vector<16xi1>, vector<16xi32>
    %add3A_1967 = vector.broadcast %mul3A_1963 : i32 to vector<16xi32>
    %add3A_1968 = arith.addi %add3A_1967, %select_n3A_1966 : vector<16xi32>
    %swap3A_1969 = arith.constant 0 : i32
    %swap3A_1970 = arith.index_cast %swap3A_1969 : i32 to index
    %swap3A_1971 = arith.constant 112 : index
    %swap3A_1972 = tpu.vector_load %arg8[%swap3A_1970, %swap3A_1971] {strides = array<i32>} : memref<4x128xi32, #tpu.memory_space<vmem>>, vector<16xi32>,
    tpu.vector_store %arg8[%swap3A_1970, %swap3A_1971], %add3A_1968 {strides = array<i32>} : memref<4x128xi32, #tpu.memory_space<vmem>>, vector<16xi32>,
    %iota3A_1973 = tpu.iota {dimensions = array<i32: 0>} : vector<16xi32>
    %add3A_1974 = arith.constant 128 : i32
    %add3A_1975 = vector.broadcast %add3A_1974 : i32 to vector<16xi32>
    %add3A_1976 = arith.addi %iota3A_1973, %add3A_1975 : vector<16xi32>
    %jit3A_1977 = arith.constant 10 : i32
    %div3A_1978 = vector.broadcast %jit3A_1977 : i32 to vector<16xi32>
    %div3A_1979 = arith.divsi %add3A_1976, %div3A_1978 : vector<16xi32>
    %sign3A_1980 = arith.constant 0 : i32
    %sign3A_1981 = vector.broadcast %sign3A_1980 : i32 to vector<16xi32>
    %sign3A_1982 = arith.cmpi sgt, %add3A_1976, %sign3A_1981 : vector<16xi32>
    %sign3A_1983 = arith.extui %sign3A_1982 : vector<16xi1> to vector<16xi32>
    %sign3A_1984 = arith.constant 0 : i32
    %sign3A_1985 = vector.broadcast %sign3A_1984 : i32 to vector<16xi32>
    %sign3A_1986 = arith.cmpi slt, %add3A_1976, %sign3A_1985 : vector<16xi32>
    %sign3A_1987 = arith.extui %sign3A_1986 : vector<16xi1> to vector<16xi32>
    %sign3A_1988 = arith.subi %sign3A_1983, %sign3A_1987 : vector<16xi32>
    %sign3A_1989 = arith.constant 0 : i32
    %sign3A_1990 = arith.cmpi sgt, %jit3A_1977, %sign3A_1989 : i32
    %sign3A_1991 = arith.extui %sign3A_1990 : i1 to i32
    %sign3A_1992 = arith.constant 0 : i32
    %sign3A_1993 = arith.cmpi slt, %jit3A_1977, %sign3A_1992 : i32
    %sign3A_1994 = arith.extui %sign3A_1993 : i1 to i32
    %sign3A_1995 = arith.subi %sign3A_1991, %sign3A_1994 : i32
    %ne3A_1996 = vector.broadcast %sign3A_1995 : i32 to vector<16xi32>
    %ne3A_1997 = arith.cmpi ne, %sign3A_1988, %ne3A_1996 : vector<16xi32>
    %rem3A_1998 = vector.broadcast %jit3A_1977 : i32 to vector<16xi32>
    %rem3A_1999 = arith.remsi %add3A_1976, %rem3A_1998 : vector<16xi32>
    %ne3A_2000 = arith.constant 0 : i32
    %ne3A_2001 = vector.broadcast %ne3A_2000 : i32 to vector<16xi32>
    %ne3A_2002 = arith.cmpi ne, %rem3A_1999, %ne3A_2001 : vector<16xi32>
    %and3A_2003 = arith.andi %ne3A_1997, %ne3A_2002 : vector<16xi1>
    %sub3A_2004 = arith.constant 1 : i32
    %sub3A_2005 = vector.broadcast %sub3A_2004 : i32 to vector<16xi32>
    %sub3A_2006 = arith.subi %div3A_1979, %sub3A_2005 : vector<16xi32>
    %select_n3A_2007 = arith.select %and3A_2003, %sub3A_2006, %div3A_1979 : vector<16xi1>, vector<16xi32>
    %mul3A_2008 = arith.constant 10 : i32
    %mul3A_2009 = vector.broadcast %mul3A_2008 : i32 to vector<16xi32>
    %mul3A_2010 = arith.muli %select_n3A_2007, %mul3A_2009 : vector<16xi32>
    %sub3A_2011 = arith.subi %add3A_1976, %mul3A_2010 : vector<16xi32>
    %gather3A_2012 = tpu.vector_load_idx %arg6[%select_n3A_2007, %sub3A_2011] : memref<64x16xi32, #tpu.memory_space<vmem>>[vector<16xi32>, vector<16xi32>], vector<16xi32>,
    %iota3A_2013 = tpu.iota {dimensions = array<i32: 0>} : vector<16xi32>
    %add3A_2014 = arith.constant 128 : i32
    %add3A_2015 = vector.broadcast %add3A_2014 : i32 to vector<16xi32>
    %add3A_2016 = arith.addi %iota3A_2013, %add3A_2015 : vector<16xi32>
    %gather3A_2017 = tpu.vector_load_idx %arg7[%gather3A_2012] : memref<17408xi32, #tpu.memory_space<vmem>>[vector<16xi32>], vector<16xi32>,
    %eq3A_2018 = arith.cmpi eq, %gather3A_2017, %add3A_2016 : vector<16xi32>
    %lt3A_2019 = arith.constant 16384 : i32
    %lt3A_2020 = vector.broadcast %lt3A_2019 : i32 to vector<16xi32>
    %lt3A_2021 = arith.cmpi slt, %gather3A_2012, %lt3A_2020 : vector<16xi32>
    %and3A_2022 = arith.andi %eq3A_2018, %lt3A_2021 : vector<16xi1>
    %jit3A_2023 = arith.constant 1.000000e+00 : f32
    %jit3A_2024 = arith.constant 0.000000e+00 : f32
    %broadcast_in_dim3A_2025 = vector.broadcast %jit3A_2023 : f32 to vector<16xf32>
    %broadcast_in_dim3A_2026 = vector.broadcast %jit3A_2024 : f32 to vector<16xf32>
    %select_n3A_2027 = arith.select %and3A_2022, %broadcast_in_dim3A_2025, %broadcast_in_dim3A_2026 : vector<16xi1>, vector<16xf32>
    %add3A_2028 = arith.addf %add3A_1961, %select_n3A_2027 : vector<16xf32>
    %mul3A_2029 = arith.constant 16384 : i32
    %mul3A_2030 = arith.muli %select_n3A, %mul3A_2029 : i32
    %jit3A_2031 = arith.constant 0 : i32
    %broadcast_in_dim3A_2032 = vector.broadcast %jit3A_2031 : i32 to vector<16xi32>
    %select_n3A_2033 = arith.select %and3A_2022, %gather3A_2012, %broadcast_in_dim3A_2032 : vector<16xi1>, vector<16xi32>
    %add3A_2034 = vector.broadcast %mul3A_2030 : i32 to vector<16xi32>
    %add3A_2035 = arith.addi %add3A_2034, %select_n3A_2033 : vector<16xi32>
    %swap3A_2036 = arith.constant 1 : i32
    %swap3A_2037 = arith.index_cast %swap3A_2036 : i32 to index
    %swap3A_2038 = arith.constant 0 : index
    %swap3A_2039 = tpu.vector_load %arg8[%swap3A_2037, %swap3A_2038] {strides = array<i32>} : memref<4x128xi32, #tpu.memory_space<vmem>>, vector<16xi32>,
    tpu.vector_store %arg8[%swap3A_2037, %swap3A_2038], %add3A_2035 {strides = array<i32>} : memref<4x128xi32, #tpu.memory_space<vmem>>, vector<16xi32>,
    %iota3A_2040 = tpu.iota {dimensions = array<i32: 0>} : vector<16xi32>
    %add3A_2041 = arith.constant 144 : i32
    %add3A_2042 = vector.broadcast %add3A_2041 : i32 to vector<16xi32>
    %add3A_2043 = arith.addi %iota3A_2040, %add3A_2042 : vector<16xi32>
    %jit3A_2044 = arith.constant 10 : i32
    %div3A_2045 = vector.broadcast %jit3A_2044 : i32 to vector<16xi32>
    %div3A_2046 = arith.divsi %add3A_2043, %div3A_2045 : vector<16xi32>
    %sign3A_2047 = arith.constant 0 : i32
    %sign3A_2048 = vector.broadcast %sign3A_2047 : i32 to vector<16xi32>
    %sign3A_2049 = arith.cmpi sgt, %add3A_2043, %sign3A_2048 : vector<16xi32>
    %sign3A_2050 = arith.extui %sign3A_2049 : vector<16xi1> to vector<16xi32>
    %sign3A_2051 = arith.constant 0 : i32
    %sign3A_2052 = vector.broadcast %sign3A_2051 : i32 to vector<16xi32>
    %sign3A_2053 = arith.cmpi slt, %add3A_2043, %sign3A_2052 : vector<16xi32>
    %sign3A_2054 = arith.extui %sign3A_2053 : vector<16xi1> to vector<16xi32>
    %sign3A_2055 = arith.subi %sign3A_2050, %sign3A_2054 : vector<16xi32>
    %sign3A_2056 = arith.constant 0 : i32
    %sign3A_2057 = arith.cmpi sgt, %jit3A_2044, %sign3A_2056 : i32
    %sign3A_2058 = arith.extui %sign3A_2057 : i1 to i32
    %sign3A_2059 = arith.constant 0 : i32
    %sign3A_2060 = arith.cmpi slt, %jit3A_2044, %sign3A_2059 : i32
    %sign3A_2061 = arith.extui %sign3A_2060 : i1 to i32
    %sign3A_2062 = arith.subi %sign3A_2058, %sign3A_2061 : i32
    %ne3A_2063 = vector.broadcast %sign3A_2062 : i32 to vector<16xi32>
    %ne3A_2064 = arith.cmpi ne, %sign3A_2055, %ne3A_2063 : vector<16xi32>
    %rem3A_2065 = vector.broadcast %jit3A_2044 : i32 to vector<16xi32>
    %rem3A_2066 = arith.remsi %add3A_2043, %rem3A_2065 : vector<16xi32>
    %ne3A_2067 = arith.constant 0 : i32
    %ne3A_2068 = vector.broadcast %ne3A_2067 : i32 to vector<16xi32>
    %ne3A_2069 = arith.cmpi ne, %rem3A_2066, %ne3A_2068 : vector<16xi32>
    %and3A_2070 = arith.andi %ne3A_2064, %ne3A_2069 : vector<16xi1>
    %sub3A_2071 = arith.constant 1 : i32
    %sub3A_2072 = vector.broadcast %sub3A_2071 : i32 to vector<16xi32>
    %sub3A_2073 = arith.subi %div3A_2046, %sub3A_2072 : vector<16xi32>
    %select_n3A_2074 = arith.select %and3A_2070, %sub3A_2073, %div3A_2046 : vector<16xi1>, vector<16xi32>
    %mul3A_2075 = arith.constant 10 : i32
    %mul3A_2076 = vector.broadcast %mul3A_2075 : i32 to vector<16xi32>
    %mul3A_2077 = arith.muli %select_n3A_2074, %mul3A_2076 : vector<16xi32>
    %sub3A_2078 = arith.subi %add3A_2043, %mul3A_2077 : vector<16xi32>
    %gather3A_2079 = tpu.vector_load_idx %arg6[%select_n3A_2074, %sub3A_2078] : memref<64x16xi32, #tpu.memory_space<vmem>>[vector<16xi32>, vector<16xi32>], vector<16xi32>,
    %iota3A_2080 = tpu.iota {dimensions = array<i32: 0>} : vector<16xi32>
    %add3A_2081 = arith.constant 144 : i32
    %add3A_2082 = vector.broadcast %add3A_2081 : i32 to vector<16xi32>
    %add3A_2083 = arith.addi %iota3A_2080, %add3A_2082 : vector<16xi32>
    %gather3A_2084 = tpu.vector_load_idx %arg7[%gather3A_2079] : memref<17408xi32, #tpu.memory_space<vmem>>[vector<16xi32>], vector<16xi32>,
    %eq3A_2085 = arith.cmpi eq, %gather3A_2084, %add3A_2083 : vector<16xi32>
    %lt3A_2086 = arith.constant 16384 : i32
    %lt3A_2087 = vector.broadcast %lt3A_2086 : i32 to vector<16xi32>
    %lt3A_2088 = arith.cmpi slt, %gather3A_2079, %lt3A_2087 : vector<16xi32>
    %and3A_2089 = arith.andi %eq3A_2085, %lt3A_2088 : vector<16xi1>
    %jit3A_2090 = arith.constant 1.000000e+00 : f32
    %jit3A_2091 = arith.constant 0.000000e+00 : f32
    %broadcast_in_dim3A_2092 = vector.broadcast %jit3A_2090 : f32 to vector<16xf32>
    %broadcast_in_dim3A_2093 = vector.broadcast %jit3A_2091 : f32 to vector<16xf32>
    %select_n3A_2094 = arith.select %and3A_2089, %broadcast_in_dim3A_2092, %broadcast_in_dim3A_2093 : vector<16xi1>, vector<16xf32>
    %add3A_2095 = arith.addf %add3A_2028, %select_n3A_2094 : vector<16xf32>
    %mul3A_2096 = arith.constant 16384 : i32
    %mul3A_2097 = arith.muli %select_n3A, %mul3A_2096 : i32
    %jit3A_2098 = arith.constant 0 : i32
    %broadcast_in_dim3A_2099 = vector.broadcast %jit3A_2098 : i32 to vector<16xi32>
    %select_n3A_2100 = arith.select %and3A_2089, %gather3A_2079, %broadcast_in_dim3A_2099 : vector<16xi1>, vector<16xi32>
    %add3A_2101 = vector.broadcast %mul3A_2097 : i32 to vector<16xi32>
    %add3A_2102 = arith.addi %add3A_2101, %select_n3A_2100 : vector<16xi32>
    %swap3A_2103 = arith.constant 1 : i32
    %swap3A_2104 = arith.index_cast %swap3A_2103 : i32 to index
    %swap3A_2105 = arith.constant 16 : index
    %swap3A_2106 = tpu.vector_load %arg8[%swap3A_2104, %swap3A_2105] {strides = array<i32>} : memref<4x128xi32, #tpu.memory_space<vmem>>, vector<16xi32>,
    tpu.vector_store %arg8[%swap3A_2104, %swap3A_2105], %add3A_2102 {strides = array<i32>} : memref<4x128xi32, #tpu.memory_space<vmem>>, vector<16xi32>,
    %iota3A_2107 = tpu.iota {dimensions = array<i32: 0>} : vector<16xi32>
    %add3A_2108 = arith.constant 160 : i32
    %add3A_2109 = vector.broadcast %add3A_2108 : i32 to vector<16xi32>
    %add3A_2110 = arith.addi %iota3A_2107, %add3A_2109 : vector<16xi32>
    %jit3A_2111 = arith.constant 10 : i32
    %div3A_2112 = vector.broadcast %jit3A_2111 : i32 to vector<16xi32>
    %div3A_2113 = arith.divsi %add3A_2110, %div3A_2112 : vector<16xi32>
    %sign3A_2114 = arith.constant 0 : i32
    %sign3A_2115 = vector.broadcast %sign3A_2114 : i32 to vector<16xi32>
    %sign3A_2116 = arith.cmpi sgt, %add3A_2110, %sign3A_2115 : vector<16xi32>
    %sign3A_2117 = arith.extui %sign3A_2116 : vector<16xi1> to vector<16xi32>
    %sign3A_2118 = arith.constant 0 : i32
    %sign3A_2119 = vector.broadcast %sign3A_2118 : i32 to vector<16xi32>
    %sign3A_2120 = arith.cmpi slt, %add3A_2110, %sign3A_2119 : vector<16xi32>
    %sign3A_2121 = arith.extui %sign3A_2120 : vector<16xi1> to vector<16xi32>
    %sign3A_2122 = arith.subi %sign3A_2117, %sign3A_2121 : vector<16xi32>
    %sign3A_2123 = arith.constant 0 : i32
    %sign3A_2124 = arith.cmpi sgt, %jit3A_2111, %sign3A_2123 : i32
    %sign3A_2125 = arith.extui %sign3A_2124 : i1 to i32
    %sign3A_2126 = arith.constant 0 : i32
    %sign3A_2127 = arith.cmpi slt, %jit3A_2111, %sign3A_2126 : i32
    %sign3A_2128 = arith.extui %sign3A_2127 : i1 to i32
    %sign3A_2129 = arith.subi %sign3A_2125, %sign3A_2128 : i32
    %ne3A_2130 = vector.broadcast %sign3A_2129 : i32 to vector<16xi32>
    %ne3A_2131 = arith.cmpi ne, %sign3A_2122, %ne3A_2130 : vector<16xi32>
    %rem3A_2132 = vector.broadcast %jit3A_2111 : i32 to vector<16xi32>
    %rem3A_2133 = arith.remsi %add3A_2110, %rem3A_2132 : vector<16xi32>
    %ne3A_2134 = arith.constant 0 : i32
    %ne3A_2135 = vector.broadcast %ne3A_2134 : i32 to vector<16xi32>
    %ne3A_2136 = arith.cmpi ne, %rem3A_2133, %ne3A_2135 : vector<16xi32>
    %and3A_2137 = arith.andi %ne3A_2131, %ne3A_2136 : vector<16xi1>
    %sub3A_2138 = arith.constant 1 : i32
    %sub3A_2139 = vector.broadcast %sub3A_2138 : i32 to vector<16xi32>
    %sub3A_2140 = arith.subi %div3A_2113, %sub3A_2139 : vector<16xi32>
    %select_n3A_2141 = arith.select %and3A_2137, %sub3A_2140, %div3A_2113 : vector<16xi1>, vector<16xi32>
    %mul3A_2142 = arith.constant 10 : i32
    %mul3A_2143 = vector.broadcast %mul3A_2142 : i32 to vector<16xi32>
    %mul3A_2144 = arith.muli %select_n3A_2141, %mul3A_2143 : vector<16xi32>
    %sub3A_2145 = arith.subi %add3A_2110, %mul3A_2144 : vector<16xi32>
    %gather3A_2146 = tpu.vector_load_idx %arg6[%select_n3A_2141, %sub3A_2145] : memref<64x16xi32, #tpu.memory_space<vmem>>[vector<16xi32>, vector<16xi32>], vector<16xi32>,
    %iota3A_2147 = tpu.iota {dimensions = array<i32: 0>} : vector<16xi32>
    %add3A_2148 = arith.constant 160 : i32
    %add3A_2149 = vector.broadcast %add3A_2148 : i32 to vector<16xi32>
    %add3A_2150 = arith.addi %iota3A_2147, %add3A_2149 : vector<16xi32>
    %gather3A_2151 = tpu.vector_load_idx %arg7[%gather3A_2146] : memref<17408xi32, #tpu.memory_space<vmem>>[vector<16xi32>], vector<16xi32>,
    %eq3A_2152 = arith.cmpi eq, %gather3A_2151, %add3A_2150 : vector<16xi32>
    %lt3A_2153 = arith.constant 16384 : i32
    %lt3A_2154 = vector.broadcast %lt3A_2153 : i32 to vector<16xi32>
    %lt3A_2155 = arith.cmpi slt, %gather3A_2146, %lt3A_2154 : vector<16xi32>
    %and3A_2156 = arith.andi %eq3A_2152, %lt3A_2155 : vector<16xi1>
    %jit3A_2157 = arith.constant 1.000000e+00 : f32
    %jit3A_2158 = arith.constant 0.000000e+00 : f32
    %broadcast_in_dim3A_2159 = vector.broadcast %jit3A_2157 : f32 to vector<16xf32>
    %broadcast_in_dim3A_2160 = vector.broadcast %jit3A_2158 : f32 to vector<16xf32>
    %select_n3A_2161 = arith.select %and3A_2156, %broadcast_in_dim3A_2159, %broadcast_in_dim3A_2160 : vector<16xi1>, vector<16xf32>
    %add3A_2162 = arith.addf %add3A_2095, %select_n3A_2161 : vector<16xf32>
    %mul3A_2163 = arith.constant 16384 : i32
    %mul3A_2164 = arith.muli %select_n3A, %mul3A_2163 : i32
    %jit3A_2165 = arith.constant 0 : i32
    %broadcast_in_dim3A_2166 = vector.broadcast %jit3A_2165 : i32 to vector<16xi32>
    %select_n3A_2167 = arith.select %and3A_2156, %gather3A_2146, %broadcast_in_dim3A_2166 : vector<16xi1>, vector<16xi32>
    %add3A_2168 = vector.broadcast %mul3A_2164 : i32 to vector<16xi32>
    %add3A_2169 = arith.addi %add3A_2168, %select_n3A_2167 : vector<16xi32>
    %swap3A_2170 = arith.constant 1 : i32
    %swap3A_2171 = arith.index_cast %swap3A_2170 : i32 to index
    %swap3A_2172 = arith.constant 32 : index
    %swap3A_2173 = tpu.vector_load %arg8[%swap3A_2171, %swap3A_2172] {strides = array<i32>} : memref<4x128xi32, #tpu.memory_space<vmem>>, vector<16xi32>,
    tpu.vector_store %arg8[%swap3A_2171, %swap3A_2172], %add3A_2169 {strides = array<i32>} : memref<4x128xi32, #tpu.memory_space<vmem>>, vector<16xi32>,
    %iota3A_2174 = tpu.iota {dimensions = array<i32: 0>} : vector<16xi32>
    %add3A_2175 = arith.constant 176 : i32
    %add3A_2176 = vector.broadcast %add3A_2175 : i32 to vector<16xi32>
    %add3A_2177 = arith.addi %iota3A_2174, %add3A_2176 : vector<16xi32>
    %jit3A_2178 = arith.constant 10 : i32
    %div3A_2179 = vector.broadcast %jit3A_2178 : i32 to vector<16xi32>
    %div3A_2180 = arith.divsi %add3A_2177, %div3A_2179 : vector<16xi32>
    %sign3A_2181 = arith.constant 0 : i32
    %sign3A_2182 = vector.broadcast %sign3A_2181 : i32 to vector<16xi32>
    %sign3A_2183 = arith.cmpi sgt, %add3A_2177, %sign3A_2182 : vector<16xi32>
    %sign3A_2184 = arith.extui %sign3A_2183 : vector<16xi1> to vector<16xi32>
    %sign3A_2185 = arith.constant 0 : i32
    %sign3A_2186 = vector.broadcast %sign3A_2185 : i32 to vector<16xi32>
    %sign3A_2187 = arith.cmpi slt, %add3A_2177, %sign3A_2186 : vector<16xi32>
    %sign3A_2188 = arith.extui %sign3A_2187 : vector<16xi1> to vector<16xi32>
    %sign3A_2189 = arith.subi %sign3A_2184, %sign3A_2188 : vector<16xi32>
    %sign3A_2190 = arith.constant 0 : i32
    %sign3A_2191 = arith.cmpi sgt, %jit3A_2178, %sign3A_2190 : i32
    %sign3A_2192 = arith.extui %sign3A_2191 : i1 to i32
    %sign3A_2193 = arith.constant 0 : i32
    %sign3A_2194 = arith.cmpi slt, %jit3A_2178, %sign3A_2193 : i32
    %sign3A_2195 = arith.extui %sign3A_2194 : i1 to i32
    %sign3A_2196 = arith.subi %sign3A_2192, %sign3A_2195 : i32
    %ne3A_2197 = vector.broadcast %sign3A_2196 : i32 to vector<16xi32>
    %ne3A_2198 = arith.cmpi ne, %sign3A_2189, %ne3A_2197 : vector<16xi32>
    %rem3A_2199 = vector.broadcast %jit3A_2178 : i32 to vector<16xi32>
    %rem3A_2200 = arith.remsi %add3A_2177, %rem3A_2199 : vector<16xi32>
    %ne3A_2201 = arith.constant 0 : i32
    %ne3A_2202 = vector.broadcast %ne3A_2201 : i32 to vector<16xi32>
    %ne3A_2203 = arith.cmpi ne, %rem3A_2200, %ne3A_2202 : vector<16xi32>
    %and3A_2204 = arith.andi %ne3A_2198, %ne3A_2203 : vector<16xi1>
    %sub3A_2205 = arith.constant 1 : i32
    %sub3A_2206 = vector.broadcast %sub3A_2205 : i32 to vector<16xi32>
    %sub3A_2207 = arith.subi %div3A_2180, %sub3A_2206 : vector<16xi32>
    %select_n3A_2208 = arith.select %and3A_2204, %sub3A_2207, %div3A_2180 : vector<16xi1>, vector<16xi32>
    %mul3A_2209 = arith.constant 10 : i32
    %mul3A_2210 = vector.broadcast %mul3A_2209 : i32 to vector<16xi32>
    %mul3A_2211 = arith.muli %select_n3A_2208, %mul3A_2210 : vector<16xi32>
    %sub3A_2212 = arith.subi %add3A_2177, %mul3A_2211 : vector<16xi32>
    %gather3A_2213 = tpu.vector_load_idx %arg6[%select_n3A_2208, %sub3A_2212] : memref<64x16xi32, #tpu.memory_space<vmem>>[vector<16xi32>, vector<16xi32>], vector<16xi32>,
    %iota3A_2214 = tpu.iota {dimensions = array<i32: 0>} : vector<16xi32>
    %add3A_2215 = arith.constant 176 : i32
    %add3A_2216 = vector.broadcast %add3A_2215 : i32 to vector<16xi32>
    %add3A_2217 = arith.addi %iota3A_2214, %add3A_2216 : vector<16xi32>
    %gather3A_2218 = tpu.vector_load_idx %arg7[%gather3A_2213] : memref<17408xi32, #tpu.memory_space<vmem>>[vector<16xi32>], vector<16xi32>,
    %eq3A_2219 = arith.cmpi eq, %gather3A_2218, %add3A_2217 : vector<16xi32>
    %lt3A_2220 = arith.constant 16384 : i32
    %lt3A_2221 = vector.broadcast %lt3A_2220 : i32 to vector<16xi32>
    %lt3A_2222 = arith.cmpi slt, %gather3A_2213, %lt3A_2221 : vector<16xi32>
    %and3A_2223 = arith.andi %eq3A_2219, %lt3A_2222 : vector<16xi1>
    %jit3A_2224 = arith.constant 1.000000e+00 : f32
    %jit3A_2225 = arith.constant 0.000000e+00 : f32
    %broadcast_in_dim3A_2226 = vector.broadcast %jit3A_2224 : f32 to vector<16xf32>
    %broadcast_in_dim3A_2227 = vector.broadcast %jit3A_2225 : f32 to vector<16xf32>
    %select_n3A_2228 = arith.select %and3A_2223, %broadcast_in_dim3A_2226, %broadcast_in_dim3A_2227 : vector<16xi1>, vector<16xf32>
    %add3A_2229 = arith.addf %add3A_2162, %select_n3A_2228 : vector<16xf32>
    %mul3A_2230 = arith.constant 16384 : i32
    %mul3A_2231 = arith.muli %select_n3A, %mul3A_2230 : i32
    %jit3A_2232 = arith.constant 0 : i32
    %broadcast_in_dim3A_2233 = vector.broadcast %jit3A_2232 : i32 to vector<16xi32>
    %select_n3A_2234 = arith.select %and3A_2223, %gather3A_2213, %broadcast_in_dim3A_2233 : vector<16xi1>, vector<16xi32>
    %add3A_2235 = vector.broadcast %mul3A_2231 : i32 to vector<16xi32>
    %add3A_2236 = arith.addi %add3A_2235, %select_n3A_2234 : vector<16xi32>
    %swap3A_2237 = arith.constant 1 : i32
    %swap3A_2238 = arith.index_cast %swap3A_2237 : i32 to index
    %swap3A_2239 = arith.constant 48 : index
    %swap3A_2240 = tpu.vector_load %arg8[%swap3A_2238, %swap3A_2239] {strides = array<i32>} : memref<4x128xi32, #tpu.memory_space<vmem>>, vector<16xi32>,
    tpu.vector_store %arg8[%swap3A_2238, %swap3A_2239], %add3A_2236 {strides = array<i32>} : memref<4x128xi32, #tpu.memory_space<vmem>>, vector<16xi32>,
    %iota3A_2241 = tpu.iota {dimensions = array<i32: 0>} : vector<16xi32>
    %add3A_2242 = arith.constant 192 : i32
    %add3A_2243 = vector.broadcast %add3A_2242 : i32 to vector<16xi32>
    %add3A_2244 = arith.addi %iota3A_2241, %add3A_2243 : vector<16xi32>
    %jit3A_2245 = arith.constant 10 : i32
    %div3A_2246 = vector.broadcast %jit3A_2245 : i32 to vector<16xi32>
    %div3A_2247 = arith.divsi %add3A_2244, %div3A_2246 : vector<16xi32>
    %sign3A_2248 = arith.constant 0 : i32
    %sign3A_2249 = vector.broadcast %sign3A_2248 : i32 to vector<16xi32>
    %sign3A_2250 = arith.cmpi sgt, %add3A_2244, %sign3A_2249 : vector<16xi32>
    %sign3A_2251 = arith.extui %sign3A_2250 : vector<16xi1> to vector<16xi32>
    %sign3A_2252 = arith.constant 0 : i32
    %sign3A_2253 = vector.broadcast %sign3A_2252 : i32 to vector<16xi32>
    %sign3A_2254 = arith.cmpi slt, %add3A_2244, %sign3A_2253 : vector<16xi32>
    %sign3A_2255 = arith.extui %sign3A_2254 : vector<16xi1> to vector<16xi32>
    %sign3A_2256 = arith.subi %sign3A_2251, %sign3A_2255 : vector<16xi32>
    %sign3A_2257 = arith.constant 0 : i32
    %sign3A_2258 = arith.cmpi sgt, %jit3A_2245, %sign3A_2257 : i32
    %sign3A_2259 = arith.extui %sign3A_2258 : i1 to i32
    %sign3A_2260 = arith.constant 0 : i32
    %sign3A_2261 = arith.cmpi slt, %jit3A_2245, %sign3A_2260 : i32
    %sign3A_2262 = arith.extui %sign3A_2261 : i1 to i32
    %sign3A_2263 = arith.subi %sign3A_2259, %sign3A_2262 : i32
    %ne3A_2264 = vector.broadcast %sign3A_2263 : i32 to vector<16xi32>
    %ne3A_2265 = arith.cmpi ne, %sign3A_2256, %ne3A_2264 : vector<16xi32>
    %rem3A_2266 = vector.broadcast %jit3A_2245 : i32 to vector<16xi32>
    %rem3A_2267 = arith.remsi %add3A_2244, %rem3A_2266 : vector<16xi32>
    %ne3A_2268 = arith.constant 0 : i32
    %ne3A_2269 = vector.broadcast %ne3A_2268 : i32 to vector<16xi32>
    %ne3A_2270 = arith.cmpi ne, %rem3A_2267, %ne3A_2269 : vector<16xi32>
    %and3A_2271 = arith.andi %ne3A_2265, %ne3A_2270 : vector<16xi1>
    %sub3A_2272 = arith.constant 1 : i32
    %sub3A_2273 = vector.broadcast %sub3A_2272 : i32 to vector<16xi32>
    %sub3A_2274 = arith.subi %div3A_2247, %sub3A_2273 : vector<16xi32>
    %select_n3A_2275 = arith.select %and3A_2271, %sub3A_2274, %div3A_2247 : vector<16xi1>, vector<16xi32>
    %mul3A_2276 = arith.constant 10 : i32
    %mul3A_2277 = vector.broadcast %mul3A_2276 : i32 to vector<16xi32>
    %mul3A_2278 = arith.muli %select_n3A_2275, %mul3A_2277 : vector<16xi32>
    %sub3A_2279 = arith.subi %add3A_2244, %mul3A_2278 : vector<16xi32>
    %gather3A_2280 = tpu.vector_load_idx %arg6[%select_n3A_2275, %sub3A_2279] : memref<64x16xi32, #tpu.memory_space<vmem>>[vector<16xi32>, vector<16xi32>], vector<16xi32>,
    %iota3A_2281 = tpu.iota {dimensions = array<i32: 0>} : vector<16xi32>
    %add3A_2282 = arith.constant 192 : i32
    %add3A_2283 = vector.broadcast %add3A_2282 : i32 to vector<16xi32>
    %add3A_2284 = arith.addi %iota3A_2281, %add3A_2283 : vector<16xi32>
    %gather3A_2285 = tpu.vector_load_idx %arg7[%gather3A_2280] : memref<17408xi32, #tpu.memory_space<vmem>>[vector<16xi32>], vector<16xi32>,
    %eq3A_2286 = arith.cmpi eq, %gather3A_2285, %add3A_2284 : vector<16xi32>
    %lt3A_2287 = arith.constant 16384 : i32
    %lt3A_2288 = vector.broadcast %lt3A_2287 : i32 to vector<16xi32>
    %lt3A_2289 = arith.cmpi slt, %gather3A_2280, %lt3A_2288 : vector<16xi32>
    %and3A_2290 = arith.andi %eq3A_2286, %lt3A_2289 : vector<16xi1>
    %jit3A_2291 = arith.constant 1.000000e+00 : f32
    %jit3A_2292 = arith.constant 0.000000e+00 : f32
    %broadcast_in_dim3A_2293 = vector.broadcast %jit3A_2291 : f32 to vector<16xf32>
    %broadcast_in_dim3A_2294 = vector.broadcast %jit3A_2292 : f32 to vector<16xf32>
    %select_n3A_2295 = arith.select %and3A_2290, %broadcast_in_dim3A_2293, %broadcast_in_dim3A_2294 : vector<16xi1>, vector<16xf32>
    %add3A_2296 = arith.addf %add3A_2229, %select_n3A_2295 : vector<16xf32>
    %mul3A_2297 = arith.constant 16384 : i32
    %mul3A_2298 = arith.muli %select_n3A, %mul3A_2297 : i32
    %jit3A_2299 = arith.constant 0 : i32
    %broadcast_in_dim3A_2300 = vector.broadcast %jit3A_2299 : i32 to vector<16xi32>
    %select_n3A_2301 = arith.select %and3A_2290, %gather3A_2280, %broadcast_in_dim3A_2300 : vector<16xi1>, vector<16xi32>
    %add3A_2302 = vector.broadcast %mul3A_2298 : i32 to vector<16xi32>
    %add3A_2303 = arith.addi %add3A_2302, %select_n3A_2301 : vector<16xi32>
    %swap3A_2304 = arith.constant 1 : i32
    %swap3A_2305 = arith.index_cast %swap3A_2304 : i32 to index
    %swap3A_2306 = arith.constant 64 : index
    %swap3A_2307 = tpu.vector_load %arg8[%swap3A_2305, %swap3A_2306] {strides = array<i32>} : memref<4x128xi32, #tpu.memory_space<vmem>>, vector<16xi32>,
    tpu.vector_store %arg8[%swap3A_2305, %swap3A_2306], %add3A_2303 {strides = array<i32>} : memref<4x128xi32, #tpu.memory_space<vmem>>, vector<16xi32>,
    %iota3A_2308 = tpu.iota {dimensions = array<i32: 0>} : vector<16xi32>
    %add3A_2309 = arith.constant 208 : i32
    %add3A_2310 = vector.broadcast %add3A_2309 : i32 to vector<16xi32>
    %add3A_2311 = arith.addi %iota3A_2308, %add3A_2310 : vector<16xi32>
    %jit3A_2312 = arith.constant 10 : i32
    %div3A_2313 = vector.broadcast %jit3A_2312 : i32 to vector<16xi32>
    %div3A_2314 = arith.divsi %add3A_2311, %div3A_2313 : vector<16xi32>
    %sign3A_2315 = arith.constant 0 : i32
    %sign3A_2316 = vector.broadcast %sign3A_2315 : i32 to vector<16xi32>
    %sign3A_2317 = arith.cmpi sgt, %add3A_2311, %sign3A_2316 : vector<16xi32>
    %sign3A_2318 = arith.extui %sign3A_2317 : vector<16xi1> to vector<16xi32>
    %sign3A_2319 = arith.constant 0 : i32
    %sign3A_2320 = vector.broadcast %sign3A_2319 : i32 to vector<16xi32>
    %sign3A_2321 = arith.cmpi slt, %add3A_2311, %sign3A_2320 : vector<16xi32>
    %sign3A_2322 = arith.extui %sign3A_2321 : vector<16xi1> to vector<16xi32>
    %sign3A_2323 = arith.subi %sign3A_2318, %sign3A_2322 : vector<16xi32>
    %sign3A_2324 = arith.constant 0 : i32
    %sign3A_2325 = arith.cmpi sgt, %jit3A_2312, %sign3A_2324 : i32
    %sign3A_2326 = arith.extui %sign3A_2325 : i1 to i32
    %sign3A_2327 = arith.constant 0 : i32
    %sign3A_2328 = arith.cmpi slt, %jit3A_2312, %sign3A_2327 : i32
    %sign3A_2329 = arith.extui %sign3A_2328 : i1 to i32
    %sign3A_2330 = arith.subi %sign3A_2326, %sign3A_2329 : i32
    %ne3A_2331 = vector.broadcast %sign3A_2330 : i32 to vector<16xi32>
    %ne3A_2332 = arith.cmpi ne, %sign3A_2323, %ne3A_2331 : vector<16xi32>
    %rem3A_2333 = vector.broadcast %jit3A_2312 : i32 to vector<16xi32>
    %rem3A_2334 = arith.remsi %add3A_2311, %rem3A_2333 : vector<16xi32>
    %ne3A_2335 = arith.constant 0 : i32
    %ne3A_2336 = vector.broadcast %ne3A_2335 : i32 to vector<16xi32>
    %ne3A_2337 = arith.cmpi ne, %rem3A_2334, %ne3A_2336 : vector<16xi32>
    %and3A_2338 = arith.andi %ne3A_2332, %ne3A_2337 : vector<16xi1>
    %sub3A_2339 = arith.constant 1 : i32
    %sub3A_2340 = vector.broadcast %sub3A_2339 : i32 to vector<16xi32>
    %sub3A_2341 = arith.subi %div3A_2314, %sub3A_2340 : vector<16xi32>
    %select_n3A_2342 = arith.select %and3A_2338, %sub3A_2341, %div3A_2314 : vector<16xi1>, vector<16xi32>
    %mul3A_2343 = arith.constant 10 : i32
    %mul3A_2344 = vector.broadcast %mul3A_2343 : i32 to vector<16xi32>
    %mul3A_2345 = arith.muli %select_n3A_2342, %mul3A_2344 : vector<16xi32>
    %sub3A_2346 = arith.subi %add3A_2311, %mul3A_2345 : vector<16xi32>
    %gather3A_2347 = tpu.vector_load_idx %arg6[%select_n3A_2342, %sub3A_2346] : memref<64x16xi32, #tpu.memory_space<vmem>>[vector<16xi32>, vector<16xi32>], vector<16xi32>,
    %iota3A_2348 = tpu.iota {dimensions = array<i32: 0>} : vector<16xi32>
    %add3A_2349 = arith.constant 208 : i32
    %add3A_2350 = vector.broadcast %add3A_2349 : i32 to vector<16xi32>
    %add3A_2351 = arith.addi %iota3A_2348, %add3A_2350 : vector<16xi32>
    %gather3A_2352 = tpu.vector_load_idx %arg7[%gather3A_2347] : memref<17408xi32, #tpu.memory_space<vmem>>[vector<16xi32>], vector<16xi32>,
    %eq3A_2353 = arith.cmpi eq, %gather3A_2352, %add3A_2351 : vector<16xi32>
    %lt3A_2354 = arith.constant 16384 : i32
    %lt3A_2355 = vector.broadcast %lt3A_2354 : i32 to vector<16xi32>
    %lt3A_2356 = arith.cmpi slt, %gather3A_2347, %lt3A_2355 : vector<16xi32>
    %and3A_2357 = arith.andi %eq3A_2353, %lt3A_2356 : vector<16xi1>
    %jit3A_2358 = arith.constant 1.000000e+00 : f32
    %jit3A_2359 = arith.constant 0.000000e+00 : f32
    %broadcast_in_dim3A_2360 = vector.broadcast %jit3A_2358 : f32 to vector<16xf32>
    %broadcast_in_dim3A_2361 = vector.broadcast %jit3A_2359 : f32 to vector<16xf32>
    %select_n3A_2362 = arith.select %and3A_2357, %broadcast_in_dim3A_2360, %broadcast_in_dim3A_2361 : vector<16xi1>, vector<16xf32>
    %add3A_2363 = arith.addf %add3A_2296, %select_n3A_2362 : vector<16xf32>
    %mul3A_2364 = arith.constant 16384 : i32
    %mul3A_2365 = arith.muli %select_n3A, %mul3A_2364 : i32
    %jit3A_2366 = arith.constant 0 : i32
    %broadcast_in_dim3A_2367 = vector.broadcast %jit3A_2366 : i32 to vector<16xi32>
    %select_n3A_2368 = arith.select %and3A_2357, %gather3A_2347, %broadcast_in_dim3A_2367 : vector<16xi1>, vector<16xi32>
    %add3A_2369 = vector.broadcast %mul3A_2365 : i32 to vector<16xi32>
    %add3A_2370 = arith.addi %add3A_2369, %select_n3A_2368 : vector<16xi32>
    %swap3A_2371 = arith.constant 1 : i32
    %swap3A_2372 = arith.index_cast %swap3A_2371 : i32 to index
    %swap3A_2373 = arith.constant 80 : index
    %swap3A_2374 = tpu.vector_load %arg8[%swap3A_2372, %swap3A_2373] {strides = array<i32>} : memref<4x128xi32, #tpu.memory_space<vmem>>, vector<16xi32>,
    tpu.vector_store %arg8[%swap3A_2372, %swap3A_2373], %add3A_2370 {strides = array<i32>} : memref<4x128xi32, #tpu.memory_space<vmem>>, vector<16xi32>,
    %iota3A_2375 = tpu.iota {dimensions = array<i32: 0>} : vector<16xi32>
    %add3A_2376 = arith.constant 224 : i32
    %add3A_2377 = vector.broadcast %add3A_2376 : i32 to vector<16xi32>
    %add3A_2378 = arith.addi %iota3A_2375, %add3A_2377 : vector<16xi32>
    %jit3A_2379 = arith.constant 10 : i32
    %div3A_2380 = vector.broadcast %jit3A_2379 : i32 to vector<16xi32>
    %div3A_2381 = arith.divsi %add3A_2378, %div3A_2380 : vector<16xi32>
    %sign3A_2382 = arith.constant 0 : i32
    %sign3A_2383 = vector.broadcast %sign3A_2382 : i32 to vector<16xi32>
    %sign3A_2384 = arith.cmpi sgt, %add3A_2378, %sign3A_2383 : vector<16xi32>
    %sign3A_2385 = arith.extui %sign3A_2384 : vector<16xi1> to vector<16xi32>
    %sign3A_2386 = arith.constant 0 : i32
    %sign3A_2387 = vector.broadcast %sign3A_2386 : i32 to vector<16xi32>
    %sign3A_2388 = arith.cmpi slt, %add3A_2378, %sign3A_2387 : vector<16xi32>
    %sign3A_2389 = arith.extui %sign3A_2388 : vector<16xi1> to vector<16xi32>
    %sign3A_2390 = arith.subi %sign3A_2385, %sign3A_2389 : vector<16xi32>
    %sign3A_2391 = arith.constant 0 : i32
    %sign3A_2392 = arith.cmpi sgt, %jit3A_2379, %sign3A_2391 : i32
    %sign3A_2393 = arith.extui %sign3A_2392 : i1 to i32
    %sign3A_2394 = arith.constant 0 : i32
    %sign3A_2395 = arith.cmpi slt, %jit3A_2379, %sign3A_2394 : i32
    %sign3A_2396 = arith.extui %sign3A_2395 : i1 to i32
    %sign3A_2397 = arith.subi %sign3A_2393, %sign3A_2396 : i32
    %ne3A_2398 = vector.broadcast %sign3A_2397 : i32 to vector<16xi32>
    %ne3A_2399 = arith.cmpi ne, %sign3A_2390, %ne3A_2398 : vector<16xi32>
    %rem3A_2400 = vector.broadcast %jit3A_2379 : i32 to vector<16xi32>
    %rem3A_2401 = arith.remsi %add3A_2378, %rem3A_2400 : vector<16xi32>
    %ne3A_2402 = arith.constant 0 : i32
    %ne3A_2403 = vector.broadcast %ne3A_2402 : i32 to vector<16xi32>
    %ne3A_2404 = arith.cmpi ne, %rem3A_2401, %ne3A_2403 : vector<16xi32>
    %and3A_2405 = arith.andi %ne3A_2399, %ne3A_2404 : vector<16xi1>
    %sub3A_2406 = arith.constant 1 : i32
    %sub3A_2407 = vector.broadcast %sub3A_2406 : i32 to vector<16xi32>
    %sub3A_2408 = arith.subi %div3A_2381, %sub3A_2407 : vector<16xi32>
    %select_n3A_2409 = arith.select %and3A_2405, %sub3A_2408, %div3A_2381 : vector<16xi1>, vector<16xi32>
    %mul3A_2410 = arith.constant 10 : i32
    %mul3A_2411 = vector.broadcast %mul3A_2410 : i32 to vector<16xi32>
    %mul3A_2412 = arith.muli %select_n3A_2409, %mul3A_2411 : vector<16xi32>
    %sub3A_2413 = arith.subi %add3A_2378, %mul3A_2412 : vector<16xi32>
    %gather3A_2414 = tpu.vector_load_idx %arg6[%select_n3A_2409, %sub3A_2413] : memref<64x16xi32, #tpu.memory_space<vmem>>[vector<16xi32>, vector<16xi32>], vector<16xi32>,
    %iota3A_2415 = tpu.iota {dimensions = array<i32: 0>} : vector<16xi32>
    %add3A_2416 = arith.constant 224 : i32
    %add3A_2417 = vector.broadcast %add3A_2416 : i32 to vector<16xi32>
    %add3A_2418 = arith.addi %iota3A_2415, %add3A_2417 : vector<16xi32>
    %gather3A_2419 = tpu.vector_load_idx %arg7[%gather3A_2414] : memref<17408xi32, #tpu.memory_space<vmem>>[vector<16xi32>], vector<16xi32>,
    %eq3A_2420 = arith.cmpi eq, %gather3A_2419, %add3A_2418 : vector<16xi32>
    %lt3A_2421 = arith.constant 16384 : i32
    %lt3A_2422 = vector.broadcast %lt3A_2421 : i32 to vector<16xi32>
    %lt3A_2423 = arith.cmpi slt, %gather3A_2414, %lt3A_2422 : vector<16xi32>
    %and3A_2424 = arith.andi %eq3A_2420, %lt3A_2423 : vector<16xi1>
    %jit3A_2425 = arith.constant 1.000000e+00 : f32
    %jit3A_2426 = arith.constant 0.000000e+00 : f32
    %broadcast_in_dim3A_2427 = vector.broadcast %jit3A_2425 : f32 to vector<16xf32>
    %broadcast_in_dim3A_2428 = vector.broadcast %jit3A_2426 : f32 to vector<16xf32>
    %select_n3A_2429 = arith.select %and3A_2424, %broadcast_in_dim3A_2427, %broadcast_in_dim3A_2428 : vector<16xi1>, vector<16xf32>
    %add3A_2430 = arith.addf %add3A_2363, %select_n3A_2429 : vector<16xf32>
    %mul3A_2431 = arith.constant 16384 : i32
    %mul3A_2432 = arith.muli %select_n3A, %mul3A_2431 : i32
    %jit3A_2433 = arith.constant 0 : i32
    %broadcast_in_dim3A_2434 = vector.broadcast %jit3A_2433 : i32 to vector<16xi32>
    %select_n3A_2435 = arith.select %and3A_2424, %gather3A_2414, %broadcast_in_dim3A_2434 : vector<16xi1>, vector<16xi32>
    %add3A_2436 = vector.broadcast %mul3A_2432 : i32 to vector<16xi32>
    %add3A_2437 = arith.addi %add3A_2436, %select_n3A_2435 : vector<16xi32>
    %swap3A_2438 = arith.constant 1 : i32
    %swap3A_2439 = arith.index_cast %swap3A_2438 : i32 to index
    %swap3A_2440 = arith.constant 96 : index
    %swap3A_2441 = tpu.vector_load %arg8[%swap3A_2439, %swap3A_2440] {strides = array<i32>} : memref<4x128xi32, #tpu.memory_space<vmem>>, vector<16xi32>,
    tpu.vector_store %arg8[%swap3A_2439, %swap3A_2440], %add3A_2437 {strides = array<i32>} : memref<4x128xi32, #tpu.memory_space<vmem>>, vector<16xi32>,
    %iota3A_2442 = tpu.iota {dimensions = array<i32: 0>} : vector<16xi32>
    %add3A_2443 = arith.constant 240 : i32
    %add3A_2444 = vector.broadcast %add3A_2443 : i32 to vector<16xi32>
    %add3A_2445 = arith.addi %iota3A_2442, %add3A_2444 : vector<16xi32>
    %jit3A_2446 = arith.constant 10 : i32
    %div3A_2447 = vector.broadcast %jit3A_2446 : i32 to vector<16xi32>
    %div3A_2448 = arith.divsi %add3A_2445, %div3A_2447 : vector<16xi32>
    %sign3A_2449 = arith.constant 0 : i32
    %sign3A_2450 = vector.broadcast %sign3A_2449 : i32 to vector<16xi32>
    %sign3A_2451 = arith.cmpi sgt, %add3A_2445, %sign3A_2450 : vector<16xi32>
    %sign3A_2452 = arith.extui %sign3A_2451 : vector<16xi1> to vector<16xi32>
    %sign3A_2453 = arith.constant 0 : i32
    %sign3A_2454 = vector.broadcast %sign3A_2453 : i32 to vector<16xi32>
    %sign3A_2455 = arith.cmpi slt, %add3A_2445, %sign3A_2454 : vector<16xi32>
    %sign3A_2456 = arith.extui %sign3A_2455 : vector<16xi1> to vector<16xi32>
    %sign3A_2457 = arith.subi %sign3A_2452, %sign3A_2456 : vector<16xi32>
    %sign3A_2458 = arith.constant 0 : i32
    %sign3A_2459 = arith.cmpi sgt, %jit3A_2446, %sign3A_2458 : i32
    %sign3A_2460 = arith.extui %sign3A_2459 : i1 to i32
    %sign3A_2461 = arith.constant 0 : i32
    %sign3A_2462 = arith.cmpi slt, %jit3A_2446, %sign3A_2461 : i32
    %sign3A_2463 = arith.extui %sign3A_2462 : i1 to i32
    %sign3A_2464 = arith.subi %sign3A_2460, %sign3A_2463 : i32
    %ne3A_2465 = vector.broadcast %sign3A_2464 : i32 to vector<16xi32>
    %ne3A_2466 = arith.cmpi ne, %sign3A_2457, %ne3A_2465 : vector<16xi32>
    %rem3A_2467 = vector.broadcast %jit3A_2446 : i32 to vector<16xi32>
    %rem3A_2468 = arith.remsi %add3A_2445, %rem3A_2467 : vector<16xi32>
    %ne3A_2469 = arith.constant 0 : i32
    %ne3A_2470 = vector.broadcast %ne3A_2469 : i32 to vector<16xi32>
    %ne3A_2471 = arith.cmpi ne, %rem3A_2468, %ne3A_2470 : vector<16xi32>
    %and3A_2472 = arith.andi %ne3A_2466, %ne3A_2471 : vector<16xi1>
    %sub3A_2473 = arith.constant 1 : i32
    %sub3A_2474 = vector.broadcast %sub3A_2473 : i32 to vector<16xi32>
    %sub3A_2475 = arith.subi %div3A_2448, %sub3A_2474 : vector<16xi32>
    %select_n3A_2476 = arith.select %and3A_2472, %sub3A_2475, %div3A_2448 : vector<16xi1>, vector<16xi32>
    %mul3A_2477 = arith.constant 10 : i32
    %mul3A_2478 = vector.broadcast %mul3A_2477 : i32 to vector<16xi32>
    %mul3A_2479 = arith.muli %select_n3A_2476, %mul3A_2478 : vector<16xi32>
    %sub3A_2480 = arith.subi %add3A_2445, %mul3A_2479 : vector<16xi32>
    %gather3A_2481 = tpu.vector_load_idx %arg6[%select_n3A_2476, %sub3A_2480] : memref<64x16xi32, #tpu.memory_space<vmem>>[vector<16xi32>, vector<16xi32>], vector<16xi32>,
    %iota3A_2482 = tpu.iota {dimensions = array<i32: 0>} : vector<16xi32>
    %add3A_2483 = arith.constant 240 : i32
    %add3A_2484 = vector.broadcast %add3A_2483 : i32 to vector<16xi32>
    %add3A_2485 = arith.addi %iota3A_2482, %add3A_2484 : vector<16xi32>
    %gather3A_2486 = tpu.vector_load_idx %arg7[%gather3A_2481] : memref<17408xi32, #tpu.memory_space<vmem>>[vector<16xi32>], vector<16xi32>,
    %eq3A_2487 = arith.cmpi eq, %gather3A_2486, %add3A_2485 : vector<16xi32>
    %lt3A_2488 = arith.constant 16384 : i32
    %lt3A_2489 = vector.broadcast %lt3A_2488 : i32 to vector<16xi32>
    %lt3A_2490 = arith.cmpi slt, %gather3A_2481, %lt3A_2489 : vector<16xi32>
    %and3A_2491 = arith.andi %eq3A_2487, %lt3A_2490 : vector<16xi1>
    %jit3A_2492 = arith.constant 1.000000e+00 : f32
    %jit3A_2493 = arith.constant 0.000000e+00 : f32
    %broadcast_in_dim3A_2494 = vector.broadcast %jit3A_2492 : f32 to vector<16xf32>
    %broadcast_in_dim3A_2495 = vector.broadcast %jit3A_2493 : f32 to vector<16xf32>
    %select_n3A_2496 = arith.select %and3A_2491, %broadcast_in_dim3A_2494, %broadcast_in_dim3A_2495 : vector<16xi1>, vector<16xf32>
    %add3A_2497 = arith.addf %add3A_2430, %select_n3A_2496 : vector<16xf32>
    %mul3A_2498 = arith.constant 16384 : i32
    %mul3A_2499 = arith.muli %select_n3A, %mul3A_2498 : i32
    %jit3A_2500 = arith.constant 0 : i32
    %broadcast_in_dim3A_2501 = vector.broadcast %jit3A_2500 : i32 to vector<16xi32>
    %select_n3A_2502 = arith.select %and3A_2491, %gather3A_2481, %broadcast_in_dim3A_2501 : vector<16xi1>, vector<16xi32>
    %add3A_2503 = vector.broadcast %mul3A_2499 : i32 to vector<16xi32>
    %add3A_2504 = arith.addi %add3A_2503, %select_n3A_2502 : vector<16xi32>
    %swap3A_2505 = arith.constant 1 : i32
    %swap3A_2506 = arith.index_cast %swap3A_2505 : i32 to index
    %swap3A_2507 = arith.constant 112 : index
    %swap3A_2508 = tpu.vector_load %arg8[%swap3A_2506, %swap3A_2507] {strides = array<i32>} : memref<4x128xi32, #tpu.memory_space<vmem>>, vector<16xi32>,
    tpu.vector_store %arg8[%swap3A_2506, %swap3A_2507], %add3A_2504 {strides = array<i32>} : memref<4x128xi32, #tpu.memory_space<vmem>>, vector<16xi32>,
    %iota3A_2509 = tpu.iota {dimensions = array<i32: 0>} : vector<16xi32>
    %add3A_2510 = arith.constant 256 : i32
    %add3A_2511 = vector.broadcast %add3A_2510 : i32 to vector<16xi32>
    %add3A_2512 = arith.addi %iota3A_2509, %add3A_2511 : vector<16xi32>
    %jit3A_2513 = arith.constant 10 : i32
    %div3A_2514 = vector.broadcast %jit3A_2513 : i32 to vector<16xi32>
    %div3A_2515 = arith.divsi %add3A_2512, %div3A_2514 : vector<16xi32>
    %sign3A_2516 = arith.constant 0 : i32
    %sign3A_2517 = vector.broadcast %sign3A_2516 : i32 to vector<16xi32>
    %sign3A_2518 = arith.cmpi sgt, %add3A_2512, %sign3A_2517 : vector<16xi32>
    %sign3A_2519 = arith.extui %sign3A_2518 : vector<16xi1> to vector<16xi32>
    %sign3A_2520 = arith.constant 0 : i32
    %sign3A_2521 = vector.broadcast %sign3A_2520 : i32 to vector<16xi32>
    %sign3A_2522 = arith.cmpi slt, %add3A_2512, %sign3A_2521 : vector<16xi32>
    %sign3A_2523 = arith.extui %sign3A_2522 : vector<16xi1> to vector<16xi32>
    %sign3A_2524 = arith.subi %sign3A_2519, %sign3A_2523 : vector<16xi32>
    %sign3A_2525 = arith.constant 0 : i32
    %sign3A_2526 = arith.cmpi sgt, %jit3A_2513, %sign3A_2525 : i32
    %sign3A_2527 = arith.extui %sign3A_2526 : i1 to i32
    %sign3A_2528 = arith.constant 0 : i32
    %sign3A_2529 = arith.cmpi slt, %jit3A_2513, %sign3A_2528 : i32
    %sign3A_2530 = arith.extui %sign3A_2529 : i1 to i32
    %sign3A_2531 = arith.subi %sign3A_2527, %sign3A_2530 : i32
    %ne3A_2532 = vector.broadcast %sign3A_2531 : i32 to vector<16xi32>
    %ne3A_2533 = arith.cmpi ne, %sign3A_2524, %ne3A_2532 : vector<16xi32>
    %rem3A_2534 = vector.broadcast %jit3A_2513 : i32 to vector<16xi32>
    %rem3A_2535 = arith.remsi %add3A_2512, %rem3A_2534 : vector<16xi32>
    %ne3A_2536 = arith.constant 0 : i32
    %ne3A_2537 = vector.broadcast %ne3A_2536 : i32 to vector<16xi32>
    %ne3A_2538 = arith.cmpi ne, %rem3A_2535, %ne3A_2537 : vector<16xi32>
    %and3A_2539 = arith.andi %ne3A_2533, %ne3A_2538 : vector<16xi1>
    %sub3A_2540 = arith.constant 1 : i32
    %sub3A_2541 = vector.broadcast %sub3A_2540 : i32 to vector<16xi32>
    %sub3A_2542 = arith.subi %div3A_2515, %sub3A_2541 : vector<16xi32>
    %select_n3A_2543 = arith.select %and3A_2539, %sub3A_2542, %div3A_2515 : vector<16xi1>, vector<16xi32>
    %mul3A_2544 = arith.constant 10 : i32
    %mul3A_2545 = vector.broadcast %mul3A_2544 : i32 to vector<16xi32>
    %mul3A_2546 = arith.muli %select_n3A_2543, %mul3A_2545 : vector<16xi32>
    %sub3A_2547 = arith.subi %add3A_2512, %mul3A_2546 : vector<16xi32>
    %gather3A_2548 = tpu.vector_load_idx %arg6[%select_n3A_2543, %sub3A_2547] : memref<64x16xi32, #tpu.memory_space<vmem>>[vector<16xi32>, vector<16xi32>], vector<16xi32>,
    %iota3A_2549 = tpu.iota {dimensions = array<i32: 0>} : vector<16xi32>
    %add3A_2550 = arith.constant 256 : i32
    %add3A_2551 = vector.broadcast %add3A_2550 : i32 to vector<16xi32>
    %add3A_2552 = arith.addi %iota3A_2549, %add3A_2551 : vector<16xi32>
    %gather3A_2553 = tpu.vector_load_idx %arg7[%gather3A_2548] : memref<17408xi32, #tpu.memory_space<vmem>>[vector<16xi32>], vector<16xi32>,
    %eq3A_2554 = arith.cmpi eq, %gather3A_2553, %add3A_2552 : vector<16xi32>
    %lt3A_2555 = arith.constant 16384 : i32
    %lt3A_2556 = vector.broadcast %lt3A_2555 : i32 to vector<16xi32>
    %lt3A_2557 = arith.cmpi slt, %gather3A_2548, %lt3A_2556 : vector<16xi32>
    %and3A_2558 = arith.andi %eq3A_2554, %lt3A_2557 : vector<16xi1>
    %jit3A_2559 = arith.constant 1.000000e+00 : f32
    %jit3A_2560 = arith.constant 0.000000e+00 : f32
    %broadcast_in_dim3A_2561 = vector.broadcast %jit3A_2559 : f32 to vector<16xf32>
    %broadcast_in_dim3A_2562 = vector.broadcast %jit3A_2560 : f32 to vector<16xf32>
    %select_n3A_2563 = arith.select %and3A_2558, %broadcast_in_dim3A_2561, %broadcast_in_dim3A_2562 : vector<16xi1>, vector<16xf32>
    %add3A_2564 = arith.addf %add3A_2497, %select_n3A_2563 : vector<16xf32>
    %mul3A_2565 = arith.constant 16384 : i32
    %mul3A_2566 = arith.muli %select_n3A, %mul3A_2565 : i32
    %jit3A_2567 = arith.constant 0 : i32
    %broadcast_in_dim3A_2568 = vector.broadcast %jit3A_2567 : i32 to vector<16xi32>
    %select_n3A_2569 = arith.select %and3A_2558, %gather3A_2548, %broadcast_in_dim3A_2568 : vector<16xi1>, vector<16xi32>
    %add3A_2570 = vector.broadcast %mul3A_2566 : i32 to vector<16xi32>
    %add3A_2571 = arith.addi %add3A_2570, %select_n3A_2569 : vector<16xi32>
    %swap3A_2572 = arith.constant 2 : i32
    %swap3A_2573 = arith.index_cast %swap3A_2572 : i32 to index
    %swap3A_2574 = arith.constant 0 : index
    %swap3A_2575 = tpu.vector_load %arg8[%swap3A_2573, %swap3A_2574] {strides = array<i32>} : memref<4x128xi32, #tpu.memory_space<vmem>>, vector<16xi32>,
    tpu.vector_store %arg8[%swap3A_2573, %swap3A_2574], %add3A_2571 {strides = array<i32>} : memref<4x128xi32, #tpu.memory_space<vmem>>, vector<16xi32>,
    %iota3A_2576 = tpu.iota {dimensions = array<i32: 0>} : vector<16xi32>
    %add3A_2577 = arith.constant 272 : i32
    %add3A_2578 = vector.broadcast %add3A_2577 : i32 to vector<16xi32>
    %add3A_2579 = arith.addi %iota3A_2576, %add3A_2578 : vector<16xi32>
    %jit3A_2580 = arith.constant 10 : i32
    %div3A_2581 = vector.broadcast %jit3A_2580 : i32 to vector<16xi32>
    %div3A_2582 = arith.divsi %add3A_2579, %div3A_2581 : vector<16xi32>
    %sign3A_2583 = arith.constant 0 : i32
    %sign3A_2584 = vector.broadcast %sign3A_2583 : i32 to vector<16xi32>
    %sign3A_2585 = arith.cmpi sgt, %add3A_2579, %sign3A_2584 : vector<16xi32>
    %sign3A_2586 = arith.extui %sign3A_2585 : vector<16xi1> to vector<16xi32>
    %sign3A_2587 = arith.constant 0 : i32
    %sign3A_2588 = vector.broadcast %sign3A_2587 : i32 to vector<16xi32>
    %sign3A_2589 = arith.cmpi slt, %add3A_2579, %sign3A_2588 : vector<16xi32>
    %sign3A_2590 = arith.extui %sign3A_2589 : vector<16xi1> to vector<16xi32>
    %sign3A_2591 = arith.subi %sign3A_2586, %sign3A_2590 : vector<16xi32>
    %sign3A_2592 = arith.constant 0 : i32
    %sign3A_2593 = arith.cmpi sgt, %jit3A_2580, %sign3A_2592 : i32
    %sign3A_2594 = arith.extui %sign3A_2593 : i1 to i32
    %sign3A_2595 = arith.constant 0 : i32
    %sign3A_2596 = arith.cmpi slt, %jit3A_2580, %sign3A_2595 : i32
    %sign3A_2597 = arith.extui %sign3A_2596 : i1 to i32
    %sign3A_2598 = arith.subi %sign3A_2594, %sign3A_2597 : i32
    %ne3A_2599 = vector.broadcast %sign3A_2598 : i32 to vector<16xi32>
    %ne3A_2600 = arith.cmpi ne, %sign3A_2591, %ne3A_2599 : vector<16xi32>
    %rem3A_2601 = vector.broadcast %jit3A_2580 : i32 to vector<16xi32>
    %rem3A_2602 = arith.remsi %add3A_2579, %rem3A_2601 : vector<16xi32>
    %ne3A_2603 = arith.constant 0 : i32
    %ne3A_2604 = vector.broadcast %ne3A_2603 : i32 to vector<16xi32>
    %ne3A_2605 = arith.cmpi ne, %rem3A_2602, %ne3A_2604 : vector<16xi32>
    %and3A_2606 = arith.andi %ne3A_2600, %ne3A_2605 : vector<16xi1>
    %sub3A_2607 = arith.constant 1 : i32
    %sub3A_2608 = vector.broadcast %sub3A_2607 : i32 to vector<16xi32>
    %sub3A_2609 = arith.subi %div3A_2582, %sub3A_2608 : vector<16xi32>
    %select_n3A_2610 = arith.select %and3A_2606, %sub3A_2609, %div3A_2582 : vector<16xi1>, vector<16xi32>
    %mul3A_2611 = arith.constant 10 : i32
    %mul3A_2612 = vector.broadcast %mul3A_2611 : i32 to vector<16xi32>
    %mul3A_2613 = arith.muli %select_n3A_2610, %mul3A_2612 : vector<16xi32>
    %sub3A_2614 = arith.subi %add3A_2579, %mul3A_2613 : vector<16xi32>
    %gather3A_2615 = tpu.vector_load_idx %arg6[%select_n3A_2610, %sub3A_2614] : memref<64x16xi32, #tpu.memory_space<vmem>>[vector<16xi32>, vector<16xi32>], vector<16xi32>,
    %iota3A_2616 = tpu.iota {dimensions = array<i32: 0>} : vector<16xi32>
    %add3A_2617 = arith.constant 272 : i32
    %add3A_2618 = vector.broadcast %add3A_2617 : i32 to vector<16xi32>
    %add3A_2619 = arith.addi %iota3A_2616, %add3A_2618 : vector<16xi32>
    %gather3A_2620 = tpu.vector_load_idx %arg7[%gather3A_2615] : memref<17408xi32, #tpu.memory_space<vmem>>[vector<16xi32>], vector<16xi32>,
    %eq3A_2621 = arith.cmpi eq, %gather3A_2620, %add3A_2619 : vector<16xi32>
    %lt3A_2622 = arith.constant 16384 : i32
    %lt3A_2623 = vector.broadcast %lt3A_2622 : i32 to vector<16xi32>
    %lt3A_2624 = arith.cmpi slt, %gather3A_2615, %lt3A_2623 : vector<16xi32>
    %and3A_2625 = arith.andi %eq3A_2621, %lt3A_2624 : vector<16xi1>
    %jit3A_2626 = arith.constant 1.000000e+00 : f32
    %jit3A_2627 = arith.constant 0.000000e+00 : f32
    %broadcast_in_dim3A_2628 = vector.broadcast %jit3A_2626 : f32 to vector<16xf32>
    %broadcast_in_dim3A_2629 = vector.broadcast %jit3A_2627 : f32 to vector<16xf32>
    %select_n3A_2630 = arith.select %and3A_2625, %broadcast_in_dim3A_2628, %broadcast_in_dim3A_2629 : vector<16xi1>, vector<16xf32>
    %add3A_2631 = arith.addf %add3A_2564, %select_n3A_2630 : vector<16xf32>
    %mul3A_2632 = arith.constant 16384 : i32
    %mul3A_2633 = arith.muli %select_n3A, %mul3A_2632 : i32
    %jit3A_2634 = arith.constant 0 : i32
    %broadcast_in_dim3A_2635 = vector.broadcast %jit3A_2634 : i32 to vector<16xi32>
    %select_n3A_2636 = arith.select %and3A_2625, %gather3A_2615, %broadcast_in_dim3A_2635 : vector<16xi1>, vector<16xi32>
    %add3A_2637 = vector.broadcast %mul3A_2633 : i32 to vector<16xi32>
    %add3A_2638 = arith.addi %add3A_2637, %select_n3A_2636 : vector<16xi32>
    %swap3A_2639 = arith.constant 2 : i32
    %swap3A_2640 = arith.index_cast %swap3A_2639 : i32 to index
    %swap3A_2641 = arith.constant 16 : index
    %swap3A_2642 = tpu.vector_load %arg8[%swap3A_2640, %swap3A_2641] {strides = array<i32>} : memref<4x128xi32, #tpu.memory_space<vmem>>, vector<16xi32>,
    tpu.vector_store %arg8[%swap3A_2640, %swap3A_2641], %add3A_2638 {strides = array<i32>} : memref<4x128xi32, #tpu.memory_space<vmem>>, vector<16xi32>,
    %iota3A_2643 = tpu.iota {dimensions = array<i32: 0>} : vector<16xi32>
    %add3A_2644 = arith.constant 288 : i32
    %add3A_2645 = vector.broadcast %add3A_2644 : i32 to vector<16xi32>
    %add3A_2646 = arith.addi %iota3A_2643, %add3A_2645 : vector<16xi32>
    %jit3A_2647 = arith.constant 10 : i32
    %div3A_2648 = vector.broadcast %jit3A_2647 : i32 to vector<16xi32>
    %div3A_2649 = arith.divsi %add3A_2646, %div3A_2648 : vector<16xi32>
    %sign3A_2650 = arith.constant 0 : i32
    %sign3A_2651 = vector.broadcast %sign3A_2650 : i32 to vector<16xi32>
    %sign3A_2652 = arith.cmpi sgt, %add3A_2646, %sign3A_2651 : vector<16xi32>
    %sign3A_2653 = arith.extui %sign3A_2652 : vector<16xi1> to vector<16xi32>
    %sign3A_2654 = arith.constant 0 : i32
    %sign3A_2655 = vector.broadcast %sign3A_2654 : i32 to vector<16xi32>
    %sign3A_2656 = arith.cmpi slt, %add3A_2646, %sign3A_2655 : vector<16xi32>
    %sign3A_2657 = arith.extui %sign3A_2656 : vector<16xi1> to vector<16xi32>
    %sign3A_2658 = arith.subi %sign3A_2653, %sign3A_2657 : vector<16xi32>
    %sign3A_2659 = arith.constant 0 : i32
    %sign3A_2660 = arith.cmpi sgt, %jit3A_2647, %sign3A_2659 : i32
    %sign3A_2661 = arith.extui %sign3A_2660 : i1 to i32
    %sign3A_2662 = arith.constant 0 : i32
    %sign3A_2663 = arith.cmpi slt, %jit3A_2647, %sign3A_2662 : i32
    %sign3A_2664 = arith.extui %sign3A_2663 : i1 to i32
    %sign3A_2665 = arith.subi %sign3A_2661, %sign3A_2664 : i32
    %ne3A_2666 = vector.broadcast %sign3A_2665 : i32 to vector<16xi32>
    %ne3A_2667 = arith.cmpi ne, %sign3A_2658, %ne3A_2666 : vector<16xi32>
    %rem3A_2668 = vector.broadcast %jit3A_2647 : i32 to vector<16xi32>
    %rem3A_2669 = arith.remsi %add3A_2646, %rem3A_2668 : vector<16xi32>
    %ne3A_2670 = arith.constant 0 : i32
    %ne3A_2671 = vector.broadcast %ne3A_2670 : i32 to vector<16xi32>
    %ne3A_2672 = arith.cmpi ne, %rem3A_2669, %ne3A_2671 : vector<16xi32>
    %and3A_2673 = arith.andi %ne3A_2667, %ne3A_2672 : vector<16xi1>
    %sub3A_2674 = arith.constant 1 : i32
    %sub3A_2675 = vector.broadcast %sub3A_2674 : i32 to vector<16xi32>
    %sub3A_2676 = arith.subi %div3A_2649, %sub3A_2675 : vector<16xi32>
    %select_n3A_2677 = arith.select %and3A_2673, %sub3A_2676, %div3A_2649 : vector<16xi1>, vector<16xi32>
    %mul3A_2678 = arith.constant 10 : i32
    %mul3A_2679 = vector.broadcast %mul3A_2678 : i32 to vector<16xi32>
    %mul3A_2680 = arith.muli %select_n3A_2677, %mul3A_2679 : vector<16xi32>
    %sub3A_2681 = arith.subi %add3A_2646, %mul3A_2680 : vector<16xi32>
    %gather3A_2682 = tpu.vector_load_idx %arg6[%select_n3A_2677, %sub3A_2681] : memref<64x16xi32, #tpu.memory_space<vmem>>[vector<16xi32>, vector<16xi32>], vector<16xi32>,
    %iota3A_2683 = tpu.iota {dimensions = array<i32: 0>} : vector<16xi32>
    %add3A_2684 = arith.constant 288 : i32
    %add3A_2685 = vector.broadcast %add3A_2684 : i32 to vector<16xi32>
    %add3A_2686 = arith.addi %iota3A_2683, %add3A_2685 : vector<16xi32>
    %gather3A_2687 = tpu.vector_load_idx %arg7[%gather3A_2682] : memref<17408xi32, #tpu.memory_space<vmem>>[vector<16xi32>], vector<16xi32>,
    %eq3A_2688 = arith.cmpi eq, %gather3A_2687, %add3A_2686 : vector<16xi32>
    %lt3A_2689 = arith.constant 16384 : i32
    %lt3A_2690 = vector.broadcast %lt3A_2689 : i32 to vector<16xi32>
    %lt3A_2691 = arith.cmpi slt, %gather3A_2682, %lt3A_2690 : vector<16xi32>
    %and3A_2692 = arith.andi %eq3A_2688, %lt3A_2691 : vector<16xi1>
    %jit3A_2693 = arith.constant 1.000000e+00 : f32
    %jit3A_2694 = arith.constant 0.000000e+00 : f32
    %broadcast_in_dim3A_2695 = vector.broadcast %jit3A_2693 : f32 to vector<16xf32>
    %broadcast_in_dim3A_2696 = vector.broadcast %jit3A_2694 : f32 to vector<16xf32>
    %select_n3A_2697 = arith.select %and3A_2692, %broadcast_in_dim3A_2695, %broadcast_in_dim3A_2696 : vector<16xi1>, vector<16xf32>
    %add3A_2698 = arith.addf %add3A_2631, %select_n3A_2697 : vector<16xf32>
    %mul3A_2699 = arith.constant 16384 : i32
    %mul3A_2700 = arith.muli %select_n3A, %mul3A_2699 : i32
    %jit3A_2701 = arith.constant 0 : i32
    %broadcast_in_dim3A_2702 = vector.broadcast %jit3A_2701 : i32 to vector<16xi32>
    %select_n3A_2703 = arith.select %and3A_2692, %gather3A_2682, %broadcast_in_dim3A_2702 : vector<16xi1>, vector<16xi32>
    %add3A_2704 = vector.broadcast %mul3A_2700 : i32 to vector<16xi32>
    %add3A_2705 = arith.addi %add3A_2704, %select_n3A_2703 : vector<16xi32>
    %swap3A_2706 = arith.constant 2 : i32
    %swap3A_2707 = arith.index_cast %swap3A_2706 : i32 to index
    %swap3A_2708 = arith.constant 32 : index
    %swap3A_2709 = tpu.vector_load %arg8[%swap3A_2707, %swap3A_2708] {strides = array<i32>} : memref<4x128xi32, #tpu.memory_space<vmem>>, vector<16xi32>,
    tpu.vector_store %arg8[%swap3A_2707, %swap3A_2708], %add3A_2705 {strides = array<i32>} : memref<4x128xi32, #tpu.memory_space<vmem>>, vector<16xi32>,
    %iota3A_2710 = tpu.iota {dimensions = array<i32: 0>} : vector<16xi32>
    %add3A_2711 = arith.constant 304 : i32
    %add3A_2712 = vector.broadcast %add3A_2711 : i32 to vector<16xi32>
    %add3A_2713 = arith.addi %iota3A_2710, %add3A_2712 : vector<16xi32>
    %jit3A_2714 = arith.constant 10 : i32
    %div3A_2715 = vector.broadcast %jit3A_2714 : i32 to vector<16xi32>
    %div3A_2716 = arith.divsi %add3A_2713, %div3A_2715 : vector<16xi32>
    %sign3A_2717 = arith.constant 0 : i32
    %sign3A_2718 = vector.broadcast %sign3A_2717 : i32 to vector<16xi32>
    %sign3A_2719 = arith.cmpi sgt, %add3A_2713, %sign3A_2718 : vector<16xi32>
    %sign3A_2720 = arith.extui %sign3A_2719 : vector<16xi1> to vector<16xi32>
    %sign3A_2721 = arith.constant 0 : i32
    %sign3A_2722 = vector.broadcast %sign3A_2721 : i32 to vector<16xi32>
    %sign3A_2723 = arith.cmpi slt, %add3A_2713, %sign3A_2722 : vector<16xi32>
    %sign3A_2724 = arith.extui %sign3A_2723 : vector<16xi1> to vector<16xi32>
    %sign3A_2725 = arith.subi %sign3A_2720, %sign3A_2724 : vector<16xi32>
    %sign3A_2726 = arith.constant 0 : i32
    %sign3A_2727 = arith.cmpi sgt, %jit3A_2714, %sign3A_2726 : i32
    %sign3A_2728 = arith.extui %sign3A_2727 : i1 to i32
    %sign3A_2729 = arith.constant 0 : i32
    %sign3A_2730 = arith.cmpi slt, %jit3A_2714, %sign3A_2729 : i32
    %sign3A_2731 = arith.extui %sign3A_2730 : i1 to i32
    %sign3A_2732 = arith.subi %sign3A_2728, %sign3A_2731 : i32
    %ne3A_2733 = vector.broadcast %sign3A_2732 : i32 to vector<16xi32>
    %ne3A_2734 = arith.cmpi ne, %sign3A_2725, %ne3A_2733 : vector<16xi32>
    %rem3A_2735 = vector.broadcast %jit3A_2714 : i32 to vector<16xi32>
    %rem3A_2736 = arith.remsi %add3A_2713, %rem3A_2735 : vector<16xi32>
    %ne3A_2737 = arith.constant 0 : i32
    %ne3A_2738 = vector.broadcast %ne3A_2737 : i32 to vector<16xi32>
    %ne3A_2739 = arith.cmpi ne, %rem3A_2736, %ne3A_2738 : vector<16xi32>
    %and3A_2740 = arith.andi %ne3A_2734, %ne3A_2739 : vector<16xi1>
    %sub3A_2741 = arith.constant 1 : i32
    %sub3A_2742 = vector.broadcast %sub3A_2741 : i32 to vector<16xi32>
    %sub3A_2743 = arith.subi %div3A_2716, %sub3A_2742 : vector<16xi32>
    %select_n3A_2744 = arith.select %and3A_2740, %sub3A_2743, %div3A_2716 : vector<16xi1>, vector<16xi32>
    %mul3A_2745 = arith.constant 10 : i32
    %mul3A_2746 = vector.broadcast %mul3A_2745 : i32 to vector<16xi32>
    %mul3A_2747 = arith.muli %select_n3A_2744, %mul3A_2746 : vector<16xi32>
    %sub3A_2748 = arith.subi %add3A_2713, %mul3A_2747 : vector<16xi32>
    %gather3A_2749 = tpu.vector_load_idx %arg6[%select_n3A_2744, %sub3A_2748] : memref<64x16xi32, #tpu.memory_space<vmem>>[vector<16xi32>, vector<16xi32>], vector<16xi32>,
    %iota3A_2750 = tpu.iota {dimensions = array<i32: 0>} : vector<16xi32>
    %add3A_2751 = arith.constant 304 : i32
    %add3A_2752 = vector.broadcast %add3A_2751 : i32 to vector<16xi32>
    %add3A_2753 = arith.addi %iota3A_2750, %add3A_2752 : vector<16xi32>
    %gather3A_2754 = tpu.vector_load_idx %arg7[%gather3A_2749] : memref<17408xi32, #tpu.memory_space<vmem>>[vector<16xi32>], vector<16xi32>,
    %eq3A_2755 = arith.cmpi eq, %gather3A_2754, %add3A_2753 : vector<16xi32>
    %lt3A_2756 = arith.constant 16384 : i32
    %lt3A_2757 = vector.broadcast %lt3A_2756 : i32 to vector<16xi32>
    %lt3A_2758 = arith.cmpi slt, %gather3A_2749, %lt3A_2757 : vector<16xi32>
    %and3A_2759 = arith.andi %eq3A_2755, %lt3A_2758 : vector<16xi1>
    %jit3A_2760 = arith.constant 1.000000e+00 : f32
    %jit3A_2761 = arith.constant 0.000000e+00 : f32
    %broadcast_in_dim3A_2762 = vector.broadcast %jit3A_2760 : f32 to vector<16xf32>
    %broadcast_in_dim3A_2763 = vector.broadcast %jit3A_2761 : f32 to vector<16xf32>
    %select_n3A_2764 = arith.select %and3A_2759, %broadcast_in_dim3A_2762, %broadcast_in_dim3A_2763 : vector<16xi1>, vector<16xf32>
    %add3A_2765 = arith.addf %add3A_2698, %select_n3A_2764 : vector<16xf32>
    %mul3A_2766 = arith.constant 16384 : i32
    %mul3A_2767 = arith.muli %select_n3A, %mul3A_2766 : i32
    %jit3A_2768 = arith.constant 0 : i32
    %broadcast_in_dim3A_2769 = vector.broadcast %jit3A_2768 : i32 to vector<16xi32>
    %select_n3A_2770 = arith.select %and3A_2759, %gather3A_2749, %broadcast_in_dim3A_2769 : vector<16xi1>, vector<16xi32>
    %add3A_2771 = vector.broadcast %mul3A_2767 : i32 to vector<16xi32>
    %add3A_2772 = arith.addi %add3A_2771, %select_n3A_2770 : vector<16xi32>
    %swap3A_2773 = arith.constant 2 : i32
    %swap3A_2774 = arith.index_cast %swap3A_2773 : i32 to index
    %swap3A_2775 = arith.constant 48 : index
    %swap3A_2776 = tpu.vector_load %arg8[%swap3A_2774, %swap3A_2775] {strides = array<i32>} : memref<4x128xi32, #tpu.memory_space<vmem>>, vector<16xi32>,
    tpu.vector_store %arg8[%swap3A_2774, %swap3A_2775], %add3A_2772 {strides = array<i32>} : memref<4x128xi32, #tpu.memory_space<vmem>>, vector<16xi32>,
    %iota3A_2777 = tpu.iota {dimensions = array<i32: 0>} : vector<16xi32>
    %add3A_2778 = arith.constant 320 : i32
    %add3A_2779 = vector.broadcast %add3A_2778 : i32 to vector<16xi32>
    %add3A_2780 = arith.addi %iota3A_2777, %add3A_2779 : vector<16xi32>
    %jit3A_2781 = arith.constant 10 : i32
    %div3A_2782 = vector.broadcast %jit3A_2781 : i32 to vector<16xi32>
    %div3A_2783 = arith.divsi %add3A_2780, %div3A_2782 : vector<16xi32>
    %sign3A_2784 = arith.constant 0 : i32
    %sign3A_2785 = vector.broadcast %sign3A_2784 : i32 to vector<16xi32>
    %sign3A_2786 = arith.cmpi sgt, %add3A_2780, %sign3A_2785 : vector<16xi32>
    %sign3A_2787 = arith.extui %sign3A_2786 : vector<16xi1> to vector<16xi32>
    %sign3A_2788 = arith.constant 0 : i32
    %sign3A_2789 = vector.broadcast %sign3A_2788 : i32 to vector<16xi32>
    %sign3A_2790 = arith.cmpi slt, %add3A_2780, %sign3A_2789 : vector<16xi32>
    %sign3A_2791 = arith.extui %sign3A_2790 : vector<16xi1> to vector<16xi32>
    %sign3A_2792 = arith.subi %sign3A_2787, %sign3A_2791 : vector<16xi32>
    %sign3A_2793 = arith.constant 0 : i32
    %sign3A_2794 = arith.cmpi sgt, %jit3A_2781, %sign3A_2793 : i32
    %sign3A_2795 = arith.extui %sign3A_2794 : i1 to i32
    %sign3A_2796 = arith.constant 0 : i32
    %sign3A_2797 = arith.cmpi slt, %jit3A_2781, %sign3A_2796 : i32
    %sign3A_2798 = arith.extui %sign3A_2797 : i1 to i32
    %sign3A_2799 = arith.subi %sign3A_2795, %sign3A_2798 : i32
    %ne3A_2800 = vector.broadcast %sign3A_2799 : i32 to vector<16xi32>
    %ne3A_2801 = arith.cmpi ne, %sign3A_2792, %ne3A_2800 : vector<16xi32>
    %rem3A_2802 = vector.broadcast %jit3A_2781 : i32 to vector<16xi32>
    %rem3A_2803 = arith.remsi %add3A_2780, %rem3A_2802 : vector<16xi32>
    %ne3A_2804 = arith.constant 0 : i32
    %ne3A_2805 = vector.broadcast %ne3A_2804 : i32 to vector<16xi32>
    %ne3A_2806 = arith.cmpi ne, %rem3A_2803, %ne3A_2805 : vector<16xi32>
    %and3A_2807 = arith.andi %ne3A_2801, %ne3A_2806 : vector<16xi1>
    %sub3A_2808 = arith.constant 1 : i32
    %sub3A_2809 = vector.broadcast %sub3A_2808 : i32 to vector<16xi32>
    %sub3A_2810 = arith.subi %div3A_2783, %sub3A_2809 : vector<16xi32>
    %select_n3A_2811 = arith.select %and3A_2807, %sub3A_2810, %div3A_2783 : vector<16xi1>, vector<16xi32>
    %mul3A_2812 = arith.constant 10 : i32
    %mul3A_2813 = vector.broadcast %mul3A_2812 : i32 to vector<16xi32>
    %mul3A_2814 = arith.muli %select_n3A_2811, %mul3A_2813 : vector<16xi32>
    %sub3A_2815 = arith.subi %add3A_2780, %mul3A_2814 : vector<16xi32>
    %gather3A_2816 = tpu.vector_load_idx %arg6[%select_n3A_2811, %sub3A_2815] : memref<64x16xi32, #tpu.memory_space<vmem>>[vector<16xi32>, vector<16xi32>], vector<16xi32>,
    %iota3A_2817 = tpu.iota {dimensions = array<i32: 0>} : vector<16xi32>
    %add3A_2818 = arith.constant 320 : i32
    %add3A_2819 = vector.broadcast %add3A_2818 : i32 to vector<16xi32>
    %add3A_2820 = arith.addi %iota3A_2817, %add3A_2819 : vector<16xi32>
    %gather3A_2821 = tpu.vector_load_idx %arg7[%gather3A_2816] : memref<17408xi32, #tpu.memory_space<vmem>>[vector<16xi32>], vector<16xi32>,
    %eq3A_2822 = arith.cmpi eq, %gather3A_2821, %add3A_2820 : vector<16xi32>
    %lt3A_2823 = arith.constant 16384 : i32
    %lt3A_2824 = vector.broadcast %lt3A_2823 : i32 to vector<16xi32>
    %lt3A_2825 = arith.cmpi slt, %gather3A_2816, %lt3A_2824 : vector<16xi32>
    %and3A_2826 = arith.andi %eq3A_2822, %lt3A_2825 : vector<16xi1>
    %jit3A_2827 = arith.constant 1.000000e+00 : f32
    %jit3A_2828 = arith.constant 0.000000e+00 : f32
    %broadcast_in_dim3A_2829 = vector.broadcast %jit3A_2827 : f32 to vector<16xf32>
    %broadcast_in_dim3A_2830 = vector.broadcast %jit3A_2828 : f32 to vector<16xf32>
    %select_n3A_2831 = arith.select %and3A_2826, %broadcast_in_dim3A_2829, %broadcast_in_dim3A_2830 : vector<16xi1>, vector<16xf32>
    %add3A_2832 = arith.addf %add3A_2765, %select_n3A_2831 : vector<16xf32>
    %mul3A_2833 = arith.constant 16384 : i32
    %mul3A_2834 = arith.muli %select_n3A, %mul3A_2833 : i32
    %jit3A_2835 = arith.constant 0 : i32
    %broadcast_in_dim3A_2836 = vector.broadcast %jit3A_2835 : i32 to vector<16xi32>
    %select_n3A_2837 = arith.select %and3A_2826, %gather3A_2816, %broadcast_in_dim3A_2836 : vector<16xi1>, vector<16xi32>
    %add3A_2838 = vector.broadcast %mul3A_2834 : i32 to vector<16xi32>
    %add3A_2839 = arith.addi %add3A_2838, %select_n3A_2837 : vector<16xi32>
    %swap3A_2840 = arith.constant 2 : i32
    %swap3A_2841 = arith.index_cast %swap3A_2840 : i32 to index
    %swap3A_2842 = arith.constant 64 : index
    %swap3A_2843 = tpu.vector_load %arg8[%swap3A_2841, %swap3A_2842] {strides = array<i32>} : memref<4x128xi32, #tpu.memory_space<vmem>>, vector<16xi32>,
    tpu.vector_store %arg8[%swap3A_2841, %swap3A_2842], %add3A_2839 {strides = array<i32>} : memref<4x128xi32, #tpu.memory_space<vmem>>, vector<16xi32>,
    %iota3A_2844 = tpu.iota {dimensions = array<i32: 0>} : vector<16xi32>
    %add3A_2845 = arith.constant 336 : i32
    %add3A_2846 = vector.broadcast %add3A_2845 : i32 to vector<16xi32>
    %add3A_2847 = arith.addi %iota3A_2844, %add3A_2846 : vector<16xi32>
    %jit3A_2848 = arith.constant 10 : i32
    %div3A_2849 = vector.broadcast %jit3A_2848 : i32 to vector<16xi32>
    %div3A_2850 = arith.divsi %add3A_2847, %div3A_2849 : vector<16xi32>
    %sign3A_2851 = arith.constant 0 : i32
    %sign3A_2852 = vector.broadcast %sign3A_2851 : i32 to vector<16xi32>
    %sign3A_2853 = arith.cmpi sgt, %add3A_2847, %sign3A_2852 : vector<16xi32>
    %sign3A_2854 = arith.extui %sign3A_2853 : vector<16xi1> to vector<16xi32>
    %sign3A_2855 = arith.constant 0 : i32
    %sign3A_2856 = vector.broadcast %sign3A_2855 : i32 to vector<16xi32>
    %sign3A_2857 = arith.cmpi slt, %add3A_2847, %sign3A_2856 : vector<16xi32>
    %sign3A_2858 = arith.extui %sign3A_2857 : vector<16xi1> to vector<16xi32>
    %sign3A_2859 = arith.subi %sign3A_2854, %sign3A_2858 : vector<16xi32>
    %sign3A_2860 = arith.constant 0 : i32
    %sign3A_2861 = arith.cmpi sgt, %jit3A_2848, %sign3A_2860 : i32
    %sign3A_2862 = arith.extui %sign3A_2861 : i1 to i32
    %sign3A_2863 = arith.constant 0 : i32
    %sign3A_2864 = arith.cmpi slt, %jit3A_2848, %sign3A_2863 : i32
    %sign3A_2865 = arith.extui %sign3A_2864 : i1 to i32
    %sign3A_2866 = arith.subi %sign3A_2862, %sign3A_2865 : i32
    %ne3A_2867 = vector.broadcast %sign3A_2866 : i32 to vector<16xi32>
    %ne3A_2868 = arith.cmpi ne, %sign3A_2859, %ne3A_2867 : vector<16xi32>
    %rem3A_2869 = vector.broadcast %jit3A_2848 : i32 to vector<16xi32>
    %rem3A_2870 = arith.remsi %add3A_2847, %rem3A_2869 : vector<16xi32>
    %ne3A_2871 = arith.constant 0 : i32
    %ne3A_2872 = vector.broadcast %ne3A_2871 : i32 to vector<16xi32>
    %ne3A_2873 = arith.cmpi ne, %rem3A_2870, %ne3A_2872 : vector<16xi32>
    %and3A_2874 = arith.andi %ne3A_2868, %ne3A_2873 : vector<16xi1>
    %sub3A_2875 = arith.constant 1 : i32
    %sub3A_2876 = vector.broadcast %sub3A_2875 : i32 to vector<16xi32>
    %sub3A_2877 = arith.subi %div3A_2850, %sub3A_2876 : vector<16xi32>
    %select_n3A_2878 = arith.select %and3A_2874, %sub3A_2877, %div3A_2850 : vector<16xi1>, vector<16xi32>
    %mul3A_2879 = arith.constant 10 : i32
    %mul3A_2880 = vector.broadcast %mul3A_2879 : i32 to vector<16xi32>
    %mul3A_2881 = arith.muli %select_n3A_2878, %mul3A_2880 : vector<16xi32>
    %sub3A_2882 = arith.subi %add3A_2847, %mul3A_2881 : vector<16xi32>
    %gather3A_2883 = tpu.vector_load_idx %arg6[%select_n3A_2878, %sub3A_2882] : memref<64x16xi32, #tpu.memory_space<vmem>>[vector<16xi32>, vector<16xi32>], vector<16xi32>,
    %iota3A_2884 = tpu.iota {dimensions = array<i32: 0>} : vector<16xi32>
    %add3A_2885 = arith.constant 336 : i32
    %add3A_2886 = vector.broadcast %add3A_2885 : i32 to vector<16xi32>
    %add3A_2887 = arith.addi %iota3A_2884, %add3A_2886 : vector<16xi32>
    %gather3A_2888 = tpu.vector_load_idx %arg7[%gather3A_2883] : memref<17408xi32, #tpu.memory_space<vmem>>[vector<16xi32>], vector<16xi32>,
    %eq3A_2889 = arith.cmpi eq, %gather3A_2888, %add3A_2887 : vector<16xi32>
    %lt3A_2890 = arith.constant 16384 : i32
    %lt3A_2891 = vector.broadcast %lt3A_2890 : i32 to vector<16xi32>
    %lt3A_2892 = arith.cmpi slt, %gather3A_2883, %lt3A_2891 : vector<16xi32>
    %and3A_2893 = arith.andi %eq3A_2889, %lt3A_2892 : vector<16xi1>
    %jit3A_2894 = arith.constant 1.000000e+00 : f32
    %jit3A_2895 = arith.constant 0.000000e+00 : f32
    %broadcast_in_dim3A_2896 = vector.broadcast %jit3A_2894 : f32 to vector<16xf32>
    %broadcast_in_dim3A_2897 = vector.broadcast %jit3A_2895 : f32 to vector<16xf32>
    %select_n3A_2898 = arith.select %and3A_2893, %broadcast_in_dim3A_2896, %broadcast_in_dim3A_2897 : vector<16xi1>, vector<16xf32>
    %add3A_2899 = arith.addf %add3A_2832, %select_n3A_2898 : vector<16xf32>
    %mul3A_2900 = arith.constant 16384 : i32
    %mul3A_2901 = arith.muli %select_n3A, %mul3A_2900 : i32
    %jit3A_2902 = arith.constant 0 : i32
    %broadcast_in_dim3A_2903 = vector.broadcast %jit3A_2902 : i32 to vector<16xi32>
    %select_n3A_2904 = arith.select %and3A_2893, %gather3A_2883, %broadcast_in_dim3A_2903 : vector<16xi1>, vector<16xi32>
    %add3A_2905 = vector.broadcast %mul3A_2901 : i32 to vector<16xi32>
    %add3A_2906 = arith.addi %add3A_2905, %select_n3A_2904 : vector<16xi32>
    %swap3A_2907 = arith.constant 2 : i32
    %swap3A_2908 = arith.index_cast %swap3A_2907 : i32 to index
    %swap3A_2909 = arith.constant 80 : index
    %swap3A_2910 = tpu.vector_load %arg8[%swap3A_2908, %swap3A_2909] {strides = array<i32>} : memref<4x128xi32, #tpu.memory_space<vmem>>, vector<16xi32>,
    tpu.vector_store %arg8[%swap3A_2908, %swap3A_2909], %add3A_2906 {strides = array<i32>} : memref<4x128xi32, #tpu.memory_space<vmem>>, vector<16xi32>,
    %iota3A_2911 = tpu.iota {dimensions = array<i32: 0>} : vector<16xi32>
    %add3A_2912 = arith.constant 352 : i32
    %add3A_2913 = vector.broadcast %add3A_2912 : i32 to vector<16xi32>
    %add3A_2914 = arith.addi %iota3A_2911, %add3A_2913 : vector<16xi32>
    %jit3A_2915 = arith.constant 10 : i32
    %div3A_2916 = vector.broadcast %jit3A_2915 : i32 to vector<16xi32>
    %div3A_2917 = arith.divsi %add3A_2914, %div3A_2916 : vector<16xi32>
    %sign3A_2918 = arith.constant 0 : i32
    %sign3A_2919 = vector.broadcast %sign3A_2918 : i32 to vector<16xi32>
    %sign3A_2920 = arith.cmpi sgt, %add3A_2914, %sign3A_2919 : vector<16xi32>
    %sign3A_2921 = arith.extui %sign3A_2920 : vector<16xi1> to vector<16xi32>
    %sign3A_2922 = arith.constant 0 : i32
    %sign3A_2923 = vector.broadcast %sign3A_2922 : i32 to vector<16xi32>
    %sign3A_2924 = arith.cmpi slt, %add3A_2914, %sign3A_2923 : vector<16xi32>
    %sign3A_2925 = arith.extui %sign3A_2924 : vector<16xi1> to vector<16xi32>
    %sign3A_2926 = arith.subi %sign3A_2921, %sign3A_2925 : vector<16xi32>
    %sign3A_2927 = arith.constant 0 : i32
    %sign3A_2928 = arith.cmpi sgt, %jit3A_2915, %sign3A_2927 : i32
    %sign3A_2929 = arith.extui %sign3A_2928 : i1 to i32
    %sign3A_2930 = arith.constant 0 : i32
    %sign3A_2931 = arith.cmpi slt, %jit3A_2915, %sign3A_2930 : i32
    %sign3A_2932 = arith.extui %sign3A_2931 : i1 to i32
    %sign3A_2933 = arith.subi %sign3A_2929, %sign3A_2932 : i32
    %ne3A_2934 = vector.broadcast %sign3A_2933 : i32 to vector<16xi32>
    %ne3A_2935 = arith.cmpi ne, %sign3A_2926, %ne3A_2934 : vector<16xi32>
    %rem3A_2936 = vector.broadcast %jit3A_2915 : i32 to vector<16xi32>
    %rem3A_2937 = arith.remsi %add3A_2914, %rem3A_2936 : vector<16xi32>
    %ne3A_2938 = arith.constant 0 : i32
    %ne3A_2939 = vector.broadcast %ne3A_2938 : i32 to vector<16xi32>
    %ne3A_2940 = arith.cmpi ne, %rem3A_2937, %ne3A_2939 : vector<16xi32>
    %and3A_2941 = arith.andi %ne3A_2935, %ne3A_2940 : vector<16xi1>
    %sub3A_2942 = arith.constant 1 : i32
    %sub3A_2943 = vector.broadcast %sub3A_2942 : i32 to vector<16xi32>
    %sub3A_2944 = arith.subi %div3A_2917, %sub3A_2943 : vector<16xi32>
    %select_n3A_2945 = arith.select %and3A_2941, %sub3A_2944, %div3A_2917 : vector<16xi1>, vector<16xi32>
    %mul3A_2946 = arith.constant 10 : i32
    %mul3A_2947 = vector.broadcast %mul3A_2946 : i32 to vector<16xi32>
    %mul3A_2948 = arith.muli %select_n3A_2945, %mul3A_2947 : vector<16xi32>
    %sub3A_2949 = arith.subi %add3A_2914, %mul3A_2948 : vector<16xi32>
    %gather3A_2950 = tpu.vector_load_idx %arg6[%select_n3A_2945, %sub3A_2949] : memref<64x16xi32, #tpu.memory_space<vmem>>[vector<16xi32>, vector<16xi32>], vector<16xi32>,
    %iota3A_2951 = tpu.iota {dimensions = array<i32: 0>} : vector<16xi32>
    %add3A_2952 = arith.constant 352 : i32
    %add3A_2953 = vector.broadcast %add3A_2952 : i32 to vector<16xi32>
    %add3A_2954 = arith.addi %iota3A_2951, %add3A_2953 : vector<16xi32>
    %gather3A_2955 = tpu.vector_load_idx %arg7[%gather3A_2950] : memref<17408xi32, #tpu.memory_space<vmem>>[vector<16xi32>], vector<16xi32>,
    %eq3A_2956 = arith.cmpi eq, %gather3A_2955, %add3A_2954 : vector<16xi32>
    %lt3A_2957 = arith.constant 16384 : i32
    %lt3A_2958 = vector.broadcast %lt3A_2957 : i32 to vector<16xi32>
    %lt3A_2959 = arith.cmpi slt, %gather3A_2950, %lt3A_2958 : vector<16xi32>
    %and3A_2960 = arith.andi %eq3A_2956, %lt3A_2959 : vector<16xi1>
    %jit3A_2961 = arith.constant 1.000000e+00 : f32
    %jit3A_2962 = arith.constant 0.000000e+00 : f32
    %broadcast_in_dim3A_2963 = vector.broadcast %jit3A_2961 : f32 to vector<16xf32>
    %broadcast_in_dim3A_2964 = vector.broadcast %jit3A_2962 : f32 to vector<16xf32>
    %select_n3A_2965 = arith.select %and3A_2960, %broadcast_in_dim3A_2963, %broadcast_in_dim3A_2964 : vector<16xi1>, vector<16xf32>
    %add3A_2966 = arith.addf %add3A_2899, %select_n3A_2965 : vector<16xf32>
    %mul3A_2967 = arith.constant 16384 : i32
    %mul3A_2968 = arith.muli %select_n3A, %mul3A_2967 : i32
    %jit3A_2969 = arith.constant 0 : i32
    %broadcast_in_dim3A_2970 = vector.broadcast %jit3A_2969 : i32 to vector<16xi32>
    %select_n3A_2971 = arith.select %and3A_2960, %gather3A_2950, %broadcast_in_dim3A_2970 : vector<16xi1>, vector<16xi32>
    %add3A_2972 = vector.broadcast %mul3A_2968 : i32 to vector<16xi32>
    %add3A_2973 = arith.addi %add3A_2972, %select_n3A_2971 : vector<16xi32>
    %swap3A_2974 = arith.constant 2 : i32
    %swap3A_2975 = arith.index_cast %swap3A_2974 : i32 to index
    %swap3A_2976 = arith.constant 96 : index
    %swap3A_2977 = tpu.vector_load %arg8[%swap3A_2975, %swap3A_2976] {strides = array<i32>} : memref<4x128xi32, #tpu.memory_space<vmem>>, vector<16xi32>,
    tpu.vector_store %arg8[%swap3A_2975, %swap3A_2976], %add3A_2973 {strides = array<i32>} : memref<4x128xi32, #tpu.memory_space<vmem>>, vector<16xi32>,
    %iota3A_2978 = tpu.iota {dimensions = array<i32: 0>} : vector<16xi32>
    %add3A_2979 = arith.constant 368 : i32
    %add3A_2980 = vector.broadcast %add3A_2979 : i32 to vector<16xi32>
    %add3A_2981 = arith.addi %iota3A_2978, %add3A_2980 : vector<16xi32>
    %jit3A_2982 = arith.constant 10 : i32
    %div3A_2983 = vector.broadcast %jit3A_2982 : i32 to vector<16xi32>
    %div3A_2984 = arith.divsi %add3A_2981, %div3A_2983 : vector<16xi32>
    %sign3A_2985 = arith.constant 0 : i32
    %sign3A_2986 = vector.broadcast %sign3A_2985 : i32 to vector<16xi32>
    %sign3A_2987 = arith.cmpi sgt, %add3A_2981, %sign3A_2986 : vector<16xi32>
    %sign3A_2988 = arith.extui %sign3A_2987 : vector<16xi1> to vector<16xi32>
    %sign3A_2989 = arith.constant 0 : i32
    %sign3A_2990 = vector.broadcast %sign3A_2989 : i32 to vector<16xi32>
    %sign3A_2991 = arith.cmpi slt, %add3A_2981, %sign3A_2990 : vector<16xi32>
    %sign3A_2992 = arith.extui %sign3A_2991 : vector<16xi1> to vector<16xi32>
    %sign3A_2993 = arith.subi %sign3A_2988, %sign3A_2992 : vector<16xi32>
    %sign3A_2994 = arith.constant 0 : i32
    %sign3A_2995 = arith.cmpi sgt, %jit3A_2982, %sign3A_2994 : i32
    %sign3A_2996 = arith.extui %sign3A_2995 : i1 to i32
    %sign3A_2997 = arith.constant 0 : i32
    %sign3A_2998 = arith.cmpi slt, %jit3A_2982, %sign3A_2997 : i32
    %sign3A_2999 = arith.extui %sign3A_2998 : i1 to i32
    %sign3A_3000 = arith.subi %sign3A_2996, %sign3A_2999 : i32
    %ne3A_3001 = vector.broadcast %sign3A_3000 : i32 to vector<16xi32>
    %ne3A_3002 = arith.cmpi ne, %sign3A_2993, %ne3A_3001 : vector<16xi32>
    %rem3A_3003 = vector.broadcast %jit3A_2982 : i32 to vector<16xi32>
    %rem3A_3004 = arith.remsi %add3A_2981, %rem3A_3003 : vector<16xi32>
    %ne3A_3005 = arith.constant 0 : i32
    %ne3A_3006 = vector.broadcast %ne3A_3005 : i32 to vector<16xi32>
    %ne3A_3007 = arith.cmpi ne, %rem3A_3004, %ne3A_3006 : vector<16xi32>
    %and3A_3008 = arith.andi %ne3A_3002, %ne3A_3007 : vector<16xi1>
    %sub3A_3009 = arith.constant 1 : i32
    %sub3A_3010 = vector.broadcast %sub3A_3009 : i32 to vector<16xi32>
    %sub3A_3011 = arith.subi %div3A_2984, %sub3A_3010 : vector<16xi32>
    %select_n3A_3012 = arith.select %and3A_3008, %sub3A_3011, %div3A_2984 : vector<16xi1>, vector<16xi32>
    %mul3A_3013 = arith.constant 10 : i32
    %mul3A_3014 = vector.broadcast %mul3A_3013 : i32 to vector<16xi32>
    %mul3A_3015 = arith.muli %select_n3A_3012, %mul3A_3014 : vector<16xi32>
    %sub3A_3016 = arith.subi %add3A_2981, %mul3A_3015 : vector<16xi32>
    %gather3A_3017 = tpu.vector_load_idx %arg6[%select_n3A_3012, %sub3A_3016] : memref<64x16xi32, #tpu.memory_space<vmem>>[vector<16xi32>, vector<16xi32>], vector<16xi32>,
    %iota3A_3018 = tpu.iota {dimensions = array<i32: 0>} : vector<16xi32>
    %add3A_3019 = arith.constant 368 : i32
    %add3A_3020 = vector.broadcast %add3A_3019 : i32 to vector<16xi32>
    %add3A_3021 = arith.addi %iota3A_3018, %add3A_3020 : vector<16xi32>
    %gather3A_3022 = tpu.vector_load_idx %arg7[%gather3A_3017] : memref<17408xi32, #tpu.memory_space<vmem>>[vector<16xi32>], vector<16xi32>,
    %eq3A_3023 = arith.cmpi eq, %gather3A_3022, %add3A_3021 : vector<16xi32>
    %lt3A_3024 = arith.constant 16384 : i32
    %lt3A_3025 = vector.broadcast %lt3A_3024 : i32 to vector<16xi32>
    %lt3A_3026 = arith.cmpi slt, %gather3A_3017, %lt3A_3025 : vector<16xi32>
    %and3A_3027 = arith.andi %eq3A_3023, %lt3A_3026 : vector<16xi1>
    %jit3A_3028 = arith.constant 1.000000e+00 : f32
    %jit3A_3029 = arith.constant 0.000000e+00 : f32
    %broadcast_in_dim3A_3030 = vector.broadcast %jit3A_3028 : f32 to vector<16xf32>
    %broadcast_in_dim3A_3031 = vector.broadcast %jit3A_3029 : f32 to vector<16xf32>
    %select_n3A_3032 = arith.select %and3A_3027, %broadcast_in_dim3A_3030, %broadcast_in_dim3A_3031 : vector<16xi1>, vector<16xf32>
    %add3A_3033 = arith.addf %add3A_2966, %select_n3A_3032 : vector<16xf32>
    %mul3A_3034 = arith.constant 16384 : i32
    %mul3A_3035 = arith.muli %select_n3A, %mul3A_3034 : i32
    %jit3A_3036 = arith.constant 0 : i32
    %broadcast_in_dim3A_3037 = vector.broadcast %jit3A_3036 : i32 to vector<16xi32>
    %select_n3A_3038 = arith.select %and3A_3027, %gather3A_3017, %broadcast_in_dim3A_3037 : vector<16xi1>, vector<16xi32>
    %add3A_3039 = vector.broadcast %mul3A_3035 : i32 to vector<16xi32>
    %add3A_3040 = arith.addi %add3A_3039, %select_n3A_3038 : vector<16xi32>
    %swap3A_3041 = arith.constant 2 : i32
    %swap3A_3042 = arith.index_cast %swap3A_3041 : i32 to index
    %swap3A_3043 = arith.constant 112 : index
    %swap3A_3044 = tpu.vector_load %arg8[%swap3A_3042, %swap3A_3043] {strides = array<i32>} : memref<4x128xi32, #tpu.memory_space<vmem>>, vector<16xi32>,
    tpu.vector_store %arg8[%swap3A_3042, %swap3A_3043], %add3A_3040 {strides = array<i32>} : memref<4x128xi32, #tpu.memory_space<vmem>>, vector<16xi32>,
    %iota3A_3045 = tpu.iota {dimensions = array<i32: 0>} : vector<16xi32>
    %add3A_3046 = arith.constant 384 : i32
    %add3A_3047 = vector.broadcast %add3A_3046 : i32 to vector<16xi32>
    %add3A_3048 = arith.addi %iota3A_3045, %add3A_3047 : vector<16xi32>
    %jit3A_3049 = arith.constant 10 : i32
    %div3A_3050 = vector.broadcast %jit3A_3049 : i32 to vector<16xi32>
    %div3A_3051 = arith.divsi %add3A_3048, %div3A_3050 : vector<16xi32>
    %sign3A_3052 = arith.constant 0 : i32
    %sign3A_3053 = vector.broadcast %sign3A_3052 : i32 to vector<16xi32>
    %sign3A_3054 = arith.cmpi sgt, %add3A_3048, %sign3A_3053 : vector<16xi32>
    %sign3A_3055 = arith.extui %sign3A_3054 : vector<16xi1> to vector<16xi32>
    %sign3A_3056 = arith.constant 0 : i32
    %sign3A_3057 = vector.broadcast %sign3A_3056 : i32 to vector<16xi32>
    %sign3A_3058 = arith.cmpi slt, %add3A_3048, %sign3A_3057 : vector<16xi32>
    %sign3A_3059 = arith.extui %sign3A_3058 : vector<16xi1> to vector<16xi32>
    %sign3A_3060 = arith.subi %sign3A_3055, %sign3A_3059 : vector<16xi32>
    %sign3A_3061 = arith.constant 0 : i32
    %sign3A_3062 = arith.cmpi sgt, %jit3A_3049, %sign3A_3061 : i32
    %sign3A_3063 = arith.extui %sign3A_3062 : i1 to i32
    %sign3A_3064 = arith.constant 0 : i32
    %sign3A_3065 = arith.cmpi slt, %jit3A_3049, %sign3A_3064 : i32
    %sign3A_3066 = arith.extui %sign3A_3065 : i1 to i32
    %sign3A_3067 = arith.subi %sign3A_3063, %sign3A_3066 : i32
    %ne3A_3068 = vector.broadcast %sign3A_3067 : i32 to vector<16xi32>
    %ne3A_3069 = arith.cmpi ne, %sign3A_3060, %ne3A_3068 : vector<16xi32>
    %rem3A_3070 = vector.broadcast %jit3A_3049 : i32 to vector<16xi32>
    %rem3A_3071 = arith.remsi %add3A_3048, %rem3A_3070 : vector<16xi32>
    %ne3A_3072 = arith.constant 0 : i32
    %ne3A_3073 = vector.broadcast %ne3A_3072 : i32 to vector<16xi32>
    %ne3A_3074 = arith.cmpi ne, %rem3A_3071, %ne3A_3073 : vector<16xi32>
    %and3A_3075 = arith.andi %ne3A_3069, %ne3A_3074 : vector<16xi1>
    %sub3A_3076 = arith.constant 1 : i32
    %sub3A_3077 = vector.broadcast %sub3A_3076 : i32 to vector<16xi32>
    %sub3A_3078 = arith.subi %div3A_3051, %sub3A_3077 : vector<16xi32>
    %select_n3A_3079 = arith.select %and3A_3075, %sub3A_3078, %div3A_3051 : vector<16xi1>, vector<16xi32>
    %mul3A_3080 = arith.constant 10 : i32
    %mul3A_3081 = vector.broadcast %mul3A_3080 : i32 to vector<16xi32>
    %mul3A_3082 = arith.muli %select_n3A_3079, %mul3A_3081 : vector<16xi32>
    %sub3A_3083 = arith.subi %add3A_3048, %mul3A_3082 : vector<16xi32>
    %gather3A_3084 = tpu.vector_load_idx %arg6[%select_n3A_3079, %sub3A_3083] : memref<64x16xi32, #tpu.memory_space<vmem>>[vector<16xi32>, vector<16xi32>], vector<16xi32>,
    %iota3A_3085 = tpu.iota {dimensions = array<i32: 0>} : vector<16xi32>
    %add3A_3086 = arith.constant 384 : i32
    %add3A_3087 = vector.broadcast %add3A_3086 : i32 to vector<16xi32>
    %add3A_3088 = arith.addi %iota3A_3085, %add3A_3087 : vector<16xi32>
    %gather3A_3089 = tpu.vector_load_idx %arg7[%gather3A_3084] : memref<17408xi32, #tpu.memory_space<vmem>>[vector<16xi32>], vector<16xi32>,
    %eq3A_3090 = arith.cmpi eq, %gather3A_3089, %add3A_3088 : vector<16xi32>
    %lt3A_3091 = arith.constant 16384 : i32
    %lt3A_3092 = vector.broadcast %lt3A_3091 : i32 to vector<16xi32>
    %lt3A_3093 = arith.cmpi slt, %gather3A_3084, %lt3A_3092 : vector<16xi32>
    %and3A_3094 = arith.andi %eq3A_3090, %lt3A_3093 : vector<16xi1>
    %jit3A_3095 = arith.constant 1.000000e+00 : f32
    %jit3A_3096 = arith.constant 0.000000e+00 : f32
    %broadcast_in_dim3A_3097 = vector.broadcast %jit3A_3095 : f32 to vector<16xf32>
    %broadcast_in_dim3A_3098 = vector.broadcast %jit3A_3096 : f32 to vector<16xf32>
    %select_n3A_3099 = arith.select %and3A_3094, %broadcast_in_dim3A_3097, %broadcast_in_dim3A_3098 : vector<16xi1>, vector<16xf32>
    %add3A_3100 = arith.addf %add3A_3033, %select_n3A_3099 : vector<16xf32>
    %mul3A_3101 = arith.constant 16384 : i32
    %mul3A_3102 = arith.muli %select_n3A, %mul3A_3101 : i32
    %jit3A_3103 = arith.constant 0 : i32
    %broadcast_in_dim3A_3104 = vector.broadcast %jit3A_3103 : i32 to vector<16xi32>
    %select_n3A_3105 = arith.select %and3A_3094, %gather3A_3084, %broadcast_in_dim3A_3104 : vector<16xi1>, vector<16xi32>
    %add3A_3106 = vector.broadcast %mul3A_3102 : i32 to vector<16xi32>
    %add3A_3107 = arith.addi %add3A_3106, %select_n3A_3105 : vector<16xi32>
    %swap3A_3108 = arith.constant 3 : i32
    %swap3A_3109 = arith.index_cast %swap3A_3108 : i32 to index
    %swap3A_3110 = arith.constant 0 : index
    %swap3A_3111 = tpu.vector_load %arg8[%swap3A_3109, %swap3A_3110] {strides = array<i32>} : memref<4x128xi32, #tpu.memory_space<vmem>>, vector<16xi32>,
    tpu.vector_store %arg8[%swap3A_3109, %swap3A_3110], %add3A_3107 {strides = array<i32>} : memref<4x128xi32, #tpu.memory_space<vmem>>, vector<16xi32>,
    %iota3A_3112 = tpu.iota {dimensions = array<i32: 0>} : vector<16xi32>
    %add3A_3113 = arith.constant 400 : i32
    %add3A_3114 = vector.broadcast %add3A_3113 : i32 to vector<16xi32>
    %add3A_3115 = arith.addi %iota3A_3112, %add3A_3114 : vector<16xi32>
    %jit3A_3116 = arith.constant 10 : i32
    %div3A_3117 = vector.broadcast %jit3A_3116 : i32 to vector<16xi32>
    %div3A_3118 = arith.divsi %add3A_3115, %div3A_3117 : vector<16xi32>
    %sign3A_3119 = arith.constant 0 : i32
    %sign3A_3120 = vector.broadcast %sign3A_3119 : i32 to vector<16xi32>
    %sign3A_3121 = arith.cmpi sgt, %add3A_3115, %sign3A_3120 : vector<16xi32>
    %sign3A_3122 = arith.extui %sign3A_3121 : vector<16xi1> to vector<16xi32>
    %sign3A_3123 = arith.constant 0 : i32
    %sign3A_3124 = vector.broadcast %sign3A_3123 : i32 to vector<16xi32>
    %sign3A_3125 = arith.cmpi slt, %add3A_3115, %sign3A_3124 : vector<16xi32>
    %sign3A_3126 = arith.extui %sign3A_3125 : vector<16xi1> to vector<16xi32>
    %sign3A_3127 = arith.subi %sign3A_3122, %sign3A_3126 : vector<16xi32>
    %sign3A_3128 = arith.constant 0 : i32
    %sign3A_3129 = arith.cmpi sgt, %jit3A_3116, %sign3A_3128 : i32
    %sign3A_3130 = arith.extui %sign3A_3129 : i1 to i32
    %sign3A_3131 = arith.constant 0 : i32
    %sign3A_3132 = arith.cmpi slt, %jit3A_3116, %sign3A_3131 : i32
    %sign3A_3133 = arith.extui %sign3A_3132 : i1 to i32
    %sign3A_3134 = arith.subi %sign3A_3130, %sign3A_3133 : i32
    %ne3A_3135 = vector.broadcast %sign3A_3134 : i32 to vector<16xi32>
    %ne3A_3136 = arith.cmpi ne, %sign3A_3127, %ne3A_3135 : vector<16xi32>
    %rem3A_3137 = vector.broadcast %jit3A_3116 : i32 to vector<16xi32>
    %rem3A_3138 = arith.remsi %add3A_3115, %rem3A_3137 : vector<16xi32>
    %ne3A_3139 = arith.constant 0 : i32
    %ne3A_3140 = vector.broadcast %ne3A_3139 : i32 to vector<16xi32>
    %ne3A_3141 = arith.cmpi ne, %rem3A_3138, %ne3A_3140 : vector<16xi32>
    %and3A_3142 = arith.andi %ne3A_3136, %ne3A_3141 : vector<16xi1>
    %sub3A_3143 = arith.constant 1 : i32
    %sub3A_3144 = vector.broadcast %sub3A_3143 : i32 to vector<16xi32>
    %sub3A_3145 = arith.subi %div3A_3118, %sub3A_3144 : vector<16xi32>
    %select_n3A_3146 = arith.select %and3A_3142, %sub3A_3145, %div3A_3118 : vector<16xi1>, vector<16xi32>
    %mul3A_3147 = arith.constant 10 : i32
    %mul3A_3148 = vector.broadcast %mul3A_3147 : i32 to vector<16xi32>
    %mul3A_3149 = arith.muli %select_n3A_3146, %mul3A_3148 : vector<16xi32>
    %sub3A_3150 = arith.subi %add3A_3115, %mul3A_3149 : vector<16xi32>
    %gather3A_3151 = tpu.vector_load_idx %arg6[%select_n3A_3146, %sub3A_3150] : memref<64x16xi32, #tpu.memory_space<vmem>>[vector<16xi32>, vector<16xi32>], vector<16xi32>,
    %iota3A_3152 = tpu.iota {dimensions = array<i32: 0>} : vector<16xi32>
    %add3A_3153 = arith.constant 400 : i32
    %add3A_3154 = vector.broadcast %add3A_3153 : i32 to vector<16xi32>
    %add3A_3155 = arith.addi %iota3A_3152, %add3A_3154 : vector<16xi32>
    %gather3A_3156 = tpu.vector_load_idx %arg7[%gather3A_3151] : memref<17408xi32, #tpu.memory_space<vmem>>[vector<16xi32>], vector<16xi32>,
    %eq3A_3157 = arith.cmpi eq, %gather3A_3156, %add3A_3155 : vector<16xi32>
    %lt3A_3158 = arith.constant 16384 : i32
    %lt3A_3159 = vector.broadcast %lt3A_3158 : i32 to vector<16xi32>
    %lt3A_3160 = arith.cmpi slt, %gather3A_3151, %lt3A_3159 : vector<16xi32>
    %and3A_3161 = arith.andi %eq3A_3157, %lt3A_3160 : vector<16xi1>
    %jit3A_3162 = arith.constant 1.000000e+00 : f32
    %jit3A_3163 = arith.constant 0.000000e+00 : f32
    %broadcast_in_dim3A_3164 = vector.broadcast %jit3A_3162 : f32 to vector<16xf32>
    %broadcast_in_dim3A_3165 = vector.broadcast %jit3A_3163 : f32 to vector<16xf32>
    %select_n3A_3166 = arith.select %and3A_3161, %broadcast_in_dim3A_3164, %broadcast_in_dim3A_3165 : vector<16xi1>, vector<16xf32>
    %add3A_3167 = arith.addf %add3A_3100, %select_n3A_3166 : vector<16xf32>
    %mul3A_3168 = arith.constant 16384 : i32
    %mul3A_3169 = arith.muli %select_n3A, %mul3A_3168 : i32
    %jit3A_3170 = arith.constant 0 : i32
    %broadcast_in_dim3A_3171 = vector.broadcast %jit3A_3170 : i32 to vector<16xi32>
    %select_n3A_3172 = arith.select %and3A_3161, %gather3A_3151, %broadcast_in_dim3A_3171 : vector<16xi1>, vector<16xi32>
    %add3A_3173 = vector.broadcast %mul3A_3169 : i32 to vector<16xi32>
    %add3A_3174 = arith.addi %add3A_3173, %select_n3A_3172 : vector<16xi32>
    %swap3A_3175 = arith.constant 3 : i32
    %swap3A_3176 = arith.index_cast %swap3A_3175 : i32 to index
    %swap3A_3177 = arith.constant 16 : index
    %swap3A_3178 = tpu.vector_load %arg8[%swap3A_3176, %swap3A_3177] {strides = array<i32>} : memref<4x128xi32, #tpu.memory_space<vmem>>, vector<16xi32>,
    tpu.vector_store %arg8[%swap3A_3176, %swap3A_3177], %add3A_3174 {strides = array<i32>} : memref<4x128xi32, #tpu.memory_space<vmem>>, vector<16xi32>,
    %iota3A_3179 = tpu.iota {dimensions = array<i32: 0>} : vector<16xi32>
    %add3A_3180 = arith.constant 416 : i32
    %add3A_3181 = vector.broadcast %add3A_3180 : i32 to vector<16xi32>
    %add3A_3182 = arith.addi %iota3A_3179, %add3A_3181 : vector<16xi32>
    %jit3A_3183 = arith.constant 10 : i32
    %div3A_3184 = vector.broadcast %jit3A_3183 : i32 to vector<16xi32>
    %div3A_3185 = arith.divsi %add3A_3182, %div3A_3184 : vector<16xi32>
    %sign3A_3186 = arith.constant 0 : i32
    %sign3A_3187 = vector.broadcast %sign3A_3186 : i32 to vector<16xi32>
    %sign3A_3188 = arith.cmpi sgt, %add3A_3182, %sign3A_3187 : vector<16xi32>
    %sign3A_3189 = arith.extui %sign3A_3188 : vector<16xi1> to vector<16xi32>
    %sign3A_3190 = arith.constant 0 : i32
    %sign3A_3191 = vector.broadcast %sign3A_3190 : i32 to vector<16xi32>
    %sign3A_3192 = arith.cmpi slt, %add3A_3182, %sign3A_3191 : vector<16xi32>
    %sign3A_3193 = arith.extui %sign3A_3192 : vector<16xi1> to vector<16xi32>
    %sign3A_3194 = arith.subi %sign3A_3189, %sign3A_3193 : vector<16xi32>
    %sign3A_3195 = arith.constant 0 : i32
    %sign3A_3196 = arith.cmpi sgt, %jit3A_3183, %sign3A_3195 : i32
    %sign3A_3197 = arith.extui %sign3A_3196 : i1 to i32
    %sign3A_3198 = arith.constant 0 : i32
    %sign3A_3199 = arith.cmpi slt, %jit3A_3183, %sign3A_3198 : i32
    %sign3A_3200 = arith.extui %sign3A_3199 : i1 to i32
    %sign3A_3201 = arith.subi %sign3A_3197, %sign3A_3200 : i32
    %ne3A_3202 = vector.broadcast %sign3A_3201 : i32 to vector<16xi32>
    %ne3A_3203 = arith.cmpi ne, %sign3A_3194, %ne3A_3202 : vector<16xi32>
    %rem3A_3204 = vector.broadcast %jit3A_3183 : i32 to vector<16xi32>
    %rem3A_3205 = arith.remsi %add3A_3182, %rem3A_3204 : vector<16xi32>
    %ne3A_3206 = arith.constant 0 : i32
    %ne3A_3207 = vector.broadcast %ne3A_3206 : i32 to vector<16xi32>
    %ne3A_3208 = arith.cmpi ne, %rem3A_3205, %ne3A_3207 : vector<16xi32>
    %and3A_3209 = arith.andi %ne3A_3203, %ne3A_3208 : vector<16xi1>
    %sub3A_3210 = arith.constant 1 : i32
    %sub3A_3211 = vector.broadcast %sub3A_3210 : i32 to vector<16xi32>
    %sub3A_3212 = arith.subi %div3A_3185, %sub3A_3211 : vector<16xi32>
    %select_n3A_3213 = arith.select %and3A_3209, %sub3A_3212, %div3A_3185 : vector<16xi1>, vector<16xi32>
    %mul3A_3214 = arith.constant 10 : i32
    %mul3A_3215 = vector.broadcast %mul3A_3214 : i32 to vector<16xi32>
    %mul3A_3216 = arith.muli %select_n3A_3213, %mul3A_3215 : vector<16xi32>
    %sub3A_3217 = arith.subi %add3A_3182, %mul3A_3216 : vector<16xi32>
    %gather3A_3218 = tpu.vector_load_idx %arg6[%select_n3A_3213, %sub3A_3217] : memref<64x16xi32, #tpu.memory_space<vmem>>[vector<16xi32>, vector<16xi32>], vector<16xi32>,
    %iota3A_3219 = tpu.iota {dimensions = array<i32: 0>} : vector<16xi32>
    %add3A_3220 = arith.constant 416 : i32
    %add3A_3221 = vector.broadcast %add3A_3220 : i32 to vector<16xi32>
    %add3A_3222 = arith.addi %iota3A_3219, %add3A_3221 : vector<16xi32>
    %gather3A_3223 = tpu.vector_load_idx %arg7[%gather3A_3218] : memref<17408xi32, #tpu.memory_space<vmem>>[vector<16xi32>], vector<16xi32>,
    %eq3A_3224 = arith.cmpi eq, %gather3A_3223, %add3A_3222 : vector<16xi32>
    %lt3A_3225 = arith.constant 16384 : i32
    %lt3A_3226 = vector.broadcast %lt3A_3225 : i32 to vector<16xi32>
    %lt3A_3227 = arith.cmpi slt, %gather3A_3218, %lt3A_3226 : vector<16xi32>
    %and3A_3228 = arith.andi %eq3A_3224, %lt3A_3227 : vector<16xi1>
    %jit3A_3229 = arith.constant 1.000000e+00 : f32
    %jit3A_3230 = arith.constant 0.000000e+00 : f32
    %broadcast_in_dim3A_3231 = vector.broadcast %jit3A_3229 : f32 to vector<16xf32>
    %broadcast_in_dim3A_3232 = vector.broadcast %jit3A_3230 : f32 to vector<16xf32>
    %select_n3A_3233 = arith.select %and3A_3228, %broadcast_in_dim3A_3231, %broadcast_in_dim3A_3232 : vector<16xi1>, vector<16xf32>
    %add3A_3234 = arith.addf %add3A_3167, %select_n3A_3233 : vector<16xf32>
    %mul3A_3235 = arith.constant 16384 : i32
    %mul3A_3236 = arith.muli %select_n3A, %mul3A_3235 : i32
    %jit3A_3237 = arith.constant 0 : i32
    %broadcast_in_dim3A_3238 = vector.broadcast %jit3A_3237 : i32 to vector<16xi32>
    %select_n3A_3239 = arith.select %and3A_3228, %gather3A_3218, %broadcast_in_dim3A_3238 : vector<16xi1>, vector<16xi32>
    %add3A_3240 = vector.broadcast %mul3A_3236 : i32 to vector<16xi32>
    %add3A_3241 = arith.addi %add3A_3240, %select_n3A_3239 : vector<16xi32>
    %swap3A_3242 = arith.constant 3 : i32
    %swap3A_3243 = arith.index_cast %swap3A_3242 : i32 to index
    %swap3A_3244 = arith.constant 32 : index
    %swap3A_3245 = tpu.vector_load %arg8[%swap3A_3243, %swap3A_3244] {strides = array<i32>} : memref<4x128xi32, #tpu.memory_space<vmem>>, vector<16xi32>,
    tpu.vector_store %arg8[%swap3A_3243, %swap3A_3244], %add3A_3241 {strides = array<i32>} : memref<4x128xi32, #tpu.memory_space<vmem>>, vector<16xi32>,
    %iota3A_3246 = tpu.iota {dimensions = array<i32: 0>} : vector<16xi32>
    %add3A_3247 = arith.constant 432 : i32
    %add3A_3248 = vector.broadcast %add3A_3247 : i32 to vector<16xi32>
    %add3A_3249 = arith.addi %iota3A_3246, %add3A_3248 : vector<16xi32>
    %jit3A_3250 = arith.constant 10 : i32
    %div3A_3251 = vector.broadcast %jit3A_3250 : i32 to vector<16xi32>
    %div3A_3252 = arith.divsi %add3A_3249, %div3A_3251 : vector<16xi32>
    %sign3A_3253 = arith.constant 0 : i32
    %sign3A_3254 = vector.broadcast %sign3A_3253 : i32 to vector<16xi32>
    %sign3A_3255 = arith.cmpi sgt, %add3A_3249, %sign3A_3254 : vector<16xi32>
    %sign3A_3256 = arith.extui %sign3A_3255 : vector<16xi1> to vector<16xi32>
    %sign3A_3257 = arith.constant 0 : i32
    %sign3A_3258 = vector.broadcast %sign3A_3257 : i32 to vector<16xi32>
    %sign3A_3259 = arith.cmpi slt, %add3A_3249, %sign3A_3258 : vector<16xi32>
    %sign3A_3260 = arith.extui %sign3A_3259 : vector<16xi1> to vector<16xi32>
    %sign3A_3261 = arith.subi %sign3A_3256, %sign3A_3260 : vector<16xi32>
    %sign3A_3262 = arith.constant 0 : i32
    %sign3A_3263 = arith.cmpi sgt, %jit3A_3250, %sign3A_3262 : i32
    %sign3A_3264 = arith.extui %sign3A_3263 : i1 to i32
    %sign3A_3265 = arith.constant 0 : i32
    %sign3A_3266 = arith.cmpi slt, %jit3A_3250, %sign3A_3265 : i32
    %sign3A_3267 = arith.extui %sign3A_3266 : i1 to i32
    %sign3A_3268 = arith.subi %sign3A_3264, %sign3A_3267 : i32
    %ne3A_3269 = vector.broadcast %sign3A_3268 : i32 to vector<16xi32>
    %ne3A_3270 = arith.cmpi ne, %sign3A_3261, %ne3A_3269 : vector<16xi32>
    %rem3A_3271 = vector.broadcast %jit3A_3250 : i32 to vector<16xi32>
    %rem3A_3272 = arith.remsi %add3A_3249, %rem3A_3271 : vector<16xi32>
    %ne3A_3273 = arith.constant 0 : i32
    %ne3A_3274 = vector.broadcast %ne3A_3273 : i32 to vector<16xi32>
    %ne3A_3275 = arith.cmpi ne, %rem3A_3272, %ne3A_3274 : vector<16xi32>
    %and3A_3276 = arith.andi %ne3A_3270, %ne3A_3275 : vector<16xi1>
    %sub3A_3277 = arith.constant 1 : i32
    %sub3A_3278 = vector.broadcast %sub3A_3277 : i32 to vector<16xi32>
    %sub3A_3279 = arith.subi %div3A_3252, %sub3A_3278 : vector<16xi32>
    %select_n3A_3280 = arith.select %and3A_3276, %sub3A_3279, %div3A_3252 : vector<16xi1>, vector<16xi32>
    %mul3A_3281 = arith.constant 10 : i32
    %mul3A_3282 = vector.broadcast %mul3A_3281 : i32 to vector<16xi32>
    %mul3A_3283 = arith.muli %select_n3A_3280, %mul3A_3282 : vector<16xi32>
    %sub3A_3284 = arith.subi %add3A_3249, %mul3A_3283 : vector<16xi32>
    %gather3A_3285 = tpu.vector_load_idx %arg6[%select_n3A_3280, %sub3A_3284] : memref<64x16xi32, #tpu.memory_space<vmem>>[vector<16xi32>, vector<16xi32>], vector<16xi32>,
    %iota3A_3286 = tpu.iota {dimensions = array<i32: 0>} : vector<16xi32>
    %add3A_3287 = arith.constant 432 : i32
    %add3A_3288 = vector.broadcast %add3A_3287 : i32 to vector<16xi32>
    %add3A_3289 = arith.addi %iota3A_3286, %add3A_3288 : vector<16xi32>
    %gather3A_3290 = tpu.vector_load_idx %arg7[%gather3A_3285] : memref<17408xi32, #tpu.memory_space<vmem>>[vector<16xi32>], vector<16xi32>,
    %eq3A_3291 = arith.cmpi eq, %gather3A_3290, %add3A_3289 : vector<16xi32>
    %lt3A_3292 = arith.constant 16384 : i32
    %lt3A_3293 = vector.broadcast %lt3A_3292 : i32 to vector<16xi32>
    %lt3A_3294 = arith.cmpi slt, %gather3A_3285, %lt3A_3293 : vector<16xi32>
    %and3A_3295 = arith.andi %eq3A_3291, %lt3A_3294 : vector<16xi1>
    %jit3A_3296 = arith.constant 1.000000e+00 : f32
    %jit3A_3297 = arith.constant 0.000000e+00 : f32
    %broadcast_in_dim3A_3298 = vector.broadcast %jit3A_3296 : f32 to vector<16xf32>
    %broadcast_in_dim3A_3299 = vector.broadcast %jit3A_3297 : f32 to vector<16xf32>
    %select_n3A_3300 = arith.select %and3A_3295, %broadcast_in_dim3A_3298, %broadcast_in_dim3A_3299 : vector<16xi1>, vector<16xf32>
    %add3A_3301 = arith.addf %add3A_3234, %select_n3A_3300 : vector<16xf32>
    %mul3A_3302 = arith.constant 16384 : i32
    %mul3A_3303 = arith.muli %select_n3A, %mul3A_3302 : i32
    %jit3A_3304 = arith.constant 0 : i32
    %broadcast_in_dim3A_3305 = vector.broadcast %jit3A_3304 : i32 to vector<16xi32>
    %select_n3A_3306 = arith.select %and3A_3295, %gather3A_3285, %broadcast_in_dim3A_3305 : vector<16xi1>, vector<16xi32>
    %add3A_3307 = vector.broadcast %mul3A_3303 : i32 to vector<16xi32>
    %add3A_3308 = arith.addi %add3A_3307, %select_n3A_3306 : vector<16xi32>
    %swap3A_3309 = arith.constant 3 : i32
    %swap3A_3310 = arith.index_cast %swap3A_3309 : i32 to index
    %swap3A_3311 = arith.constant 48 : index
    %swap3A_3312 = tpu.vector_load %arg8[%swap3A_3310, %swap3A_3311] {strides = array<i32>} : memref<4x128xi32, #tpu.memory_space<vmem>>, vector<16xi32>,
    tpu.vector_store %arg8[%swap3A_3310, %swap3A_3311], %add3A_3308 {strides = array<i32>} : memref<4x128xi32, #tpu.memory_space<vmem>>, vector<16xi32>,
    %iota3A_3313 = tpu.iota {dimensions = array<i32: 0>} : vector<16xi32>
    %add3A_3314 = arith.constant 448 : i32
    %add3A_3315 = vector.broadcast %add3A_3314 : i32 to vector<16xi32>
    %add3A_3316 = arith.addi %iota3A_3313, %add3A_3315 : vector<16xi32>
    %jit3A_3317 = arith.constant 10 : i32
    %div3A_3318 = vector.broadcast %jit3A_3317 : i32 to vector<16xi32>
    %div3A_3319 = arith.divsi %add3A_3316, %div3A_3318 : vector<16xi32>
    %sign3A_3320 = arith.constant 0 : i32
    %sign3A_3321 = vector.broadcast %sign3A_3320 : i32 to vector<16xi32>
    %sign3A_3322 = arith.cmpi sgt, %add3A_3316, %sign3A_3321 : vector<16xi32>
    %sign3A_3323 = arith.extui %sign3A_3322 : vector<16xi1> to vector<16xi32>
    %sign3A_3324 = arith.constant 0 : i32
    %sign3A_3325 = vector.broadcast %sign3A_3324 : i32 to vector<16xi32>
    %sign3A_3326 = arith.cmpi slt, %add3A_3316, %sign3A_3325 : vector<16xi32>
    %sign3A_3327 = arith.extui %sign3A_3326 : vector<16xi1> to vector<16xi32>
    %sign3A_3328 = arith.subi %sign3A_3323, %sign3A_3327 : vector<16xi32>
    %sign3A_3329 = arith.constant 0 : i32
    %sign3A_3330 = arith.cmpi sgt, %jit3A_3317, %sign3A_3329 : i32
    %sign3A_3331 = arith.extui %sign3A_3330 : i1 to i32
    %sign3A_3332 = arith.constant 0 : i32
    %sign3A_3333 = arith.cmpi slt, %jit3A_3317, %sign3A_3332 : i32
    %sign3A_3334 = arith.extui %sign3A_3333 : i1 to i32
    %sign3A_3335 = arith.subi %sign3A_3331, %sign3A_3334 : i32
    %ne3A_3336 = vector.broadcast %sign3A_3335 : i32 to vector<16xi32>
    %ne3A_3337 = arith.cmpi ne, %sign3A_3328, %ne3A_3336 : vector<16xi32>
    %rem3A_3338 = vector.broadcast %jit3A_3317 : i32 to vector<16xi32>
    %rem3A_3339 = arith.remsi %add3A_3316, %rem3A_3338 : vector<16xi32>
    %ne3A_3340 = arith.constant 0 : i32
    %ne3A_3341 = vector.broadcast %ne3A_3340 : i32 to vector<16xi32>
    %ne3A_3342 = arith.cmpi ne, %rem3A_3339, %ne3A_3341 : vector<16xi32>
    %and3A_3343 = arith.andi %ne3A_3337, %ne3A_3342 : vector<16xi1>
    %sub3A_3344 = arith.constant 1 : i32
    %sub3A_3345 = vector.broadcast %sub3A_3344 : i32 to vector<16xi32>
    %sub3A_3346 = arith.subi %div3A_3319, %sub3A_3345 : vector<16xi32>
    %select_n3A_3347 = arith.select %and3A_3343, %sub3A_3346, %div3A_3319 : vector<16xi1>, vector<16xi32>
    %mul3A_3348 = arith.constant 10 : i32
    %mul3A_3349 = vector.broadcast %mul3A_3348 : i32 to vector<16xi32>
    %mul3A_3350 = arith.muli %select_n3A_3347, %mul3A_3349 : vector<16xi32>
    %sub3A_3351 = arith.subi %add3A_3316, %mul3A_3350 : vector<16xi32>
    %gather3A_3352 = tpu.vector_load_idx %arg6[%select_n3A_3347, %sub3A_3351] : memref<64x16xi32, #tpu.memory_space<vmem>>[vector<16xi32>, vector<16xi32>], vector<16xi32>,
    %iota3A_3353 = tpu.iota {dimensions = array<i32: 0>} : vector<16xi32>
    %add3A_3354 = arith.constant 448 : i32
    %add3A_3355 = vector.broadcast %add3A_3354 : i32 to vector<16xi32>
    %add3A_3356 = arith.addi %iota3A_3353, %add3A_3355 : vector<16xi32>
    %gather3A_3357 = tpu.vector_load_idx %arg7[%gather3A_3352] : memref<17408xi32, #tpu.memory_space<vmem>>[vector<16xi32>], vector<16xi32>,
    %eq3A_3358 = arith.cmpi eq, %gather3A_3357, %add3A_3356 : vector<16xi32>
    %lt3A_3359 = arith.constant 16384 : i32
    %lt3A_3360 = vector.broadcast %lt3A_3359 : i32 to vector<16xi32>
    %lt3A_3361 = arith.cmpi slt, %gather3A_3352, %lt3A_3360 : vector<16xi32>
    %and3A_3362 = arith.andi %eq3A_3358, %lt3A_3361 : vector<16xi1>
    %jit3A_3363 = arith.constant 1.000000e+00 : f32
    %jit3A_3364 = arith.constant 0.000000e+00 : f32
    %broadcast_in_dim3A_3365 = vector.broadcast %jit3A_3363 : f32 to vector<16xf32>
    %broadcast_in_dim3A_3366 = vector.broadcast %jit3A_3364 : f32 to vector<16xf32>
    %select_n3A_3367 = arith.select %and3A_3362, %broadcast_in_dim3A_3365, %broadcast_in_dim3A_3366 : vector<16xi1>, vector<16xf32>
    %add3A_3368 = arith.addf %add3A_3301, %select_n3A_3367 : vector<16xf32>
    %mul3A_3369 = arith.constant 16384 : i32
    %mul3A_3370 = arith.muli %select_n3A, %mul3A_3369 : i32
    %jit3A_3371 = arith.constant 0 : i32
    %broadcast_in_dim3A_3372 = vector.broadcast %jit3A_3371 : i32 to vector<16xi32>
    %select_n3A_3373 = arith.select %and3A_3362, %gather3A_3352, %broadcast_in_dim3A_3372 : vector<16xi1>, vector<16xi32>
    %add3A_3374 = vector.broadcast %mul3A_3370 : i32 to vector<16xi32>
    %add3A_3375 = arith.addi %add3A_3374, %select_n3A_3373 : vector<16xi32>
    %swap3A_3376 = arith.constant 3 : i32
    %swap3A_3377 = arith.index_cast %swap3A_3376 : i32 to index
    %swap3A_3378 = arith.constant 64 : index
    %swap3A_3379 = tpu.vector_load %arg8[%swap3A_3377, %swap3A_3378] {strides = array<i32>} : memref<4x128xi32, #tpu.memory_space<vmem>>, vector<16xi32>,
    tpu.vector_store %arg8[%swap3A_3377, %swap3A_3378], %add3A_3375 {strides = array<i32>} : memref<4x128xi32, #tpu.memory_space<vmem>>, vector<16xi32>,
    %iota3A_3380 = tpu.iota {dimensions = array<i32: 0>} : vector<16xi32>
    %add3A_3381 = arith.constant 464 : i32
    %add3A_3382 = vector.broadcast %add3A_3381 : i32 to vector<16xi32>
    %add3A_3383 = arith.addi %iota3A_3380, %add3A_3382 : vector<16xi32>
    %jit3A_3384 = arith.constant 10 : i32
    %div3A_3385 = vector.broadcast %jit3A_3384 : i32 to vector<16xi32>
    %div3A_3386 = arith.divsi %add3A_3383, %div3A_3385 : vector<16xi32>
    %sign3A_3387 = arith.constant 0 : i32
    %sign3A_3388 = vector.broadcast %sign3A_3387 : i32 to vector<16xi32>
    %sign3A_3389 = arith.cmpi sgt, %add3A_3383, %sign3A_3388 : vector<16xi32>
    %sign3A_3390 = arith.extui %sign3A_3389 : vector<16xi1> to vector<16xi32>
    %sign3A_3391 = arith.constant 0 : i32
    %sign3A_3392 = vector.broadcast %sign3A_3391 : i32 to vector<16xi32>
    %sign3A_3393 = arith.cmpi slt, %add3A_3383, %sign3A_3392 : vector<16xi32>
    %sign3A_3394 = arith.extui %sign3A_3393 : vector<16xi1> to vector<16xi32>
    %sign3A_3395 = arith.subi %sign3A_3390, %sign3A_3394 : vector<16xi32>
    %sign3A_3396 = arith.constant 0 : i32
    %sign3A_3397 = arith.cmpi sgt, %jit3A_3384, %sign3A_3396 : i32
    %sign3A_3398 = arith.extui %sign3A_3397 : i1 to i32
    %sign3A_3399 = arith.constant 0 : i32
    %sign3A_3400 = arith.cmpi slt, %jit3A_3384, %sign3A_3399 : i32
    %sign3A_3401 = arith.extui %sign3A_3400 : i1 to i32
    %sign3A_3402 = arith.subi %sign3A_3398, %sign3A_3401 : i32
    %ne3A_3403 = vector.broadcast %sign3A_3402 : i32 to vector<16xi32>
    %ne3A_3404 = arith.cmpi ne, %sign3A_3395, %ne3A_3403 : vector<16xi32>
    %rem3A_3405 = vector.broadcast %jit3A_3384 : i32 to vector<16xi32>
    %rem3A_3406 = arith.remsi %add3A_3383, %rem3A_3405 : vector<16xi32>
    %ne3A_3407 = arith.constant 0 : i32
    %ne3A_3408 = vector.broadcast %ne3A_3407 : i32 to vector<16xi32>
    %ne3A_3409 = arith.cmpi ne, %rem3A_3406, %ne3A_3408 : vector<16xi32>
    %and3A_3410 = arith.andi %ne3A_3404, %ne3A_3409 : vector<16xi1>
    %sub3A_3411 = arith.constant 1 : i32
    %sub3A_3412 = vector.broadcast %sub3A_3411 : i32 to vector<16xi32>
    %sub3A_3413 = arith.subi %div3A_3386, %sub3A_3412 : vector<16xi32>
    %select_n3A_3414 = arith.select %and3A_3410, %sub3A_3413, %div3A_3386 : vector<16xi1>, vector<16xi32>
    %mul3A_3415 = arith.constant 10 : i32
    %mul3A_3416 = vector.broadcast %mul3A_3415 : i32 to vector<16xi32>
    %mul3A_3417 = arith.muli %select_n3A_3414, %mul3A_3416 : vector<16xi32>
    %sub3A_3418 = arith.subi %add3A_3383, %mul3A_3417 : vector<16xi32>
    %gather3A_3419 = tpu.vector_load_idx %arg6[%select_n3A_3414, %sub3A_3418] : memref<64x16xi32, #tpu.memory_space<vmem>>[vector<16xi32>, vector<16xi32>], vector<16xi32>,
    %iota3A_3420 = tpu.iota {dimensions = array<i32: 0>} : vector<16xi32>
    %add3A_3421 = arith.constant 464 : i32
    %add3A_3422 = vector.broadcast %add3A_3421 : i32 to vector<16xi32>
    %add3A_3423 = arith.addi %iota3A_3420, %add3A_3422 : vector<16xi32>
    %gather3A_3424 = tpu.vector_load_idx %arg7[%gather3A_3419] : memref<17408xi32, #tpu.memory_space<vmem>>[vector<16xi32>], vector<16xi32>,
    %eq3A_3425 = arith.cmpi eq, %gather3A_3424, %add3A_3423 : vector<16xi32>
    %lt3A_3426 = arith.constant 16384 : i32
    %lt3A_3427 = vector.broadcast %lt3A_3426 : i32 to vector<16xi32>
    %lt3A_3428 = arith.cmpi slt, %gather3A_3419, %lt3A_3427 : vector<16xi32>
    %and3A_3429 = arith.andi %eq3A_3425, %lt3A_3428 : vector<16xi1>
    %jit3A_3430 = arith.constant 1.000000e+00 : f32
    %jit3A_3431 = arith.constant 0.000000e+00 : f32
    %broadcast_in_dim3A_3432 = vector.broadcast %jit3A_3430 : f32 to vector<16xf32>
    %broadcast_in_dim3A_3433 = vector.broadcast %jit3A_3431 : f32 to vector<16xf32>
    %select_n3A_3434 = arith.select %and3A_3429, %broadcast_in_dim3A_3432, %broadcast_in_dim3A_3433 : vector<16xi1>, vector<16xf32>
    %add3A_3435 = arith.addf %add3A_3368, %select_n3A_3434 : vector<16xf32>
    %mul3A_3436 = arith.constant 16384 : i32
    %mul3A_3437 = arith.muli %select_n3A, %mul3A_3436 : i32
    %jit3A_3438 = arith.constant 0 : i32
    %broadcast_in_dim3A_3439 = vector.broadcast %jit3A_3438 : i32 to vector<16xi32>
    %select_n3A_3440 = arith.select %and3A_3429, %gather3A_3419, %broadcast_in_dim3A_3439 : vector<16xi1>, vector<16xi32>
    %add3A_3441 = vector.broadcast %mul3A_3437 : i32 to vector<16xi32>
    %add3A_3442 = arith.addi %add3A_3441, %select_n3A_3440 : vector<16xi32>
    %swap3A_3443 = arith.constant 3 : i32
    %swap3A_3444 = arith.index_cast %swap3A_3443 : i32 to index
    %swap3A_3445 = arith.constant 80 : index
    %swap3A_3446 = tpu.vector_load %arg8[%swap3A_3444, %swap3A_3445] {strides = array<i32>} : memref<4x128xi32, #tpu.memory_space<vmem>>, vector<16xi32>,
    tpu.vector_store %arg8[%swap3A_3444, %swap3A_3445], %add3A_3442 {strides = array<i32>} : memref<4x128xi32, #tpu.memory_space<vmem>>, vector<16xi32>,
    %iota3A_3447 = tpu.iota {dimensions = array<i32: 0>} : vector<16xi32>
    %add3A_3448 = arith.constant 480 : i32
    %add3A_3449 = vector.broadcast %add3A_3448 : i32 to vector<16xi32>
    %add3A_3450 = arith.addi %iota3A_3447, %add3A_3449 : vector<16xi32>
    %jit3A_3451 = arith.constant 10 : i32
    %div3A_3452 = vector.broadcast %jit3A_3451 : i32 to vector<16xi32>
    %div3A_3453 = arith.divsi %add3A_3450, %div3A_3452 : vector<16xi32>
    %sign3A_3454 = arith.constant 0 : i32
    %sign3A_3455 = vector.broadcast %sign3A_3454 : i32 to vector<16xi32>
    %sign3A_3456 = arith.cmpi sgt, %add3A_3450, %sign3A_3455 : vector<16xi32>
    %sign3A_3457 = arith.extui %sign3A_3456 : vector<16xi1> to vector<16xi32>
    %sign3A_3458 = arith.constant 0 : i32
    %sign3A_3459 = vector.broadcast %sign3A_3458 : i32 to vector<16xi32>
    %sign3A_3460 = arith.cmpi slt, %add3A_3450, %sign3A_3459 : vector<16xi32>
    %sign3A_3461 = arith.extui %sign3A_3460 : vector<16xi1> to vector<16xi32>
    %sign3A_3462 = arith.subi %sign3A_3457, %sign3A_3461 : vector<16xi32>
    %sign3A_3463 = arith.constant 0 : i32
    %sign3A_3464 = arith.cmpi sgt, %jit3A_3451, %sign3A_3463 : i32
    %sign3A_3465 = arith.extui %sign3A_3464 : i1 to i32
    %sign3A_3466 = arith.constant 0 : i32
    %sign3A_3467 = arith.cmpi slt, %jit3A_3451, %sign3A_3466 : i32
    %sign3A_3468 = arith.extui %sign3A_3467 : i1 to i32
    %sign3A_3469 = arith.subi %sign3A_3465, %sign3A_3468 : i32
    %ne3A_3470 = vector.broadcast %sign3A_3469 : i32 to vector<16xi32>
    %ne3A_3471 = arith.cmpi ne, %sign3A_3462, %ne3A_3470 : vector<16xi32>
    %rem3A_3472 = vector.broadcast %jit3A_3451 : i32 to vector<16xi32>
    %rem3A_3473 = arith.remsi %add3A_3450, %rem3A_3472 : vector<16xi32>
    %ne3A_3474 = arith.constant 0 : i32
    %ne3A_3475 = vector.broadcast %ne3A_3474 : i32 to vector<16xi32>
    %ne3A_3476 = arith.cmpi ne, %rem3A_3473, %ne3A_3475 : vector<16xi32>
    %and3A_3477 = arith.andi %ne3A_3471, %ne3A_3476 : vector<16xi1>
    %sub3A_3478 = arith.constant 1 : i32
    %sub3A_3479 = vector.broadcast %sub3A_3478 : i32 to vector<16xi32>
    %sub3A_3480 = arith.subi %div3A_3453, %sub3A_3479 : vector<16xi32>
    %select_n3A_3481 = arith.select %and3A_3477, %sub3A_3480, %div3A_3453 : vector<16xi1>, vector<16xi32>
    %mul3A_3482 = arith.constant 10 : i32
    %mul3A_3483 = vector.broadcast %mul3A_3482 : i32 to vector<16xi32>
    %mul3A_3484 = arith.muli %select_n3A_3481, %mul3A_3483 : vector<16xi32>
    %sub3A_3485 = arith.subi %add3A_3450, %mul3A_3484 : vector<16xi32>
    %gather3A_3486 = tpu.vector_load_idx %arg6[%select_n3A_3481, %sub3A_3485] : memref<64x16xi32, #tpu.memory_space<vmem>>[vector<16xi32>, vector<16xi32>], vector<16xi32>,
    %iota3A_3487 = tpu.iota {dimensions = array<i32: 0>} : vector<16xi32>
    %add3A_3488 = arith.constant 480 : i32
    %add3A_3489 = vector.broadcast %add3A_3488 : i32 to vector<16xi32>
    %add3A_3490 = arith.addi %iota3A_3487, %add3A_3489 : vector<16xi32>
    %gather3A_3491 = tpu.vector_load_idx %arg7[%gather3A_3486] : memref<17408xi32, #tpu.memory_space<vmem>>[vector<16xi32>], vector<16xi32>,
    %eq3A_3492 = arith.cmpi eq, %gather3A_3491, %add3A_3490 : vector<16xi32>
    %lt3A_3493 = arith.constant 16384 : i32
    %lt3A_3494 = vector.broadcast %lt3A_3493 : i32 to vector<16xi32>
    %lt3A_3495 = arith.cmpi slt, %gather3A_3486, %lt3A_3494 : vector<16xi32>
    %and3A_3496 = arith.andi %eq3A_3492, %lt3A_3495 : vector<16xi1>
    %jit3A_3497 = arith.constant 1.000000e+00 : f32
    %jit3A_3498 = arith.constant 0.000000e+00 : f32
    %broadcast_in_dim3A_3499 = vector.broadcast %jit3A_3497 : f32 to vector<16xf32>
    %broadcast_in_dim3A_3500 = vector.broadcast %jit3A_3498 : f32 to vector<16xf32>
    %select_n3A_3501 = arith.select %and3A_3496, %broadcast_in_dim3A_3499, %broadcast_in_dim3A_3500 : vector<16xi1>, vector<16xf32>
    %add3A_3502 = arith.addf %add3A_3435, %select_n3A_3501 : vector<16xf32>
    %mul3A_3503 = arith.constant 16384 : i32
    %mul3A_3504 = arith.muli %select_n3A, %mul3A_3503 : i32
    %jit3A_3505 = arith.constant 0 : i32
    %broadcast_in_dim3A_3506 = vector.broadcast %jit3A_3505 : i32 to vector<16xi32>
    %select_n3A_3507 = arith.select %and3A_3496, %gather3A_3486, %broadcast_in_dim3A_3506 : vector<16xi1>, vector<16xi32>
    %add3A_3508 = vector.broadcast %mul3A_3504 : i32 to vector<16xi32>
    %add3A_3509 = arith.addi %add3A_3508, %select_n3A_3507 : vector<16xi32>
    %swap3A_3510 = arith.constant 3 : i32
    %swap3A_3511 = arith.index_cast %swap3A_3510 : i32 to index
    %swap3A_3512 = arith.constant 96 : index
    %swap3A_3513 = tpu.vector_load %arg8[%swap3A_3511, %swap3A_3512] {strides = array<i32>} : memref<4x128xi32, #tpu.memory_space<vmem>>, vector<16xi32>,
    tpu.vector_store %arg8[%swap3A_3511, %swap3A_3512], %add3A_3509 {strides = array<i32>} : memref<4x128xi32, #tpu.memory_space<vmem>>, vector<16xi32>,
    %iota3A_3514 = tpu.iota {dimensions = array<i32: 0>} : vector<16xi32>
    %add3A_3515 = arith.constant 496 : i32
    %add3A_3516 = vector.broadcast %add3A_3515 : i32 to vector<16xi32>
    %add3A_3517 = arith.addi %iota3A_3514, %add3A_3516 : vector<16xi32>
    %jit3A_3518 = arith.constant 10 : i32
    %div3A_3519 = vector.broadcast %jit3A_3518 : i32 to vector<16xi32>
    %div3A_3520 = arith.divsi %add3A_3517, %div3A_3519 : vector<16xi32>
    %sign3A_3521 = arith.constant 0 : i32
    %sign3A_3522 = vector.broadcast %sign3A_3521 : i32 to vector<16xi32>
    %sign3A_3523 = arith.cmpi sgt, %add3A_3517, %sign3A_3522 : vector<16xi32>
    %sign3A_3524 = arith.extui %sign3A_3523 : vector<16xi1> to vector<16xi32>
    %sign3A_3525 = arith.constant 0 : i32
    %sign3A_3526 = vector.broadcast %sign3A_3525 : i32 to vector<16xi32>
    %sign3A_3527 = arith.cmpi slt, %add3A_3517, %sign3A_3526 : vector<16xi32>
    %sign3A_3528 = arith.extui %sign3A_3527 : vector<16xi1> to vector<16xi32>
    %sign3A_3529 = arith.subi %sign3A_3524, %sign3A_3528 : vector<16xi32>
    %sign3A_3530 = arith.constant 0 : i32
    %sign3A_3531 = arith.cmpi sgt, %jit3A_3518, %sign3A_3530 : i32
    %sign3A_3532 = arith.extui %sign3A_3531 : i1 to i32
    %sign3A_3533 = arith.constant 0 : i32
    %sign3A_3534 = arith.cmpi slt, %jit3A_3518, %sign3A_3533 : i32
    %sign3A_3535 = arith.extui %sign3A_3534 : i1 to i32
    %sign3A_3536 = arith.subi %sign3A_3532, %sign3A_3535 : i32
    %ne3A_3537 = vector.broadcast %sign3A_3536 : i32 to vector<16xi32>
    %ne3A_3538 = arith.cmpi ne, %sign3A_3529, %ne3A_3537 : vector<16xi32>
    %rem3A_3539 = vector.broadcast %jit3A_3518 : i32 to vector<16xi32>
    %rem3A_3540 = arith.remsi %add3A_3517, %rem3A_3539 : vector<16xi32>
    %ne3A_3541 = arith.constant 0 : i32
    %ne3A_3542 = vector.broadcast %ne3A_3541 : i32 to vector<16xi32>
    %ne3A_3543 = arith.cmpi ne, %rem3A_3540, %ne3A_3542 : vector<16xi32>
    %and3A_3544 = arith.andi %ne3A_3538, %ne3A_3543 : vector<16xi1>
    %sub3A_3545 = arith.constant 1 : i32
    %sub3A_3546 = vector.broadcast %sub3A_3545 : i32 to vector<16xi32>
    %sub3A_3547 = arith.subi %div3A_3520, %sub3A_3546 : vector<16xi32>
    %select_n3A_3548 = arith.select %and3A_3544, %sub3A_3547, %div3A_3520 : vector<16xi1>, vector<16xi32>
    %mul3A_3549 = arith.constant 10 : i32
    %mul3A_3550 = vector.broadcast %mul3A_3549 : i32 to vector<16xi32>
    %mul3A_3551 = arith.muli %select_n3A_3548, %mul3A_3550 : vector<16xi32>
    %sub3A_3552 = arith.subi %add3A_3517, %mul3A_3551 : vector<16xi32>
    %gather3A_3553 = tpu.vector_load_idx %arg6[%select_n3A_3548, %sub3A_3552] : memref<64x16xi32, #tpu.memory_space<vmem>>[vector<16xi32>, vector<16xi32>], vector<16xi32>,
    %iota3A_3554 = tpu.iota {dimensions = array<i32: 0>} : vector<16xi32>
    %add3A_3555 = arith.constant 496 : i32
    %add3A_3556 = vector.broadcast %add3A_3555 : i32 to vector<16xi32>
    %add3A_3557 = arith.addi %iota3A_3554, %add3A_3556 : vector<16xi32>
    %gather3A_3558 = tpu.vector_load_idx %arg7[%gather3A_3553] : memref<17408xi32, #tpu.memory_space<vmem>>[vector<16xi32>], vector<16xi32>,
    %eq3A_3559 = arith.cmpi eq, %gather3A_3558, %add3A_3557 : vector<16xi32>
    %lt3A_3560 = arith.constant 16384 : i32
    %lt3A_3561 = vector.broadcast %lt3A_3560 : i32 to vector<16xi32>
    %lt3A_3562 = arith.cmpi slt, %gather3A_3553, %lt3A_3561 : vector<16xi32>
    %and3A_3563 = arith.andi %eq3A_3559, %lt3A_3562 : vector<16xi1>
    %jit3A_3564 = arith.constant 1.000000e+00 : f32
    %jit3A_3565 = arith.constant 0.000000e+00 : f32
    %broadcast_in_dim3A_3566 = vector.broadcast %jit3A_3564 : f32 to vector<16xf32>
    %broadcast_in_dim3A_3567 = vector.broadcast %jit3A_3565 : f32 to vector<16xf32>
    %select_n3A_3568 = arith.select %and3A_3563, %broadcast_in_dim3A_3566, %broadcast_in_dim3A_3567 : vector<16xi1>, vector<16xf32>
    %add3A_3569 = arith.addf %add3A_3502, %select_n3A_3568 : vector<16xf32>
    %mul3A_3570 = arith.constant 16384 : i32
    %mul3A_3571 = arith.muli %select_n3A, %mul3A_3570 : i32
    %jit3A_3572 = arith.constant 0 : i32
    %broadcast_in_dim3A_3573 = vector.broadcast %jit3A_3572 : i32 to vector<16xi32>
    %select_n3A_3574 = arith.select %and3A_3563, %gather3A_3553, %broadcast_in_dim3A_3573 : vector<16xi1>, vector<16xi32>
    %add3A_3575 = vector.broadcast %mul3A_3571 : i32 to vector<16xi32>
    %add3A_3576 = arith.addi %add3A_3575, %select_n3A_3574 : vector<16xi32>
    %swap3A_3577 = arith.constant 3 : i32
    %swap3A_3578 = arith.index_cast %swap3A_3577 : i32 to index
    %swap3A_3579 = arith.constant 112 : index
    %swap3A_3580 = tpu.vector_load %arg8[%swap3A_3578, %swap3A_3579] {strides = array<i32>} : memref<4x128xi32, #tpu.memory_space<vmem>>, vector<16xi32>,
    tpu.vector_store %arg8[%swap3A_3578, %swap3A_3579], %add3A_3576 {strides = array<i32>} : memref<4x128xi32, #tpu.memory_space<vmem>>, vector<16xi32>,
    %eq3A_3581 = arith.constant 0 : i32
    %eq3A_3582 = arith.cmpi eq, %select_n3A_30, %eq3A_3581 : i32
    %convert_element_type3A = arith.extui %eq3A_3582 : i1 to i32
    %cond3A = arith.constant 0 : i32
    %cond3A_3583 = arith.cmpi ne, %convert_element_type3A, %cond3A : i32
    scf.if %cond3A_3583 {
      %broadcast_in_dim3A_3666 = arith.constant 0.000000e+00 : f32
      %broadcast_in_dim3A_3667 = vector.broadcast %broadcast_in_dim3A_3666 : f32 to vector<16xf32>
      %reduce_sum3A = arith.constant true
      %reduce_sum3A_3668 = vector.broadcast %reduce_sum3A : i1 to vector<16xi1>
      %reduce_sum3A_3669 = tpu.scan <sum>, %add3A_3569 masked %reduce_sum3A_3668 : vector<16xf32>, vector<16xi1> -> vector<16xf32>
      %reduce_sum3A_3670 = vector.extract %reduce_sum3A_3669[15] : f32 from vector<16xf32>
      %add3A_3671 = vector.broadcast %reduce_sum3A_3670 : f32 to vector<16xf32>
      %add3A_3672 = arith.addf %broadcast_in_dim3A_3667, %add3A_3671 : vector<16xf32>
      %swap3A_3673 = arith.constant 0 : index
      %swap3A_3674 = tpu.vector_load %arg11[%swap3A_3673] {strides = array<i32>} : memref<16xf32, #tpu.memory_space<vmem>>, vector<16xf32>,
      tpu.vector_store %arg11[%swap3A_3673], %add3A_3672 {strides = array<i32>} : memref<16xf32, #tpu.memory_space<vmem>>, vector<16xf32>,
      "tpu.region"() ({
        %run_scoped3A = tpu.sem_alloc : memref<!tpu.dma_semaphore, #tpu.memory_space<semaphore_mem>>
        %dma_start3A_3675 = arith.constant 0 : i32
        %dma_start3A_3676 = tpu.memref_slice %arg5[%select_n3A, %dma_start3A_3675] : memref<8x16xf32, #tpu.memory_space<hbm>> -> memref<1x16xf32, #tpu.memory_space<hbm>>
        %dma_start3A_3677 = tpu.memref_squeeze %dma_start3A_3676 : memref<1x16xf32, #tpu.memory_space<hbm>> -> memref<16xf32, #tpu.memory_space<hbm>>
        %dma_start3A_3678 = arith.constant 0 : i32
        %dma_start3A_3679 = tpu.memref_slice %arg5[%select_n3A, %dma_start3A_3678] : memref<8x16xf32, #tpu.memory_space<hbm>> -> memref<1x16xf32, #tpu.memory_space<hbm>>
        %dma_start3A_3680 = tpu.memref_squeeze %dma_start3A_3679 : memref<1x16xf32, #tpu.memory_space<hbm>> -> memref<16xf32, #tpu.memory_space<hbm>>
        tpu.enqueue_dma source(%arg11 : memref<16xf32, #tpu.memory_space<vmem>>) target(%dma_start3A_3680 : memref<16xf32, #tpu.memory_space<hbm>>) target_semaphore(%run_scoped3A : memref<!tpu.dma_semaphore, #tpu.memory_space<semaphore_mem>>)
        %dma_wait3A_3681 = arith.constant 0 : i32
        %dma_wait3A_3682 = tpu.memref_slice %arg5[%select_n3A, %dma_wait3A_3681] : memref<8x16xf32, #tpu.memory_space<hbm>> -> memref<1x16xf32, #tpu.memory_space<hbm>>
        %dma_wait3A_3683 = tpu.memref_squeeze %dma_wait3A_3682 : memref<1x16xf32, #tpu.memory_space<hbm>> -> memref<16xf32, #tpu.memory_space<hbm>>
        %dma_wait3A_3684 = arith.constant 0 : i32
        %dma_wait3A_3685 = tpu.memref_slice %arg5[%select_n3A, %dma_wait3A_3684] : memref<8x16xf32, #tpu.memory_space<hbm>> -> memref<1x16xf32, #tpu.memory_space<hbm>>
        %dma_wait3A_3686 = tpu.memref_squeeze %dma_wait3A_3685 : memref<1x16xf32, #tpu.memory_space<hbm>> -> memref<16xf32, #tpu.memory_space<hbm>>
        tpu.wait_dma2 semaphore(%run_scoped3A : memref<!tpu.dma_semaphore, #tpu.memory_space<semaphore_mem>>) src(%arg11 : memref<16xf32, #tpu.memory_space<vmem>>) dst(%dma_wait3A_3686 : memref<16xf32, #tpu.memory_space<hbm>>)
        tpu.yield
      }) : () -> ()
    } else {
    }
    %dma_start3A = arith.constant 0 : i32
    %dma_start3A_3584 = tpu.memref_slice %arg8[%select_n3A_30, %dma_start3A] : memref<4x128xi32, #tpu.memory_space<vmem>> -> memref<1x128xi32, #tpu.memory_space<vmem>>
    %dma_start3A_3585 = tpu.memref_squeeze %dma_start3A_3584 : memref<1x128xi32, #tpu.memory_space<vmem>> -> memref<128xi32, #tpu.memory_space<vmem>>
    %dma_start3A_3586 = arith.constant 0 : i32
    %dma_start3A_3587 = arith.constant 0 : i32
    %dma_start3A_3588 = tpu.memref_slice %arg3[%dma_start3A_3586, %dma_start3A_3587] : memref<131072x256xf32, #tpu.memory_space<hbm>> -> memref<131072x256xf32, #tpu.memory_space<hbm>>
    tpu.enqueue_indirect_dma source(%dma_start3A_3588 : memref<131072x256xf32, #tpu.memory_space<hbm>>) target(%arg9 : memref<128x256xf32, #tpu.memory_space<vmem>>) offsets(%dma_start3A_3585 : memref<128xi32, #tpu.memory_space<vmem>>) semaphore(%arg12 : memref<!tpu.dma_semaphore, #tpu.memory_space<semaphore_mem>>)
    %dma_wait3A = arith.constant 0 : i32
    %dma_wait3A_3589 = tpu.memref_slice %arg8[%select_n3A_30, %dma_wait3A] : memref<4x128xi32, #tpu.memory_space<vmem>> -> memref<1x128xi32, #tpu.memory_space<vmem>>
    %dma_wait3A_3590 = tpu.memref_squeeze %dma_wait3A_3589 : memref<1x128xi32, #tpu.memory_space<vmem>> -> memref<128xi32, #tpu.memory_space<vmem>>
    %dma_wait3A_3591 = arith.constant 0 : i32
    %dma_wait3A_3592 = arith.constant 0 : i32
    %dma_wait3A_3593 = tpu.memref_slice %arg3[%dma_wait3A_3591, %dma_wait3A_3592] : memref<131072x256xf32, #tpu.memory_space<hbm>> -> memref<131072x256xf32, #tpu.memory_space<hbm>>
    tpu.wait_indirect_dma semaphore(%arg12 : memref<!tpu.dma_semaphore, #tpu.memory_space<semaphore_mem>>) src(%dma_wait3A_3593 : memref<131072x256xf32, #tpu.memory_space<hbm>>) dst(%arg9 : memref<128x256xf32, #tpu.memory_space<vmem>>)
    %broadcast_in_dim3A_3594 = arith.constant 0.000000e+00 : f32
    %broadcast_in_dim3A_3595 = vector.broadcast %broadcast_in_dim3A_3594 : f32 to vector<16xf32>
    %broadcast_in_dim3A_3596 = arith.constant 0.000000e+00 : f32
    %broadcast_in_dim3A_3597 = vector.broadcast %broadcast_in_dim3A_3596 : f32 to vector<16xf32>
    %broadcast_in_dim3A_3598 = arith.constant 0.000000e+00 : f32
    %broadcast_in_dim3A_3599 = vector.broadcast %broadcast_in_dim3A_3598 : f32 to vector<16xf32>
    %broadcast_in_dim3A_3600 = arith.constant 0.000000e+00 : f32
    %broadcast_in_dim3A_3601 = vector.broadcast %broadcast_in_dim3A_3600 : f32 to vector<16xf32>
    %broadcast_in_dim3A_3602 = arith.constant 0.000000e+00 : f32
    %broadcast_in_dim3A_3603 = vector.broadcast %broadcast_in_dim3A_3602 : f32 to vector<16xf32>
    %broadcast_in_dim3A_3604 = arith.constant 0.000000e+00 : f32
    %broadcast_in_dim3A_3605 = vector.broadcast %broadcast_in_dim3A_3604 : f32 to vector<16xf32>
    %broadcast_in_dim3A_3606 = arith.constant 0.000000e+00 : f32
    %broadcast_in_dim3A_3607 = vector.broadcast %broadcast_in_dim3A_3606 : f32 to vector<16xf32>
    %broadcast_in_dim3A_3608 = arith.constant 0.000000e+00 : f32
    %broadcast_in_dim3A_3609 = vector.broadcast %broadcast_in_dim3A_3608 : f32 to vector<16xf32>
    %broadcast_in_dim3A_3610 = arith.constant 0.000000e+00 : f32
    %broadcast_in_dim3A_3611 = vector.broadcast %broadcast_in_dim3A_3610 : f32 to vector<16xf32>
    %broadcast_in_dim3A_3612 = arith.constant 0.000000e+00 : f32
    %broadcast_in_dim3A_3613 = vector.broadcast %broadcast_in_dim3A_3612 : f32 to vector<16xf32>
    %broadcast_in_dim3A_3614 = arith.constant 0.000000e+00 : f32
    %broadcast_in_dim3A_3615 = vector.broadcast %broadcast_in_dim3A_3614 : f32 to vector<16xf32>
    %broadcast_in_dim3A_3616 = arith.constant 0.000000e+00 : f32
    %broadcast_in_dim3A_3617 = vector.broadcast %broadcast_in_dim3A_3616 : f32 to vector<16xf32>
    %broadcast_in_dim3A_3618 = arith.constant 0.000000e+00 : f32
    %broadcast_in_dim3A_3619 = vector.broadcast %broadcast_in_dim3A_3618 : f32 to vector<16xf32>
    %broadcast_in_dim3A_3620 = arith.constant 0.000000e+00 : f32
    %broadcast_in_dim3A_3621 = vector.broadcast %broadcast_in_dim3A_3620 : f32 to vector<16xf32>
    %broadcast_in_dim3A_3622 = arith.constant 0.000000e+00 : f32
    %broadcast_in_dim3A_3623 = vector.broadcast %broadcast_in_dim3A_3622 : f32 to vector<16xf32>
    %broadcast_in_dim3A_3624 = arith.constant 0.000000e+00 : f32
    %broadcast_in_dim3A_3625 = vector.broadcast %broadcast_in_dim3A_3624 : f32 to vector<16xf32>
    %scan3A = arith.constant 0 : i32
    %scan3A_3626 = arith.constant 128 : i32
    %scan3A_3627 = arith.addi %scan3A, %scan3A_3626 : i32
    %scan3A_3628 = arith.constant 1 : i32
    %scan3A_3629:16 = scf.for %scan3A_3666 = %scan3A to %scan3A_3627 step %scan3A_3628 iter_args(%scan3A_3667 = %broadcast_in_dim3A_3595, %scan3A_3668 = %broadcast_in_dim3A_3597, %scan3A_3669 = %broadcast_in_dim3A_3599, %scan3A_3670 = %broadcast_in_dim3A_3601, %scan3A_3671 = %broadcast_in_dim3A_3603, %scan3A_3672 = %broadcast_in_dim3A_3605, %scan3A_3673 = %broadcast_in_dim3A_3607, %scan3A_3674 = %broadcast_in_dim3A_3609, %scan3A_3675 = %broadcast_in_dim3A_3611, %scan3A_3676 = %broadcast_in_dim3A_3613, %scan3A_3677 = %broadcast_in_dim3A_3615, %scan3A_3678 = %broadcast_in_dim3A_3617, %scan3A_3679 = %broadcast_in_dim3A_3619, %scan3A_3680 = %broadcast_in_dim3A_3621, %scan3A_3681 = %broadcast_in_dim3A_3623, %scan3A_3682 = %broadcast_in_dim3A_3625) -> (vector<16xf32>, vector<16xf32>, vector<16xf32>, vector<16xf32>, vector<16xf32>, vector<16xf32>, vector<16xf32>, vector<16xf32>, vector<16xf32>, vector<16xf32>, vector<16xf32>, vector<16xf32>, vector<16xf32>, vector<16xf32>, vector<16xf32>, vector<16xf32>)  : i32 {
      %get3A = arith.index_cast %scan3A_3666 : i32 to index
      %get3A_3683 = arith.constant 0 : index
      %get3A_3684 = tpu.vector_load %arg9[%get3A, %get3A_3683] {strides = array<i32>} : memref<128x256xf32, #tpu.memory_space<vmem>>, vector<16xf32>,
      %add3A_3685 = arith.addf %scan3A_3667, %get3A_3684 : vector<16xf32>
      %get3A_3686 = arith.index_cast %scan3A_3666 : i32 to index
      %get3A_3687 = arith.constant 16 : index
      %get3A_3688 = tpu.vector_load %arg9[%get3A_3686, %get3A_3687] {strides = array<i32>} : memref<128x256xf32, #tpu.memory_space<vmem>>, vector<16xf32>,
      %add3A_3689 = arith.addf %scan3A_3668, %get3A_3688 : vector<16xf32>
      %get3A_3690 = arith.index_cast %scan3A_3666 : i32 to index
      %get3A_3691 = arith.constant 32 : index
      %get3A_3692 = tpu.vector_load %arg9[%get3A_3690, %get3A_3691] {strides = array<i32>} : memref<128x256xf32, #tpu.memory_space<vmem>>, vector<16xf32>,
      %add3A_3693 = arith.addf %scan3A_3669, %get3A_3692 : vector<16xf32>
      %get3A_3694 = arith.index_cast %scan3A_3666 : i32 to index
      %get3A_3695 = arith.constant 48 : index
      %get3A_3696 = tpu.vector_load %arg9[%get3A_3694, %get3A_3695] {strides = array<i32>} : memref<128x256xf32, #tpu.memory_space<vmem>>, vector<16xf32>,
      %add3A_3697 = arith.addf %scan3A_3670, %get3A_3696 : vector<16xf32>
      %get3A_3698 = arith.index_cast %scan3A_3666 : i32 to index
      %get3A_3699 = arith.constant 64 : index
      %get3A_3700 = tpu.vector_load %arg9[%get3A_3698, %get3A_3699] {strides = array<i32>} : memref<128x256xf32, #tpu.memory_space<vmem>>, vector<16xf32>,
      %add3A_3701 = arith.addf %scan3A_3671, %get3A_3700 : vector<16xf32>
      %get3A_3702 = arith.index_cast %scan3A_3666 : i32 to index
      %get3A_3703 = arith.constant 80 : index
      %get3A_3704 = tpu.vector_load %arg9[%get3A_3702, %get3A_3703] {strides = array<i32>} : memref<128x256xf32, #tpu.memory_space<vmem>>, vector<16xf32>,
      %add3A_3705 = arith.addf %scan3A_3672, %get3A_3704 : vector<16xf32>
      %get3A_3706 = arith.index_cast %scan3A_3666 : i32 to index
      %get3A_3707 = arith.constant 96 : index
      %get3A_3708 = tpu.vector_load %arg9[%get3A_3706, %get3A_3707] {strides = array<i32>} : memref<128x256xf32, #tpu.memory_space<vmem>>, vector<16xf32>,
      %add3A_3709 = arith.addf %scan3A_3673, %get3A_3708 : vector<16xf32>
      %get3A_3710 = arith.index_cast %scan3A_3666 : i32 to index
      %get3A_3711 = arith.constant 112 : index
      %get3A_3712 = tpu.vector_load %arg9[%get3A_3710, %get3A_3711] {strides = array<i32>} : memref<128x256xf32, #tpu.memory_space<vmem>>, vector<16xf32>,
      %add3A_3713 = arith.addf %scan3A_3674, %get3A_3712 : vector<16xf32>
      %get3A_3714 = arith.index_cast %scan3A_3666 : i32 to index
      %get3A_3715 = arith.constant 128 : index
      %get3A_3716 = tpu.vector_load %arg9[%get3A_3714, %get3A_3715] {strides = array<i32>} : memref<128x256xf32, #tpu.memory_space<vmem>>, vector<16xf32>,
      %add3A_3717 = arith.addf %scan3A_3675, %get3A_3716 : vector<16xf32>
      %get3A_3718 = arith.index_cast %scan3A_3666 : i32 to index
      %get3A_3719 = arith.constant 144 : index
      %get3A_3720 = tpu.vector_load %arg9[%get3A_3718, %get3A_3719] {strides = array<i32>} : memref<128x256xf32, #tpu.memory_space<vmem>>, vector<16xf32>,
      %add3A_3721 = arith.addf %scan3A_3676, %get3A_3720 : vector<16xf32>
      %get3A_3722 = arith.index_cast %scan3A_3666 : i32 to index
      %get3A_3723 = arith.constant 160 : index
      %get3A_3724 = tpu.vector_load %arg9[%get3A_3722, %get3A_3723] {strides = array<i32>} : memref<128x256xf32, #tpu.memory_space<vmem>>, vector<16xf32>,
      %add3A_3725 = arith.addf %scan3A_3677, %get3A_3724 : vector<16xf32>
      %get3A_3726 = arith.index_cast %scan3A_3666 : i32 to index
      %get3A_3727 = arith.constant 176 : index
      %get3A_3728 = tpu.vector_load %arg9[%get3A_3726, %get3A_3727] {strides = array<i32>} : memref<128x256xf32, #tpu.memory_space<vmem>>, vector<16xf32>,
      %add3A_3729 = arith.addf %scan3A_3678, %get3A_3728 : vector<16xf32>
      %get3A_3730 = arith.index_cast %scan3A_3666 : i32 to index
      %get3A_3731 = arith.constant 192 : index
      %get3A_3732 = tpu.vector_load %arg9[%get3A_3730, %get3A_3731] {strides = array<i32>} : memref<128x256xf32, #tpu.memory_space<vmem>>, vector<16xf32>,
      %add3A_3733 = arith.addf %scan3A_3679, %get3A_3732 : vector<16xf32>
      %get3A_3734 = arith.index_cast %scan3A_3666 : i32 to index
      %get3A_3735 = arith.constant 208 : index
      %get3A_3736 = tpu.vector_load %arg9[%get3A_3734, %get3A_3735] {strides = array<i32>} : memref<128x256xf32, #tpu.memory_space<vmem>>, vector<16xf32>,
      %add3A_3737 = arith.addf %scan3A_3680, %get3A_3736 : vector<16xf32>
      %get3A_3738 = arith.index_cast %scan3A_3666 : i32 to index
      %get3A_3739 = arith.constant 224 : index
      %get3A_3740 = tpu.vector_load %arg9[%get3A_3738, %get3A_3739] {strides = array<i32>} : memref<128x256xf32, #tpu.memory_space<vmem>>, vector<16xf32>,
      %add3A_3741 = arith.addf %scan3A_3681, %get3A_3740 : vector<16xf32>
      %get3A_3742 = arith.index_cast %scan3A_3666 : i32 to index
      %get3A_3743 = arith.constant 240 : index
      %get3A_3744 = tpu.vector_load %arg9[%get3A_3742, %get3A_3743] {strides = array<i32>} : memref<128x256xf32, #tpu.memory_space<vmem>>, vector<16xf32>,
      %add3A_3745 = arith.addf %scan3A_3682, %get3A_3744 : vector<16xf32>
      scf.yield %add3A_3685, %add3A_3689, %add3A_3693, %add3A_3697, %add3A_3701, %add3A_3705, %add3A_3709, %add3A_3713, %add3A_3717, %add3A_3721, %add3A_3725, %add3A_3729, %add3A_3733, %add3A_3737, %add3A_3741, %add3A_3745 : vector<16xf32>, vector<16xf32>, vector<16xf32>, vector<16xf32>, vector<16xf32>, vector<16xf32>, vector<16xf32>, vector<16xf32>, vector<16xf32>, vector<16xf32>, vector<16xf32>, vector<16xf32>, vector<16xf32>, vector<16xf32>, vector<16xf32>, vector<16xf32>
    }
    %scan3A_3630 = arith.constant 128 : i32
    %swap3A_3631 = arith.constant 0 : index
    %swap3A_3632 = tpu.vector_load %arg10[%swap3A_3631] {strides = array<i32>} : memref<256xf32, #tpu.memory_space<vmem>>, vector<16xf32>,
    tpu.vector_store %arg10[%swap3A_3631], %scan3A_3629#0 {strides = array<i32>} : memref<256xf32, #tpu.memory_space<vmem>>, vector<16xf32>,
    %swap3A_3633 = arith.constant 16 : index
    %swap3A_3634 = tpu.vector_load %arg10[%swap3A_3633] {strides = array<i32>} : memref<256xf32, #tpu.memory_space<vmem>>, vector<16xf32>,
    tpu.vector_store %arg10[%swap3A_3633], %scan3A_3629#1 {strides = array<i32>} : memref<256xf32, #tpu.memory_space<vmem>>, vector<16xf32>,
    %swap3A_3635 = arith.constant 32 : index
    %swap3A_3636 = tpu.vector_load %arg10[%swap3A_3635] {strides = array<i32>} : memref<256xf32, #tpu.memory_space<vmem>>, vector<16xf32>,
    tpu.vector_store %arg10[%swap3A_3635], %scan3A_3629#2 {strides = array<i32>} : memref<256xf32, #tpu.memory_space<vmem>>, vector<16xf32>,
    %swap3A_3637 = arith.constant 48 : index
    %swap3A_3638 = tpu.vector_load %arg10[%swap3A_3637] {strides = array<i32>} : memref<256xf32, #tpu.memory_space<vmem>>, vector<16xf32>,
    tpu.vector_store %arg10[%swap3A_3637], %scan3A_3629#3 {strides = array<i32>} : memref<256xf32, #tpu.memory_space<vmem>>, vector<16xf32>,
    %swap3A_3639 = arith.constant 64 : index
    %swap3A_3640 = tpu.vector_load %arg10[%swap3A_3639] {strides = array<i32>} : memref<256xf32, #tpu.memory_space<vmem>>, vector<16xf32>,
    tpu.vector_store %arg10[%swap3A_3639], %scan3A_3629#4 {strides = array<i32>} : memref<256xf32, #tpu.memory_space<vmem>>, vector<16xf32>,
    %swap3A_3641 = arith.constant 80 : index
    %swap3A_3642 = tpu.vector_load %arg10[%swap3A_3641] {strides = array<i32>} : memref<256xf32, #tpu.memory_space<vmem>>, vector<16xf32>,
    tpu.vector_store %arg10[%swap3A_3641], %scan3A_3629#5 {strides = array<i32>} : memref<256xf32, #tpu.memory_space<vmem>>, vector<16xf32>,
    %swap3A_3643 = arith.constant 96 : index
    %swap3A_3644 = tpu.vector_load %arg10[%swap3A_3643] {strides = array<i32>} : memref<256xf32, #tpu.memory_space<vmem>>, vector<16xf32>,
    tpu.vector_store %arg10[%swap3A_3643], %scan3A_3629#6 {strides = array<i32>} : memref<256xf32, #tpu.memory_space<vmem>>, vector<16xf32>,
    %swap3A_3645 = arith.constant 112 : index
    %swap3A_3646 = tpu.vector_load %arg10[%swap3A_3645] {strides = array<i32>} : memref<256xf32, #tpu.memory_space<vmem>>, vector<16xf32>,
    tpu.vector_store %arg10[%swap3A_3645], %scan3A_3629#7 {strides = array<i32>} : memref<256xf32, #tpu.memory_space<vmem>>, vector<16xf32>,
    %swap3A_3647 = arith.constant 128 : index
    %swap3A_3648 = tpu.vector_load %arg10[%swap3A_3647] {strides = array<i32>} : memref<256xf32, #tpu.memory_space<vmem>>, vector<16xf32>,
    tpu.vector_store %arg10[%swap3A_3647], %scan3A_3629#8 {strides = array<i32>} : memref<256xf32, #tpu.memory_space<vmem>>, vector<16xf32>,
    %swap3A_3649 = arith.constant 144 : index
    %swap3A_3650 = tpu.vector_load %arg10[%swap3A_3649] {strides = array<i32>} : memref<256xf32, #tpu.memory_space<vmem>>, vector<16xf32>,
    tpu.vector_store %arg10[%swap3A_3649], %scan3A_3629#9 {strides = array<i32>} : memref<256xf32, #tpu.memory_space<vmem>>, vector<16xf32>,
    %swap3A_3651 = arith.constant 160 : index
    %swap3A_3652 = tpu.vector_load %arg10[%swap3A_3651] {strides = array<i32>} : memref<256xf32, #tpu.memory_space<vmem>>, vector<16xf32>,
    tpu.vector_store %arg10[%swap3A_3651], %scan3A_3629#10 {strides = array<i32>} : memref<256xf32, #tpu.memory_space<vmem>>, vector<16xf32>,
    %swap3A_3653 = arith.constant 176 : index
    %swap3A_3654 = tpu.vector_load %arg10[%swap3A_3653] {strides = array<i32>} : memref<256xf32, #tpu.memory_space<vmem>>, vector<16xf32>,
    tpu.vector_store %arg10[%swap3A_3653], %scan3A_3629#11 {strides = array<i32>} : memref<256xf32, #tpu.memory_space<vmem>>, vector<16xf32>,
    %swap3A_3655 = arith.constant 192 : index
    %swap3A_3656 = tpu.vector_load %arg10[%swap3A_3655] {strides = array<i32>} : memref<256xf32, #tpu.memory_space<vmem>>, vector<16xf32>,
    tpu.vector_store %arg10[%swap3A_3655], %scan3A_3629#12 {strides = array<i32>} : memref<256xf32, #tpu.memory_space<vmem>>, vector<16xf32>,
    %swap3A_3657 = arith.constant 208 : index
    %swap3A_3658 = tpu.vector_load %arg10[%swap3A_3657] {strides = array<i32>} : memref<256xf32, #tpu.memory_space<vmem>>, vector<16xf32>,
    tpu.vector_store %arg10[%swap3A_3657], %scan3A_3629#13 {strides = array<i32>} : memref<256xf32, #tpu.memory_space<vmem>>, vector<16xf32>,
    %swap3A_3659 = arith.constant 224 : index
    %swap3A_3660 = tpu.vector_load %arg10[%swap3A_3659] {strides = array<i32>} : memref<256xf32, #tpu.memory_space<vmem>>, vector<16xf32>,
    tpu.vector_store %arg10[%swap3A_3659], %scan3A_3629#14 {strides = array<i32>} : memref<256xf32, #tpu.memory_space<vmem>>, vector<16xf32>,
    %swap3A_3661 = arith.constant 240 : index
    %swap3A_3662 = tpu.vector_load %arg10[%swap3A_3661] {strides = array<i32>} : memref<256xf32, #tpu.memory_space<vmem>>, vector<16xf32>,
    tpu.vector_store %arg10[%swap3A_3661], %scan3A_3629#15 {strides = array<i32>} : memref<256xf32, #tpu.memory_space<vmem>>, vector<16xf32>,
    %mul3A_3663 = arith.constant 8 : i32
    %mul3A_3664 = arith.muli %select_n3A_30, %mul3A_3663 : i32
    %add3A_3665 = arith.addi %mul3A_3664, %select_n3A : i32
    "tpu.region"() ({
      %run_scoped3A = tpu.sem_alloc : memref<!tpu.dma_semaphore, #tpu.memory_space<semaphore_mem>>
      %dma_start3A_3666 = arith.constant 0 : i32
      %dma_start3A_3667 = tpu.memref_slice %arg4[%add3A_3665, %dma_start3A_3666] : memref<32x256xf32, #tpu.memory_space<hbm>> -> memref<1x256xf32, #tpu.memory_space<hbm>>
      %dma_start3A_3668 = tpu.memref_squeeze %dma_start3A_3667 : memref<1x256xf32, #tpu.memory_space<hbm>> -> memref<256xf32, #tpu.memory_space<hbm>>
      %dma_start3A_3669 = arith.constant 0 : i32
      %dma_start3A_3670 = tpu.memref_slice %arg4[%add3A_3665, %dma_start3A_3669] : memref<32x256xf32, #tpu.memory_space<hbm>> -> memref<1x256xf32, #tpu.memory_space<hbm>>
      %dma_start3A_3671 = tpu.memref_squeeze %dma_start3A_3670 : memref<1x256xf32, #tpu.memory_space<hbm>> -> memref<256xf32, #tpu.memory_space<hbm>>
      tpu.enqueue_dma source(%arg10 : memref<256xf32, #tpu.memory_space<vmem>>) target(%dma_start3A_3671 : memref<256xf32, #tpu.memory_space<hbm>>) target_semaphore(%run_scoped3A : memref<!tpu.dma_semaphore, #tpu.memory_space<semaphore_mem>>)
      %dma_wait3A_3672 = arith.constant 0 : i32
      %dma_wait3A_3673 = tpu.memref_slice %arg4[%add3A_3665, %dma_wait3A_3672] : memref<32x256xf32, #tpu.memory_space<hbm>> -> memref<1x256xf32, #tpu.memory_space<hbm>>
      %dma_wait3A_3674 = tpu.memref_squeeze %dma_wait3A_3673 : memref<1x256xf32, #tpu.memory_space<hbm>> -> memref<256xf32, #tpu.memory_space<hbm>>
      %dma_wait3A_3675 = arith.constant 0 : i32
      %dma_wait3A_3676 = tpu.memref_slice %arg4[%add3A_3665, %dma_wait3A_3675] : memref<32x256xf32, #tpu.memory_space<hbm>> -> memref<1x256xf32, #tpu.memory_space<hbm>>
      %dma_wait3A_3677 = tpu.memref_squeeze %dma_wait3A_3676 : memref<1x256xf32, #tpu.memory_space<hbm>> -> memref<256xf32, #tpu.memory_space<hbm>>
      tpu.wait_dma2 semaphore(%run_scoped3A : memref<!tpu.dma_semaphore, #tpu.memory_space<semaphore_mem>>) src(%arg10 : memref<256xf32, #tpu.memory_space<vmem>>) dst(%dma_wait3A_3677 : memref<256xf32, #tpu.memory_space<hbm>>)
      tpu.yield
    }) : () -> ()
    return
  }
}

module attributes {stable_mosaic.version = 14 : i64} {
  func.func @_topk_body(%arg0: i32, %arg1: memref<1x3x16384xf32, #tpu.memory_space<vmem>>, %arg2: memref<1x64x3xf32, #tpu.memory_space<vmem>>, %arg3: memref<1x64x16xi32, #tpu.memory_space<vmem>>) attributes {dimension_semantics = [#tpu.dimension_semantics<arbitrary>], iteration_bounds = array<i64: 8>, scalar_prefetch = 0 : i64, scratch_operands = 0 : i64, tpu.core_type = #tpu.core_type<tc>, window_params = [{transform_indices = @transform_0, window_bounds = array<i64: 1, 3, 16384>}, {transform_indices = @transform_1, window_bounds = array<i64: 1, 64, 3>}, {transform_indices = @transform_2, window_bounds = array<i64: 1, 64, 16>}]} {
    %get3A = arith.constant 0 : index
    %get3A_0 = arith.constant 0 : index
    %get3A_1 = arith.constant 0 : index
    %get3A_2 = vector.load %arg1[%get3A, %get3A_0, %get3A_1] : memref<1x3x16384xf32, #tpu.memory_space<vmem>>, vector<1x3x16384xf32>
    %get3A_3 = vector.shape_cast %get3A_2 : vector<1x3x16384xf32> to vector<3x16384xf32>
    %get3A_4 = arith.constant 0 : index
    %get3A_5 = arith.constant 0 : index
    %get3A_6 = arith.constant 0 : index
    %get3A_7 = vector.load %arg2[%get3A_4, %get3A_5, %get3A_6] : memref<1x64x3xf32, #tpu.memory_space<vmem>>, vector<1x64x3xf32>
    %get3A_8 = vector.shape_cast %get3A_7 : vector<1x64x3xf32> to vector<64x3xf32>
    %broadcast_in_dim3A = arith.constant 0.000000e+00 : f32
    %broadcast_in_dim3A_9 = vector.broadcast %broadcast_in_dim3A : f32 to vector<64x16384xf32>
    %slice3A = vector.extract_strided_slice %get3A_8 {offsets = [0, 0], sizes = [64, 1], strides = [1, 1]} : vector<64x3xf32> to vector<64x1xf32>
    %slice3A_10 = vector.extract_strided_slice %get3A_3 {offsets = [0, 0], sizes = [1, 16384], strides = [1, 1]} : vector<3x16384xf32> to vector<1x16384xf32>
    %sub3A = vector.broadcast %slice3A : vector<64x1xf32> to vector<64x16384xf32>
    %sub3A_11 = vector.broadcast %slice3A_10 : vector<1x16384xf32> to vector<64x16384xf32>
    %sub3A_12 = arith.subf %sub3A, %sub3A_11 : vector<64x16384xf32>
    %mul3A = arith.mulf %sub3A_12, %sub3A_12 : vector<64x16384xf32>
    %add3A = arith.addf %broadcast_in_dim3A_9, %mul3A : vector<64x16384xf32>
    %slice3A_13 = vector.extract_strided_slice %get3A_8 {offsets = [0, 1], sizes = [64, 1], strides = [1, 1]} : vector<64x3xf32> to vector<64x1xf32>
    %slice3A_14 = vector.extract_strided_slice %get3A_3 {offsets = [1, 0], sizes = [1, 16384], strides = [1, 1]} : vector<3x16384xf32> to vector<1x16384xf32>
    %sub3A_15 = vector.broadcast %slice3A_13 : vector<64x1xf32> to vector<64x16384xf32>
    %sub3A_16 = vector.broadcast %slice3A_14 : vector<1x16384xf32> to vector<64x16384xf32>
    %sub3A_17 = arith.subf %sub3A_15, %sub3A_16 : vector<64x16384xf32>
    %mul3A_18 = arith.mulf %sub3A_17, %sub3A_17 : vector<64x16384xf32>
    %add3A_19 = arith.addf %add3A, %mul3A_18 : vector<64x16384xf32>
    %slice3A_20 = vector.extract_strided_slice %get3A_8 {offsets = [0, 2], sizes = [64, 1], strides = [1, 1]} : vector<64x3xf32> to vector<64x1xf32>
    %slice3A_21 = vector.extract_strided_slice %get3A_3 {offsets = [2, 0], sizes = [1, 16384], strides = [1, 1]} : vector<3x16384xf32> to vector<1x16384xf32>
    %sub3A_22 = vector.broadcast %slice3A_20 : vector<64x1xf32> to vector<64x16384xf32>
    %sub3A_23 = vector.broadcast %slice3A_21 : vector<1x16384xf32> to vector<64x16384xf32>
    %sub3A_24 = arith.subf %sub3A_22, %sub3A_23 : vector<64x16384xf32>
    %mul3A_25 = arith.mulf %sub3A_24, %sub3A_24 : vector<64x16384xf32>
    %add3A_26 = arith.addf %add3A_19, %mul3A_25 : vector<64x16384xf32>
    %iota3A = tpu.iota {dimensions = array<i32: 1>} : vector<64x16384xi32>
    %iota3A_27 = tpu.iota {dimensions = array<i32: 0>} : vector<64x16xi32>
    %iota3A_28 = tpu.iota {dimensions = array<i32: 1>} : vector<64x16xi32>
    %mul3A_29 = arith.constant 16 : i32
    %mul3A_30 = vector.broadcast %mul3A_29 : i32 to vector<64x16xi32>
    %mul3A_31 = arith.muli %iota3A_27, %mul3A_30 : vector<64x16xi32>
    %add3A_32 = arith.constant 16384 : i32
    %add3A_33 = vector.broadcast %add3A_32 : i32 to vector<64x16xi32>
    %add3A_34 = arith.addi %add3A_33, %mul3A_31 : vector<64x16xi32>
    %add3A_35 = arith.addi %add3A_34, %iota3A_28 : vector<64x16xi32>
    %lt3A = arith.constant 50 : i32
    %lt3A_36 = vector.broadcast %lt3A : i32 to vector<64x16xi32>
    %lt3A_37 = arith.cmpi slt, %iota3A_27, %lt3A_36 : vector<64x16xi32>
    %reduce_min3A = arith.constant dense<0x7F800000> : vector<64xf32>
    %reduce_min3A_38 = vector.multi_reduction <minimumf>, %add3A_26, %reduce_min3A [1] : vector<64x16384xf32> to vector<64xf32>
    %broadcast_in_dim3A_39 = vector.shape_cast %reduce_min3A_38 : vector<64xf32> to vector<64x1xf32>
    %eq3A = vector.broadcast %broadcast_in_dim3A_39 : vector<64x1xf32> to vector<64x16384xf32>
    %eq3A_40 = arith.cmpf oeq, %add3A_26, %eq3A : vector<64x16384xf32>
    %jit3A = arith.constant 1073741824 : i32
    %broadcast_in_dim3A_41 = vector.broadcast %jit3A : i32 to vector<64x16384xi32>
    %select_n3A = arith.select %eq3A_40, %iota3A, %broadcast_in_dim3A_41 : vector<64x16384xi1>, vector<64x16384xi32>
    %reduce_min3A_42 = arith.constant dense<2147483647> : vector<64xi32>
    %reduce_min3A_43 = vector.multi_reduction <minsi>, %select_n3A, %reduce_min3A_42 [1] : vector<64x16384xi32> to vector<64xi32>
    %broadcast_in_dim3A_44 = vector.shape_cast %reduce_min3A_43 : vector<64xi32> to vector<64x1xi32>
    %slice3A_45 = vector.extract_strided_slice %lt3A_37 {offsets = [0, 0], sizes = [64, 1], strides = [1, 1]} : vector<64x16xi1> to vector<64x1xi1>
    %slice3A_46 = vector.extract_strided_slice %add3A_35 {offsets = [0, 0], sizes = [64, 1], strides = [1, 1]} : vector<64x16xi32> to vector<64x1xi32>
    %select_n3A_47 = arith.select %slice3A_45, %broadcast_in_dim3A_44, %slice3A_46 : vector<64x1xi1>, vector<64x1xi32>
    %swap3A = arith.constant 0 : index
    %swap3A_48 = arith.constant 0 : index
    %swap3A_49 = arith.constant 0 : index
    %swap3A_50 = vector.load %arg3[%swap3A, %swap3A_48, %swap3A_49] : memref<1x64x16xi32, #tpu.memory_space<vmem>>, vector<1x64x1xi32>
    %swap3A_51 = vector.shape_cast %swap3A_50 : vector<1x64x1xi32> to vector<64x1xi32>
    %swap3A_52 = vector.shape_cast %select_n3A_47 : vector<64x1xi32> to vector<1x64x1xi32>
    tpu.vector_store %arg3[%swap3A, %swap3A_48, %swap3A_49], %swap3A_52 {strides = array<i32>} : memref<1x64x16xi32, #tpu.memory_space<vmem>>, vector<1x64x1xi32>,
    %eq3A_53 = vector.broadcast %broadcast_in_dim3A_44 : vector<64x1xi32> to vector<64x16384xi32>
    %eq3A_54 = arith.cmpi eq, %iota3A, %eq3A_53 : vector<64x16384xi32>
    %jit3A_55 = arith.constant 0x7F800000 : f32
    %broadcast_in_dim3A_56 = vector.broadcast %jit3A_55 : f32 to vector<64x16384xf32>
    %select_n3A_57 = arith.select %eq3A_54, %broadcast_in_dim3A_56, %add3A_26 : vector<64x16384xi1>, vector<64x16384xf32>
    %reduce_min3A_58 = arith.constant dense<0x7F800000> : vector<64xf32>
    %reduce_min3A_59 = vector.multi_reduction <minimumf>, %select_n3A_57, %reduce_min3A_58 [1] : vector<64x16384xf32> to vector<64xf32>
    %broadcast_in_dim3A_60 = vector.shape_cast %reduce_min3A_59 : vector<64xf32> to vector<64x1xf32>
    %eq3A_61 = vector.broadcast %broadcast_in_dim3A_60 : vector<64x1xf32> to vector<64x16384xf32>
    %eq3A_62 = arith.cmpf oeq, %select_n3A_57, %eq3A_61 : vector<64x16384xf32>
    %jit3A_63 = arith.constant 1073741824 : i32
    %broadcast_in_dim3A_64 = vector.broadcast %jit3A_63 : i32 to vector<64x16384xi32>
    %select_n3A_65 = arith.select %eq3A_62, %iota3A, %broadcast_in_dim3A_64 : vector<64x16384xi1>, vector<64x16384xi32>
    %reduce_min3A_66 = arith.constant dense<2147483647> : vector<64xi32>
    %reduce_min3A_67 = vector.multi_reduction <minsi>, %select_n3A_65, %reduce_min3A_66 [1] : vector<64x16384xi32> to vector<64xi32>
    %broadcast_in_dim3A_68 = vector.shape_cast %reduce_min3A_67 : vector<64xi32> to vector<64x1xi32>
    %slice3A_69 = vector.extract_strided_slice %lt3A_37 {offsets = [0, 1], sizes = [64, 1], strides = [1, 1]} : vector<64x16xi1> to vector<64x1xi1>
    %slice3A_70 = vector.extract_strided_slice %add3A_35 {offsets = [0, 1], sizes = [64, 1], strides = [1, 1]} : vector<64x16xi32> to vector<64x1xi32>
    %select_n3A_71 = arith.select %slice3A_69, %broadcast_in_dim3A_68, %slice3A_70 : vector<64x1xi1>, vector<64x1xi32>
    %swap3A_72 = arith.constant 0 : index
    %swap3A_73 = arith.constant 0 : index
    %swap3A_74 = arith.constant 1 : index
    %swap3A_75 = vector.load %arg3[%swap3A_72, %swap3A_73, %swap3A_74] : memref<1x64x16xi32, #tpu.memory_space<vmem>>, vector<1x64x1xi32>
    %swap3A_76 = vector.shape_cast %swap3A_75 : vector<1x64x1xi32> to vector<64x1xi32>
    %swap3A_77 = vector.shape_cast %select_n3A_71 : vector<64x1xi32> to vector<1x64x1xi32>
    tpu.vector_store %arg3[%swap3A_72, %swap3A_73, %swap3A_74], %swap3A_77 {strides = array<i32>} : memref<1x64x16xi32, #tpu.memory_space<vmem>>, vector<1x64x1xi32>,
    %eq3A_78 = vector.broadcast %broadcast_in_dim3A_68 : vector<64x1xi32> to vector<64x16384xi32>
    %eq3A_79 = arith.cmpi eq, %iota3A, %eq3A_78 : vector<64x16384xi32>
    %jit3A_80 = arith.constant 0x7F800000 : f32
    %broadcast_in_dim3A_81 = vector.broadcast %jit3A_80 : f32 to vector<64x16384xf32>
    %select_n3A_82 = arith.select %eq3A_79, %broadcast_in_dim3A_81, %select_n3A_57 : vector<64x16384xi1>, vector<64x16384xf32>
    %reduce_min3A_83 = arith.constant dense<0x7F800000> : vector<64xf32>
    %reduce_min3A_84 = vector.multi_reduction <minimumf>, %select_n3A_82, %reduce_min3A_83 [1] : vector<64x16384xf32> to vector<64xf32>
    %broadcast_in_dim3A_85 = vector.shape_cast %reduce_min3A_84 : vector<64xf32> to vector<64x1xf32>
    %eq3A_86 = vector.broadcast %broadcast_in_dim3A_85 : vector<64x1xf32> to vector<64x16384xf32>
    %eq3A_87 = arith.cmpf oeq, %select_n3A_82, %eq3A_86 : vector<64x16384xf32>
    %jit3A_88 = arith.constant 1073741824 : i32
    %broadcast_in_dim3A_89 = vector.broadcast %jit3A_88 : i32 to vector<64x16384xi32>
    %select_n3A_90 = arith.select %eq3A_87, %iota3A, %broadcast_in_dim3A_89 : vector<64x16384xi1>, vector<64x16384xi32>
    %reduce_min3A_91 = arith.constant dense<2147483647> : vector<64xi32>
    %reduce_min3A_92 = vector.multi_reduction <minsi>, %select_n3A_90, %reduce_min3A_91 [1] : vector<64x16384xi32> to vector<64xi32>
    %broadcast_in_dim3A_93 = vector.shape_cast %reduce_min3A_92 : vector<64xi32> to vector<64x1xi32>
    %slice3A_94 = vector.extract_strided_slice %lt3A_37 {offsets = [0, 2], sizes = [64, 1], strides = [1, 1]} : vector<64x16xi1> to vector<64x1xi1>
    %slice3A_95 = vector.extract_strided_slice %add3A_35 {offsets = [0, 2], sizes = [64, 1], strides = [1, 1]} : vector<64x16xi32> to vector<64x1xi32>
    %select_n3A_96 = arith.select %slice3A_94, %broadcast_in_dim3A_93, %slice3A_95 : vector<64x1xi1>, vector<64x1xi32>
    %swap3A_97 = arith.constant 0 : index
    %swap3A_98 = arith.constant 0 : index
    %swap3A_99 = arith.constant 2 : index
    %swap3A_100 = vector.load %arg3[%swap3A_97, %swap3A_98, %swap3A_99] : memref<1x64x16xi32, #tpu.memory_space<vmem>>, vector<1x64x1xi32>
    %swap3A_101 = vector.shape_cast %swap3A_100 : vector<1x64x1xi32> to vector<64x1xi32>
    %swap3A_102 = vector.shape_cast %select_n3A_96 : vector<64x1xi32> to vector<1x64x1xi32>
    tpu.vector_store %arg3[%swap3A_97, %swap3A_98, %swap3A_99], %swap3A_102 {strides = array<i32>} : memref<1x64x16xi32, #tpu.memory_space<vmem>>, vector<1x64x1xi32>,
    %eq3A_103 = vector.broadcast %broadcast_in_dim3A_93 : vector<64x1xi32> to vector<64x16384xi32>
    %eq3A_104 = arith.cmpi eq, %iota3A, %eq3A_103 : vector<64x16384xi32>
    %jit3A_105 = arith.constant 0x7F800000 : f32
    %broadcast_in_dim3A_106 = vector.broadcast %jit3A_105 : f32 to vector<64x16384xf32>
    %select_n3A_107 = arith.select %eq3A_104, %broadcast_in_dim3A_106, %select_n3A_82 : vector<64x16384xi1>, vector<64x16384xf32>
    %reduce_min3A_108 = arith.constant dense<0x7F800000> : vector<64xf32>
    %reduce_min3A_109 = vector.multi_reduction <minimumf>, %select_n3A_107, %reduce_min3A_108 [1] : vector<64x16384xf32> to vector<64xf32>
    %broadcast_in_dim3A_110 = vector.shape_cast %reduce_min3A_109 : vector<64xf32> to vector<64x1xf32>
    %eq3A_111 = vector.broadcast %broadcast_in_dim3A_110 : vector<64x1xf32> to vector<64x16384xf32>
    %eq3A_112 = arith.cmpf oeq, %select_n3A_107, %eq3A_111 : vector<64x16384xf32>
    %jit3A_113 = arith.constant 1073741824 : i32
    %broadcast_in_dim3A_114 = vector.broadcast %jit3A_113 : i32 to vector<64x16384xi32>
    %select_n3A_115 = arith.select %eq3A_112, %iota3A, %broadcast_in_dim3A_114 : vector<64x16384xi1>, vector<64x16384xi32>
    %reduce_min3A_116 = arith.constant dense<2147483647> : vector<64xi32>
    %reduce_min3A_117 = vector.multi_reduction <minsi>, %select_n3A_115, %reduce_min3A_116 [1] : vector<64x16384xi32> to vector<64xi32>
    %broadcast_in_dim3A_118 = vector.shape_cast %reduce_min3A_117 : vector<64xi32> to vector<64x1xi32>
    %slice3A_119 = vector.extract_strided_slice %lt3A_37 {offsets = [0, 3], sizes = [64, 1], strides = [1, 1]} : vector<64x16xi1> to vector<64x1xi1>
    %slice3A_120 = vector.extract_strided_slice %add3A_35 {offsets = [0, 3], sizes = [64, 1], strides = [1, 1]} : vector<64x16xi32> to vector<64x1xi32>
    %select_n3A_121 = arith.select %slice3A_119, %broadcast_in_dim3A_118, %slice3A_120 : vector<64x1xi1>, vector<64x1xi32>
    %swap3A_122 = arith.constant 0 : index
    %swap3A_123 = arith.constant 0 : index
    %swap3A_124 = arith.constant 3 : index
    %swap3A_125 = vector.load %arg3[%swap3A_122, %swap3A_123, %swap3A_124] : memref<1x64x16xi32, #tpu.memory_space<vmem>>, vector<1x64x1xi32>
    %swap3A_126 = vector.shape_cast %swap3A_125 : vector<1x64x1xi32> to vector<64x1xi32>
    %swap3A_127 = vector.shape_cast %select_n3A_121 : vector<64x1xi32> to vector<1x64x1xi32>
    tpu.vector_store %arg3[%swap3A_122, %swap3A_123, %swap3A_124], %swap3A_127 {strides = array<i32>} : memref<1x64x16xi32, #tpu.memory_space<vmem>>, vector<1x64x1xi32>,
    %eq3A_128 = vector.broadcast %broadcast_in_dim3A_118 : vector<64x1xi32> to vector<64x16384xi32>
    %eq3A_129 = arith.cmpi eq, %iota3A, %eq3A_128 : vector<64x16384xi32>
    %jit3A_130 = arith.constant 0x7F800000 : f32
    %broadcast_in_dim3A_131 = vector.broadcast %jit3A_130 : f32 to vector<64x16384xf32>
    %select_n3A_132 = arith.select %eq3A_129, %broadcast_in_dim3A_131, %select_n3A_107 : vector<64x16384xi1>, vector<64x16384xf32>
    %reduce_min3A_133 = arith.constant dense<0x7F800000> : vector<64xf32>
    %reduce_min3A_134 = vector.multi_reduction <minimumf>, %select_n3A_132, %reduce_min3A_133 [1] : vector<64x16384xf32> to vector<64xf32>
    %broadcast_in_dim3A_135 = vector.shape_cast %reduce_min3A_134 : vector<64xf32> to vector<64x1xf32>
    %eq3A_136 = vector.broadcast %broadcast_in_dim3A_135 : vector<64x1xf32> to vector<64x16384xf32>
    %eq3A_137 = arith.cmpf oeq, %select_n3A_132, %eq3A_136 : vector<64x16384xf32>
    %jit3A_138 = arith.constant 1073741824 : i32
    %broadcast_in_dim3A_139 = vector.broadcast %jit3A_138 : i32 to vector<64x16384xi32>
    %select_n3A_140 = arith.select %eq3A_137, %iota3A, %broadcast_in_dim3A_139 : vector<64x16384xi1>, vector<64x16384xi32>
    %reduce_min3A_141 = arith.constant dense<2147483647> : vector<64xi32>
    %reduce_min3A_142 = vector.multi_reduction <minsi>, %select_n3A_140, %reduce_min3A_141 [1] : vector<64x16384xi32> to vector<64xi32>
    %broadcast_in_dim3A_143 = vector.shape_cast %reduce_min3A_142 : vector<64xi32> to vector<64x1xi32>
    %slice3A_144 = vector.extract_strided_slice %lt3A_37 {offsets = [0, 4], sizes = [64, 1], strides = [1, 1]} : vector<64x16xi1> to vector<64x1xi1>
    %slice3A_145 = vector.extract_strided_slice %add3A_35 {offsets = [0, 4], sizes = [64, 1], strides = [1, 1]} : vector<64x16xi32> to vector<64x1xi32>
    %select_n3A_146 = arith.select %slice3A_144, %broadcast_in_dim3A_143, %slice3A_145 : vector<64x1xi1>, vector<64x1xi32>
    %swap3A_147 = arith.constant 0 : index
    %swap3A_148 = arith.constant 0 : index
    %swap3A_149 = arith.constant 4 : index
    %swap3A_150 = vector.load %arg3[%swap3A_147, %swap3A_148, %swap3A_149] : memref<1x64x16xi32, #tpu.memory_space<vmem>>, vector<1x64x1xi32>
    %swap3A_151 = vector.shape_cast %swap3A_150 : vector<1x64x1xi32> to vector<64x1xi32>
    %swap3A_152 = vector.shape_cast %select_n3A_146 : vector<64x1xi32> to vector<1x64x1xi32>
    tpu.vector_store %arg3[%swap3A_147, %swap3A_148, %swap3A_149], %swap3A_152 {strides = array<i32>} : memref<1x64x16xi32, #tpu.memory_space<vmem>>, vector<1x64x1xi32>,
    %eq3A_153 = vector.broadcast %broadcast_in_dim3A_143 : vector<64x1xi32> to vector<64x16384xi32>
    %eq3A_154 = arith.cmpi eq, %iota3A, %eq3A_153 : vector<64x16384xi32>
    %jit3A_155 = arith.constant 0x7F800000 : f32
    %broadcast_in_dim3A_156 = vector.broadcast %jit3A_155 : f32 to vector<64x16384xf32>
    %select_n3A_157 = arith.select %eq3A_154, %broadcast_in_dim3A_156, %select_n3A_132 : vector<64x16384xi1>, vector<64x16384xf32>
    %reduce_min3A_158 = arith.constant dense<0x7F800000> : vector<64xf32>
    %reduce_min3A_159 = vector.multi_reduction <minimumf>, %select_n3A_157, %reduce_min3A_158 [1] : vector<64x16384xf32> to vector<64xf32>
    %broadcast_in_dim3A_160 = vector.shape_cast %reduce_min3A_159 : vector<64xf32> to vector<64x1xf32>
    %eq3A_161 = vector.broadcast %broadcast_in_dim3A_160 : vector<64x1xf32> to vector<64x16384xf32>
    %eq3A_162 = arith.cmpf oeq, %select_n3A_157, %eq3A_161 : vector<64x16384xf32>
    %jit3A_163 = arith.constant 1073741824 : i32
    %broadcast_in_dim3A_164 = vector.broadcast %jit3A_163 : i32 to vector<64x16384xi32>
    %select_n3A_165 = arith.select %eq3A_162, %iota3A, %broadcast_in_dim3A_164 : vector<64x16384xi1>, vector<64x16384xi32>
    %reduce_min3A_166 = arith.constant dense<2147483647> : vector<64xi32>
    %reduce_min3A_167 = vector.multi_reduction <minsi>, %select_n3A_165, %reduce_min3A_166 [1] : vector<64x16384xi32> to vector<64xi32>
    %broadcast_in_dim3A_168 = vector.shape_cast %reduce_min3A_167 : vector<64xi32> to vector<64x1xi32>
    %slice3A_169 = vector.extract_strided_slice %lt3A_37 {offsets = [0, 5], sizes = [64, 1], strides = [1, 1]} : vector<64x16xi1> to vector<64x1xi1>
    %slice3A_170 = vector.extract_strided_slice %add3A_35 {offsets = [0, 5], sizes = [64, 1], strides = [1, 1]} : vector<64x16xi32> to vector<64x1xi32>
    %select_n3A_171 = arith.select %slice3A_169, %broadcast_in_dim3A_168, %slice3A_170 : vector<64x1xi1>, vector<64x1xi32>
    %swap3A_172 = arith.constant 0 : index
    %swap3A_173 = arith.constant 0 : index
    %swap3A_174 = arith.constant 5 : index
    %swap3A_175 = vector.load %arg3[%swap3A_172, %swap3A_173, %swap3A_174] : memref<1x64x16xi32, #tpu.memory_space<vmem>>, vector<1x64x1xi32>
    %swap3A_176 = vector.shape_cast %swap3A_175 : vector<1x64x1xi32> to vector<64x1xi32>
    %swap3A_177 = vector.shape_cast %select_n3A_171 : vector<64x1xi32> to vector<1x64x1xi32>
    tpu.vector_store %arg3[%swap3A_172, %swap3A_173, %swap3A_174], %swap3A_177 {strides = array<i32>} : memref<1x64x16xi32, #tpu.memory_space<vmem>>, vector<1x64x1xi32>,
    %eq3A_178 = vector.broadcast %broadcast_in_dim3A_168 : vector<64x1xi32> to vector<64x16384xi32>
    %eq3A_179 = arith.cmpi eq, %iota3A, %eq3A_178 : vector<64x16384xi32>
    %jit3A_180 = arith.constant 0x7F800000 : f32
    %broadcast_in_dim3A_181 = vector.broadcast %jit3A_180 : f32 to vector<64x16384xf32>
    %select_n3A_182 = arith.select %eq3A_179, %broadcast_in_dim3A_181, %select_n3A_157 : vector<64x16384xi1>, vector<64x16384xf32>
    %reduce_min3A_183 = arith.constant dense<0x7F800000> : vector<64xf32>
    %reduce_min3A_184 = vector.multi_reduction <minimumf>, %select_n3A_182, %reduce_min3A_183 [1] : vector<64x16384xf32> to vector<64xf32>
    %broadcast_in_dim3A_185 = vector.shape_cast %reduce_min3A_184 : vector<64xf32> to vector<64x1xf32>
    %eq3A_186 = vector.broadcast %broadcast_in_dim3A_185 : vector<64x1xf32> to vector<64x16384xf32>
    %eq3A_187 = arith.cmpf oeq, %select_n3A_182, %eq3A_186 : vector<64x16384xf32>
    %jit3A_188 = arith.constant 1073741824 : i32
    %broadcast_in_dim3A_189 = vector.broadcast %jit3A_188 : i32 to vector<64x16384xi32>
    %select_n3A_190 = arith.select %eq3A_187, %iota3A, %broadcast_in_dim3A_189 : vector<64x16384xi1>, vector<64x16384xi32>
    %reduce_min3A_191 = arith.constant dense<2147483647> : vector<64xi32>
    %reduce_min3A_192 = vector.multi_reduction <minsi>, %select_n3A_190, %reduce_min3A_191 [1] : vector<64x16384xi32> to vector<64xi32>
    %broadcast_in_dim3A_193 = vector.shape_cast %reduce_min3A_192 : vector<64xi32> to vector<64x1xi32>
    %slice3A_194 = vector.extract_strided_slice %lt3A_37 {offsets = [0, 6], sizes = [64, 1], strides = [1, 1]} : vector<64x16xi1> to vector<64x1xi1>
    %slice3A_195 = vector.extract_strided_slice %add3A_35 {offsets = [0, 6], sizes = [64, 1], strides = [1, 1]} : vector<64x16xi32> to vector<64x1xi32>
    %select_n3A_196 = arith.select %slice3A_194, %broadcast_in_dim3A_193, %slice3A_195 : vector<64x1xi1>, vector<64x1xi32>
    %swap3A_197 = arith.constant 0 : index
    %swap3A_198 = arith.constant 0 : index
    %swap3A_199 = arith.constant 6 : index
    %swap3A_200 = vector.load %arg3[%swap3A_197, %swap3A_198, %swap3A_199] : memref<1x64x16xi32, #tpu.memory_space<vmem>>, vector<1x64x1xi32>
    %swap3A_201 = vector.shape_cast %swap3A_200 : vector<1x64x1xi32> to vector<64x1xi32>
    %swap3A_202 = vector.shape_cast %select_n3A_196 : vector<64x1xi32> to vector<1x64x1xi32>
    tpu.vector_store %arg3[%swap3A_197, %swap3A_198, %swap3A_199], %swap3A_202 {strides = array<i32>} : memref<1x64x16xi32, #tpu.memory_space<vmem>>, vector<1x64x1xi32>,
    %eq3A_203 = vector.broadcast %broadcast_in_dim3A_193 : vector<64x1xi32> to vector<64x16384xi32>
    %eq3A_204 = arith.cmpi eq, %iota3A, %eq3A_203 : vector<64x16384xi32>
    %jit3A_205 = arith.constant 0x7F800000 : f32
    %broadcast_in_dim3A_206 = vector.broadcast %jit3A_205 : f32 to vector<64x16384xf32>
    %select_n3A_207 = arith.select %eq3A_204, %broadcast_in_dim3A_206, %select_n3A_182 : vector<64x16384xi1>, vector<64x16384xf32>
    %reduce_min3A_208 = arith.constant dense<0x7F800000> : vector<64xf32>
    %reduce_min3A_209 = vector.multi_reduction <minimumf>, %select_n3A_207, %reduce_min3A_208 [1] : vector<64x16384xf32> to vector<64xf32>
    %broadcast_in_dim3A_210 = vector.shape_cast %reduce_min3A_209 : vector<64xf32> to vector<64x1xf32>
    %eq3A_211 = vector.broadcast %broadcast_in_dim3A_210 : vector<64x1xf32> to vector<64x16384xf32>
    %eq3A_212 = arith.cmpf oeq, %select_n3A_207, %eq3A_211 : vector<64x16384xf32>
    %jit3A_213 = arith.constant 1073741824 : i32
    %broadcast_in_dim3A_214 = vector.broadcast %jit3A_213 : i32 to vector<64x16384xi32>
    %select_n3A_215 = arith.select %eq3A_212, %iota3A, %broadcast_in_dim3A_214 : vector<64x16384xi1>, vector<64x16384xi32>
    %reduce_min3A_216 = arith.constant dense<2147483647> : vector<64xi32>
    %reduce_min3A_217 = vector.multi_reduction <minsi>, %select_n3A_215, %reduce_min3A_216 [1] : vector<64x16384xi32> to vector<64xi32>
    %broadcast_in_dim3A_218 = vector.shape_cast %reduce_min3A_217 : vector<64xi32> to vector<64x1xi32>
    %slice3A_219 = vector.extract_strided_slice %lt3A_37 {offsets = [0, 7], sizes = [64, 1], strides = [1, 1]} : vector<64x16xi1> to vector<64x1xi1>
    %slice3A_220 = vector.extract_strided_slice %add3A_35 {offsets = [0, 7], sizes = [64, 1], strides = [1, 1]} : vector<64x16xi32> to vector<64x1xi32>
    %select_n3A_221 = arith.select %slice3A_219, %broadcast_in_dim3A_218, %slice3A_220 : vector<64x1xi1>, vector<64x1xi32>
    %swap3A_222 = arith.constant 0 : index
    %swap3A_223 = arith.constant 0 : index
    %swap3A_224 = arith.constant 7 : index
    %swap3A_225 = vector.load %arg3[%swap3A_222, %swap3A_223, %swap3A_224] : memref<1x64x16xi32, #tpu.memory_space<vmem>>, vector<1x64x1xi32>
    %swap3A_226 = vector.shape_cast %swap3A_225 : vector<1x64x1xi32> to vector<64x1xi32>
    %swap3A_227 = vector.shape_cast %select_n3A_221 : vector<64x1xi32> to vector<1x64x1xi32>
    tpu.vector_store %arg3[%swap3A_222, %swap3A_223, %swap3A_224], %swap3A_227 {strides = array<i32>} : memref<1x64x16xi32, #tpu.memory_space<vmem>>, vector<1x64x1xi32>,
    %eq3A_228 = vector.broadcast %broadcast_in_dim3A_218 : vector<64x1xi32> to vector<64x16384xi32>
    %eq3A_229 = arith.cmpi eq, %iota3A, %eq3A_228 : vector<64x16384xi32>
    %jit3A_230 = arith.constant 0x7F800000 : f32
    %broadcast_in_dim3A_231 = vector.broadcast %jit3A_230 : f32 to vector<64x16384xf32>
    %select_n3A_232 = arith.select %eq3A_229, %broadcast_in_dim3A_231, %select_n3A_207 : vector<64x16384xi1>, vector<64x16384xf32>
    %reduce_min3A_233 = arith.constant dense<0x7F800000> : vector<64xf32>
    %reduce_min3A_234 = vector.multi_reduction <minimumf>, %select_n3A_232, %reduce_min3A_233 [1] : vector<64x16384xf32> to vector<64xf32>
    %broadcast_in_dim3A_235 = vector.shape_cast %reduce_min3A_234 : vector<64xf32> to vector<64x1xf32>
    %eq3A_236 = vector.broadcast %broadcast_in_dim3A_235 : vector<64x1xf32> to vector<64x16384xf32>
    %eq3A_237 = arith.cmpf oeq, %select_n3A_232, %eq3A_236 : vector<64x16384xf32>
    %jit3A_238 = arith.constant 1073741824 : i32
    %broadcast_in_dim3A_239 = vector.broadcast %jit3A_238 : i32 to vector<64x16384xi32>
    %select_n3A_240 = arith.select %eq3A_237, %iota3A, %broadcast_in_dim3A_239 : vector<64x16384xi1>, vector<64x16384xi32>
    %reduce_min3A_241 = arith.constant dense<2147483647> : vector<64xi32>
    %reduce_min3A_242 = vector.multi_reduction <minsi>, %select_n3A_240, %reduce_min3A_241 [1] : vector<64x16384xi32> to vector<64xi32>
    %broadcast_in_dim3A_243 = vector.shape_cast %reduce_min3A_242 : vector<64xi32> to vector<64x1xi32>
    %slice3A_244 = vector.extract_strided_slice %lt3A_37 {offsets = [0, 8], sizes = [64, 1], strides = [1, 1]} : vector<64x16xi1> to vector<64x1xi1>
    %slice3A_245 = vector.extract_strided_slice %add3A_35 {offsets = [0, 8], sizes = [64, 1], strides = [1, 1]} : vector<64x16xi32> to vector<64x1xi32>
    %select_n3A_246 = arith.select %slice3A_244, %broadcast_in_dim3A_243, %slice3A_245 : vector<64x1xi1>, vector<64x1xi32>
    %swap3A_247 = arith.constant 0 : index
    %swap3A_248 = arith.constant 0 : index
    %swap3A_249 = arith.constant 8 : index
    %swap3A_250 = vector.load %arg3[%swap3A_247, %swap3A_248, %swap3A_249] : memref<1x64x16xi32, #tpu.memory_space<vmem>>, vector<1x64x1xi32>
    %swap3A_251 = vector.shape_cast %swap3A_250 : vector<1x64x1xi32> to vector<64x1xi32>
    %swap3A_252 = vector.shape_cast %select_n3A_246 : vector<64x1xi32> to vector<1x64x1xi32>
    tpu.vector_store %arg3[%swap3A_247, %swap3A_248, %swap3A_249], %swap3A_252 {strides = array<i32>} : memref<1x64x16xi32, #tpu.memory_space<vmem>>, vector<1x64x1xi32>,
    %eq3A_253 = vector.broadcast %broadcast_in_dim3A_243 : vector<64x1xi32> to vector<64x16384xi32>
    %eq3A_254 = arith.cmpi eq, %iota3A, %eq3A_253 : vector<64x16384xi32>
    %jit3A_255 = arith.constant 0x7F800000 : f32
    %broadcast_in_dim3A_256 = vector.broadcast %jit3A_255 : f32 to vector<64x16384xf32>
    %select_n3A_257 = arith.select %eq3A_254, %broadcast_in_dim3A_256, %select_n3A_232 : vector<64x16384xi1>, vector<64x16384xf32>
    %reduce_min3A_258 = arith.constant dense<0x7F800000> : vector<64xf32>
    %reduce_min3A_259 = vector.multi_reduction <minimumf>, %select_n3A_257, %reduce_min3A_258 [1] : vector<64x16384xf32> to vector<64xf32>
    %broadcast_in_dim3A_260 = vector.shape_cast %reduce_min3A_259 : vector<64xf32> to vector<64x1xf32>
    %eq3A_261 = vector.broadcast %broadcast_in_dim3A_260 : vector<64x1xf32> to vector<64x16384xf32>
    %eq3A_262 = arith.cmpf oeq, %select_n3A_257, %eq3A_261 : vector<64x16384xf32>
    %jit3A_263 = arith.constant 1073741824 : i32
    %broadcast_in_dim3A_264 = vector.broadcast %jit3A_263 : i32 to vector<64x16384xi32>
    %select_n3A_265 = arith.select %eq3A_262, %iota3A, %broadcast_in_dim3A_264 : vector<64x16384xi1>, vector<64x16384xi32>
    %reduce_min3A_266 = arith.constant dense<2147483647> : vector<64xi32>
    %reduce_min3A_267 = vector.multi_reduction <minsi>, %select_n3A_265, %reduce_min3A_266 [1] : vector<64x16384xi32> to vector<64xi32>
    %broadcast_in_dim3A_268 = vector.shape_cast %reduce_min3A_267 : vector<64xi32> to vector<64x1xi32>
    %slice3A_269 = vector.extract_strided_slice %lt3A_37 {offsets = [0, 9], sizes = [64, 1], strides = [1, 1]} : vector<64x16xi1> to vector<64x1xi1>
    %slice3A_270 = vector.extract_strided_slice %add3A_35 {offsets = [0, 9], sizes = [64, 1], strides = [1, 1]} : vector<64x16xi32> to vector<64x1xi32>
    %select_n3A_271 = arith.select %slice3A_269, %broadcast_in_dim3A_268, %slice3A_270 : vector<64x1xi1>, vector<64x1xi32>
    %swap3A_272 = arith.constant 0 : index
    %swap3A_273 = arith.constant 0 : index
    %swap3A_274 = arith.constant 9 : index
    %swap3A_275 = vector.load %arg3[%swap3A_272, %swap3A_273, %swap3A_274] : memref<1x64x16xi32, #tpu.memory_space<vmem>>, vector<1x64x1xi32>
    %swap3A_276 = vector.shape_cast %swap3A_275 : vector<1x64x1xi32> to vector<64x1xi32>
    %swap3A_277 = vector.shape_cast %select_n3A_271 : vector<64x1xi32> to vector<1x64x1xi32>
    tpu.vector_store %arg3[%swap3A_272, %swap3A_273, %swap3A_274], %swap3A_277 {strides = array<i32>} : memref<1x64x16xi32, #tpu.memory_space<vmem>>, vector<1x64x1xi32>,
    %slice3A_278 = vector.extract_strided_slice %add3A_35 {offsets = [0, 10], sizes = [64, 1], strides = [1, 1]} : vector<64x16xi32> to vector<64x1xi32>
    %swap3A_279 = arith.constant 0 : index
    %swap3A_280 = arith.constant 0 : index
    %swap3A_281 = arith.constant 10 : index
    %swap3A_282 = vector.load %arg3[%swap3A_279, %swap3A_280, %swap3A_281] : memref<1x64x16xi32, #tpu.memory_space<vmem>>, vector<1x64x1xi32>
    %swap3A_283 = vector.shape_cast %swap3A_282 : vector<1x64x1xi32> to vector<64x1xi32>
    %swap3A_284 = vector.shape_cast %slice3A_278 : vector<64x1xi32> to vector<1x64x1xi32>
    tpu.vector_store %arg3[%swap3A_279, %swap3A_280, %swap3A_281], %swap3A_284 {strides = array<i32>} : memref<1x64x16xi32, #tpu.memory_space<vmem>>, vector<1x64x1xi32>,
    %slice3A_285 = vector.extract_strided_slice %add3A_35 {offsets = [0, 11], sizes = [64, 1], strides = [1, 1]} : vector<64x16xi32> to vector<64x1xi32>
    %swap3A_286 = arith.constant 0 : index
    %swap3A_287 = arith.constant 0 : index
    %swap3A_288 = arith.constant 11 : index
    %swap3A_289 = vector.load %arg3[%swap3A_286, %swap3A_287, %swap3A_288] : memref<1x64x16xi32, #tpu.memory_space<vmem>>, vector<1x64x1xi32>
    %swap3A_290 = vector.shape_cast %swap3A_289 : vector<1x64x1xi32> to vector<64x1xi32>
    %swap3A_291 = vector.shape_cast %slice3A_285 : vector<64x1xi32> to vector<1x64x1xi32>
    tpu.vector_store %arg3[%swap3A_286, %swap3A_287, %swap3A_288], %swap3A_291 {strides = array<i32>} : memref<1x64x16xi32, #tpu.memory_space<vmem>>, vector<1x64x1xi32>,
    %slice3A_292 = vector.extract_strided_slice %add3A_35 {offsets = [0, 12], sizes = [64, 1], strides = [1, 1]} : vector<64x16xi32> to vector<64x1xi32>
    %swap3A_293 = arith.constant 0 : index
    %swap3A_294 = arith.constant 0 : index
    %swap3A_295 = arith.constant 12 : index
    %swap3A_296 = vector.load %arg3[%swap3A_293, %swap3A_294, %swap3A_295] : memref<1x64x16xi32, #tpu.memory_space<vmem>>, vector<1x64x1xi32>
    %swap3A_297 = vector.shape_cast %swap3A_296 : vector<1x64x1xi32> to vector<64x1xi32>
    %swap3A_298 = vector.shape_cast %slice3A_292 : vector<64x1xi32> to vector<1x64x1xi32>
    tpu.vector_store %arg3[%swap3A_293, %swap3A_294, %swap3A_295], %swap3A_298 {strides = array<i32>} : memref<1x64x16xi32, #tpu.memory_space<vmem>>, vector<1x64x1xi32>,
    %slice3A_299 = vector.extract_strided_slice %add3A_35 {offsets = [0, 13], sizes = [64, 1], strides = [1, 1]} : vector<64x16xi32> to vector<64x1xi32>
    %swap3A_300 = arith.constant 0 : index
    %swap3A_301 = arith.constant 0 : index
    %swap3A_302 = arith.constant 13 : index
    %swap3A_303 = vector.load %arg3[%swap3A_300, %swap3A_301, %swap3A_302] : memref<1x64x16xi32, #tpu.memory_space<vmem>>, vector<1x64x1xi32>
    %swap3A_304 = vector.shape_cast %swap3A_303 : vector<1x64x1xi32> to vector<64x1xi32>
    %swap3A_305 = vector.shape_cast %slice3A_299 : vector<64x1xi32> to vector<1x64x1xi32>
    tpu.vector_store %arg3[%swap3A_300, %swap3A_301, %swap3A_302], %swap3A_305 {strides = array<i32>} : memref<1x64x16xi32, #tpu.memory_space<vmem>>, vector<1x64x1xi32>,
    %slice3A_306 = vector.extract_strided_slice %add3A_35 {offsets = [0, 14], sizes = [64, 1], strides = [1, 1]} : vector<64x16xi32> to vector<64x1xi32>
    %swap3A_307 = arith.constant 0 : index
    %swap3A_308 = arith.constant 0 : index
    %swap3A_309 = arith.constant 14 : index
    %swap3A_310 = vector.load %arg3[%swap3A_307, %swap3A_308, %swap3A_309] : memref<1x64x16xi32, #tpu.memory_space<vmem>>, vector<1x64x1xi32>
    %swap3A_311 = vector.shape_cast %swap3A_310 : vector<1x64x1xi32> to vector<64x1xi32>
    %swap3A_312 = vector.shape_cast %slice3A_306 : vector<64x1xi32> to vector<1x64x1xi32>
    tpu.vector_store %arg3[%swap3A_307, %swap3A_308, %swap3A_309], %swap3A_312 {strides = array<i32>} : memref<1x64x16xi32, #tpu.memory_space<vmem>>, vector<1x64x1xi32>,
    %slice3A_313 = vector.extract_strided_slice %add3A_35 {offsets = [0, 15], sizes = [64, 1], strides = [1, 1]} : vector<64x16xi32> to vector<64x1xi32>
    %swap3A_314 = arith.constant 0 : index
    %swap3A_315 = arith.constant 0 : index
    %swap3A_316 = arith.constant 15 : index
    %swap3A_317 = vector.load %arg3[%swap3A_314, %swap3A_315, %swap3A_316] : memref<1x64x16xi32, #tpu.memory_space<vmem>>, vector<1x64x1xi32>
    %swap3A_318 = vector.shape_cast %swap3A_317 : vector<1x64x1xi32> to vector<64x1xi32>
    %swap3A_319 = vector.shape_cast %slice3A_313 : vector<64x1xi32> to vector<1x64x1xi32>
    tpu.vector_store %arg3[%swap3A_314, %swap3A_315, %swap3A_316], %swap3A_319 {strides = array<i32>} : memref<1x64x16xi32, #tpu.memory_space<vmem>>, vector<1x64x1xi32>,
    return
  }
  func.func @transform_0(%arg0: i32) -> (i32, i32, i32) {
    %c0_i32 = arith.constant 0 : i32
    %c0_i32_0 = arith.constant 0 : i32
    %c0_i32_1 = arith.constant 0 : i32
    return %arg0, %c0_i32, %c0_i32_0 : i32, i32, i32
  }
  func.func @transform_1(%arg0: i32) -> (i32, i32, i32) {
    %c0_i32 = arith.constant 0 : i32
    %c0_i32_0 = arith.constant 0 : i32
    %c0_i32_1 = arith.constant 0 : i32
    return %arg0, %c0_i32, %c0_i32_0 : i32, i32, i32
  }
  func.func @transform_2(%arg0: i32) -> (i32, i32, i32) {
    %c0_i32 = arith.constant 0 : i32
    %c0_i32_0 = arith.constant 0 : i32
    %c0_i32_1 = arith.constant 0 : i32
    return %arg0, %c0_i32, %c0_i32_0 : i32, i32, i32
  }
}

module attributes {stable_mosaic.version = 14 : i64} {
  func.func @_mlp_body(%arg0: memref<4x8x256xf32, #tpu.memory_space<vmem>>, %arg1: memref<8x16xf32, #tpu.memory_space<vmem>>, %arg2: memref<8x256xf32, #tpu.memory_space<vmem>>, %arg3: memref<256x256xf32, #tpu.memory_space<vmem>>, %arg4: memref<1x256xf32, #tpu.memory_space<vmem>>, %arg5: memref<1x256xf32, #tpu.memory_space<vmem>>, %arg6: memref<1x256xf32, #tpu.memory_space<vmem>>, %arg7: memref<256x7xf32, #tpu.memory_space<vmem>>, %arg8: memref<1x7xf32, #tpu.memory_space<vmem>>, %arg9: memref<8x7xf32, #tpu.memory_space<vmem>>) attributes {dimension_semantics = [], scalar_prefetch = 0 : i64, scratch_operands = 0 : i64, tpu.core_type = #tpu.core_type<tc>} {
    %get3A = arith.constant 0 : index
    %get3A_0 = arith.constant 0 : index
    %get3A_1 = vector.load %arg1[%get3A, %get3A_0] : memref<8x16xf32, #tpu.memory_space<vmem>>, vector<8x1xf32>
    %get3A_2 = arith.constant 0 : index
    %get3A_3 = arith.constant 0 : index
    %get3A_4 = arith.constant 0 : index
    %get3A_5 = vector.load %arg0[%get3A_2, %get3A_3, %get3A_4] : memref<4x8x256xf32, #tpu.memory_space<vmem>>, vector<1x8x256xf32>
    %get3A_6 = vector.shape_cast %get3A_5 : vector<1x8x256xf32> to vector<8x256xf32>
    %get3A_7 = arith.constant 1 : index
    %get3A_8 = arith.constant 0 : index
    %get3A_9 = arith.constant 0 : index
    %get3A_10 = vector.load %arg0[%get3A_7, %get3A_8, %get3A_9] : memref<4x8x256xf32, #tpu.memory_space<vmem>>, vector<1x8x256xf32>
    %get3A_11 = vector.shape_cast %get3A_10 : vector<1x8x256xf32> to vector<8x256xf32>
    %add3A = arith.addf %get3A_6, %get3A_11 : vector<8x256xf32>
    %get3A_12 = arith.constant 2 : index
    %get3A_13 = arith.constant 0 : index
    %get3A_14 = arith.constant 0 : index
    %get3A_15 = vector.load %arg0[%get3A_12, %get3A_13, %get3A_14] : memref<4x8x256xf32, #tpu.memory_space<vmem>>, vector<1x8x256xf32>
    %get3A_16 = vector.shape_cast %get3A_15 : vector<1x8x256xf32> to vector<8x256xf32>
    %add3A_17 = arith.addf %add3A, %get3A_16 : vector<8x256xf32>
    %get3A_18 = arith.constant 3 : index
    %get3A_19 = arith.constant 0 : index
    %get3A_20 = arith.constant 0 : index
    %get3A_21 = vector.load %arg0[%get3A_18, %get3A_19, %get3A_20] : memref<4x8x256xf32, #tpu.memory_space<vmem>>, vector<1x8x256xf32>
    %get3A_22 = vector.shape_cast %get3A_21 : vector<1x8x256xf32> to vector<8x256xf32>
    %add3A_23 = arith.addf %add3A_17, %get3A_22 : vector<8x256xf32>
    %sub3A = arith.constant 5.120000e+02 : f32
    %sub3A_24 = vector.broadcast %sub3A : f32 to vector<8x1xf32>
    %sub3A_25 = arith.subf %sub3A_24, %get3A_1 : vector<8x1xf32>
    %get3A_26 = arith.constant 0 : index
    %get3A_27 = arith.constant 0 : index
    %get3A_28 = vector.load %arg2[%get3A_26, %get3A_27] : memref<8x256xf32, #tpu.memory_space<vmem>>, vector<8x256xf32>
    %mul3A = vector.broadcast %sub3A_25 : vector<8x1xf32> to vector<8x256xf32>
    %mul3A_29 = arith.mulf %mul3A, %get3A_28 : vector<8x256xf32>
    %sub3A_30 = arith.subf %add3A_23, %mul3A_29 : vector<8x256xf32>
    %div3A = vector.broadcast %get3A_1 : vector<8x1xf32> to vector<8x256xf32>
    %div3A_31 = arith.divf %sub3A_30, %div3A : vector<8x256xf32>
    %get3A_32 = arith.constant 0 : index
    %get3A_33 = arith.constant 0 : index
    %get3A_34 = vector.load %arg3[%get3A_32, %get3A_33] : memref<256x256xf32, #tpu.memory_space<vmem>>, vector<256x256xf32>
    %dot_general3A = arith.constant dense<0.000000e+00> : vector<8x256xf32>
    %dot_general3A_35 = tpu.matmul %div3A_31, %get3A_34, %dot_general3A {dimension_numbers = #tpu.dot_dimension_numbers<[1], [0], [0], [1], [0, 0, 1, 1], [], []>, transpose_lhs_hint = false} : vector<8x256xf32>, vector<256x256xf32>, vector<8x256xf32> -> vector<8x256xf32>
    %get3A_36 = arith.constant 0 : index
    %get3A_37 = arith.constant 0 : index
    %get3A_38 = vector.load %arg4[%get3A_36, %get3A_37] : memref<1x256xf32, #tpu.memory_space<vmem>>, vector<1x256xf32>
    %add3A_39 = vector.broadcast %get3A_38 : vector<1x256xf32> to vector<8x256xf32>
    %add3A_40 = arith.addf %dot_general3A_35, %add3A_39 : vector<8x256xf32>
    %reduce_sum3A = arith.constant dense<0.000000e+00> : vector<8xf32>
    %reduce_sum3A_41 = vector.multi_reduction <add>, %add3A_40, %reduce_sum3A [1] : vector<8x256xf32> to vector<8xf32>
    %broadcast_in_dim3A = vector.shape_cast %reduce_sum3A_41 : vector<8xf32> to vector<8x1xf32>
    %div3A_42 = arith.constant 2.560000e+02 : f32
    %div3A_43 = vector.broadcast %div3A_42 : f32 to vector<8x1xf32>
    %div3A_44 = arith.divf %broadcast_in_dim3A, %div3A_43 : vector<8x1xf32>
    %sub3A_45 = vector.broadcast %div3A_44 : vector<8x1xf32> to vector<8x256xf32>
    %sub3A_46 = arith.subf %add3A_40, %sub3A_45 : vector<8x256xf32>
    %integer_pow3A = arith.mulf %sub3A_46, %sub3A_46 : vector<8x256xf32>
    %reduce_sum3A_47 = arith.constant dense<0.000000e+00> : vector<8xf32>
    %reduce_sum3A_48 = vector.multi_reduction <add>, %integer_pow3A, %reduce_sum3A_47 [1] : vector<8x256xf32> to vector<8xf32>
    %broadcast_in_dim3A_49 = vector.shape_cast %reduce_sum3A_48 : vector<8xf32> to vector<8x1xf32>
    %div3A_50 = arith.constant 2.560000e+02 : f32
    %div3A_51 = vector.broadcast %div3A_50 : f32 to vector<8x1xf32>
    %div3A_52 = arith.divf %broadcast_in_dim3A_49, %div3A_51 : vector<8x1xf32>
    %sub3A_53 = vector.broadcast %div3A_44 : vector<8x1xf32> to vector<8x256xf32>
    %sub3A_54 = arith.subf %add3A_40, %sub3A_53 : vector<8x256xf32>
    %add3A_55 = arith.constant 9.99999974E-6 : f32
    %add3A_56 = vector.broadcast %add3A_55 : f32 to vector<8x1xf32>
    %add3A_57 = arith.addf %div3A_52, %add3A_56 : vector<8x1xf32>
    %sqrt3A = math.sqrt %add3A_57 : vector<8x1xf32>
    %div3A_58 = vector.broadcast %sqrt3A : vector<8x1xf32> to vector<8x256xf32>
    %div3A_59 = arith.divf %sub3A_54, %div3A_58 : vector<8x256xf32>
    %get3A_60 = arith.constant 0 : index
    %get3A_61 = arith.constant 0 : index
    %get3A_62 = vector.load %arg5[%get3A_60, %get3A_61] : memref<1x256xf32, #tpu.memory_space<vmem>>, vector<1x256xf32>
    %mul3A_63 = vector.broadcast %get3A_62 : vector<1x256xf32> to vector<8x256xf32>
    %mul3A_64 = arith.mulf %div3A_59, %mul3A_63 : vector<8x256xf32>
    %get3A_65 = arith.constant 0 : index
    %get3A_66 = arith.constant 0 : index
    %get3A_67 = vector.load %arg6[%get3A_65, %get3A_66] : memref<1x256xf32, #tpu.memory_space<vmem>>, vector<1x256xf32>
    %add3A_68 = vector.broadcast %get3A_67 : vector<1x256xf32> to vector<8x256xf32>
    %add3A_69 = arith.addf %mul3A_64, %add3A_68 : vector<8x256xf32>
    %logistic3A = arith.negf %add3A_69 : vector<8x256xf32>
    %logistic3A_70 = math.exp %logistic3A : vector<8x256xf32>
    %logistic3A_71 = arith.constant 1.000000e+00 : f32
    %logistic3A_72 = vector.broadcast %logistic3A_71 : f32 to vector<8x256xf32>
    %logistic3A_73 = arith.addf %logistic3A_72, %logistic3A_70 : vector<8x256xf32>
    %logistic3A_74 = arith.divf %logistic3A_72, %logistic3A_73 : vector<8x256xf32>
    %mul3A_75 = arith.mulf %add3A_69, %logistic3A_74 : vector<8x256xf32>
    %get3A_76 = arith.constant 0 : index
    %get3A_77 = arith.constant 0 : index
    %get3A_78 = vector.load %arg7[%get3A_76, %get3A_77] : memref<256x7xf32, #tpu.memory_space<vmem>>, vector<256x7xf32>
    %dot_general3A_79 = arith.constant dense<0.000000e+00> : vector<8x7xf32>
    %dot_general3A_80 = tpu.matmul %mul3A_75, %get3A_78, %dot_general3A_79 {dimension_numbers = #tpu.dot_dimension_numbers<[1], [0], [0], [1], [0, 0, 1, 1], [], []>, transpose_lhs_hint = false} : vector<8x256xf32>, vector<256x7xf32>, vector<8x7xf32> -> vector<8x7xf32>
    %get3A_81 = arith.constant 0 : index
    %get3A_82 = arith.constant 0 : index
    %get3A_83 = vector.load %arg8[%get3A_81, %get3A_82] : memref<1x7xf32, #tpu.memory_space<vmem>>, vector<1x7xf32>
    %add3A_84 = vector.broadcast %get3A_83 : vector<1x7xf32> to vector<8x7xf32>
    %add3A_85 = arith.addf %dot_general3A_80, %add3A_84 : vector<8x7xf32>
    %swap3A = arith.constant 0 : index
    %swap3A_86 = arith.constant 0 : index
    %swap3A_87 = vector.load %arg9[%swap3A, %swap3A_86] : memref<8x7xf32, #tpu.memory_space<vmem>>, vector<8x7xf32>
    tpu.vector_store %arg9[%swap3A, %swap3A_86], %add3A_85 {strides = array<i32>} : memref<8x7xf32, #tpu.memory_space<vmem>>, vector<8x7xf32>,
    return
  }
}

</mosaic_0001>

<sc_bundles>
// kernel: kernel.5.cloned.1.call-start
scs
__scs_entry_jumppad:
0x0: {  	(pc) =	sbr.rel $0x88, $3  }
0x1: {  	(tag) =	ssettag $0x0;
	lr =	simm.s32 $0x1  }
0x2: {  	[smem:$0x3F98] =	sst lr;
	_ =	strace $0xD0000000  }
0x3: {  	_ = 	snop  }
0x4: {  	_ = 	snop  }
0x5: {  	_ = 	snop  }
0x6: {  	_ = 	snop  }
0x7: {  	_ = 	snop  }
__scs_overlays_trampoline_lowered:
0x8: {  	[smem:$0x3FA7] =	sst s0  }
0x9: {  	[smem:$0x3FA8] =	sst s1  }
0xa: {  	[smem:$0x3FA9] =	sst s2  }
0xb: {  	[smem:$0x3FAA] =	sst s3  }
0xc: {  	[smem:$0x3FAB] =	sst s4  }
0xd: {  	[smem:$0x3FAC] =	sst s5  }
0xe: {  	[smem:$0x3FAD] =	sst s6  }
0xf: {  	[smem:$0x3FAE] =	sst s7  }
0x10: {  	[smem:$0x3FAF] =	sst s8  }
0x11: {  	[smem:$0x3FB0] =	sst s9;
	s0 =	simm.s32 @!p0 $0x0  }
0x12: {  	s1 =	sld [smem:$0x3F96];
	s0 =	simm.s32 @p0 $0x1  }
0x13: {  	[smem:$0x3FB1] =	sst s0;
	s0 =	simm.s32 @!p1 $0x0  }
0x14: {  	s2 =	sld [smem:$0x3F95];
	s0 =	simm.s32 @p1 $0x1  }
0x15: {  	[smem:$0x3FB2] =	sst s0;
	s0 =	simm.s32 @!p2 $0x0  }
0x16: {  	s3 =	sld [smem:$0x3FDB];
	s0 =	simm.s32 @p2 $0x1  }
0x17: {  	s4 =	simm.s32 $0x1BF5;
	[smem:$0x3FB4] =	sst s0  }
0x18: {  	s0 =	sld [smem:$0x3F97];
	_ =	swait.ge [sflag:s4], $0x0  }
0x19: {  	s7 =	sld [smem:$0x3F98]  }
0x1a: {  	s8 =	sadd.s32 $0xFFFFE003, lr  }
0x1b: {  	s9 =	sadd.s32 $0xFFFFFEF7, lr;
	s5 =	simm.s32 $0xFFFFFFFF;
	p2 =	slt.u32 s8, $0xFFFFF086  }
0x1c: {  	p1 =	slt.u32 s9, $0xF7A;
	s5 =	simm.s32 @!p2 $0x0  }
0x1d: {  	s5 =	simm.s32 @p1 $0x1;
	p0 =	seq.s32 s7, s2  }
0x1e: {  	s7 =	smul.u32 @!p0 $0xF7A, s2;
	p2 =	seq.s32 @!p0 s5, $0x0  }
0x1f: {  	s9 =	smul.u32 $0xF7A, s1;
	s8 =	simm.s32 @!p0 $0x1BF5;
	p2 =	por !p2, p0  }
0x20: {  	[sflag:s8] =	ssyncset.s32 @!p0 $0xFFFFF086;
	s6 =	sadd.s32 @!p0 s3, s7;
	s7 =	simm.s32 @!p0 $0x108  }
0x21: {  	s3 =	sadd.s32 s3, s9;
	s6 =	sadd.s32 @!p0 $0x88, s6;
	s7 =	simm.s32 @p2 $0x1082  }
0x22: {  	[simem:s7], [sflag:s8] =	dma.local @!p0 [hbm:s6], $0xF7A  }
0x23: {  	s9 =	sor.u32 $0xD0000000, s2;
	s6 =	simm.s32 $0x108;
	_ =	swait.ge @!p0 [sflag:s8], $0x0  }
0x24: {  	s3 =	sadd.s32 $0x88, s3;
	s6 =	simm.s32 @!p1 $0x1082;
	[sflag:s4] =	ssyncset.s32 $0xFFFFF086  }
0x25: {  	[simem:s6], [sflag:s4] =	dma.local [hbm:s3], $0xF7A  }
0x26: {  	[smem:$0x3F98] =	sst s1;
	(tag) =	ssettag s2;
	_ =	strace s9  }
0x27: {  	s1 =	sld [smem:$0x3FA8]  }
0x28: {  	s2 =	sld [smem:$0x3FA9]  }
0x29: {  	s4 =	sld [smem:$0x3FAB]  }
0x2a: {  	p0 =	seq.s32 s5, $0x0;
	s5 =	sld [smem:$0x3FAC]  }
0x2b: {  	s6 =	sld [smem:$0x3FAD]  }
0x2c: {  	s7 =	sld [smem:$0x3FAE]  }
0x2d: {  	s3 =	simm.s32 $0x108;
	s8 =	sld [smem:$0x3FAF]  }
0x2e: {  	s3 =	simm.s32 @!p0 $0x1082;
	s9 =	sld [smem:$0x3FB0]  }
0x2f: {  	lr =	sadd.s32 s0, s3;
	s0 =	sld [smem:$0x3FA7]  }
0x30: {  	s3 =	sld [smem:$0x3FAA]  }
0x31: {  	[smem:$0x3FB3] =	sst s10  }
0x32: {  	s10 =	sld [smem:$0x3FB1];
	_ =	sdelay $0x3  }
0x33: {  	p0 =	seq.s32 s10, $0x1;
	s10 =	sld [smem:$0x3FB3];
	_ =	sdelay $0x3  }
0x34: {  	[smem:$0x3FB3] =	sst s10  }
0x35: {  	s10 =	sld [smem:$0x3FB2];
	_ =	sdelay $0x3  }
0x36: {  	p1 =	seq.s32 s10, $0x1;
	s10 =	sld [smem:$0x3FB3];
	_ =	sdelay $0x3  }
0x37: {  	[smem:$0x3FB3] =	sst s10  }
0x38: {  	s10 =	sld [smem:$0x3FB4]  }
0x39: {  	_ = 	snop;
	(pc) =	sbr.ind lr, $3  }
0x3a: {  	_ = 	snop  }
0x3b: {  	_ = 	snop  }
0x3c: {  	p2 =	seq.s32 s10, $0x1;
	s10 =	sld [smem:$0x3FB3]  }
0x3d: {  	_ =	shalt  }
0x3e: {  	_ =	shalt  }
0x3f: {  	_ =	shalt  }
0x40: {  	_ =	shalt  }
0x41: {  	_ =	shalt  }
0x42: {  	_ =	shalt  }
0x43: {  	_ =	shalt  }
0x44: {  	_ =	shalt  }
0x45: {  	_ =	shalt  }
0x46: {  	_ =	shalt  }
0x47: {  	_ =	shalt  }
0x48: {  	_ =	shalt  }
0x49: {  	_ =	shalt  }
0x4a: {  	_ =	shalt  }
0x4b: {  	_ =	shalt  }
0x4c: {  	_ =	shalt  }
0x4d: {  	_ =	shalt  }
0x4e: {  	_ =	shalt  }
0x4f: {  	_ =	shalt  }
0x50: {  	_ =	shalt  }
0x51: {  	_ =	shalt  }
0x52: {  	_ =	shalt  }
0x53: {  	_ =	shalt  }
0x54: {  	_ =	shalt  }
0x55: {  	_ =	shalt  }
0x56: {  	_ =	shalt  }
0x57: {  	_ =	shalt  }
0x58: {  	_ =	shalt  }
0x59: {  	_ =	shalt  }
0x5a: {  	_ =	shalt  }
0x5b: {  	_ =	shalt  }
0x5c: {  	_ =	shalt  }
0x5d: {  	_ =	shalt  }
0x5e: {  	_ =	shalt  }
0x5f: {  	_ =	shalt  }
0x60: {  	_ =	shalt  }
0x61: {  	_ =	shalt  }
0x62: {  	_ =	shalt  }
0x63: {  	_ =	shalt  }
0x64: {  	_ =	shalt  }
0x65: {  	_ =	shalt  }
0x66: {  	_ =	shalt  }
0x67: {  	_ =	shalt  }
0x68: {  	_ =	shalt  }
0x69: {  	_ =	shalt  }
0x6a: {  	_ =	shalt  }
0x6b: {  	_ =	shalt  }
0x6c: {  	_ =	shalt  }
0x6d: {  	_ =	shalt  }
0x6e: {  	_ =	shalt  }
0x6f: {  	_ =	shalt  }
0x70: {  	_ =	shalt  }
0x71: {  	_ =	shalt  }
0x72: {  	_ =	shalt  }
0x73: {  	_ =	shalt  }
0x74: {  	_ =	shalt  }
0x75: {  	_ =	shalt  }
0x76: {  	_ =	shalt  }
0x77: {  	_ =	shalt  }
0x78: {  	_ =	shalt  }
0x79: {  	_ =	shalt  }
0x7a: {  	_ =	shalt  }
0x7b: {  	_ =	shalt  }
0x7c: {  	_ =	shalt  }
0x7d: {  	_ =	shalt  }
0x7e: {  	_ =	shalt  }
0x7f: {  	_ =	shalt  }
0x80: {  	_ =	shalt  }
0x81: {  	_ =	shalt  }
0x82: {  	_ =	shalt  }
0x83: {  	_ =	shalt  }
0x84: {  	_ =	shalt  }
0x85: {  	_ =	shalt  }
0x86: {  	_ =	shalt  }
0x87: {  	_ =	shalt  }
.Lfunc_end0:
.L_simem_size_0:
called_computation.1_lowered:
.L_overlay_start_0:
0x88: {  	s2 =	sld [smem:$0x3FD9]  }
0x89: {  	s3 =	sld [smem:$0x3FFE];
	_ =	sdelay $0x1  }
0x8a: {  	s1 =	srdreg.scid  }
0x8b: {  	s0 =	sand.u32 $0x1, s1  }
0x8c: {  	s17 =	sshll.u32 s0, $0xA;
	s2 =	sadd.s32 s3, s2  }
0x8d: {  	s2 =	sadd.s32 s2, s17  }
0x8e: {  	[smem:$0x3FBF] =	sst s2  }
0x8f: {  	_ = 	snop  }
0x90: {  	s2 =	sld [smem:$0x3FD0];
	(tm) =	ssettm $0x1  }
0x91: {  	s18 =	sld [smem:$0x3FFB];
	_ =	sdelay $0x3  }
0x92: {  	_ =	strace s18  }
0x93: {  	s3 =	sld [smem:$0x3FFC];
	_ =	sdelay $0x3  }
0x94: {  	_ =	strace s3  }
0x95: {  	s3 =	sld [smem:$0x3FFD];
	_ =	sdelay $0x3  }
0x96: {  	_ =	strace s3  }
0x97: {  	_ =	strace $0x8FFFFFFF  }
0x98: {  	s19 =	sld [smem:$0x3FDB];
	_ =	sdelay $0x1  }
0x99: {  	s4 =	simm.s32 $_scs_section_size  }
0x9a: {  	s5 =	simm.s32 $_size__tile_overlayer_lowered;
	s6 =	simm.s32 $_tile_overlayer_lowered  }
0x9b: {  	s22 =	simm.s32 $0x1BFF;
	s21 =	sshll.u32 s6, $0x1;
	s3 =	sadd.s32 s4, s19  }
0x9c: {  	s7 =	simm.s32 $0x0;
	s20 =	sshll.u32 s5, $0x1;
	s5 =	sadd.s32 s21, s3  }
0x9d: {  	[timem:s7], [sflag:s22] =	dma.local [hbm:s5], s20  }
0x9e: {  	_ =	swait.ge [sflag:s22], s20  }
0x9f: {  	s4 =	ssub.s32 $0x0, s20;
	[sflag:s22] =	ssyncset.done $0x0  }
0xa0: {  	[sflag:s22] =	ssyncadd.s32 s4;
	_ =	sdelay $0x1  }
0xa1: {  	s23 =	simm.s32 $0x1B8B  }
0xa2: {  	_ =	swait.ge [sflag:s23], $0x1  }
0xa3: {  	[sflag:s23] =	ssyncset.done $0x0  }
0xa4: {  	s25 =	simm.s32 $0x1B8E;
	s24 =	sld [smem:$0x3FFE];
	[sflag:s23] =	ssyncadd.s32 $0xFFFFFFFF  }
0xa5: {  	s26 =	simm.s32 $execute0_lowered;
	[smem:$0x3FD2] =	sst s25  }
0xa6: {  	s5 =	sshll.u32 s26, $0x1;
	_ =	strace $0x80000049;
	[dreg:$0x1] =	wrdreg $0xFFFFFFFF  }
0xa7: {  	s28 =	simm.s32 $_size_execute0_lowered;
	s3 =	sadd.s32 s3, s5;
	[dreg:$0x0] =	wrdreg $0x0  }
0xa8: {  	s5 =	sshll.u32 s28, $0x1;
	[dreg:$0x2] =	wrdreg s3  }
0xa9: {  	[dreg:$0x3] =	wrdreg s5  }
0xaa: {  	[dreg:$0x4] =	wrdreg $0xC0  }
0xab: {  	_ =	task [dreg:s7], $0x5FFFF  }
0xac: {  	[dreg:$0x1] =	wrdreg $0xFFFFFFFF  }
0xad: {  	[dreg:$0x0] =	wrdreg $0x60  }
0xae: {  	[dreg:$0x2] =	wrdreg s24  }
0xaf: {  	[dreg:$0x3] =	wrdreg s2  }
0xb0: {  	[dreg:$0x4] =	wrdreg $0x9  }
0xb1: {  	_ =	task.clear_ibuf [dreg:s7], $0x5FFFF;
	_ =	strace $0x90000049  }
0xb2: {  	s29 =	simm.s32 $0x9;
	_ =	strace $0x8000004B  }
0xb3: {  	_ =	swait.ge [sflag:s29], $0x1  }
0xb4: {  	[sflag:s29] =	ssyncadd.s32 $0xFFFFFFFF  }
0xb5: {  	_ =	strace $0x9000004B  }
0xb6: {  	_ =	sfence  }
0xb7: {  	s30 =	sld [smem:$0x0];
	_ =	sdelay $0x2  }
0xb8: {  	s31 =	sshll.u32 s1, $0xD;
	s1 =	sshrl.u32 s1, $0x2  }
0xb9: {  	s3 =	sand.u32 $0x4000, s31;
	s1 =	sadd.s32 s1, s30  }
0xba: {  	s0 =	sor.u32 s3, s0;
	s1 =	sshll.u32 s1, $0x11  }
0xbb: {  	s0 =	sor.u32 s1, s0  }
0xbc: {  	s0 =	sadd.s32 $0x8F2B, s0  }
0xbd: {  	[sflag:s0] =	ssyncadd.remote.s32 $0x1  }
0xbe: {  	_ =	sfence.sel $0xFFFF  }
0xbf: {  	[dreg:$0x0] =	wrdreg $0xFFFFFFFF;
	(pc) =	sbr.abs _section_cstart, $3  }
0xc0: {  	[dreg:$0x1] =	wrdreg $0xFFFFFFFF  }
0xc1: {  	_ =	task.clear_ibuf [dreg:s7], $0x2FFFF;
	_ =	strace $0x9FFFFFFF  }
0xc2: {  	(tm) =	ssettm $0x7FFFFFFF  }
0xc3: {  	_ =	shalt  }
tec
execute0_lowered:
.L_overlay_start_1:
0x0: {  	(tag) =	ssettag $0x1  }
0x1: {  	v0 =	vimm.s32 $0x76543210  }
0x2: {  	v1 =	vimm.s32 $0x11100908;
	v2 =	vimm.s32 $0x15141312;
	vm0 =	vcmask $0x1F10  }
0x3: {  	v3 =	vimm.s32 $0x27262524;
	v48 =	vimm.s32 $0x31302928;
	v4 =	vimm.s32 $0x19181716  }
0x4: {  	v5 =	vimm.s32 $0x23222120;
	v9 =	vlaneseq.u32;
	v51 =	vimm.s32 $0x43424140  }
0x5: {  	v52 =	vimm.s32 $0x47464544;
	v54 =	vimm.s32 $0x35343332;
	v55 =	vimm.s32 $0x39383736  }
0x6: {  	v56 =	vimm.s32 $0x59585756;
	v57 =	vimm.s32 $0x63626160;
	v7 =	vimm.s32 $0x51504948  }
0x7: {  	v8 =	vimm.s32 $0x55545352;
	v59 =	vimm.s32 $0x75747372;
	v62 =	vimm.s32 $0x79787776  }
0x8: {  	v12 =	vimm.s32 $0x71706968;
	v18 =	vimm.s32 $0x91908988;
	v19 =	vimm.s32 $0x95949392  }
0x9: {  	v21 =	vimm.s32 $0x83828180;
	v22 =	vimm.s32 $0x87868584;
	v23 =	vimm.s32 $0xA7A6A5A4  }
0xa: {  	v24 =	vimm.s32 $0xB1B0A9A8;
	v25 =	vimm.s32 $0x99989796;
	v26 =	vimm.s32 $0xA3A2A1A0  }
0xb: {  	v28 =	vimm.s32 $0xC3C2C1C0;
	v31 =	vimm.s32 $0xC7C6C5C4;
	v32 =	vimm.s32 $0xB5B4B3B2  }
0xc: {  	v33 =	vimm.s32 $0xB9B8B7B6;
	v35 =	vimm.s32 $0xD9D8D7D6;
	v37 =	vimm.s32 $0xE3E2E1E0  }
0xd: {  	v38 =	vimm.s32 $0xD1D0C9C8;
	v39 =	vimm.s32 $0xD5D4D3D2;
	vm14 =	vcmask $0x300  }
0xe: {  	vm13 =	vcmask $0x704;
	vm12 =	vcmask $0xB08;
	vm11 =	vcmask $0xF0C  }
0xf: {  	vm10 =	vcmask $0x1310;
	vm9 =	vcmask $0x1714;
	vm8 =	vcmask $0x1B18  }
0x10: {  	vm7 =	vcmask $0x1F1C;
	vm6 =	vcmask $0x2320;
	vm5 =	vcmask $0x2724  }
0x11: {  	v0 =	vunpack.c.l.s4.s8 v0;
	v1 =	vunpack.c.0.s8.s32 v1;
	v2 =	vunpack.c.0.s8.s32 v2  }
0x12: {  	v3 =	vunpack.c.0.s8.s32 v3;
	v6 =	vunpack.c.0.s8.s32 v48;
	v4 =	vunpack.c.0.s8.s32 v4  }
0x13: {  	v5 =	vunpack.c.0.s8.s32 v5;
	v7 =	vunpack.c.0.s8.s32 v7;
	v0 =	vunpack.c.0.s8.s32 v0  }
0x14: {  	v8 =	vunpack.c.0.s8.s32 v8;
	v1 =	vsel vm0, v2, v1;
	v49 =	vsel vm0, v6, v3  }
0x15: {  	v50 =	vsel vm0, v5, v4;
	v2 =	vunpack.c.0.s8.s32 v52;
	v47 =	vand.u32 $0xF, v0  }
0x16: {  	v3 =	vunpack.c.0.s8.s32 v54;
	v4 =	vunpack.c.0.s8.s32 v55;
	v1 =	vcombine.low v47, v1  }
0x17: {  	v5 =	vunpack.c.0.s8.s32 v56;
	v6 =	vunpack.c.0.s8.s32 v57;
	v61 =	vsel vm0, v8, v7  }
0x18: {  	v8 =	vunpack.c.0.s8.s32 v12;
	v58 =	vsel vm0, v4, v3;
	[tilespmem:$0x1FC20] =	vst v1;
	v1 =	vcombine.low v50, v49  }
0x19: {  	v60 =	vsel vm0, v6, v5;
	v3 =	vunpack.c.0.s8.s32 v59;
	v6 =	vunpack.c.0.s8.s32 v62  }
0x1a: {  	v0 =	vimm.s32 $0x67666564;
	v4 =	vunpack.c.0.s8.s32 v22;
	[tilespmem:$0x1FC30] =	vst v1;
	v1 =	vunpack.c.0.s8.s32 v51  }
0x1b: {  	v5 =	vunpack.c.0.s8.s32 v23;
	v7 =	vunpack.c.0.s8.s32 v0;
	v16 =	vsel vm0, v6, v3  }
0x1c: {  	v3 =	vunpack.c.0.s8.s32 v21;
	v6 =	vunpack.c.0.s8.s32 v24;
	v1 =	vsel vm0, v2, v1  }
0x1d: {  	v17 =	vsel vm0, v8, v7;
	v7 =	vunpack.c.0.s8.s32 v25;
	v1 =	vcombine.low v58, v1  }
0x1e: {  	v8 =	vunpack.c.0.s8.s32 v26;
	v27 =	vsel vm0, v4, v3;
	v29 =	vsel vm0, v6, v5  }
0x1f: {  	v3 =	vunpack.c.0.s8.s32 v28;
	v6 =	vunpack.c.0.s8.s32 v31;
	[tilespmem:$0x1FC50] =	vst v1;
	v1 =	vcombine.low v17, v16  }
0x20: {  	v30 =	vsel vm0, v8, v7;
	v7 =	vunpack.c.0.s8.s32 v32;
	v8 =	vunpack.c.0.s8.s32 v33  }
0x21: {  	v4 =	vunpack.c.0.s8.s32 v35;
	v2 =	vunpack.c.0.s8.s32 v19;
	[tilespmem:$0x1FC90] =	vst v1;
	v1 =	vunpack.c.0.s8.s32 v18  }
0x22: {  	v3 =	vsel vm0, v6, v3;
	v6 =	vunpack.c.0.s8.s32 v37;
	v36 =	vsel vm0, v8, v7  }
0x23: {  	v7 =	vunpack.c.0.s8.s32 v38;
	v8 =	vunpack.c.0.s8.s32 v39;
	v1 =	vsel vm0, v2, v1  }
0x24: {  	vm4 =	vcmask $0x2B28;
	vm3 =	vcmask $0x2F2C;
	v1 =	vcombine.low v27, v1  }
0x25: {  	v41 =	vcombine.low v36, v3;
	v42 =	vsel vm0, v6, v4;
	v43 =	vsel vm0, v8, v7  }
0x26: {  	vm1 =	vcmask $0x3330;
	v45 =	vcombine.low v43, v42;
	v1 =	vand.u32 $0xFF, v1  }
0x27: {  	vm2 =	vcmask $0x3734;
	v47 =	vimm.s32 $0x115;
	[tilespmem:$0x1FCB0] =	vst v1;
	v1 =	vand.u32 $0xFF, v41  }
0x28: {  	vm15 =	vcmask $0x3B38;
	v48 =	vsel vm14, $0x100, v47;
	[tilespmem:$0x1FCF0] =	vst v1;
	v1 =	vand.u32 $0xFF, v45  }
0x29: {  	v11 =	vimm.s32 $0x195;
	v53 =	vor.u32 $0x10, v9;
	[tilespmem:$0x1FD10] =	vst v1;
	v1 =	vsel vm13, $0x101, v48  }
0x2a: {  	v13 =	vor.u32 $0x20, v9;
	v15 =	vor.u32 $0x30, v9;
	v1 =	vsel vm12, $0x102, v1  }
0x2b: {  	v20 =	vor.u32 $0x40, v9;
	v40 =	vor.u32 $0x50, v9;
	v1 =	vsel vm11, $0x103, v1  }
0x2c: {  	v44 =	vor.u32 $0x60, v9;
	v46 =	vor.u32 $0x70, v9;
	v1 =	vsel vm10, $0x104, v1  }
0x2d: {  	v10 =	vor.u32 $0xD0, v9;
	[tilespmem:$0x1FC80] =	vst v15;
	v15 =	vor.u32 $0xE0, v9;
	v1 =	vsel vm9, $0x105, v1  }
0x2e: {  	v52 =	vimm.s32 $0xF1F0E9E8;
	v49 =	vimm.s32 $0xF5F4F3F2;
	v1 =	vsel vm8, $0x106, v1  }
0x2f: {  	v50 =	vimm.s32 $0xF9F8F7F6;
	v34 =	vcombine.low v30, v29;
	v1 =	vsel vm7, $0x107, v1  }
0x30: {  	v5 =	vunpack.c.0.s8.s32 v52;
	v51 =	vimm.s32 $0xE7E6E5E4;
	v1 =	vsel vm6, $0x108, v1  }
0x31: {  	[tilespmem:$0x1FCA0] =	vst v20;
	v3 =	vunpack.c.0.s8.s32 v50;
	v2 =	vand.u32 $0xFF, v34;
	v1 =	vsel vm5, $0x109, v1  }
0x32: {  	v4 =	vunpack.c.0.s8.s32 v51;
	[tilespmem:$0x1FCD0] =	vst v2;
	v2 =	vunpack.c.0.s8.s32 v49;
	v1 =	vsel vm4, $0x110, v1  }
0x33: {  	[tilespmem:$0x1FCE0] =	vst v44;
	v20 =	vimm.s32 $0x1E3;
	v44 =	vor.u32 $0x180, v9;
	v1 =	vsel vm3, $0x111, v1  }
0x34: {  	[tilespmem:$0x1FC40] =	vst v53;
	v53 =	vsel vm0, v5, v4;
	v2 =	vsel vm0, v3, v2;
	v1 =	vsel vm1, $0x112, v1  }
0x35: {  	[tilespmem:$0x1FD00] =	vst v46;
	v46 =	vor.u32 $0x190, v9;
	v2 =	vcombine.low v53, v2;
	v1 =	vsel vm2, $0x113, v1  }
0x36: {  	v56 =	vimm.s32 $0x131;
	v59 =	vimm.s32 $0x163;
	v1 =	vsel vm15, $0x114, v1  }
0x37: {  	v58 =	vimm.s32 $0x147;
	v2 =	vand.u32 $0xFF, v2;
	[tilespmem:$0x1FD50] =	vst v1;
	v1 =	vsel vm14, $0x116, v56  }
0x38: {  	v14 =	vcombine.low v61, v60;
	[tilespmem:$0x1FD30] =	vst v2;
	v2 =	vsel vm14, $0x132, v58;
	v1 =	vsel vm13, $0x117, v1  }
0x39: {  	v3 =	vsel vm14, $0x148, v59;
	v2 =	vsel vm13, $0x133, v2;
	v1 =	vsel vm12, $0x118, v1  }
0x3a: {  	v3 =	vsel vm13, $0x149, v3;
	v2 =	vsel vm12, $0x134, v2;
	v1 =	vsel vm11, $0x119, v1  }
0x3b: {  	v3 =	vsel vm12, $0x150, v3;
	v2 =	vsel vm11, $0x135, v2;
	v1 =	vsel vm10, $0x120, v1  }
0x3c: {  	v3 =	vsel vm11, $0x151, v3;
	v2 =	vsel vm10, $0x136, v2;
	v1 =	vsel vm9, $0x121, v1  }
0x3d: {  	v3 =	vsel vm10, $0x152, v3;
	v2 =	vsel vm9, $0x137, v2;
	v1 =	vsel vm8, $0x122, v1  }
0x3e: {  	v3 =	vsel vm9, $0x153, v3;
	v2 =	vsel vm8, $0x138, v2;
	v1 =	vsel vm7, $0x123, v1  }
0x3f: {  	v3 =	vsel vm8, $0x154, v3;
	v2 =	vsel vm7, $0x139, v2;
	v1 =	vsel vm6, $0x124, v1  }
0x40: {  	v3 =	vsel vm7, $0x155, v3;
	v2 =	vsel vm6, $0x140, v2;
	v1 =	vsel vm5, $0x125, v1  }
0x41: {  	v3 =	vsel vm6, $0x156, v3;
	v2 =	vsel vm5, $0x141, v2;
	v1 =	vsel vm4, $0x126, v1  }
0x42: {  	v3 =	vsel vm5, $0x157, v3;
	v2 =	vsel vm4, $0x142, v2;
	v1 =	vsel vm3, $0x127, v1  }
0x43: {  	s0 =	stileid.u32;
	v3 =	vsel vm4, $0x158, v3;
	v2 =	vsel vm3, $0x143, v2;
	v1 =	vsel vm1, $0x128, v1  }
0x44: {  	s4 =	sshrl.u32 s0, $0x1;
	v3 =	vsel vm3, $0x159, v3;
	v2 =	vsel vm1, $0x144, v2;
	v1 =	vsel vm2, $0x129, v1  }
0x45: {  	s1 =	sshll.u32 s4, $0xE;
	v61 =	vsel vm1, $0x160, v3;
	v60 =	vsel vm2, $0x145, v2;
	v1 =	vsel vm15, $0x130, v1  }
0x46: {  	v63 =	vmov s1;
	v6 =	vsel vm2, $0x161, v61;
	[tilespmem:$0x1FD70] =	vst v1;
	v1 =	vsel vm15, $0x146, v60  }
0x47: {  	v54 =	vor.u32 $0x80, v9;
	v8 =	vimm.s32 $0x179;
	[tilespmem:$0x1FD90] =	vst v1;
	v1 =	vsel vm15, $0x162, v6  }
0x48: {  	v55 =	vor.u32 $0x90, v9;
	v57 =	vor.u32 $0xA0, v9;
	[tilespmem:$0x1FDB0] =	vst v1;
	v1 =	vsel vm14, $0x164, v8  }
0x49: {  	v12 =	vimm.s32 $0x1B1;
	v2 =	vsel vm14, $0x180, v11;
	v1 =	vsel vm13, $0x165, v1  }
0x4a: {  	v3 =	vsel vm14, $0x196, v12;
	v2 =	vsel vm13, $0x181, v2;
	v1 =	vsel vm12, $0x166, v1  }
0x4b: {  	v3 =	vsel vm13, $0x197, v3;
	v2 =	vsel vm12, $0x182, v2;
	v1 =	vsel vm11, $0x167, v1  }
0x4c: {  	v3 =	vsel vm12, $0x198, v3;
	v2 =	vsel vm11, $0x183, v2;
	v1 =	vsel vm10, $0x168, v1  }
0x4d: {  	v3 =	vsel vm11, $0x199, v3;
	v2 =	vsel vm10, $0x184, v2;
	v1 =	vsel vm9, $0x169, v1  }
0x4e: {  	v3 =	vsel vm10, $0x1A0, v3;
	v2 =	vsel vm9, $0x185, v2;
	v1 =	vsel vm8, $0x170, v1  }
0x4f: {  	v3 =	vsel vm9, $0x1A1, v3;
	v2 =	vsel vm8, $0x186, v2;
	v1 =	vsel vm7, $0x171, v1  }
0x50: {  	v3 =	vsel vm8, $0x1A2, v3;
	v2 =	vsel vm7, $0x187, v2;
	v1 =	vsel vm6, $0x172, v1  }
0x51: {  	v3 =	vsel vm7, $0x1A3, v3;
	v2 =	vsel vm6, $0x188, v2;
	v1 =	vsel vm5, $0x173, v1  }
0x52: {  	[tilespmem:$0x1FC60] =	vst v13;
	v3 =	vsel vm6, $0x1A4, v3;
	v2 =	vsel vm5, $0x189, v2;
	v1 =	vsel vm4, $0x174, v1  }
0x53: {  	[tilespmem:$0x1FD20] =	vst v54;
	v3 =	vsel vm5, $0x1A5, v3;
	v2 =	vsel vm4, $0x190, v2;
	v1 =	vsel vm3, $0x175, v1  }
0x54: {  	[tilespmem:$0x1FD40] =	vst v55;
	v3 =	vsel vm4, $0x1A6, v3;
	v2 =	vsel vm3, $0x191, v2;
	v1 =	vsel vm1, $0x176, v1  }
0x55: {  	[tilespmem:$0x1FD60] =	vst v57;
	v3 =	vsel vm3, $0x1A7, v3;
	v2 =	vsel vm1, $0x192, v2;
	v1 =	vsel vm2, $0x177, v1  }
0x56: {  	[tilespmem:$0x1FC70] =	vst v14;
	v14 =	vsel vm1, $0x1A8, v3;
	v13 =	vsel vm2, $0x193, v2;
	v1 =	vsel vm15, $0x178, v1  }
0x57: {  	v54 =	vimm.s32 $0x2F9;
	v16 =	vsel vm2, $0x1A9, v14;
	[tilespmem:$0x1FDD0] =	vst v1;
	v1 =	vsel vm15, $0x194, v13  }
0x58: {  	v55 =	vor.u32 $0x1C0, v9;
	v18 =	vimm.s32 $0x1C7;
	[tilespmem:$0x1FDF0] =	vst v1;
	v1 =	vsel vm15, $0x1B0, v16  }
0x59: {  	v57 =	vimm.s32 $0x331;
	v62 =	vor.u32 $0xB0, v9;
	[tilespmem:$0x1FE10] =	vst v1;
	v1 =	vsel vm14, $0x1B2, v18  }
0x5a: {  	v21 =	vimm.s32 $0x1F9;
	v2 =	vsel vm14, $0x1C8, v20;
	v1 =	vsel vm13, $0x1B3, v1  }
0x5b: {  	v3 =	vsel vm14, $0x1E4, v21;
	v2 =	vsel vm13, $0x1C9, v2;
	v1 =	vsel vm12, $0x1B4, v1  }
0x5c: {  	v3 =	vsel vm13, $0x1E5, v3;
	v2 =	vsel vm12, $0x1D0, v2;
	v1 =	vsel vm11, $0x1B5, v1  }
0x5d: {  	v3 =	vsel vm12, $0x1E6, v3;
	v2 =	vsel vm11, $0x1D1, v2;
	v1 =	vsel vm10, $0x1B6, v1  }
0x5e: {  	v3 =	vsel vm11, $0x1E7, v3;
	v2 =	vsel vm10, $0x1D2, v2;
	v1 =	vsel vm9, $0x1B7, v1  }
0x5f: {  	v3 =	vsel vm10, $0x1E8, v3;
	v2 =	vsel vm9, $0x1D3, v2;
	v1 =	vsel vm8, $0x1B8, v1  }
0x60: {  	v3 =	vsel vm9, $0x1E9, v3;
	v2 =	vsel vm8, $0x1D4, v2;
	v1 =	vsel vm7, $0x1B9, v1  }
0x61: {  	v3 =	vsel vm8, $0x1F0, v3;
	v2 =	vsel vm7, $0x1D5, v2;
	v1 =	vsel vm6, $0x1C0, v1  }
0x62: {  	v3 =	vsel vm7, $0x1F1, v3;
	v2 =	vsel vm6, $0x1D6, v2;
	v1 =	vsel vm5, $0x1C1, v1  }
0x63: {  	v3 =	vsel vm6, $0x1F2, v3;
	v2 =	vsel vm5, $0x1D7, v2;
	v1 =	vsel vm4, $0x1C2, v1  }
0x64: {  	v3 =	vsel vm5, $0x1F3, v3;
	v2 =	vsel vm4, $0x1D8, v2;
	v1 =	vsel vm3, $0x1C3, v1  }
0x65: {  	v3 =	vsel vm4, $0x1F4, v3;
	v2 =	vsel vm3, $0x1D9, v2;
	v1 =	vsel vm1, $0x1C4, v1  }
0x66: {  	v3 =	vsel vm3, $0x1F5, v3;
	v2 =	vsel vm1, $0x1E0, v2;
	v1 =	vsel vm2, $0x1C5, v1  }
0x67: {  	[tilespmem:$0x1FD80] =	vst v62;
	v23 =	vsel vm1, $0x1F6, v3;
	v22 =	vsel vm2, $0x1E1, v2;
	v1 =	vsel vm15, $0x1C6, v1  }
0x68: {  	v62 =	vor.u32 $0x1E0, v9;
	v25 =	vsel vm2, $0x1F7, v23;
	[tilespmem:$0x1FE30] =	vst v1;
	v1 =	vsel vm15, $0x1E2, v22  }
0x69: {  	v24 =	vor.u32 $0x110, v9;
	v27 =	vimm.s32 $0x215;
	[tilespmem:$0x1FE50] =	vst v1;
	v1 =	vsel vm15, $0x1F8, v25  }
0x6a: {  	v47 =	vimm.s32 $0x2C7;
	v29 =	vimm.s32 $0x231;
	[tilespmem:$0x1FE70] =	vst v1;
	v1 =	vsel vm14, $0x200, v27  }
0x6b: {  	v30 =	vimm.s32 $0x247;
	v2 =	vsel vm14, $0x216, v29;
	v1 =	vsel vm13, $0x201, v1  }
0x6c: {  	v3 =	vsel vm14, $0x232, v30;
	v2 =	vsel vm13, $0x217, v2;
	v1 =	vsel vm12, $0x202, v1  }
0x6d: {  	v3 =	vsel vm13, $0x233, v3;
	v2 =	vsel vm12, $0x218, v2;
	v1 =	vsel vm11, $0x203, v1  }
0x6e: {  	v3 =	vsel vm12, $0x234, v3;
	v2 =	vsel vm11, $0x219, v2;
	v1 =	vsel vm10, $0x204, v1  }
0x6f: {  	v3 =	vsel vm11, $0x235, v3;
	v2 =	vsel vm10, $0x220, v2;
	v1 =	vsel vm9, $0x205, v1  }
0x70: {  	v3 =	vsel vm10, $0x236, v3;
	v2 =	vsel vm9, $0x221, v2;
	v1 =	vsel vm8, $0x206, v1  }
0x71: {  	v3 =	vsel vm9, $0x237, v3;
	v2 =	vsel vm8, $0x222, v2;
	v1 =	vsel vm7, $0x207, v1  }
0x72: {  	v3 =	vsel vm8, $0x238, v3;
	v2 =	vsel vm7, $0x223, v2;
	v1 =	vsel vm6, $0x208, v1  }
0x73: {  	v3 =	vsel vm7, $0x239, v3;
	v2 =	vsel vm6, $0x224, v2;
	v1 =	vsel vm5, $0x209, v1  }
0x74: {  	v3 =	vsel vm6, $0x240, v3;
	v2 =	vsel vm5, $0x225, v2;
	v1 =	vsel vm4, $0x210, v1  }
0x75: {  	v3 =	vsel vm5, $0x241, v3;
	v2 =	vsel vm4, $0x226, v2;
	v1 =	vsel vm3, $0x211, v1  }
0x76: {  	v3 =	vsel vm4, $0x242, v3;
	v2 =	vsel vm3, $0x227, v2;
	v1 =	vsel vm1, $0x212, v1  }
0x77: {  	v3 =	vsel vm3, $0x243, v3;
	v2 =	vsel vm1, $0x228, v2;
	v1 =	vsel vm2, $0x213, v1  }
0x78: {  	v32 =	vsel vm1, $0x244, v3;
	v31 =	vsel vm2, $0x229, v2;
	v1 =	vsel vm15, $0x214, v1  }
0x79: {  	v26 =	vor.u32 $0x120, v9;
	v34 =	vsel vm2, $0x245, v32;
	[tilespmem:$0x1FE90] =	vst v1;
	v1 =	vsel vm15, $0x230, v31  }
0x7a: {  	v28 =	vor.u32 $0x130, v9;
	v36 =	vimm.s32 $0x263;
	[tilespmem:$0x1FEB0] =	vst v1;
	v1 =	vsel vm15, $0x246, v34  }
0x7b: {  	v35 =	vor.u32 $0x150, v9;
	v38 =	vimm.s32 $0x279;
	[tilespmem:$0x1FED0] =	vst v1;
	v1 =	vsel vm14, $0x248, v36  }
0x7c: {  	v39 =	vimm.s32 $0x295;
	v2 =	vsel vm14, $0x264, v38;
	v1 =	vsel vm13, $0x249, v1  }
0x7d: {  	v3 =	vsel vm14, $0x280, v39;
	v2 =	vsel vm13, $0x265, v2;
	v1 =	vsel vm12, $0x250, v1  }
0x7e: {  	v3 =	vsel vm13, $0x281, v3;
	v2 =	vsel vm12, $0x266, v2;
	v1 =	vsel vm11, $0x251, v1  }
0x7f: {  	v3 =	vsel vm12, $0x282, v3;
	v2 =	vsel vm11, $0x267, v2;
	v1 =	vsel vm10, $0x252, v1  }
0x80: {  	v3 =	vsel vm11, $0x283, v3;
	v2 =	vsel vm10, $0x268, v2;
	v1 =	vsel vm9, $0x253, v1  }
0x81: {  	v3 =	vsel vm10, $0x284, v3;
	v2 =	vsel vm9, $0x269, v2;
	v1 =	vsel vm8, $0x254, v1  }
0x82: {  	v3 =	vsel vm9, $0x285, v3;
	v2 =	vsel vm8, $0x270, v2;
	v1 =	vsel vm7, $0x255, v1  }
0x83: {  	v3 =	vsel vm8, $0x286, v3;
	v2 =	vsel vm7, $0x271, v2;
	v1 =	vsel vm6, $0x256, v1  }
0x84: {  	v3 =	vsel vm7, $0x287, v3;
	v2 =	vsel vm6, $0x272, v2;
	v1 =	vsel vm5, $0x257, v1  }
0x85: {  	v3 =	vsel vm6, $0x288, v3;
	v2 =	vsel vm5, $0x273, v2;
	v1 =	vsel vm4, $0x258, v1  }
0x86: {  	v3 =	vsel vm5, $0x289, v3;
	v2 =	vsel vm4, $0x274, v2;
	v1 =	vsel vm3, $0x259, v1  }
0x87: {  	v3 =	vsel vm4, $0x290, v3;
	v2 =	vsel vm3, $0x275, v2;
	v1 =	vsel vm1, $0x260, v1  }
0x88: {  	v3 =	vsel vm3, $0x291, v3;
	v2 =	vsel vm1, $0x276, v2;
	v1 =	vsel vm2, $0x261, v1  }
0x89: {  	[tilespmem:$0x1FCC0] =	vst v40;
	v41 =	vsel vm1, $0x292, v3;
	v40 =	vsel vm2, $0x277, v2;
	v1 =	vsel vm15, $0x262, v1  }
0x8a: {  	v33 =	vor.u32 $0x140, v9;
	v43 =	vsel vm2, $0x293, v41;
	[tilespmem:$0x1FEF0] =	vst v1;
	v1 =	vsel vm15, $0x278, v40  }
0x8b: {  	v37 =	vor.u32 $0x160, v9;
	v45 =	vimm.s32 $0x2B1;
	[tilespmem:$0x1FF10] =	vst v1;
	v1 =	vsel vm15, $0x294, v43  }
0x8c: {  	v19 =	vor.u32 $0x100, v9;
	v51 =	vor.u32 $0x1A0, v9;
	[tilespmem:$0x1FF30] =	vst v1;
	v1 =	vsel vm14, $0x296, v45  }
0x8d: {  	v48 =	vimm.s32 $0x2E3;
	v2 =	vsel vm14, $0x2B2, v47;
	v1 =	vsel vm13, $0x297, v1  }
0x8e: {  	v3 =	vsel vm14, $0x2C8, v48;
	v2 =	vsel vm13, $0x2B3, v2;
	v1 =	vsel vm12, $0x298, v1  }
0x8f: {  	v3 =	vsel vm13, $0x2C9, v3;
	v2 =	vsel vm12, $0x2B4, v2;
	v1 =	vsel vm11, $0x299, v1  }
0x90: {  	v3 =	vsel vm12, $0x2D0, v3;
	v2 =	vsel vm11, $0x2B5, v2;
	v1 =	vsel vm10, $0x2A0, v1  }
0x91: {  	v3 =	vsel vm11, $0x2D1, v3;
	v2 =	vsel vm10, $0x2B6, v2;
	v1 =	vsel vm9, $0x2A1, v1  }
0x92: {  	v3 =	vsel vm10, $0x2D2, v3;
	v2 =	vsel vm9, $0x2B7, v2;
	v1 =	vsel vm8, $0x2A2, v1  }
0x93: {  	v3 =	vsel vm9, $0x2D3, v3;
	v2 =	vsel vm8, $0x2B8, v2;
	v1 =	vsel vm7, $0x2A3, v1  }
0x94: {  	v3 =	vsel vm8, $0x2D4, v3;
	v2 =	vsel vm7, $0x2B9, v2;
	v1 =	vsel vm6, $0x2A4, v1  }
0x95: {  	v3 =	vsel vm7, $0x2D5, v3;
	v2 =	vsel vm6, $0x2C0, v2;
	v1 =	vsel vm5, $0x2A5, v1  }
0x96: {  	[tilespmem:$0x1FDC0] =	vst v10;
	v3 =	vsel vm6, $0x2D6, v3;
	v2 =	vsel vm5, $0x2C1, v2;
	v1 =	vsel vm4, $0x2A6, v1  }
0x97: {  	[tilespmem:$0x1FDE0] =	vst v15;
	v3 =	vsel vm5, $0x2D7, v3;
	v2 =	vsel vm4, $0x2C2, v2;
	v1 =	vsel vm3, $0x2A7, v1  }
0x98: {  	[tilespmem:$0x1FF20] =	vst v44;
	v3 =	vsel vm4, $0x2D8, v3;
	v2 =	vsel vm3, $0x2C3, v2;
	v1 =	vsel vm1, $0x2A8, v1  }
0x99: {  	[tilespmem:$0x1FF40] =	vst v46;
	v3 =	vsel vm3, $0x2D9, v3;
	v2 =	vsel vm1, $0x2C4, v2;
	v1 =	vsel vm2, $0x2A9, v1  }
0x9a: {  	[tilespmem:$0x1FFA0] =	vst v55;
	v50 =	vsel vm1, $0x2E0, v3;
	v49 =	vsel vm2, $0x2C5, v2;
	v1 =	vsel vm15, $0x2B0, v1  }
0x9b: {  	v7 =	vor.u32 $0xC0, v9;
	v52 =	vsel vm2, $0x2E1, v50;
	[tilespmem:$0x1FF50] =	vst v1;
	v1 =	vsel vm15, $0x2C6, v49  }
0x9c: {  	v17 =	vor.u32 $0xF0, v9;
	v42 =	vor.u32 $0x170, v9;
	[tilespmem:$0x1FF70] =	vst v1;
	v1 =	vsel vm15, $0x2E2, v52  }
0x9d: {  	v53 =	vor.u32 $0x1B0, v9;
	v56 =	vimm.s32 $0x315;
	[tilespmem:$0x1FF90] =	vst v1;
	v1 =	vsel vm14, $0x2E4, v54  }
0x9e: {  	[tilespmem:$0x1FE40] =	vst v24;
	v60 =	vor.u32 $0x1D0, v9;
	v2 =	vsel vm14, $0x300, v56;
	v1 =	vsel vm13, $0x2E5, v1  }
0x9f: {  	[tilespmem:$0x1FE60] =	vst v26;
	v3 =	vsel vm14, $0x316, v57;
	v2 =	vsel vm13, $0x301, v2;
	v1 =	vsel vm12, $0x2E6, v1  }
0xa0: {  	[tilespmem:$0x1FE80] =	vst v28;
	v3 =	vsel vm13, $0x317, v3;
	v2 =	vsel vm12, $0x302, v2;
	v1 =	vsel vm11, $0x2E7, v1  }
0xa1: {  	s5 =	rddreg [dreg:$0x0];
	[tilespmem:$0x1FEC0] =	vst v35;
	v3 =	vsel vm12, $0x318, v3;
	v2 =	vsel vm11, $0x303, v2;
	v1 =	vsel vm10, $0x2E8, v1  }
0xa2: {  	s6 =	rddreg [dreg:$0x1];
	[tilespmem:$0x1FEA0] =	vst v33;
	v3 =	vsel vm11, $0x319, v3;
	v2 =	vsel vm10, $0x304, v2;
	v1 =	vsel vm9, $0x2E9, v1  }
0xa3: {  	s2 =	simm.s32 $0x0;
	s7 =	srdreg.scid;
	s13 =	simm.s32 $0x4A00;
	[tilespmem:$0x1FEE0] =	vst v37;
	v3 =	vsel vm10, $0x320, v3;
	v2 =	vsel vm9, $0x305, v2;
	v1 =	vsel vm8, $0x2F0, v1  }
0xa4: {  	s14 =	simm.s32 $0x1;
	s15 =	simm.s32 $0xCA00;
	s16 =	simm.s32 $0x0;
	[tilespmem:$0x1FE20] =	vst v19;
	v3 =	vsel vm9, $0x321, v3;
	v2 =	vsel vm8, $0x306, v2;
	v1 =	vsel vm7, $0x2F1, v1  }
0xa5: {  	s19 =	simm.s32 $0x0;
	[smem:$0x7FF] =	sst s2;
	s7 =	sand.u32 $0x1, s7;
	[tilespmem:$0x1FF60] =	vst v51;
	v3 =	vsel vm8, $0x322, v3;
	v2 =	vsel vm7, $0x307, v2;
	v1 =	vsel vm6, $0x2F2, v1  }
0xa6: {  	s10 =	sshll.u32 s0, $0x1;
	s30 =	sand.u32 $0xE, s0;
	s3 =	sshll.u32 s4, $0x7;
	[tilespmem:$0x1FDA0] =	vst v7;
	v3 =	vsel vm7, $0x323, v3;
	v2 =	vsel vm6, $0x308, v2;
	v1 =	vsel vm5, $0x2F3, v1  }
0xa7: {  	s9 =	ssub.s32 $0x2, s7;
	s4 =	sshll.u32 s4, $0x5;
	s10 =	sand.u32 $0x2, s10;
	[tilespmem:$0x1FE00] =	vst v17;
	v3 =	vsel vm6, $0x324, v3;
	v2 =	vsel vm5, $0x309, v2;
	v1 =	vsel vm4, $0x2F4, v1  }
0xa8: {  	s1 =	rddreg [dreg:$0x2];
	s8 =	sadd.s32 s3, s5;
	s3 =	sadd.s32 $0x1C00, s5;
	[tilespmem:$0x1FF00] =	vst v42;
	v3 =	vsel vm5, $0x325, v3;
	v2 =	vsel vm4, $0x310, v2;
	v1 =	vsel vm3, $0x2F5, v1  }
0xa9: {  	s11 =	sshrl.u32 s9, $0x1;
	s12 =	sadd.s32 s4, s5;
	s10 =	sor.u32 s7, s10;
	[tilespmem:$0x1FF80] =	vst v53;
	v3 =	vsel vm4, $0x326, v3;
	v2 =	vsel vm3, $0x311, v2;
	v1 =	vsel vm1, $0x2F6, v1  }
0xaa: {  	s5 =	sadd.s32 s6, s30;
	s9 =	ssub.s32 s9, s11;
	v3 =	vsel vm3, $0x327, v3;
	v2 =	vsel vm1, $0x312, v2;
	_ =	strace $0x8000004A;
	[tilespmem:$0x1FFC0] =	vst v60;
	v1 =	vsel vm2, $0x2F7, v1  }
0xab: {  	s4 =	sadd.s32 $0x401C00, s8;
	s7 =	sshll.u32 s10, $0x8;
	s31 =	sshll.u32 s10, $0x7;
	v59 =	vsel vm1, $0x328, v3;
	v58 =	vsel vm2, $0x313, v2;
	[tilespmem:$0x1FFE0] =	vst v62;
	v1 =	vsel vm15, $0x2F8, v1  }
0xac: {  	p0 =	sne.s32 s10, $0x0;
	s10 =	simm.s32 $0x400;
	s11 =	simm.s32 $0xCB00;
	v61 =	vsel vm2, $0x329, v59;
	[tilespmem:$0x1FFB0] =	vst v1;
	v1 =	vsel vm15, $0x314, v58  }
0xad: {  	s7 =	sadd.s32 s7, s12;
	s6 =	sor.u32 $0x4800, s31;
	s8 =	smax.u32 s9, $0x1;
	[tilespmem:$0x1FFD0] =	vst v1;
	v1 =	vsel vm15, $0x330, v61  }
0xae: {  	s9 =	simm.s32 $0x2;
	s12 =	simm.s32 $0x80;
	s7 =	sadd.s32 $0x402000, s7;
	[tilespmem:$0x1FFF0] =	vst v1  }
.LBB2_1:
0xaf: {  	[tilespmem:s2], [sflag:$0x2] =	stream.linear.gather [hbm4b:s4+s2], $0x400, $0x38;
	[tilespmem:$0xCB10] =	vst v63  }
0xb0: {  	_ =	swait.ge [sflag:s9], $0x400  }
0xb1: {  	v4 =	vld [tilespmem:$0x1FC20];
	_ =	sdelay $0x5  }
0xb2: {  	[sflag:s9] =	ssyncset.done $0x0  }
0xb3: {  	[sflag:s9] =	ssyncadd.s32 $0xFFFFFC00  }
0xb4: {  	v1 =	vld.idx.msk [tilespmem:v4+s2+$0x0], $0xffff  }
0xb5: {  	v6 =	vld [tilespmem:$0x1FC30];
	_ =	sdelay $0x5  }
0xb6: {  	v5 =	vlaneseq.u32  }
0xb7: {  	[tilespmem:v1+s10+$0x0] =	vst.idx.msk $0xffff, v5  }
0xb8: {  	v1 =	vld.idx.msk [tilespmem:v6+s2+$0x0], $0xffff  }
0xb9: {  	v8 =	vld [tilespmem:$0x1FC50];
	_ =	sdelay $0x1  }
0xba: {  	v7 =	vld [tilespmem:$0x1FC40];
	_ =	sdelay $0x4  }
0xbb: {  	[tilespmem:v1+s10+$0x0] =	vst.idx.msk $0xffff, v7  }
0xbc: {  	v1 =	vld.idx.msk [tilespmem:v8+s2+$0x0], $0xffff  }
0xbd: {  	v10 =	vld [tilespmem:$0x1FC70];
	_ =	sdelay $0x1  }
0xbe: {  	v9 =	vld [tilespmem:$0x1FC60];
	_ =	sdelay $0x4  }
0xbf: {  	[tilespmem:v1+s10+$0x0] =	vst.idx.msk $0xffff, v9  }
0xc0: {  	v1 =	vld.idx.msk [tilespmem:v10+s2+$0x0], $0xffff  }
0xc1: {  	v12 =	vld [tilespmem:$0x1FC90];
	_ =	sdelay $0x1  }
0xc2: {  	v11 =	vld [tilespmem:$0x1FC80];
	_ =	sdelay $0x4  }
0xc3: {  	[tilespmem:v1+s10+$0x0] =	vst.idx.msk $0xffff, v11  }
0xc4: {  	v1 =	vld.idx.msk [tilespmem:v12+s2+$0x0], $0xffff  }
0xc5: {  	v14 =	vld [tilespmem:$0x1FCB0];
	_ =	sdelay $0x1  }
0xc6: {  	v13 =	vld [tilespmem:$0x1FCA0];
	_ =	sdelay $0x4  }
0xc7: {  	[tilespmem:v1+s10+$0x0] =	vst.idx.msk $0xffff, v13  }
0xc8: {  	v1 =	vld.idx.msk [tilespmem:v14+s2+$0x0], $0xffff  }
0xc9: {  	v16 =	vld [tilespmem:$0x1FCD0];
	_ =	sdelay $0x1  }
0xca: {  	v15 =	vld [tilespmem:$0x1FCC0];
	_ =	sdelay $0x4  }
0xcb: {  	[tilespmem:v1+s10+$0x0] =	vst.idx.msk $0xffff, v15  }
0xcc: {  	v1 =	vld.idx.msk [tilespmem:v16+s2+$0x0], $0xffff  }
0xcd: {  	v18 =	vld [tilespmem:$0x1FCF0];
	_ =	sdelay $0x1  }
0xce: {  	v17 =	vld [tilespmem:$0x1FCE0];
	_ =	sdelay $0x4  }
0xcf: {  	[tilespmem:v1+s10+$0x0] =	vst.idx.msk $0xffff, v17  }
0xd0: {  	v1 =	vld.idx.msk [tilespmem:v18+s2+$0x0], $0xffff  }
0xd1: {  	v20 =	vld [tilespmem:$0x1FD10];
	_ =	sdelay $0x1  }
0xd2: {  	v19 =	vld [tilespmem:$0x1FD00];
	_ =	sdelay $0x4  }
0xd3: {  	[tilespmem:v1+s10+$0x0] =	vst.idx.msk $0xffff, v19  }
0xd4: {  	v1 =	vld.idx.msk [tilespmem:v20+s2+$0x0], $0xffff  }
0xd5: {  	v22 =	vld [tilespmem:$0x1FD30];
	_ =	sdelay $0x1  }
0xd6: {  	v21 =	vld [tilespmem:$0x1FD20];
	_ =	sdelay $0x4  }
0xd7: {  	[tilespmem:v1+s10+$0x0] =	vst.idx.msk $0xffff, v21  }
0xd8: {  	v1 =	vld.idx.msk [tilespmem:v22+s2+$0x0], $0xffff  }
0xd9: {  	v24 =	vld [tilespmem:$0x1FD50];
	_ =	sdelay $0x1  }
0xda: {  	v23 =	vld [tilespmem:$0x1FD40];
	_ =	sdelay $0x4  }
0xdb: {  	[tilespmem:v1+s10+$0x0] =	vst.idx.msk $0xffff, v23  }
0xdc: {  	v1 =	vld.idx.msk [tilespmem:v24+s2+$0x0], $0xffff  }
0xdd: {  	v26 =	vld [tilespmem:$0x1FD70];
	_ =	sdelay $0x1  }
0xde: {  	v25 =	vld [tilespmem:$0x1FD60];
	_ =	sdelay $0x4  }
0xdf: {  	[tilespmem:v1+s10+$0x0] =	vst.idx.msk $0xffff, v25  }
0xe0: {  	v1 =	vld.idx.msk [tilespmem:v26+s2+$0x0], $0xffff  }
0xe1: {  	v28 =	vld [tilespmem:$0x1FD90];
	_ =	sdelay $0x1  }
0xe2: {  	v27 =	vld [tilespmem:$0x1FD80];
	_ =	sdelay $0x4  }
0xe3: {  	[tilespmem:v1+s10+$0x0] =	vst.idx.msk $0xffff, v27  }
0xe4: {  	v1 =	vld.idx.msk [tilespmem:v28+s2+$0x0], $0xffff  }
0xe5: {  	v30 =	vld [tilespmem:$0x1FDB0];
	_ =	sdelay $0x1  }
0xe6: {  	v29 =	vld [tilespmem:$0x1FDA0];
	_ =	sdelay $0x4  }
0xe7: {  	[tilespmem:v1+s10+$0x0] =	vst.idx.msk $0xffff, v29  }
0xe8: {  	v1 =	vld.idx.msk [tilespmem:v30+s2+$0x0], $0xffff  }
0xe9: {  	v32 =	vld [tilespmem:$0x1FDD0];
	_ =	sdelay $0x1  }
0xea: {  	v31 =	vld [tilespmem:$0x1FDC0];
	_ =	sdelay $0x4  }
0xeb: {  	[tilespmem:v1+s10+$0x0] =	vst.idx.msk $0xffff, v31  }
0xec: {  	v1 =	vld.idx.msk [tilespmem:v32+s2+$0x0], $0xffff  }
0xed: {  	v34 =	vld [tilespmem:$0x1FDF0];
	_ =	sdelay $0x1  }
0xee: {  	v33 =	vld [tilespmem:$0x1FDE0];
	_ =	sdelay $0x4  }
0xef: {  	[tilespmem:v1+s10+$0x0] =	vst.idx.msk $0xffff, v33  }
0xf0: {  	v1 =	vld.idx.msk [tilespmem:v34+s2+$0x0], $0xffff  }
0xf1: {  	v36 =	vld [tilespmem:$0x1FE10];
	_ =	sdelay $0x1  }
0xf2: {  	v35 =	vld [tilespmem:$0x1FE00];
	_ =	sdelay $0x4  }
0xf3: {  	[tilespmem:v1+s10+$0x0] =	vst.idx.msk $0xffff, v35  }
0xf4: {  	v1 =	vld.idx.msk [tilespmem:v36+s2+$0x0], $0xffff  }
0xf5: {  	v38 =	vld [tilespmem:$0x1FE30];
	_ =	sdelay $0x1  }
0xf6: {  	v37 =	vld [tilespmem:$0x1FE20];
	_ =	sdelay $0x4  }
0xf7: {  	[tilespmem:v1+s10+$0x0] =	vst.idx.msk $0xffff, v37  }
0xf8: {  	v1 =	vld.idx.msk [tilespmem:v38+s2+$0x0], $0xffff  }
0xf9: {  	v40 =	vld [tilespmem:$0x1FE50];
	_ =	sdelay $0x1  }
0xfa: {  	v39 =	vld [tilespmem:$0x1FE40];
	_ =	sdelay $0x4  }
0xfb: {  	[tilespmem:v1+s10+$0x0] =	vst.idx.msk $0xffff, v39  }
0xfc: {  	v1 =	vld.idx.msk [tilespmem:v40+s2+$0x0], $0xffff  }
0xfd: {  	v42 =	vld [tilespmem:$0x1FE70];
	_ =	sdelay $0x1  }
0xfe: {  	v41 =	vld [tilespmem:$0x1FE60];
	_ =	sdelay $0x4  }
0xff: {  	[tilespmem:v1+s10+$0x0] =	vst.idx.msk $0xffff, v41  }
0x100: {  	v1 =	vld.idx.msk [tilespmem:v42+s2+$0x0], $0xffff  }
0x101: {  	v44 =	vld [tilespmem:$0x1FE90];
	_ =	sdelay $0x1  }
0x102: {  	v43 =	vld [tilespmem:$0x1FE80];
	_ =	sdelay $0x4  }
0x103: {  	[tilespmem:v1+s10+$0x0] =	vst.idx.msk $0xffff, v43  }
0x104: {  	v1 =	vld.idx.msk [tilespmem:v44+s2+$0x0], $0xffff  }
0x105: {  	v46 =	vld [tilespmem:$0x1FEB0];
	_ =	sdelay $0x1  }
0x106: {  	v45 =	vld [tilespmem:$0x1FEA0];
	_ =	sdelay $0x4  }
0x107: {  	[tilespmem:v1+s10+$0x0] =	vst.idx.msk $0xffff, v45  }
0x108: {  	v1 =	vld.idx.msk [tilespmem:v46+s2+$0x0], $0xffff  }
0x109: {  	v48 =	vld [tilespmem:$0x1FED0];
	_ =	sdelay $0x1  }
0x10a: {  	v47 =	vld [tilespmem:$0x1FEC0];
	_ =	sdelay $0x4  }
0x10b: {  	[tilespmem:v1+s10+$0x0] =	vst.idx.msk $0xffff, v47  }
0x10c: {  	v1 =	vld.idx.msk [tilespmem:v48+s2+$0x0], $0xffff  }
0x10d: {  	v50 =	vld [tilespmem:$0x1FEF0];
	_ =	sdelay $0x1  }
0x10e: {  	v49 =	vld [tilespmem:$0x1FEE0];
	_ =	sdelay $0x4  }
0x10f: {  	[tilespmem:v1+s10+$0x0] =	vst.idx.msk $0xffff, v49  }
0x110: {  	v1 =	vld.idx.msk [tilespmem:v50+s2+$0x0], $0xffff  }
0x111: {  	v52 =	vld [tilespmem:$0x1FF10];
	_ =	sdelay $0x1  }
0x112: {  	v51 =	vld [tilespmem:$0x1FF00];
	_ =	sdelay $0x4  }
0x113: {  	[tilespmem:v1+s10+$0x0] =	vst.idx.msk $0xffff, v51  }
0x114: {  	v1 =	vld.idx.msk [tilespmem:v52+s2+$0x0], $0xffff  }
0x115: {  	v54 =	vld [tilespmem:$0x1FF30];
	_ =	sdelay $0x1  }
0x116: {  	v53 =	vld [tilespmem:$0x1FF20];
	_ =	sdelay $0x4  }
0x117: {  	[tilespmem:v1+s10+$0x0] =	vst.idx.msk $0xffff, v53  }
0x118: {  	v1 =	vld.idx.msk [tilespmem:v54+s2+$0x0], $0xffff  }
0x119: {  	v56 =	vld [tilespmem:$0x1FF50];
	_ =	sdelay $0x1  }
0x11a: {  	v55 =	vld [tilespmem:$0x1FF40];
	_ =	sdelay $0x4  }
0x11b: {  	[tilespmem:v1+s10+$0x0] =	vst.idx.msk $0xffff, v55  }
0x11c: {  	v1 =	vld.idx.msk [tilespmem:v56+s2+$0x0], $0xffff  }
0x11d: {  	v58 =	vld [tilespmem:$0x1FF70];
	_ =	sdelay $0x1  }
0x11e: {  	v57 =	vld [tilespmem:$0x1FF60];
	_ =	sdelay $0x4  }
0x11f: {  	[tilespmem:v1+s10+$0x0] =	vst.idx.msk $0xffff, v57  }
0x120: {  	v1 =	vld.idx.msk [tilespmem:v58+s2+$0x0], $0xffff  }
0x121: {  	v60 =	vld [tilespmem:$0x1FF90];
	_ =	sdelay $0x1  }
0x122: {  	v59 =	vld [tilespmem:$0x1FF80];
	_ =	sdelay $0x4  }
0x123: {  	[tilespmem:v1+s10+$0x0] =	vst.idx.msk $0xffff, v59  }
0x124: {  	v1 =	vld.idx.msk [tilespmem:v60+s2+$0x0], $0xffff  }
0x125: {  	v62 =	vld [tilespmem:$0x1FFB0];
	_ =	sdelay $0x1  }
0x126: {  	v61 =	vld [tilespmem:$0x1FFA0];
	_ =	sdelay $0x4  }
0x127: {  	[tilespmem:v1+s10+$0x0] =	vst.idx.msk $0xffff, v61  }
0x128: {  	v1 =	vld.idx.msk [tilespmem:v62+s2+$0x0], $0xffff  }
0x129: {  	v0 =	vld [tilespmem:$0x1FFD0];
	_ =	sdelay $0x1  }
0x12a: {  	v2 =	vld [tilespmem:$0x1FFC0];
	_ =	sdelay $0x4  }
0x12b: {  	[tilespmem:v1+s10+$0x0] =	vst.idx.msk $0xffff, v2  }
0x12c: {  	v1 =	vld.idx.msk [tilespmem:v0+s2+$0x0], $0xffff;
	_ =	sdelay $0x2  }
0x12d: {  	v0 =	vld [tilespmem:$0x1FFE0];
	_ =	sdelay $0x4  }
0x12e: {  	[tilespmem:v1+s10+$0x0] =	vst.idx.msk $0xffff, v0;
	v1 =	vld [tilespmem:$0x1FFF0];
	_ =	sdelay $0x7  }
0x12f: {  	v3 =	vld.idx.msk [tilespmem:v1+s2+$0x0], $0xffff;
	_ =	sdelay $0x6  }
0x130: {  	v0 =	vor.u32 $0x1F0, v5  }
0x131: {  	[tilespmem:v3+s10+$0x0] =	vst.idx.msk $0xffff, v0  }
0x132: {  	v3 =	vld.idx.msk [tilespmem:v4+s2+$0x0], $0xffff;
	_ =	sdelay $0x7  }
0x133: {  	v4 =	vld.idx.msk [tilespmem:v3+s10+$0x0], $0xffff;
	_ =	sdelay $0x4  }
0x134: {  	vm1 =	vlt.s32 v3, $0x4000;
	vm0 =	veq.s32 v4, v5  }
0x135: {  	vm0 =	vmand vm1, vm0  }
0x136: {  	v3 =	vnsel vm0, $0x0, v3  }
0x137: {  	v3 =	vadd.s32 v63, v3  }
0x138: {  	[tilespmem:$0x4800] =	vst v3  }
0x139: {  	v3 =	vld.idx.msk [tilespmem:v6+s2+$0x0], $0xffff;
	_ =	sdelay $0x5  }
0x13a: {  	v4 =	vimm.s32 $0x0  }
0x13b: {  	v4 =	vsel vm0, $0xFFFFFFFF, v4  }
0x13c: {  	[tilespmem:$0x1FB10] =	vst v4;
	v4 =	vld.idx.msk [tilespmem:v3+s10+$0x0], $0xffff;
	_ =	sdelay $0x4  }
0x13d: {  	vm1 =	vlt.s32 v3, $0x4000;
	vm0 =	veq.s32 v4, v7  }
0x13e: {  	vm0 =	vmand vm1, vm0  }
0x13f: {  	v3 =	vnsel vm0, $0x0, v3  }
0x140: {  	v3 =	vadd.s32 v63, v3  }
0x141: {  	[tilespmem:$0x4810] =	vst v3  }
0x142: {  	v3 =	vld.idx.msk [tilespmem:v8+s2+$0x0], $0xffff;
	_ =	sdelay $0x7  }
0x143: {  	v8 =	vld.idx.msk [tilespmem:v3+s10+$0x0], $0xffff;
	_ =	sdelay $0x3  }
0x144: {  	v4 =	vimm.s32 $0x0  }
0x145: {  	v4 =	vsel vm0, $0xFFFFFFFF, v4;
	vm1 =	vlt.s32 v3, $0x4000;
	vm0 =	veq.s32 v8, v9  }
0x146: {  	vm0 =	vmand vm1, vm0  }
0x147: {  	v3 =	vnsel vm0, $0x0, v3  }
0x148: {  	v3 =	vadd.s32 v63, v3  }
0x149: {  	[tilespmem:$0x4820] =	vst v3  }
0x14a: {  	v3 =	vld.idx.msk [tilespmem:v10+s2+$0x0], $0xffff;
	_ =	sdelay $0x7  }
0x14b: {  	v10 =	vld.idx.msk [tilespmem:v3+s10+$0x0], $0xffff;
	_ =	sdelay $0x3  }
0x14c: {  	v9 =	vimm.s32 $0x0  }
0x14d: {  	[tilespmem:$0x1FB20] =	vst v4;
	v4 =	vsel vm0, $0xFFFFFFFF, v9;
	vm1 =	vlt.s32 v3, $0x4000;
	vm0 =	veq.s32 v10, v11  }
0x14e: {  	vm0 =	vmand vm1, vm0  }
0x14f: {  	v3 =	vnsel vm0, $0x0, v3  }
0x150: {  	v3 =	vadd.s32 v63, v3  }
0x151: {  	[tilespmem:$0x4830] =	vst v3  }
0x152: {  	v3 =	vld.idx.msk [tilespmem:v12+s2+$0x0], $0xffff;
	_ =	sdelay $0x7  }
0x153: {  	v12 =	vld.idx.msk [tilespmem:v3+s10+$0x0], $0xffff;
	_ =	sdelay $0x3  }
0x154: {  	v11 =	vimm.s32 $0x0  }
0x155: {  	[tilespmem:$0x1FB30] =	vst v4;
	v4 =	vsel vm0, $0xFFFFFFFF, v11;
	vm1 =	vlt.s32 v3, $0x4000;
	vm0 =	veq.s32 v12, v13  }
0x156: {  	vm0 =	vmand vm1, vm0  }
0x157: {  	v3 =	vnsel vm0, $0x0, v3  }
0x158: {  	v3 =	vadd.s32 v63, v3  }
0x159: {  	[tilespmem:$0x4840] =	vst v3  }
0x15a: {  	v3 =	vld.idx.msk [tilespmem:v14+s2+$0x0], $0xffff;
	_ =	sdelay $0x7  }
0x15b: {  	v14 =	vld.idx.msk [tilespmem:v3+s10+$0x0], $0xffff;
	_ =	sdelay $0x3  }
0x15c: {  	v13 =	vimm.s32 $0x0  }
0x15d: {  	[tilespmem:$0x1FB40] =	vst v4;
	v4 =	vsel vm0, $0xFFFFFFFF, v13;
	vm1 =	vlt.s32 v3, $0x4000;
	vm0 =	veq.s32 v14, v15  }
0x15e: {  	vm0 =	vmand vm1, vm0  }
0x15f: {  	v3 =	vnsel vm0, $0x0, v3  }
0x160: {  	v3 =	vadd.s32 v63, v3  }
0x161: {  	[tilespmem:$0x4850] =	vst v3  }
0x162: {  	v3 =	vld.idx.msk [tilespmem:v16+s2+$0x0], $0xffff;
	_ =	sdelay $0x7  }
0x163: {  	v16 =	vld.idx.msk [tilespmem:v3+s10+$0x0], $0xffff;
	_ =	sdelay $0x3  }
0x164: {  	v15 =	vimm.s32 $0x0  }
0x165: {  	[tilespmem:$0x1FB50] =	vst v4;
	v4 =	vsel vm0, $0xFFFFFFFF, v15;
	vm1 =	vlt.s32 v3, $0x4000;
	vm0 =	veq.s32 v16, v17  }
0x166: {  	vm0 =	vmand vm1, vm0  }
0x167: {  	v3 =	vnsel vm0, $0x0, v3  }
0x168: {  	v3 =	vadd.s32 v63, v3  }
0x169: {  	[tilespmem:$0x4860] =	vst v3  }
0x16a: {  	v3 =	vld.idx.msk [tilespmem:v18+s2+$0x0], $0xffff;
	_ =	sdelay $0x7  }
0x16b: {  	v18 =	vld.idx.msk [tilespmem:v3+s10+$0x0], $0xffff;
	_ =	sdelay $0x3  }
0x16c: {  	v17 =	vimm.s32 $0x0  }
0x16d: {  	[tilespmem:$0x1FB60] =	vst v4;
	v4 =	vsel vm0, $0xFFFFFFFF, v17;
	vm1 =	vlt.s32 v3, $0x4000;
	vm0 =	veq.s32 v18, v19  }
0x16e: {  	vm0 =	vmand vm1, vm0  }
0x16f: {  	v3 =	vnsel vm0, $0x0, v3  }
0x170: {  	v3 =	vadd.s32 v63, v3  }
0x171: {  	[tilespmem:$0x4870] =	vst v3  }
0x172: {  	v3 =	vld.idx.msk [tilespmem:v20+s2+$0x0], $0xffff;
	_ =	sdelay $0x7  }
0x173: {  	v20 =	vld.idx.msk [tilespmem:v3+s10+$0x0], $0xffff;
	_ =	sdelay $0x3  }
0x174: {  	v19 =	vimm.s32 $0x0  }
0x175: {  	[tilespmem:$0x1FB70] =	vst v4;
	v4 =	vsel vm0, $0xFFFFFFFF, v19;
	vm1 =	vlt.s32 v3, $0x4000;
	vm0 =	veq.s32 v20, v21  }
0x176: {  	vm0 =	vmand vm1, vm0  }
0x177: {  	v3 =	vnsel vm0, $0x0, v3  }
0x178: {  	v3 =	vadd.s32 v63, v3  }
0x179: {  	[tilespmem:$0x4880] =	vst v3  }
0x17a: {  	v3 =	vld.idx.msk [tilespmem:v22+s2+$0x0], $0xffff;
	_ =	sdelay $0x7  }
0x17b: {  	v22 =	vld.idx.msk [tilespmem:v3+s10+$0x0], $0xffff;
	_ =	sdelay $0x3  }
0x17c: {  	v21 =	vimm.s32 $0x0  }
0x17d: {  	[tilespmem:$0x1FB80] =	vst v4;
	v4 =	vsel vm0, $0xFFFFFFFF, v21;
	vm1 =	vlt.s32 v3, $0x4000;
	vm0 =	veq.s32 v22, v23  }
0x17e: {  	vm0 =	vmand vm1, vm0  }
0x17f: {  	v3 =	vnsel vm0, $0x0, v3  }
0x180: {  	v3 =	vadd.s32 v63, v3  }
0x181: {  	[tilespmem:$0x4890] =	vst v3  }
0x182: {  	v3 =	vld.idx.msk [tilespmem:v24+s2+$0x0], $0xffff;
	_ =	sdelay $0x7  }
0x183: {  	v24 =	vld.idx.msk [tilespmem:v3+s10+$0x0], $0xffff;
	_ =	sdelay $0x3  }
0x184: {  	v23 =	vimm.s32 $0x0  }
0x185: {  	[tilespmem:$0x1FB90] =	vst v4;
	v4 =	vsel vm0, $0xFFFFFFFF, v23;
	vm1 =	vlt.s32 v3, $0x4000;
	vm0 =	veq.s32 v24, v25  }
0x186: {  	vm0 =	vmand vm1, vm0  }
0x187: {  	v3 =	vnsel vm0, $0x0, v3  }
0x188: {  	v3 =	vadd.s32 v63, v3  }
0x189: {  	[tilespmem:$0x48A0] =	vst v3  }
0x18a: {  	v3 =	vld.idx.msk [tilespmem:v26+s2+$0x0], $0xffff;
	_ =	sdelay $0x7  }
0x18b: {  	v26 =	vld.idx.msk [tilespmem:v3+s10+$0x0], $0xffff;
	_ =	sdelay $0x3  }
0x18c: {  	v25 =	vimm.s32 $0x0  }
0x18d: {  	[tilespmem:$0x1FBA0] =	vst v4;
	v4 =	vsel vm0, $0xFFFFFFFF, v25;
	vm1 =	vlt.s32 v3, $0x4000;
	vm0 =	veq.s32 v26, v27  }
0x18e: {  	vm0 =	vmand vm1, vm0  }
0x18f: {  	v3 =	vnsel vm0, $0x0, v3  }
0x190: {  	v3 =	vadd.s32 v63, v3  }
0x191: {  	[tilespmem:$0x48B0] =	vst v3  }
0x192: {  	v3 =	vld.idx.msk [tilespmem:v28+s2+$0x0], $0xffff;
	_ =	sdelay $0x7  }
0x193: {  	v28 =	vld.idx.msk [tilespmem:v3+s10+$0x0], $0xffff;
	_ =	sdelay $0x3  }
0x194: {  	v27 =	vimm.s32 $0x0  }
0x195: {  	[tilespmem:$0x1FBB0] =	vst v4;
	v4 =	vsel vm0, $0xFFFFFFFF, v27;
	vm1 =	vlt.s32 v3, $0x4000;
	vm0 =	veq.s32 v28, v29  }
0x196: {  	vm0 =	vmand vm1, vm0  }
0x197: {  	v3 =	vnsel vm0, $0x0, v3  }
0x198: {  	v3 =	vadd.s32 v63, v3  }
0x199: {  	[tilespmem:$0x48C0] =	vst v3  }
0x19a: {  	v3 =	vld.idx.msk [tilespmem:v30+s2+$0x0], $0xffff;
	_ =	sdelay $0x7  }
0x19b: {  	v30 =	vld.idx.msk [tilespmem:v3+s10+$0x0], $0xffff;
	_ =	sdelay $0x3  }
0x19c: {  	v29 =	vimm.s32 $0x0  }
0x19d: {  	[tilespmem:$0x1FBC0] =	vst v4;
	v4 =	vsel vm0, $0xFFFFFFFF, v29;
	vm1 =	vlt.s32 v3, $0x4000;
	vm0 =	veq.s32 v30, v31  }
0x19e: {  	vm0 =	vmand vm1, vm0  }
0x19f: {  	v3 =	vnsel vm0, $0x0, v3  }
0x1a0: {  	v3 =	vadd.s32 v63, v3  }
0x1a1: {  	[tilespmem:$0x48D0] =	vst v3  }
0x1a2: {  	v3 =	vld.idx.msk [tilespmem:v32+s2+$0x0], $0xffff;
	_ =	sdelay $0x7  }
0x1a3: {  	v32 =	vld.idx.msk [tilespmem:v3+s10+$0x0], $0xffff;
	_ =	sdelay $0x3  }
0x1a4: {  	v31 =	vimm.s32 $0x0  }
0x1a5: {  	[tilespmem:$0x1FBD0] =	vst v4;
	v4 =	vsel vm0, $0xFFFFFFFF, v31;
	vm1 =	vlt.s32 v3, $0x4000;
	vm0 =	veq.s32 v32, v33  }
0x1a6: {  	vm0 =	vmand vm1, vm0  }
0x1a7: {  	v3 =	vnsel vm0, $0x0, v3  }
0x1a8: {  	v3 =	vadd.s32 v63, v3  }
0x1a9: {  	[tilespmem:$0x48E0] =	vst v3  }
0x1aa: {  	v3 =	vld.idx.msk [tilespmem:v34+s2+$0x0], $0xffff;
	_ =	sdelay $0x7  }
0x1ab: {  	v34 =	vld.idx.msk [tilespmem:v3+s10+$0x0], $0xffff;
	_ =	sdelay $0x3  }
0x1ac: {  	v33 =	vimm.s32 $0x0  }
0x1ad: {  	[tilespmem:$0x1FBE0] =	vst v4;
	v4 =	vsel vm0, $0xFFFFFFFF, v33;
	vm1 =	vlt.s32 v3, $0x4000;
	vm0 =	veq.s32 v34, v35  }
0x1ae: {  	vm0 =	vmand vm1, vm0  }
0x1af: {  	v3 =	vnsel vm0, $0x0, v3  }
0x1b0: {  	v3 =	vadd.s32 v63, v3  }
0x1b1: {  	[tilespmem:$0x48F0] =	vst v3  }
0x1b2: {  	v3 =	vld.idx.msk [tilespmem:v36+s2+$0x0], $0xffff;
	_ =	sdelay $0x7  }
0x1b3: {  	v36 =	vld.idx.msk [tilespmem:v3+s10+$0x0], $0xffff;
	_ =	sdelay $0x3  }
0x1b4: {  	v35 =	vimm.s32 $0x0  }
0x1b5: {  	[tilespmem:$0x1FBF0] =	vst v4;
	v4 =	vsel vm0, $0xFFFFFFFF, v35;
	vm1 =	vlt.s32 v3, $0x4000;
	vm0 =	veq.s32 v36, v37  }
0x1b6: {  	vm0 =	vmand vm1, vm0  }
0x1b7: {  	v3 =	vnsel vm0, $0x0, v3  }
0x1b8: {  	v3 =	vadd.s32 v63, v3  }
0x1b9: {  	[tilespmem:$0x4900] =	vst v3  }
0x1ba: {  	v3 =	vld.idx.msk [tilespmem:v38+s2+$0x0], $0xffff;
	_ =	sdelay $0x7  }
0x1bb: {  	v38 =	vld.idx.msk [tilespmem:v3+s10+$0x0], $0xffff;
	_ =	sdelay $0x4  }
0x1bc: {  	vm2 =	vlt.s32 v3, $0x4000;
	vm1 =	veq.s32 v38, v39  }
0x1bd: {  	vm1 =	vmand vm2, vm1  }
0x1be: {  	v3 =	vnsel vm1, $0x0, v3  }
0x1bf: {  	v3 =	vadd.s32 v63, v3  }
0x1c0: {  	[tilespmem:$0x4910] =	vst v3  }
0x1c1: {  	v3 =	vld.idx.msk [tilespmem:v40+s2+$0x0], $0xffff;
	_ =	sdelay $0x7  }
0x1c2: {  	v40 =	vld.idx.msk [tilespmem:v3+s10+$0x0], $0xffff;
	_ =	sdelay $0x4  }
0x1c3: {  	vm3 =	vlt.s32 v3, $0x4000;
	vm2 =	veq.s32 v40, v41  }
0x1c4: {  	vm2 =	vmand vm3, vm2  }
0x1c5: {  	v3 =	vnsel vm2, $0x0, v3  }
0x1c6: {  	v3 =	vadd.s32 v63, v3  }
0x1c7: {  	[tilespmem:$0x4920] =	vst v3  }
0x1c8: {  	v3 =	vld.idx.msk [tilespmem:v42+s2+$0x0], $0xffff;
	_ =	sdelay $0x7  }
0x1c9: {  	v42 =	vld.idx.msk [tilespmem:v3+s10+$0x0], $0xffff;
	_ =	sdelay $0x4  }
0x1ca: {  	vm4 =	vlt.s32 v3, $0x4000;
	vm3 =	veq.s32 v42, v43  }
0x1cb: {  	vm3 =	vmand vm4, vm3  }
0x1cc: {  	v3 =	vnsel vm3, $0x0, v3  }
0x1cd: {  	v3 =	vadd.s32 v63, v3  }
0x1ce: {  	[tilespmem:$0x4930] =	vst v3  }
0x1cf: {  	v3 =	vld.idx.msk [tilespmem:v44+s2+$0x0], $0xffff;
	_ =	sdelay $0x7  }
0x1d0: {  	v44 =	vld.idx.msk [tilespmem:v3+s10+$0x0], $0xffff;
	_ =	sdelay $0x4  }
0x1d1: {  	vm5 =	vlt.s32 v3, $0x4000;
	vm4 =	veq.s32 v44, v45  }
0x1d2: {  	vm4 =	vmand vm5, vm4  }
0x1d3: {  	v3 =	vnsel vm4, $0x0, v3  }
0x1d4: {  	v3 =	vadd.s32 v63, v3  }
0x1d5: {  	[tilespmem:$0x4940] =	vst v3  }
0x1d6: {  	v3 =	vld.idx.msk [tilespmem:v46+s2+$0x0], $0xffff;
	_ =	sdelay $0x7  }
0x1d7: {  	v46 =	vld.idx.msk [tilespmem:v3+s10+$0x0], $0xffff;
	_ =	sdelay $0x4  }
0x1d8: {  	vm6 =	vlt.s32 v3, $0x4000;
	vm5 =	veq.s32 v46, v47  }
0x1d9: {  	vm5 =	vmand vm6, vm5  }
0x1da: {  	v3 =	vnsel vm5, $0x0, v3  }
0x1db: {  	v3 =	vadd.s32 v63, v3  }
0x1dc: {  	[tilespmem:$0x4950] =	vst v3  }
0x1dd: {  	v3 =	vld.idx.msk [tilespmem:v48+s2+$0x0], $0xffff;
	_ =	sdelay $0x7  }
0x1de: {  	v48 =	vld.idx.msk [tilespmem:v3+s10+$0x0], $0xffff;
	_ =	sdelay $0x4  }
0x1df: {  	vm7 =	vlt.s32 v3, $0x4000;
	vm6 =	veq.s32 v48, v49  }
0x1e0: {  	vm6 =	vmand vm7, vm6  }
0x1e1: {  	v3 =	vnsel vm6, $0x0, v3  }
0x1e2: {  	v3 =	vadd.s32 v63, v3  }
0x1e3: {  	[tilespmem:$0x4960] =	vst v3  }
0x1e4: {  	v3 =	vld.idx.msk [tilespmem:v50+s2+$0x0], $0xffff;
	_ =	sdelay $0x7  }
0x1e5: {  	v50 =	vld.idx.msk [tilespmem:v3+s10+$0x0], $0xffff;
	_ =	sdelay $0x4  }
0x1e6: {  	vm8 =	vlt.s32 v3, $0x4000;
	vm7 =	veq.s32 v50, v51  }
0x1e7: {  	vm7 =	vmand vm8, vm7  }
0x1e8: {  	v3 =	vnsel vm7, $0x0, v3  }
0x1e9: {  	v3 =	vadd.s32 v63, v3  }
0x1ea: {  	[tilespmem:$0x4970] =	vst v3  }
0x1eb: {  	v3 =	vld.idx.msk [tilespmem:v52+s2+$0x0], $0xffff;
	_ =	sdelay $0x7  }
0x1ec: {  	v52 =	vld.idx.msk [tilespmem:v3+s10+$0x0], $0xffff;
	_ =	sdelay $0x4  }
0x1ed: {  	vm9 =	vlt.s32 v3, $0x4000;
	vm8 =	veq.s32 v52, v53  }
0x1ee: {  	vm8 =	vmand vm9, vm8  }
0x1ef: {  	v3 =	vnsel vm8, $0x0, v3  }
0x1f0: {  	v3 =	vadd.s32 v63, v3  }
0x1f1: {  	[tilespmem:$0x4980] =	vst v3  }
0x1f2: {  	v3 =	vld.idx.msk [tilespmem:v54+s2+$0x0], $0xffff;
	_ =	sdelay $0x7  }
0x1f3: {  	v54 =	vld.idx.msk [tilespmem:v3+s10+$0x0], $0xffff;
	_ =	sdelay $0x4  }
0x1f4: {  	vm10 =	vlt.s32 v3, $0x4000;
	vm9 =	veq.s32 v54, v55  }
0x1f5: {  	vm9 =	vmand vm10, vm9  }
0x1f6: {  	v3 =	vnsel vm9, $0x0, v3  }
0x1f7: {  	v3 =	vadd.s32 v63, v3  }
0x1f8: {  	[tilespmem:$0x4990] =	vst v3  }
0x1f9: {  	v3 =	vld.idx.msk [tilespmem:v56+s2+$0x0], $0xffff;
	_ =	sdelay $0x7  }
0x1fa: {  	v55 =	vld.idx.msk [tilespmem:v3+s10+$0x0], $0xffff;
	_ =	sdelay $0x4  }
0x1fb: {  	vm11 =	vlt.s32 v3, $0x4000;
	vm10 =	veq.s32 v55, v57  }
0x1fc: {  	vm10 =	vmand vm11, vm10  }
0x1fd: {  	v3 =	vnsel vm10, $0x0, v3  }
0x1fe: {  	v3 =	vadd.s32 v63, v3  }
0x1ff: {  	[tilespmem:$0x49A0] =	vst v3  }
0x200: {  	v3 =	vld.idx.msk [tilespmem:v58+s2+$0x0], $0xffff;
	_ =	sdelay $0x7  }
0x201: {  	v56 =	vld.idx.msk [tilespmem:v3+s10+$0x0], $0xffff;
	_ =	sdelay $0x4  }
0x202: {  	vm12 =	vlt.s32 v3, $0x4000;
	vm11 =	veq.s32 v56, v59  }
0x203: {  	vm11 =	vmand vm12, vm11  }
0x204: {  	v3 =	vnsel vm11, $0x0, v3  }
0x205: {  	v3 =	vadd.s32 v63, v3  }
0x206: {  	[tilespmem:$0x49B0] =	vst v3  }
0x207: {  	v3 =	vld.idx.msk [tilespmem:v60+s2+$0x0], $0xffff;
	_ =	sdelay $0x7  }
0x208: {  	v57 =	vld.idx.msk [tilespmem:v3+s10+$0x0], $0xffff;
	_ =	sdelay $0x4  }
0x209: {  	vm13 =	vlt.s32 v3, $0x4000;
	vm12 =	veq.s32 v57, v61  }
0x20a: {  	vm12 =	vmand vm13, vm12  }
0x20b: {  	v3 =	vnsel vm12, $0x0, v3  }
0x20c: {  	v3 =	vadd.s32 v63, v3  }
0x20d: {  	[tilespmem:$0x49C0] =	vst v3  }
0x20e: {  	v3 =	vld.idx.msk [tilespmem:v62+s2+$0x0], $0xffff;
	_ =	sdelay $0x7  }
0x20f: {  	v58 =	vld.idx.msk [tilespmem:v3+s10+$0x0], $0xffff;
	_ =	sdelay $0x1  }
0x210: {  	v59 =	vld [tilespmem:$0x1FFD0];
	_ =	sdelay $0x2  }
0x211: {  	vm14 =	vlt.s32 v3, $0x4000;
	vm13 =	veq.s32 v58, v2  }
0x212: {  	vm13 =	vmand vm14, vm13  }
0x213: {  	v3 =	vnsel vm13, $0x0, v3  }
0x214: {  	v3 =	vadd.s32 v63, v3  }
0x215: {  	[tilespmem:$0x49D0] =	vst v3  }
0x216: {  	v3 =	vld.idx.msk [tilespmem:v59+s2+$0x0], $0xffff;
	_ =	sdelay $0x6  }
0x217: {  	v61 =	vld [tilespmem:$0x1FFE0]  }
0x218: {  	v60 =	vld.idx.msk [tilespmem:v3+s10+$0x0], $0xffff;
	_ =	sdelay $0x4  }
0x219: {  	vm15 =	vlt.s32 v3, $0x4000;
	vm14 =	veq.s32 v60, v61  }
0x21a: {  	vm14 =	vmand vm15, vm14  }
0x21b: {  	v3 =	vnsel vm14, $0x0, v3  }
0x21c: {  	v3 =	vadd.s32 v63, v3  }
0x21d: {  	[tilespmem:$0x49E0] =	vst v3  }
0x21e: {  	v3 =	vld.idx.msk [tilespmem:v1+s2+$0x0], $0xffff;
	_ =	sdelay $0x7  }
0x21f: {  	v62 =	vld.idx.msk [tilespmem:v3+s10+$0x0], $0xffff;
	_ =	sdelay $0x3  }
0x220: {  	v37 =	vimm.s32 $0x0  }
.Ltmp0:
0x221: {  	[tilespmem:$0x1FC00] =	vst v4;
	v4 =	vsel vm0, $0xFFFFFFFF, v37;
	vm0 =	vlt.s32 v3, $0x4000;
	vm15 =	veq.s32 v62, v0;
	(pc) =	sbr.rel @p0 .LBB2_3-.Ltmp0, $4  }
0x222: {  	vm15 =	vmand vm0, vm15  }
0x223: {  	v1 =	vnsel vm15, $0x0, v3  }
0x224: {  	[tilespmem:$0x1FC10] =	vst v4;
	v1 =	vadd.s32 v63, v1  }
0x225: {  	[tilespmem:$0x49F0] =	vst v1  }
0x226: {  	v0 =	vld [tilespmem:$0x1FB10]  }
0x227: {  	v17 =	vld [tilespmem:$0x1FB20];
	_ =	sdelay $0x1  }
0x228: {  	v18 =	vld [tilespmem:$0x1FB30];
	_ =	sdelay $0x1  }
0x229: {  	v2 =	vimm.f32 $0.0e+00;
	v20 =	vld [tilespmem:$0x1FB40];
	vm0 =	vnez.u8 v0  }
0x22a: {  	v1 =	vsel vm0, $0x3F800000, v2;
	vm0 =	vnez.u8 v17  }
0x22b: {  	v22 =	vld [tilespmem:$0x1FB50];
	v3 =	vsel vm0, $0x3F800000, v2  }
0x22c: {  	vm0 =	vnez.u8 v18;
	v1 =	vadd.f32 v3, v1  }
0x22d: {  	v24 =	vld [tilespmem:$0x1FB60];
	v19 =	vsel vm0, $0x3F800000, v2  }
0x22e: {  	vm0 =	vnez.u8 v20;
	v1 =	vadd.f32 v19, v1  }
0x22f: {  	v26 =	vld [tilespmem:$0x1FB70];
	v21 =	vsel vm0, $0x3F800000, v2  }
0x230: {  	vm0 =	vnez.u8 v22;
	v1 =	vadd.f32 v21, v1  }
0x231: {  	v28 =	vld [tilespmem:$0x1FB80];
	v23 =	vsel vm0, $0x3F800000, v2  }
0x232: {  	vm0 =	vnez.u8 v24;
	v1 =	vadd.f32 v23, v1  }
0x233: {  	v30 =	vld [tilespmem:$0x1FB90];
	v25 =	vsel vm0, $0x3F800000, v2  }
0x234: {  	vm0 =	vnez.u8 v26;
	v1 =	vadd.f32 v25, v1  }
0x235: {  	v32 =	vld [tilespmem:$0x1FBA0];
	v27 =	vsel vm0, $0x3F800000, v2  }
0x236: {  	vm0 =	vnez.u8 v28;
	v1 =	vadd.f32 v27, v1  }
0x237: {  	v34 =	vld [tilespmem:$0x1FBB0];
	v29 =	vsel vm0, $0x3F800000, v2  }
0x238: {  	vm0 =	vnez.u8 v30;
	v1 =	vadd.f32 v29, v1  }
0x239: {  	v36 =	vld [tilespmem:$0x1FBC0];
	v31 =	vsel vm0, $0x3F800000, v2  }
0x23a: {  	vm0 =	vnez.u8 v32;
	v1 =	vadd.f32 v31, v1  }
0x23b: {  	v38 =	vld [tilespmem:$0x1FBD0];
	v33 =	vsel vm0, $0x3F800000, v2  }
0x23c: {  	vm0 =	vnez.u8 v34;
	v1 =	vadd.f32 v33, v1  }
0x23d: {  	v40 =	vld [tilespmem:$0x1FBE0];
	v35 =	vsel vm0, $0x3F800000, v2  }
0x23e: {  	vm0 =	vnez.u8 v36;
	v1 =	vadd.f32 v35, v1  }
0x23f: {  	v42 =	vld [tilespmem:$0x1FBF0];
	v37 =	vsel vm0, $0x3F800000, v2  }
0x240: {  	vm0 =	vnez.u8 v38;
	v1 =	vadd.f32 v37, v1  }
0x241: {  	v44 =	vld [tilespmem:$0x1FC00];
	v39 =	vsel vm0, $0x3F800000, v2  }
0x242: {  	vm0 =	vnez.u8 v40;
	v1 =	vadd.f32 v39, v1  }
0x243: {  	v46 =	vld [tilespmem:$0x1FC10];
	v41 =	vsel vm0, $0x3F800000, v2  }
0x244: {  	vm0 =	vnez.u8 v42;
	v1 =	vadd.f32 v41, v1  }
0x245: {  	v43 =	vsel vm0, $0x3F800000, v2  }
0x246: {  	vm0 =	vnez.u8 v44;
	v1 =	vadd.f32 v43, v1  }
0x247: {  	v45 =	vsel vm0, $0x3F800000, v2  }
0x248: {  	vm0 =	vnez.u8 v46;
	v1 =	vadd.f32 v45, v1  }
0x249: {  	v47 =	vsel vm0, $0x3F800000, v2  }
0x24a: {  	v1 =	vadd.f32 v47, v1  }
0x24b: {  	v48 =	vsel vm1, $0x3F800000, v2  }
0x24c: {  	v1 =	vadd.f32 v48, v1  }
0x24d: {  	v49 =	vsel vm2, $0x3F800000, v2  }
0x24e: {  	v1 =	vadd.f32 v49, v1  }
0x24f: {  	v50 =	vsel vm3, $0x3F800000, v2  }
0x250: {  	v1 =	vadd.f32 v50, v1  }
0x251: {  	v51 =	vsel vm4, $0x3F800000, v2  }
0x252: {  	v1 =	vadd.f32 v51, v1  }
0x253: {  	v52 =	vsel vm5, $0x3F800000, v2  }
0x254: {  	v1 =	vadd.f32 v52, v1  }
0x255: {  	v53 =	vsel vm6, $0x3F800000, v2  }
0x256: {  	v1 =	vadd.f32 v53, v1  }
0x257: {  	v54 =	vsel vm7, $0x3F800000, v2  }
0x258: {  	v1 =	vadd.f32 v54, v1  }
0x259: {  	v55 =	vsel vm8, $0x3F800000, v2  }
0x25a: {  	v1 =	vadd.f32 v55, v1  }
0x25b: {  	v56 =	vsel vm9, $0x3F800000, v2  }
0x25c: {  	v1 =	vadd.f32 v56, v1  }
0x25d: {  	v57 =	vsel vm10, $0x3F800000, v2  }
0x25e: {  	v1 =	vadd.f32 v57, v1  }
0x25f: {  	v58 =	vsel vm11, $0x3F800000, v2  }
0x260: {  	v1 =	vadd.f32 v58, v1  }
0x261: {  	v59 =	vsel vm12, $0x3F800000, v2  }
0x262: {  	v1 =	vadd.f32 v59, v1  }
0x263: {  	v60 =	vsel vm13, $0x3F800000, v2  }
0x264: {  	v1 =	vadd.f32 v60, v1  }
0x265: {  	v61 =	vsel vm14, $0x3F800000, v2  }
0x266: {  	v1 =	vadd.f32 v61, v1  }
0x267: {  	v62 =	vsel vm15, $0x3F800000, v2  }
0x268: {  	v1 =	vadd.f32 v62, v1;
	_ =	sdelay $0x1  }
0x269: {  	(xrf2) =	vadd.scan.msk.f32 $0xffff, v1;
	_ =	sdelay $0x9  }
0x26a: {  	v1, _, _ =	vpop (xrf2)  }
0x26b: {  	v1 =	vadd.f32 $0.0e+00, v1;
	_ =	sdelay $0x1  }
0x26c: {  	v1 =	vbroadcast v1, $0xF;
	_ =	sdelay $0x1  }
0x26d: {  	[tilespmem:$0xCB00] =	vst v1  }
0x26e: {  	[hbm4b:s5+s2] =	stream.linear.scatter [tilespmem:s11], [sflag:$0x2], $0x10, $0x38;
	[tilespmem:$0xCB10] =	vst v63  }
0x26f: {  	_ =	swait.ge [sflag:s9], $0x10  }
0x270: {  	[sflag:s9] =	ssyncset.done $0x0  }
0x271: {  	[sflag:s9] =	ssyncadd.s32 $0xFFFFFFF0  }
.LBB2_3:
0x272: {  	[tilespmem:s13], [sflag:$0x1] =	stream.indirect.gather [hbm4b:s3+s12], $0x100, s6, s12, $0xb8;
	[tilespmem:$0xCB10] =	vst v63  }
0x273: {  	_ =	swait.ge [sflag:s14], $0x8000  }
0x274: {  	[sflag:s14] =	ssyncset.done $0x0  }
0x275: {  	[sflag:s14] =	ssyncadd.s32 $0xFFFF8000  }
0x276: {  	v1 =	vld [tilespmem:s19+$0x4AF0]  }
0x277: {  	v4 =	vld [tilespmem:s19+$0x4A00]  }
0x278: {  	v5 =	vld [tilespmem:s19+$0x4A10]  }
0x279: {  	v6 =	vld [tilespmem:s19+$0x4A20]  }
0x27a: {  	v7 =	vld [tilespmem:s19+$0x4A30]  }
0x27b: {  	v8 =	vld [tilespmem:s19+$0x4A40]  }
0x27c: {  	v9 =	vld [tilespmem:s19+$0x4A50]  }
0x27d: {  	v10 =	vld [tilespmem:s19+$0x4A60]  }
0x27e: {  	v18 =	vld [tilespmem:s19+$0x4A70]  }
0x27f: {  	v3 =	vimm.f32 $0.0e+00;
	v22 =	vld [tilespmem:s19+$0x4A80]  }
0x280: {  	v23 =	vld [tilespmem:s19+$0x4A90];
	v1 =	vadd.f32 v1, v3  }
0x281: {  	v17 =	vadd.f32 v4, v3;
	v16 =	vadd.f32 v5, v3  }
0x282: {  	v19 =	vld [tilespmem:s19+$0x4AA0];
	v15 =	vadd.f32 v6, v3;
	v13 =	vadd.f32 v7, v3  }
0x283: {  	v20 =	vld [tilespmem:s19+$0x4AB0];
	v14 =	vadd.f32 v8, v3;
	v11 =	vadd.f32 v9, v3  }
0x284: {  	v21 =	vld [tilespmem:s19+$0x4AC0];
	v12 =	vadd.f32 v10, v3;
	v9 =	vadd.f32 v18, v3  }
0x285: {  	v7 =	vadd.f32 v22, v3;
	v18 =	vld [tilespmem:s19+$0x4AD0];
	v5 =	vadd.f32 v23, v3;
	v8 =	vimm.f32 $0.0e+00  }
0x286: {  	s17 =	simm.s32 $0x100;
	s18 =	simm.s32 $0x800;
	v22 =	vld [tilespmem:s19+$0x4AE0];
	v10 =	vimm.f32 $0.0e+00;
	v6 =	vimm.f32 $0.0e+00;
	v4 =	vimm.f32 $0.0e+00  }
.LBB2_4:
0x287: {  	p1 =	sne.s32 s18, $0x1FC00;
	v23 =	vld [tilespmem:s17+$0x4AF0];
	v3 =	vadd.f32 v19, v3  }
0x288: {  	v19 =	vld [tilespmem:s17+$0x4A00];
	v8 =	vadd.f32 v20, v8  }
0x289: {  	v20 =	vld [tilespmem:s17+$0x4A10];
	v10 =	vadd.f32 v21, v10  }
0x28a: {  	v21 =	vld [tilespmem:s17+$0x4A20];
	v6 =	vadd.f32 v18, v6  }
0x28b: {  	v18 =	vld [tilespmem:s17+$0x4A30];
	v4 =	vadd.f32 v22, v4  }
0x28c: {  	v22 =	vld [tilespmem:s17+$0x4A40];
	v1 =	vadd.f32 v23, v1  }
0x28d: {  	v17 =	vadd.f32 v19, v17;
	v19 =	vld [tilespmem:s17+$0x4A50]  }
0x28e: {  	v16 =	vadd.f32 v20, v16;
	v20 =	vld [tilespmem:s17+$0x4A60]  }
0x28f: {  	v15 =	vadd.f32 v21, v15;
	v21 =	vld [tilespmem:s17+$0x4A70]  }
0x290: {  	v13 =	vadd.f32 v18, v13;
	v18 =	vld [tilespmem:s17+$0x4A80]  }
0x291: {  	v14 =	vadd.f32 v22, v14;
	v22 =	vld [tilespmem:s17+$0x4A90]  }
.Ltmp1:
0x292: {  	v11 =	vadd.f32 v19, v11;
	v19 =	vld [tilespmem:s17+$0x4AA0];
	(pc) =	sbr.rel @p1 .LBB2_4-.Ltmp1, $4  }
0x293: {  	v12 =	vadd.f32 v20, v12;
	v20 =	vld [tilespmem:s17+$0x4AB0]  }
0x294: {  	v9 =	vadd.f32 v21, v9;
	v21 =	vld [tilespmem:s17+$0x4AC0]  }
0x295: {  	v7 =	vadd.f32 v18, v7;
	v18 =	vld [tilespmem:s17+$0x4AD0]  }
0x296: {  	v5 =	vadd.f32 v22, v5;
	v22 =	vld [tilespmem:s17+$0x4AE0];
	s17 =	sshra.s32 s18, $0x2;
	s18 =	sadd.s32 $0x400, s18  }
0x297: {  	v23 =	vld [tilespmem:s17+$0x4AF0]  }
0x298: {  	v24 =	vld [tilespmem:s17+$0x4A00]  }
0x299: {  	v25 =	vld [tilespmem:s17+$0x4A10]  }
0x29a: {  	v26 =	vld [tilespmem:s17+$0x4A20]  }
0x29b: {  	v27 =	vld [tilespmem:s17+$0x4A30]  }
0x29c: {  	v28 =	vld [tilespmem:s17+$0x4A40]  }
0x29d: {  	v29 =	vld [tilespmem:s17+$0x4A50]  }
0x29e: {  	v30 =	vld [tilespmem:s17+$0x4A60]  }
0x29f: {  	v31 =	vld [tilespmem:s17+$0x4A70]  }
0x2a0: {  	v32 =	vld [tilespmem:s17+$0x4A80]  }
0x2a1: {  	v33 =	vld [tilespmem:s17+$0x4A90]  }
0x2a2: {  	v34 =	vld [tilespmem:s17+$0x4AA0]  }
0x2a3: {  	v35 =	vld [tilespmem:s17+$0x4AB0]  }
0x2a4: {  	v36 =	vld [tilespmem:s17+$0x4AC0];
	v17 =	vadd.f32 v24, v17  }
0x2a5: {  	v57 =	vld [tilespmem:s17+$0x4AD0];
	v16 =	vadd.f32 v25, v16  }
0x2a6: {  	v58 =	vld [tilespmem:s17+$0x4AE0];
	v15 =	vadd.f32 v26, v15;
	[tilespmem:$0xCA00] =	vst v17  }
0x2a7: {  	v13 =	vadd.f32 v27, v13;
	[tilespmem:$0xCA10] =	vst v16  }
0x2a8: {  	v14 =	vadd.f32 v28, v14;
	[tilespmem:$0xCA20] =	vst v15  }
0x2a9: {  	v11 =	vadd.f32 v29, v11;
	[tilespmem:$0xCA30] =	vst v13  }
0x2aa: {  	v12 =	vadd.f32 v30, v12;
	[tilespmem:$0xCA40] =	vst v14  }
0x2ab: {  	v9 =	vadd.f32 v31, v9;
	[tilespmem:$0xCA50] =	vst v11  }
0x2ac: {  	v3 =	vadd.f32 v19, v3;
	v7 =	vadd.f32 v32, v7;
	[tilespmem:$0xCA60] =	vst v12  }
0x2ad: {  	v8 =	vadd.f32 v20, v8;
	v5 =	vadd.f32 v33, v5;
	[tilespmem:$0xCA70] =	vst v9  }
0x2ae: {  	v59 =	vadd.f32 v21, v10;
	v3 =	vadd.f32 v34, v3;
	[tilespmem:$0xCA80] =	vst v7  }
0x2af: {  	v6 =	vadd.f32 v18, v6;
	v60 =	vadd.f32 v35, v8;
	[tilespmem:$0xCA90] =	vst v5  }
0x2b0: {  	v61 =	vadd.f32 v36, v59;
	[tilespmem:$0xCAA0] =	vst v3  }
0x2b1: {  	v4 =	vadd.f32 v22, v4;
	v62 =	vadd.f32 v57, v6;
	[tilespmem:$0xCAB0] =	vst v60  }
0x2b2: {  	v1 =	vadd.f32 v23, v1;
	[tilespmem:$0xCAC0] =	vst v61  }
0x2b3: {  	s16 =	sadd.s32 $0x1, s16;
	v4 =	vadd.f32 v58, v4;
	[tilespmem:$0xCAD0] =	vst v62  }
0x2b4: {  	p1 =	sne.s32 s16, s8;
	[tilespmem:$0xCAF0] =	vst v1  }
.Ltmp2:
0x2b5: {  	[tilespmem:$0xCAE0] =	vst v4;
	(pc) =	sbr.rel @p1 .LBB2_1-.Ltmp2, $4  }
0x2b6: {  	[hbm4b:s7+s2] =	stream.linear.scatter [tilespmem:s15], [sflag:$0x2], $0x100, $0x38;
	[tilespmem:$0xCB10] =	vst v63  }
0x2b7: {  	_ =	swait.ge [sflag:s9], $0x100  }
0x2b8: {  	[sflag:s9] =	ssyncset.done $0x0  }
0x2b9: {  	[sflag:s9] =	ssyncadd.s32 $0xFFFFFF00  }
0x2ba: {  	_ =	sfence.sel $0x180000  }
0x2bb: {  	[bflag:$0x0] =	sbarrier.arrive $0xFFFF  }
0x2bc: {  	p0 =	sne.s32 s0, $0x0;
	_ =	strace $0x9000004A  }
0x2bd: {  	s0 =	sadd.s32 @!p0 $0x100000, s1;
	[bflag:$0x2] =	sbarrier.arrive $0xFFFF  }
0x2be: {  	[sflag:s0] =	ssyncadd.tile.s32 @!p0 $0x1;
	_ =	shalt  }
.Lfunc_end2:
_tile_overlayer_lowered:
.L_overlay_start_2:
0x2bf: {  	(tag) =	ssettag $0x2  }
0x2c0: {  	s0 =	rddreg [dreg:$0x0];
	s2 =	stileid.u32  }
0x2c1: {  	s1 =	rddreg [dreg:$0x1];
	p0 =	sne.s32 s2, $0x0  }
0x2c2: {  	s3 =	rddreg [dreg:$0x2];
	[bflag:$0x3] =	sbarrier.arrive $0xFFFF;
	s2 =	simm.s32 @!p0 $0x1C02  }
0x2c3: {  	[timem:s3], [sflag:s2] =	dma.local @!p0 [hbm:s0], s1  }
0x2c4: {  	s0 =	simm.s32 @!p0 $0x2  }
0x2c5: {  	_ =	swait.ge @!p0 [sflag:s0], s1  }
0x2c6: {  	s1 =	ssub.s32 @!p0 $0x0, s1;
	[sflag:s0] =	ssyncset.done @!p0 $0x0  }
0x2c7: {  	[sflag:s0] =	ssyncadd.s32 @!p0 s1  }
0x2c8: {  	[bflag:$0x3] =	sbarrier.arrive $0xFFFF  }
0x2c9: {  	_ =	shalt  }

// kernel: sparse-core-data-format-call.cloned.1.call-start
scs
called_computation_lowered:
.L_overlay_start_0:
0x0: {  	s2 =	sld [smem:$0x3FD9]  }
0x1: {  	s3 =	sld [smem:$0x3FFE];
	_ =	sdelay $0x1  }
0x2: {  	s1 =	srdreg.scid  }
0x3: {  	s0 =	sand.u32 $0x1, s1  }
0x4: {  	s18 =	sshll.u32 s0, $0xA;
	s2 =	sadd.s32 s3, s2  }
0x5: {  	s2 =	sadd.s32 s2, s18  }
0x6: {  	[smem:$0x3FBF] =	sst s2  }
0x7: {  	_ = 	snop  }
0x8: {  	s2 =	sld [smem:$0x3FC8];
	(tm) =	ssettm $0x1  }
0x9: {  	s19 =	sld [smem:$0x3FFB];
	_ =	sdelay $0x3  }
0xa: {  	_ =	strace s19  }
0xb: {  	s3 =	sld [smem:$0x3FFC];
	_ =	sdelay $0x3  }
0xc: {  	_ =	strace s3  }
0xd: {  	s3 =	sld [smem:$0x3FFD];
	_ =	sdelay $0x3  }
0xe: {  	_ =	strace s3  }
0xf: {  	_ =	strace $0x8FFFFFFF  }
0x10: {  	s20 =	sld [smem:$0x3FDB];
	_ =	sdelay $0x1  }
0x11: {  	s4 =	simm.s32 $_scs_section_size  }
0x12: {  	s5 =	simm.s32 $_size__tile_overlayer_lowered;
	s6 =	simm.s32 $_tile_overlayer_lowered  }
0x13: {  	s23 =	simm.s32 $0x1BFF;
	s22 =	sshll.u32 s6, $0x1;
	s3 =	sadd.s32 s4, s20  }
0x14: {  	s7 =	simm.s32 $0x0;
	s21 =	sshll.u32 s5, $0x1;
	s5 =	sadd.s32 s22, s3  }
0x15: {  	[timem:s7], [sflag:s23] =	dma.local [hbm:s5], s21  }
0x16: {  	_ =	swait.ge [sflag:s23], s21  }
0x17: {  	s4 =	ssub.s32 $0x0, s21;
	[sflag:s23] =	ssyncset.done $0x0  }
0x18: {  	[sflag:s23] =	ssyncadd.s32 s4;
	_ =	sdelay $0x1  }
0x19: {  	s24 =	simm.s32 $0x1B8B  }
0x1a: {  	_ =	swait.ge [sflag:s24], $0x1  }
0x1b: {  	[sflag:s24] =	ssyncset.done $0x0  }
0x1c: {  	s26 =	simm.s32 $0x1B8E;
	s25 =	sld [smem:$0x3FFE];
	[sflag:s24] =	ssyncadd.s32 $0xFFFFFFFF  }
0x1d: {  	s27 =	simm.s32 $execute0_lowered;
	[smem:$0x3FD2] =	sst s26  }
0x1e: {  	s5 =	sshll.u32 s27, $0x1;
	_ =	strace $0x80000046;
	[dreg:$0x1] =	wrdreg $0xFFFFFFFF  }
0x1f: {  	s28 =	simm.s32 $_size_execute0_lowered;
	s3 =	sadd.s32 s3, s5;
	[dreg:$0x0] =	wrdreg $0x0  }
0x20: {  	s5 =	sshll.u32 s28, $0x1;
	[dreg:$0x2] =	wrdreg s3  }
0x21: {  	[dreg:$0x3] =	wrdreg s5  }
0x22: {  	[dreg:$0x4] =	wrdreg $0xC0  }
0x23: {  	_ =	task [dreg:s7], $0x5FFFF  }
0x24: {  	[dreg:$0x1] =	wrdreg $0xFFFFFFFF  }
0x25: {  	[dreg:$0x0] =	wrdreg $0x60  }
0x26: {  	[dreg:$0x2] =	wrdreg s2  }
0x27: {  	[dreg:$0x3] =	wrdreg s25  }
0x28: {  	[dreg:$0x4] =	wrdreg $0x9  }
0x29: {  	_ =	task.clear_ibuf [dreg:s7], $0x5FFFF;
	_ =	strace $0x90000046  }
0x2a: {  	s29 =	simm.s32 $0x9;
	_ =	strace $0x80000048  }
0x2b: {  	_ =	swait.ge [sflag:s29], $0x1  }
0x2c: {  	[sflag:s29] =	ssyncadd.s32 $0xFFFFFFFF  }
0x2d: {  	_ =	strace $0x90000048  }
0x2e: {  	_ =	sfence  }
0x2f: {  	s30 =	sld [smem:$0x0];
	_ =	sdelay $0x2  }
0x30: {  	s31 =	sshll.u32 s1, $0xD;
	s1 =	sshrl.u32 s1, $0x2  }
0x31: {  	s3 =	sand.u32 $0x4000, s31;
	s1 =	sadd.s32 s1, s30  }
0x32: {  	s0 =	sor.u32 s3, s0;
	s1 =	sshll.u32 s1, $0x11  }
0x33: {  	s0 =	sor.u32 s1, s0  }
0x34: {  	s0 =	sadd.s32 $0x8F2B, s0  }
0x35: {  	[sflag:s0] =	ssyncadd.remote.s32 $0x1  }
0x36: {  	_ =	sfence.sel $0xFFFF  }
0x37: {  	[dreg:$0x0] =	wrdreg $0xFFFFFFFF;
	(pc) =	sbr.abs _section_cstart, $3  }
0x38: {  	[dreg:$0x1] =	wrdreg $0xFFFFFFFF  }
0x39: {  	_ =	task.clear_ibuf [dreg:s7], $0x2FFFF;
	_ =	strace $0x9FFFFFFF  }
0x3a: {  	(tm) =	ssettm $0x7FFFFFFF  }
0x3b: {  	_ =	shalt  }
tec
execute0_lowered:
.L_overlay_start_1:
0x0: {  	(tag) =	ssettag $0x1  }
0x1: {  	s0 =	srdreg.scid  }
0x2: {  	s1 =	sshll.u32 s0, $0x4  }
0x3: {  	s2 =	rddreg [dreg:$0x0];
	s0 =	stileid.u32;
	s1 =	sand.u32 $0x10, s1  }
0x4: {  	s4 =	rddreg [dreg:$0x1];
	s7 =	simm.s32 $0x1;
	s1 =	sor.u32 s0, s1  }
0x5: {  	s8 =	simm.s32 $0x2;
	s9 =	simm.s32 $0x0;
	s3 =	sshll.u32 s1, $0x3  }
0x6: {  	s12 =	simm.s32 $0x0;
	s11 =	simm.s32 $0x0;
	s6 =	ssub.s32 $0x4000, s3  }
.Ltmp0:
0x7: {  	s4 =	sadd.s32 $0x1C00, s4;
	s5 =	sand.u32 $0xF8, s6;
	(pc) =	sbr.rel .LBB1_1-.Ltmp0, $4  }
0x8: {  	s1 =	rddreg [dreg:$0x2];
	_ =	strace $0x80000047;
	p0 =	sne.s32 s5, $0x0  }
0x9: {  	s6 =	sshrl.u32 s6, $0x8;
	s5 =	simm.s32 $0x1;
	s7 =	simm.s32 @!p0 $0x0  }
0xa: {  	s10 =	smov.u32 s3;
	[sflag:s5] =	ssyncpa.u1 $0x0;
	s6 =	sadd.s32 s7, s6  }
0xb: {  	[sflag:s8] =	ssyncpa.u1 $0x0;
	s8 =	simm.s32 $0x0;
	s7 =	sadd.s32 $0x1, s6  }
.LBB1_9:
0xc: {  	s14 =	sadd.s32 $0x100, s10  }
0xd: {  	p1 =	sgt.s32 s14, $0x3FFF  }
0xe: {  	s14 =	smov.u32 @p1 s3;
	p1 =	sne.s32 s11, s7  }
.Ltmp1:
0xf: {  	p0 =	slt.u32 s11, $0x2;
	(pc) =	sbr.rel @!p1 .LBB1_10-.Ltmp1, $4  }
0x10: {  	s13 =	simm.s32 @!p0 $0x2  }
0x11: {  	s15 =	sadd.s32 $0x1, s11;
	_ =	swait.ge @!p0 [sflag:s13], $0x4000  }
0x12: {  	s12 =	smov.u32 s10;
	s9 =	sadd.s32 $0x4000, s9;
	[sflag:s13] =	ssyncset.done @!p0 $0x0  }
0x13: {  	s11 =	smov.u32 s15;
	s10 =	smov.u32 s14;
	[sflag:s13] =	ssyncadd.s32 @!p0 $0xFFFFC000  }
.LBB1_1:
0x14: {  	p0 =	sge.u32 s11, s6  }
0x15: {  	s13 =	sxor.u32 @!p0 $0xFFFFFFFF, s11  }
0x16: {  	s31 =	sadd.s32 $0xFFFFFFFF, s11;
	s14 =	sshll.u32 @!p0 s10, $0x8;
	s13 =	sshll.u32 @!p0 s13, $0xE  }
0x17: {  	s15 =	simm.s32 @!p0 $0x0;
	s14 =	sadd.s32 @!p0 s2, s14;
	s13 =	sand.u32 @!p0 $0x4000, s13  }
0x18: {  	[tilespmem:s13], [sflag:$0x1] =	stream.linear.gather @!p0 [hbm4b:s14+s15], $0x4000, $0x38;
	[tilespmem:$0x10000] =	vst v63  }
0x19: {  	p0 =	sge.u32 s31, s6  }
.Ltmp2:
0x1a: {  	_ = 	snop;
	(pc) =	sbr.rel @p0 .LBB1_9-.Ltmp2, $1  }
0x1b: {  	_ =	sdelay $0x3  }
0x1c: {  	s13 =	sshll.u32 s9, $0x2;
	_ =	swait.ge [sflag:s5], $0x4000;
	s14 =	sshll.u32 s11, $0xE  }
0x1d: {  	s16 =	simm.s32 $0x0;
	s17 =	simm.s32 $0x0;
	s15 =	sand.u32 $0x10000, s13  }
0x1e: {  	[sflag:s5] =	ssyncset.done $0x0;
	s31 =	sand.u32 $0x4000, s14;
	s14 =	sshrl.u32 s15, $0x2  }
0x1f: {  	[sflag:s5] =	ssyncadd.s32 $0xFFFFC000;
	s13 =	sor.u32 $0x8000, s31;
	s15 =	sor.u32 $0x8000, s14  }
.LBB1_3:
0x20: {  	s18 =	sshra.s32 s16, $0x2  }
0x21: {  	v0 =	vmov s18;
	_ =	sdelay $0x3  }
0x22: {  	p1 =	por $0x1, $0x1;
	s18 =	simm.s32 $0x0  }
.LBB1_4:
0x23: {  	_ = 	snop  }
0x24: {  	s19 =	sshll.u32 s18, $0xA  }
0x25: {  	s19 =	sand.u32 $0x3FFFFC00, s19  }
0x26: {  	s19 =	sadd.s32 s19, s14  }
0x27: {  	v5 =	vld.idx.msk [tilespmem:v0+s19+$0x70 ss:$0x1], $0xffff  }
0x28: {  	v6 =	vld.idx.msk [tilespmem:v0+s19+$0x10 ss:$0x1], $0xffff  }
0x29: {  	v7 =	vld.idx.msk [tilespmem:v0+s19+$0x20 ss:$0x1], $0xffff  }
0x2a: {  	s31 =	sshll.u32 s18, $0x7;
	v1 =	vld.idx.msk [tilespmem:v0+s19+$0x30 ss:$0x1], $0xffff  }
0x2b: {  	s18 =	sand.u32 $0x3FFFFF80, s31;
	v2 =	vld.idx.msk [tilespmem:v0+s19+$0x40 ss:$0x1], $0xffff  }
0x2c: {  	s18 =	sadd.s32 s18, s15;
	v3 =	vld.idx.msk [tilespmem:v0+s19+$0x50 ss:$0x1], $0xffff  }
0x2d: {  	v4 =	vld.idx.msk [tilespmem:v0+s19+$0x60 ss:$0x1], $0xffff;
	[tilespmem:v0+s18+$0x70 ss:$0x1] =	vst.idx.msk $0xffff, v5  }
0x2e: {  	v5 =	vld.idx.msk [tilespmem:v0+s19+$0x0 ss:$0x1], $0xffff;
	[tilespmem:v0+s18+$0x10 ss:$0x1] =	vst.idx.msk $0xffff, v6;
	s19 =	sadd.s32 $0x80, s19  }
0x2f: {  	p0 =	por p1, p1;
	s20 =	simm.s32 $0x6;
	[tilespmem:v0+s18+$0x20 ss:$0x1] =	vst.idx.msk $0xffff, v7;
	v6 =	vld.idx.msk [tilespmem:v0+s19+$0x70 ss:$0x1], $0xffff  }
.LBB1_5:
0x30: {  	p1 =	sne.s32 s20, $0x1;
	v7 =	vld.idx.msk [tilespmem:v0+s19+$0x10 ss:$0x1], $0xffff;
	[tilespmem:v0+s18+$0x30 ss:$0x1] =	vst.idx.msk $0xffff, v1  }
0x31: {  	v8 =	vld.idx.msk [tilespmem:v0+s19+$0x20 ss:$0x1], $0xffff;
	[tilespmem:v0+s18+$0x40 ss:$0x1] =	vst.idx.msk $0xffff, v2  }
0x32: {  	v1 =	vld.idx.msk [tilespmem:v0+s19+$0x30 ss:$0x1], $0xffff;
	[tilespmem:v0+s18+$0x50 ss:$0x1] =	vst.idx.msk $0xffff, v3  }
.Ltmp3:
0x33: {  	v2 =	vld.idx.msk [tilespmem:v0+s19+$0x40 ss:$0x1], $0xffff;
	[tilespmem:v0+s18+$0x60 ss:$0x1] =	vst.idx.msk $0xffff, v4;
	(pc) =	sbr.rel @p1 .LBB1_5-.Ltmp3, $4  }
0x34: {  	v3 =	vld.idx.msk [tilespmem:v0+s19+$0x50 ss:$0x1], $0xffff;
	[tilespmem:v0+s18+$0x0 ss:$0x1] =	vst.idx.msk $0xffff, v5;
	s18 =	sadd.s32 $0x100, s18  }
0x35: {  	v4 =	vld.idx.msk [tilespmem:v0+s19+$0x60 ss:$0x1], $0xffff;
	[tilespmem:v0+s18+$0x70 ss:$0x1] =	vst.idx.msk $0xffff, v6  }
0x36: {  	v5 =	vld.idx.msk [tilespmem:v0+s19+$0x0 ss:$0x1], $0xffff;
	[tilespmem:v0+s18+$0x10 ss:$0x1] =	vst.idx.msk $0xffff, v7;
	s19 =	sadd.s32 $0x80, s19  }
0x37: {  	s20 =	sadd.s32 $0xFFFFFFFF, s20;
	v6 =	vld.idx.msk [tilespmem:v0+s19+$0x70 ss:$0x1], $0xffff;
	[tilespmem:v0+s18+$0x20 ss:$0x1] =	vst.idx.msk $0xffff, v8  }
0x38: {  	_ =	sdelay $0x3  }
0x39: {  	[tilespmem:v0+s18+$0x30 ss:$0x1] =	vst.idx.msk $0xffff, v1  }
0x3a: {  	v1 =	vld.idx.msk [tilespmem:v0+s19+$0x10 ss:$0x1], $0xffff;
	[tilespmem:v0+s18+$0x40 ss:$0x1] =	vst.idx.msk $0xffff, v2  }
0x3b: {  	v2 =	vld.idx.msk [tilespmem:v0+s19+$0x20 ss:$0x1], $0xffff;
	[tilespmem:v0+s18+$0x50 ss:$0x1] =	vst.idx.msk $0xffff, v3  }
0x3c: {  	v61 =	vld.idx.msk [tilespmem:v0+s19+$0x40 ss:$0x1], $0xffff;
	[tilespmem:v0+s18+$0x60 ss:$0x1] =	vst.idx.msk $0xffff, v4  }
0x3d: {  	s31 =	sadd.s32 $0x100, s18;
	v62 =	vld.idx.msk [tilespmem:v0+s19+$0x50 ss:$0x1], $0xffff;
	[tilespmem:v0+s18+$0x0 ss:$0x1] =	vst.idx.msk $0xffff, v5  }
0x3e: {  	v63 =	vld.idx.msk [tilespmem:v0+s19+$0x60 ss:$0x1], $0xffff;
	[tilespmem:v0+s31+$0x70 ss:$0x1] =	vst.idx.msk $0xffff, v6  }
0x3f: {  	v3 =	vld.idx.msk [tilespmem:v0+s19+$0x30 ss:$0x1], $0xffff;
	[tilespmem:v0+s31+$0x10 ss:$0x1] =	vst.idx.msk $0xffff, v1  }
0x40: {  	v1 =	vld.idx.msk [tilespmem:v0+s19+$0x0 ss:$0x1], $0xffff;
	[tilespmem:v0+s31+$0x20 ss:$0x1] =	vst.idx.msk $0xffff, v2  }
.Ltmp4:
0x41: {  	[tilespmem:v0+s31+$0x40 ss:$0x1] =	vst.idx.msk $0xffff, v61;
	(pc) =	sbr.rel @p0 .LBB1_4-.Ltmp4, $4  }
0x42: {  	[tilespmem:v0+s31+$0x50 ss:$0x1] =	vst.idx.msk $0xffff, v62  }
0x43: {  	[tilespmem:v0+s31+$0x60 ss:$0x1] =	vst.idx.msk $0xffff, v63  }
0x44: {  	[tilespmem:v0+s31+$0x30 ss:$0x1] =	vst.idx.msk $0xffff, v3  }
0x45: {  	p1 =	por $0x0, $0x0;
	s18 =	simm.s32 $0x1;
	[tilespmem:v0+s31+$0x0 ss:$0x1] =	vst.idx.msk $0xffff, v1  }
0x46: {  	s17 =	sadd.s32 $0x1, s17  }
0x47: {  	p0 =	sne.s32 s17, $0x8  }
.Ltmp5:
0x48: {  	_ = 	snop;
	(pc) =	sbr.rel @p0 .LBB1_3-.Ltmp5, $2  }
0x49: {  	_ =	sdelay $0x2  }
0x4a: {  	s16 =	sadd.s32 $0x2000, s16  }
.Ltmp6:
0x4b: {  	(pc) =	sbr.rel .LBB1_9-.Ltmp6, $4  }
0x4c: {  	_ = 	snop  }
0x4d: {  	s12 =	sshll.u32 s12, $0x8  }
0x4e: {  	s12 =	sadd.s32 s4, s12  }
0x4f: {  	[hbm4b:s12+s8] =	stream.linear.scatter [tilespmem:s13], [sflag:$0x2], $0x4000, $0x38;
	[tilespmem:$0x10000] =	vst v63  }
.LBB1_10:
0x50: {  	_ =	sfence.sel $0x180000  }
0x51: {  	s2 =	simm.s32 $0x1;
	[bflag:$0x0] =	sbarrier.arrive $0xFFFF  }
0x52: {  	s31 =	simm.s32 $0x2;
	[sflag:s2] =	ssyncpa.u1 $0x1  }
0x53: {  	[sflag:s31] =	ssyncpa.u1 $0x1  }
0x54: {  	p0 =	sne.s32 s0, $0x0;
	_ =	strace $0x90000047  }
0x55: {  	s0 =	sadd.s32 @!p0 $0x100000, s1;
	[bflag:$0x2] =	sbarrier.arrive $0xFFFF  }
0x56: {  	[sflag:s0] =	ssyncadd.tile.s32 @!p0 $0x1;
	_ =	shalt  }
.Lfunc_end1:
_tile_overlayer_lowered:
.L_overlay_start_2:
0x57: {  	(tag) =	ssettag $0x2  }
0x58: {  	s0 =	rddreg [dreg:$0x0];
	s2 =	stileid.u32  }
0x59: {  	s1 =	rddreg [dreg:$0x1];
	p0 =	sne.s32 s2, $0x0  }
0x5a: {  	s3 =	rddreg [dreg:$0x2];
	[bflag:$0x3] =	sbarrier.arrive $0xFFFF;
	s2 =	simm.s32 @!p0 $0x1C01  }
0x5b: {  	[timem:s3], [sflag:s2] =	dma.local @!p0 [hbm:s0], s1  }
0x5c: {  	s0 =	simm.s32 @!p0 $0x1  }
0x5d: {  	_ =	swait.ge @!p0 [sflag:s0], s1  }
0x5e: {  	s1 =	ssub.s32 @!p0 $0x0, s1;
	[sflag:s0] =	ssyncset.done @!p0 $0x0  }
0x5f: {  	[sflag:s0] =	ssyncadd.s32 @!p0 s1  }
0x60: {  	[bflag:$0x3] =	sbarrier.arrive $0xFFFF  }
0x61: {  	_ =	shalt  }

</sc_bundles>
